<compile_context>
chip_gen: v7x
topology: tpu7x:2x2x1
jax: 0.10.2.dev20260603
libtpu: 0.0.44.dev20260713+nightly
codegen_flags: <defaults>
</compile_context>

<pallas_src>
import functools

import jax
import jax.numpy as jnp
from jax import lax
from jax.experimental import pallas as pl
from jax.experimental.pallas import tpu as pltpu
from jax.experimental.pallas import tpu_sc as plsc

_N = 10000
_D = 128
_E = 320000
_NC = 2
_NS = 16
_NW = _NC * _NS
_CE = 128
_CH = 80
_GC = 16
_EPAD = _NW * _CH * _CE
_NP = 10240
_RPW = _NP // _NS
_RCP = 128
_L = 16


_NB = 2


def _msg_body(y_hbm, src_hbm, dst_hbm, w_hbm, out_hbm,
              src_v, dst_v, w_v, rows_v, acc,
              gsem0, gsem1, ssem0, ssem1):
    c = lax.axis_index("c")
    s = lax.axis_index("s")
    wid = c * _NS + s

    z16 = jnp.zeros((_L,), jnp.float32)

    def zrow(r, carry):
        for k in range(_D // _L):
            rows_v[0, r, pl.ds(k * _L, _L)] = z16
        return carry

    lax.fori_loop(0, _CE, zrow, 0)

    for t in range(_RPW // _RCP):
        off = s * _RPW + t * _RCP
        pltpu.sync_copy(rows_v.at[0, pl.ds(0, _RCP)],
                        acc.at[pl.ds(off, _RCP)])
    plsc.subcore_barrier()

    gsems = (gsem0, gsem1)
    ssems = (ssem0, ssem1)

    def _start_gather(b, j):
        pltpu.async_copy(y_hbm.at[src_v.at[j]], rows_v.at[b], gsems[b])

    def _wait_gather(b):
        pltpu.make_async_copy(y_hbm.at[src_v.at[0]], rows_v.at[b],
                              gsems[b]).wait()

    def _start_scatter(b, j):
        pltpu.async_copy(rows_v.at[b], acc.at[dst_v.at[j]], ssems[b],
                         add=True)

    def _wait_scatter(b):
        pltpu.make_async_copy(rows_v.at[b], acc.at[dst_v.at[0]],
                              ssems[b]).wait()

    def _scale(b, j):
        def srow(r, carry2):
            ii = jnp.full((_L,), j * _CE + r, jnp.int32)
            wb = plsc.load_gather(w_v, [ii])
            for k in range(_D // _L):
                sl = pl.ds(k * _L, _L)
                rows_v[b, r, sl] = rows_v[b, r, sl] * wb
            return carry2

        lax.fori_loop(0, _CE, srow, 0)

    def group(g, carry):
        @pl.when(g > 0)
        def _():
            _wait_scatter(1)

        pltpu.sync_copy(src_hbm.at[wid, pl.ds(g * _GC, _GC)], src_v)
        pltpu.sync_copy(dst_hbm.at[wid, pl.ds(g * _GC, _GC)], dst_v)
        pltpu.sync_copy(w_hbm.at[wid, pl.ds(g * _GC * _CE, _GC * _CE)], w_v)

        _start_gather(0, 0)

        def pipe(jj, carry2):
            j0 = jj * 2
            j1 = j0 + 1
            _wait_gather(0)

            @pl.when(jj > 0)
            def _():
                _wait_scatter(1)

            _start_gather(1, j1)
            _scale(0, j0)
            _start_scatter(0, j0)
            _wait_gather(1)
            _scale(1, j1)
            _wait_scatter(0)

            @pl.when(jj < _GC // 2 - 1)
            def _():
                _start_gather(0, j0 + 2)

            _start_scatter(1, j1)
            return carry2

        lax.fori_loop(0, _GC // 2, pipe, 0)
        return carry

    lax.fori_loop(0, _CH // _GC, group, 0)
    _wait_scatter(1)

    plsc.subcore_barrier()
    for t in range(_RPW // _RCP):
        off = s * _RPW + t * _RCP
        pltpu.sync_copy(acc.at[pl.ds(off, _RCP)],
                        rows_v.at[0, pl.ds(0, _RCP)])
        pltpu.sync_copy(rows_v.at[0, pl.ds(0, _RCP)],
                        out_hbm.at[c, pl.ds(off, _RCP)])


_msg_call = pl.kernel(
    _msg_body,
    out_type=jax.ShapeDtypeStruct((_NC, _NP, _D), jnp.float32),
    mesh=plsc.VectorSubcoreMesh(core_axis_name="c", subcore_axis_name="s"),
    compiler_params=pltpu.CompilerParams(needs_layout_passes=False),
    scratch_types=[
        pltpu.VMEM((_GC, _CE), jnp.int32),
        pltpu.VMEM((_GC, _CE), jnp.int32),
        pltpu.VMEM((_GC * _CE,), jnp.float32),
        pltpu.VMEM((_NB, _CE, _D), jnp.float32),
        pltpu.VMEM_SHARED((_NP, _D), jnp.float32),
        pltpu.SemaphoreType.DMA,
        pltpu.SemaphoreType.DMA,
        pltpu.SemaphoreType.DMA,
        pltpu.SemaphoreType.DMA,
    ],
)


def _deg_body(dst_hbm, w_hbm, out_hbm, dst_v, w_v, zb_v, acc1):
    c = lax.axis_index("c")
    s = lax.axis_index("s")
    wid = c * _NS + s

    z16 = jnp.zeros((_L,), jnp.float32)
    for k in range(_RPW // _L):
        zb_v[pl.ds(k * _L, _L)] = z16
    pltpu.sync_copy(zb_v, acc1.at[pl.ds(s * _RPW, _RPW)])
    plsc.subcore_barrier()

    pltpu.sync_copy(dst_hbm.at[wid], dst_v)
    pltpu.sync_copy(w_hbm.at[wid], w_v)

    def chunk(j, carry):
        pltpu.sync_copy(w_v.at[pl.ds(j * _CE, _CE)],
                        acc1.at[dst_v.at[j]], add=True)
        return carry

    lax.fori_loop(0, _CH, chunk, 0)

    plsc.subcore_barrier()
    pltpu.sync_copy(acc1.at[pl.ds(s * _RPW, _RPW)],
                    out_hbm.at[c, pl.ds(s * _RPW, _RPW)])


_deg_call = pl.kernel(
    _deg_body,
    out_type=jax.ShapeDtypeStruct((_NC, _NP), jnp.float32),
    mesh=plsc.VectorSubcoreMesh(core_axis_name="c", subcore_axis_name="s"),
    compiler_params=pltpu.CompilerParams(needs_layout_passes=False),
    scratch_types=[
        pltpu.VMEM((_CH, _CE), jnp.int32),
        pltpu.VMEM((_CH * _CE,), jnp.float32),
        pltpu.VMEM((_RPW,), jnp.float32),
        pltpu.VMEM_SHARED((_NP,), jnp.float32),
    ],
)


_R = 1000


def _enc_body(x_ref, dp_ref, ew1, eb1, ew2, eb2, gw, gb,
              y_ref, self_ref, dinv_ref, invd_ref):
    x = x_ref[...]
    h = jnp.maximum(
        jnp.dot(x, ew1[...], preferred_element_type=jnp.float32) + eb1[...],
        0.0)
    h = jnp.dot(h, ew2[...], preferred_element_type=jnp.float32) + eb2[...]
    deg = dp_ref[:, 0:1] + dp_ref[:, 1:2] + 1.0
    dinv = lax.rsqrt(deg)
    invd = 1.0 / deg
    xw = jnp.dot(h, gw[...], preferred_element_type=jnp.float32)
    y_ref[...] = xw * dinv
    self_ref[...] = xw * invd + gb[...]
    dinv_ref[...] = jnp.broadcast_to(dinv, dinv_ref.shape)
    invd_ref[...] = jnp.broadcast_to(invd, invd_ref.shape)


_enc_call = pl.pallas_call(
    _enc_body,
    grid=(_N // _R,),
    in_specs=[
        pl.BlockSpec((_R, 2), lambda i: (i, 0)),
        pl.BlockSpec((_R, 2), lambda i: (i, 0)),
        pl.BlockSpec((2, _D), lambda i: (0, 0)),
        pl.BlockSpec((1, _D), lambda i: (0, 0)),
        pl.BlockSpec((_D, _D), lambda i: (0, 0)),
        pl.BlockSpec((1, _D), lambda i: (0, 0)),
        pl.BlockSpec((_D, _D), lambda i: (0, 0)),
        pl.BlockSpec((1, _D), lambda i: (0, 0)),
    ],
    out_specs=[
        pl.BlockSpec((_R, _D), lambda i: (i, 0)),
        pl.BlockSpec((_R, _D), lambda i: (i, 0)),
        pl.BlockSpec((_R, _D), lambda i: (i, 0)),
        pl.BlockSpec((_R, _D), lambda i: (i, 0)),
    ],
    out_shape=[jax.ShapeDtypeStruct((_N, _D), jnp.float32)] * 4,
)


def _mid_body(p0_ref, p1_ref, selfp_ref, dinv_ref, invd_ref, w_ref, b_ref,
              y_ref, selfn_ref):
    dinv = dinv_ref[...]
    h = jnp.maximum((p0_ref[...] + p1_ref[...]) * dinv + selfp_ref[...], 0.0)
    xw = jnp.dot(h, w_ref[...], preferred_element_type=jnp.float32)
    y_ref[...] = xw * dinv
    selfn_ref[...] = xw * invd_ref[...] + b_ref[...]


_mid_call = pl.pallas_call(
    _mid_body,
    grid=(_N // _R,),
    in_specs=[
        pl.BlockSpec((_R, _D), lambda i: (i, 0)),
        pl.BlockSpec((_R, _D), lambda i: (i, 0)),
        pl.BlockSpec((_R, _D), lambda i: (i, 0)),
        pl.BlockSpec((_R, _D), lambda i: (i, 0)),
        pl.BlockSpec((_R, _D), lambda i: (i, 0)),
        pl.BlockSpec((_D, _D), lambda i: (0, 0)),
        pl.BlockSpec((1, _D), lambda i: (0, 0)),
    ],
    out_specs=[
        pl.BlockSpec((_R, _D), lambda i: (i, 0)),
        pl.BlockSpec((_R, _D), lambda i: (i, 0)),
    ],
    out_shape=[jax.ShapeDtypeStruct((_N, _D), jnp.float32)] * 2,
)


def _dec_body(p0_ref, p1_ref, self2_ref, dinv_ref, x_ref,
              w1_ref, b1_ref, w2_ref, b2_ref, out_ref):
    h = jnp.maximum(
        (p0_ref[...] + p1_ref[...]) * dinv_ref[...] + self2_ref[...], 0.0)
    t = jnp.maximum(
        jnp.dot(h, w1_ref[...], preferred_element_type=jnp.float32)
        + b1_ref[...], 0.0)
    p = jnp.dot(t, w2_ref[...], preferred_element_type=jnp.float32) + b2_ref[...]
    m = jnp.max(p, axis=1, keepdims=True)
    e = jnp.exp(p - m)
    sm = e / jnp.sum(e, axis=1, keepdims=True)
    col = lax.broadcasted_iota(jnp.int32, (1, 2), 1)
    wc = jnp.where(col == 0, 2.0, 0.0).astype(jnp.float32)
    out_ref[...] = sm + x_ref[...] * wc


_dec_call = pl.pallas_call(
    _dec_body,
    grid=(_N // _R,),
    in_specs=[
        pl.BlockSpec((_R, _D), lambda i: (i, 0)),
        pl.BlockSpec((_R, _D), lambda i: (i, 0)),
        pl.BlockSpec((_R, _D), lambda i: (i, 0)),
        pl.BlockSpec((_R, _D), lambda i: (i, 0)),
        pl.BlockSpec((_R, 2), lambda i: (i, 0)),
        pl.BlockSpec((_D, _D), lambda i: (0, 0)),
        pl.BlockSpec((1, _D), lambda i: (0, 0)),
        pl.BlockSpec((_D, 2), lambda i: (0, 0)),
        pl.BlockSpec((1, 2), lambda i: (0, 0)),
    ],
    out_specs=pl.BlockSpec((_R, 2), lambda i: (i, 0)),
    out_shape=jax.ShapeDtypeStruct((_N, 2), jnp.float32),
)


def kernel(x, edge_index, edge_weight, enc_W1, enc_b1, enc_W2, enc_b2,
           gcn_W0, gcn_b0, gcn_W1, gcn_b1, gcn_W2, gcn_b2,
           dec_W1, dec_b1, dec_W2, dec_b2):
    src = edge_index[0].astype(jnp.int32)
    dst = edge_index[1].astype(jnp.int32)
    w = edge_weight.astype(jnp.float32)
    pad = _EPAD - _E
    src3 = jnp.concatenate([src, jnp.zeros((pad,), jnp.int32)]).reshape(
        _NW, _CH, _CE)
    dst3 = jnp.concatenate([dst, jnp.zeros((pad,), jnp.int32)]).reshape(
        _NW, _CH, _CE)
    w3 = jnp.concatenate([w, jnp.zeros((pad,), jnp.float32)]).reshape(
        _NW, _CH * _CE)

    degp = _deg_call(dst3, w3)
    dp = jnp.transpose(degp[:, :_N])

    y0, self0, dinvB, invdB = _enc_call(
        x, dp, enc_W1, enc_b1.reshape(1, -1), enc_W2,
        enc_b2.reshape(1, -1), gcn_W0, gcn_b0.reshape(1, -1))
    p = _msg_call(y0, src3, dst3, w3)
    y1, self1 = _mid_call(p[0, :_N], p[1, :_N], self0, dinvB, invdB,
                          gcn_W1, gcn_b1.reshape(1, -1))
    p = _msg_call(y1, src3, dst3, w3)
    y2, self2 = _mid_call(p[0, :_N], p[1, :_N], self1, dinvB, invdB,
                          gcn_W2, gcn_b2.reshape(1, -1))
    p = _msg_call(y2, src3, dst3, w3)
    out = _dec_call(p[0, :_N], p[1, :_N], self2, dinvB, x,
                    dec_W1, dec_b1.reshape(1, -1), dec_W2,
                    dec_b2.reshape(1, -1))
    return out

# --- scband reference (transcript-rebuilt; emitter-appended) ---
"""Pipeline reference for scband-fill-sim-net-and-472446402865 (READ-ONLY COPY).

The authoritative reference and input builder live on the scoring server;
editing this copy changes nothing except your own understanding.
"""

import jax, jax.numpy as jnp
import numpy as np

N = 10000
E = 320000
D = 128
NUM_MP = 3


def setup_inputs(seed: int = 0) -> dict:
    key = jax.random.key(seed)
    ks = jax.random.split(key, 24)
    inp = {}
    inp['x'] = jax.random.normal(ks[0], (N, 2), dtype=jnp.float32)
    inp['edge_index'] = jax.random.randint(ks[1], (2, E), 0, N, dtype=jnp.int64)
    inp['edge_weight'] = jax.random.uniform(ks[2], (E,), dtype=jnp.float32)
    # encoder MLP: Linear(2, D) -> ReLU -> Linear(D, D)
    inp['enc_W1'] = jax.random.normal(ks[3], (2, D), dtype=jnp.float32) * 0.1
    inp['enc_b1'] = jnp.zeros((D,), dtype=jnp.float32)
    inp['enc_W2'] = jax.random.normal(ks[4], (D, D), dtype=jnp.float32) * 0.05
    inp['enc_b2'] = jnp.zeros((D,), dtype=jnp.float32)
    # GCN layers
    for i in range(NUM_MP):
        inp[f'gcn_W{i}'] = jax.random.normal(ks[5 + i], (D, D), dtype=jnp.float32) * 0.05
        inp[f'gcn_b{i}'] = jnp.zeros((D,), dtype=jnp.float32)
    # decoder MLP: Linear(D, D) -> ReLU -> Linear(D, 2)
    inp['dec_W1'] = jax.random.normal(ks[10], (D, D), dtype=jnp.float32) * 0.05
    inp['dec_b1'] = jnp.zeros((D,), dtype=jnp.float32)
    inp['dec_W2'] = jax.random.normal(ks[11], (D, 2), dtype=jnp.float32) * 0.05
    inp['dec_b2'] = jnp.zeros((2,), dtype=jnp.float32)
    return inp


def _mlp(x, W1, b1, W2, b2):
    h = jax.nn.relu(x @ W1 + b1)
    return h @ W2 + b2


def _gcn_conv(x, W, b, src, dst, ew, num_nodes):
    # add self-loops with weight 1 (PyG GCNConv default)
    loop = jnp.arange(num_nodes)
    s = jnp.concatenate([src, loop])
    d = jnp.concatenate([dst, loop])
    w = jnp.concatenate([ew, jnp.ones((num_nodes,), dtype=ew.dtype)])
    deg = jax.ops.segment_sum(w, d, num_segments=num_nodes)
    dinv = jnp.where(deg > 0, deg ** -0.5, 0.0)
    norm = dinv[s] * w * dinv[d]
    xw = x @ W
    msg = xw[s] * norm[:, None]
    out = jax.ops.segment_sum(msg, d, num_segments=num_nodes)
    return out + b


def reference(x, edge_index, edge_weight, enc_W1, enc_b1, enc_W2, enc_b2, gcn_W0, gcn_b0, gcn_W1, gcn_b1, gcn_W2, gcn_b2, dec_W1, dec_b1, dec_W2, dec_b2):
    src = edge_index[0]
    dst = edge_index[1]
    h = _mlp(x, enc_W1, enc_b1, enc_W2, enc_b2)
    gcn_params = [(gcn_W0, gcn_b0), (gcn_W1, gcn_b1), (gcn_W2, gcn_b2)]
    for W, b in gcn_params:
        h = _gcn_conv(h, W, b, src, dst, edge_weight, N)
        h = jax.nn.relu(h)
    h = _mlp(h, dec_W1, dec_b1, dec_W2, dec_b2)
    h = jax.nn.softmax(h, axis=1)
    weight_constant = jnp.array([2.0, 0.0], dtype=x.dtype)
    out = h + x * weight_constant
    return out

if __name__ == "__main__":
    import jax
    _d = setup_inputs()
    print(jax.jit(kernel)(*tuple(_d.values())))

</pallas_src>

<mosaic_0001>
#map = affine_map<(d0, d1) -> (0, 0, 0)>
#map1 = affine_map<(d0, d1) -> (0, 0)>
module attributes {stable_mosaic.version = 14 : i64} {
  func.func @_deg_body(%arg0: i32, %arg1: i32, %arg2: memref<32x80x128xi32, #tpu.memory_space<hbm>>, %arg3: memref<32x10240xf32, #tpu.memory_space<hbm>>, %arg4: memref<2x10240xf32, #tpu.memory_space<hbm>>, %arg5: memref<80x128xi32, #tpu.memory_space<vmem>>, %arg6: memref<10240xf32, #tpu.memory_space<vmem>>, %arg7: memref<640xf32, #tpu.memory_space<vmem>>, %arg8: memref<10240xf32, #tpu.memory_space<vmem_shared>>) attributes {dimension_semantics = [#tpu.dimension_semantics<core_parallel>, #tpu.dimension_semantics<subcore_parallel>], iteration_bounds = array<i64: 2, 16>, scalar_prefetch = 0 : i64, scratch_operands = 4 : i64, tpu.core_type = #tpu.core_type<sc_vector_subcore>, window_params = [{transform_indices = #map}, {transform_indices = #map1}, {transform_indices = #map1}]} {
    %mul3A = arith.constant 16 : i32
    %mul3A_0 = arith.muli %arg0, %mul3A : i32
    %add3A = arith.addi %mul3A_0, %arg1 : i32
    %broadcast_in_dim3A = arith.constant 0.000000e+00 : f32
    %broadcast_in_dim3A_1 = vector.broadcast %broadcast_in_dim3A : f32 to vector<16xf32>
    %swap3A = arith.constant 0 : index
    %swap3A_2 = tpu.vector_load %arg7[%swap3A] {strides = array<i32>} : memref<640xf32, #tpu.memory_space<vmem>>, vector<16xf32>,
    tpu.vector_store %arg7[%swap3A], %broadcast_in_dim3A_1 {strides = array<i32>} : memref<640xf32, #tpu.memory_space<vmem>>, vector<16xf32>,
    %swap3A_3 = arith.constant 16 : index
    %swap3A_4 = tpu.vector_load %arg7[%swap3A_3] {strides = array<i32>} : memref<640xf32, #tpu.memory_space<vmem>>, vector<16xf32>,
    tpu.vector_store %arg7[%swap3A_3], %broadcast_in_dim3A_1 {strides = array<i32>} : memref<640xf32, #tpu.memory_space<vmem>>, vector<16xf32>,
    %swap3A_5 = arith.constant 32 : index
    %swap3A_6 = tpu.vector_load %arg7[%swap3A_5] {strides = array<i32>} : memref<640xf32, #tpu.memory_space<vmem>>, vector<16xf32>,
    tpu.vector_store %arg7[%swap3A_5], %broadcast_in_dim3A_1 {strides = array<i32>} : memref<640xf32, #tpu.memory_space<vmem>>, vector<16xf32>,
    %swap3A_7 = arith.constant 48 : index
    %swap3A_8 = tpu.vector_load %arg7[%swap3A_7] {strides = array<i32>} : memref<640xf32, #tpu.memory_space<vmem>>, vector<16xf32>,
    tpu.vector_store %arg7[%swap3A_7], %broadcast_in_dim3A_1 {strides = array<i32>} : memref<640xf32, #tpu.memory_space<vmem>>, vector<16xf32>,
    %swap3A_9 = arith.constant 64 : index
    %swap3A_10 = tpu.vector_load %arg7[%swap3A_9] {strides = array<i32>} : memref<640xf32, #tpu.memory_space<vmem>>, vector<16xf32>,
    tpu.vector_store %arg7[%swap3A_9], %broadcast_in_dim3A_1 {strides = array<i32>} : memref<640xf32, #tpu.memory_space<vmem>>, vector<16xf32>,
    %swap3A_11 = arith.constant 80 : index
    %swap3A_12 = tpu.vector_load %arg7[%swap3A_11] {strides = array<i32>} : memref<640xf32, #tpu.memory_space<vmem>>, vector<16xf32>,
    tpu.vector_store %arg7[%swap3A_11], %broadcast_in_dim3A_1 {strides = array<i32>} : memref<640xf32, #tpu.memory_space<vmem>>, vector<16xf32>,
    %swap3A_13 = arith.constant 96 : index
    %swap3A_14 = tpu.vector_load %arg7[%swap3A_13] {strides = array<i32>} : memref<640xf32, #tpu.memory_space<vmem>>, vector<16xf32>,
    tpu.vector_store %arg7[%swap3A_13], %broadcast_in_dim3A_1 {strides = array<i32>} : memref<640xf32, #tpu.memory_space<vmem>>, vector<16xf32>,
    %swap3A_15 = arith.constant 112 : index
    %swap3A_16 = tpu.vector_load %arg7[%swap3A_15] {strides = array<i32>} : memref<640xf32, #tpu.memory_space<vmem>>, vector<16xf32>,
    tpu.vector_store %arg7[%swap3A_15], %broadcast_in_dim3A_1 {strides = array<i32>} : memref<640xf32, #tpu.memory_space<vmem>>, vector<16xf32>,
    %swap3A_17 = arith.constant 128 : index
    %swap3A_18 = tpu.vector_load %arg7[%swap3A_17] {strides = array<i32>} : memref<640xf32, #tpu.memory_space<vmem>>, vector<16xf32>,
    tpu.vector_store %arg7[%swap3A_17], %broadcast_in_dim3A_1 {strides = array<i32>} : memref<640xf32, #tpu.memory_space<vmem>>, vector<16xf32>,
    %swap3A_19 = arith.constant 144 : index
    %swap3A_20 = tpu.vector_load %arg7[%swap3A_19] {strides = array<i32>} : memref<640xf32, #tpu.memory_space<vmem>>, vector<16xf32>,
    tpu.vector_store %arg7[%swap3A_19], %broadcast_in_dim3A_1 {strides = array<i32>} : memref<640xf32, #tpu.memory_space<vmem>>, vector<16xf32>,
    %swap3A_21 = arith.constant 160 : index
    %swap3A_22 = tpu.vector_load %arg7[%swap3A_21] {strides = array<i32>} : memref<640xf32, #tpu.memory_space<vmem>>, vector<16xf32>,
    tpu.vector_store %arg7[%swap3A_21], %broadcast_in_dim3A_1 {strides = array<i32>} : memref<640xf32, #tpu.memory_space<vmem>>, vector<16xf32>,
    %swap3A_23 = arith.constant 176 : index
    %swap3A_24 = tpu.vector_load %arg7[%swap3A_23] {strides = array<i32>} : memref<640xf32, #tpu.memory_space<vmem>>, vector<16xf32>,
    tpu.vector_store %arg7[%swap3A_23], %broadcast_in_dim3A_1 {strides = array<i32>} : memref<640xf32, #tpu.memory_space<vmem>>, vector<16xf32>,
    %swap3A_25 = arith.constant 192 : index
    %swap3A_26 = tpu.vector_load %arg7[%swap3A_25] {strides = array<i32>} : memref<640xf32, #tpu.memory_space<vmem>>, vector<16xf32>,
    tpu.vector_store %arg7[%swap3A_25], %broadcast_in_dim3A_1 {strides = array<i32>} : memref<640xf32, #tpu.memory_space<vmem>>, vector<16xf32>,
    %swap3A_27 = arith.constant 208 : index
    %swap3A_28 = tpu.vector_load %arg7[%swap3A_27] {strides = array<i32>} : memref<640xf32, #tpu.memory_space<vmem>>, vector<16xf32>,
    tpu.vector_store %arg7[%swap3A_27], %broadcast_in_dim3A_1 {strides = array<i32>} : memref<640xf32, #tpu.memory_space<vmem>>, vector<16xf32>,
    %swap3A_29 = arith.constant 224 : index
    %swap3A_30 = tpu.vector_load %arg7[%swap3A_29] {strides = array<i32>} : memref<640xf32, #tpu.memory_space<vmem>>, vector<16xf32>,
    tpu.vector_store %arg7[%swap3A_29], %broadcast_in_dim3A_1 {strides = array<i32>} : memref<640xf32, #tpu.memory_space<vmem>>, vector<16xf32>,
    %swap3A_31 = arith.constant 240 : index
    %swap3A_32 = tpu.vector_load %arg7[%swap3A_31] {strides = array<i32>} : memref<640xf32, #tpu.memory_space<vmem>>, vector<16xf32>,
    tpu.vector_store %arg7[%swap3A_31], %broadcast_in_dim3A_1 {strides = array<i32>} : memref<640xf32, #tpu.memory_space<vmem>>, vector<16xf32>,
    %swap3A_33 = arith.constant 256 : index
    %swap3A_34 = tpu.vector_load %arg7[%swap3A_33] {strides = array<i32>} : memref<640xf32, #tpu.memory_space<vmem>>, vector<16xf32>,
    tpu.vector_store %arg7[%swap3A_33], %broadcast_in_dim3A_1 {strides = array<i32>} : memref<640xf32, #tpu.memory_space<vmem>>, vector<16xf32>,
    %swap3A_35 = arith.constant 272 : index
    %swap3A_36 = tpu.vector_load %arg7[%swap3A_35] {strides = array<i32>} : memref<640xf32, #tpu.memory_space<vmem>>, vector<16xf32>,
    tpu.vector_store %arg7[%swap3A_35], %broadcast_in_dim3A_1 {strides = array<i32>} : memref<640xf32, #tpu.memory_space<vmem>>, vector<16xf32>,
    %swap3A_37 = arith.constant 288 : index
    %swap3A_38 = tpu.vector_load %arg7[%swap3A_37] {strides = array<i32>} : memref<640xf32, #tpu.memory_space<vmem>>, vector<16xf32>,
    tpu.vector_store %arg7[%swap3A_37], %broadcast_in_dim3A_1 {strides = array<i32>} : memref<640xf32, #tpu.memory_space<vmem>>, vector<16xf32>,
    %swap3A_39 = arith.constant 304 : index
    %swap3A_40 = tpu.vector_load %arg7[%swap3A_39] {strides = array<i32>} : memref<640xf32, #tpu.memory_space<vmem>>, vector<16xf32>,
    tpu.vector_store %arg7[%swap3A_39], %broadcast_in_dim3A_1 {strides = array<i32>} : memref<640xf32, #tpu.memory_space<vmem>>, vector<16xf32>,
    %swap3A_41 = arith.constant 320 : index
    %swap3A_42 = tpu.vector_load %arg7[%swap3A_41] {strides = array<i32>} : memref<640xf32, #tpu.memory_space<vmem>>, vector<16xf32>,
    tpu.vector_store %arg7[%swap3A_41], %broadcast_in_dim3A_1 {strides = array<i32>} : memref<640xf32, #tpu.memory_space<vmem>>, vector<16xf32>,
    %swap3A_43 = arith.constant 336 : index
    %swap3A_44 = tpu.vector_load %arg7[%swap3A_43] {strides = array<i32>} : memref<640xf32, #tpu.memory_space<vmem>>, vector<16xf32>,
    tpu.vector_store %arg7[%swap3A_43], %broadcast_in_dim3A_1 {strides = array<i32>} : memref<640xf32, #tpu.memory_space<vmem>>, vector<16xf32>,
    %swap3A_45 = arith.constant 352 : index
    %swap3A_46 = tpu.vector_load %arg7[%swap3A_45] {strides = array<i32>} : memref<640xf32, #tpu.memory_space<vmem>>, vector<16xf32>,
    tpu.vector_store %arg7[%swap3A_45], %broadcast_in_dim3A_1 {strides = array<i32>} : memref<640xf32, #tpu.memory_space<vmem>>, vector<16xf32>,
    %swap3A_47 = arith.constant 368 : index
    %swap3A_48 = tpu.vector_load %arg7[%swap3A_47] {strides = array<i32>} : memref<640xf32, #tpu.memory_space<vmem>>, vector<16xf32>,
    tpu.vector_store %arg7[%swap3A_47], %broadcast_in_dim3A_1 {strides = array<i32>} : memref<640xf32, #tpu.memory_space<vmem>>, vector<16xf32>,
    %swap3A_49 = arith.constant 384 : index
    %swap3A_50 = tpu.vector_load %arg7[%swap3A_49] {strides = array<i32>} : memref<640xf32, #tpu.memory_space<vmem>>, vector<16xf32>,
    tpu.vector_store %arg7[%swap3A_49], %broadcast_in_dim3A_1 {strides = array<i32>} : memref<640xf32, #tpu.memory_space<vmem>>, vector<16xf32>,
    %swap3A_51 = arith.constant 400 : index
    %swap3A_52 = tpu.vector_load %arg7[%swap3A_51] {strides = array<i32>} : memref<640xf32, #tpu.memory_space<vmem>>, vector<16xf32>,
    tpu.vector_store %arg7[%swap3A_51], %broadcast_in_dim3A_1 {strides = array<i32>} : memref<640xf32, #tpu.memory_space<vmem>>, vector<16xf32>,
    %swap3A_53 = arith.constant 416 : index
    %swap3A_54 = tpu.vector_load %arg7[%swap3A_53] {strides = array<i32>} : memref<640xf32, #tpu.memory_space<vmem>>, vector<16xf32>,
    tpu.vector_store %arg7[%swap3A_53], %broadcast_in_dim3A_1 {strides = array<i32>} : memref<640xf32, #tpu.memory_space<vmem>>, vector<16xf32>,
    %swap3A_55 = arith.constant 432 : index
    %swap3A_56 = tpu.vector_load %arg7[%swap3A_55] {strides = array<i32>} : memref<640xf32, #tpu.memory_space<vmem>>, vector<16xf32>,
    tpu.vector_store %arg7[%swap3A_55], %broadcast_in_dim3A_1 {strides = array<i32>} : memref<640xf32, #tpu.memory_space<vmem>>, vector<16xf32>,
    %swap3A_57 = arith.constant 448 : index
    %swap3A_58 = tpu.vector_load %arg7[%swap3A_57] {strides = array<i32>} : memref<640xf32, #tpu.memory_space<vmem>>, vector<16xf32>,
    tpu.vector_store %arg7[%swap3A_57], %broadcast_in_dim3A_1 {strides = array<i32>} : memref<640xf32, #tpu.memory_space<vmem>>, vector<16xf32>,
    %swap3A_59 = arith.constant 464 : index
    %swap3A_60 = tpu.vector_load %arg7[%swap3A_59] {strides = array<i32>} : memref<640xf32, #tpu.memory_space<vmem>>, vector<16xf32>,
    tpu.vector_store %arg7[%swap3A_59], %broadcast_in_dim3A_1 {strides = array<i32>} : memref<640xf32, #tpu.memory_space<vmem>>, vector<16xf32>,
    %swap3A_61 = arith.constant 480 : index
    %swap3A_62 = tpu.vector_load %arg7[%swap3A_61] {strides = array<i32>} : memref<640xf32, #tpu.memory_space<vmem>>, vector<16xf32>,
    tpu.vector_store %arg7[%swap3A_61], %broadcast_in_dim3A_1 {strides = array<i32>} : memref<640xf32, #tpu.memory_space<vmem>>, vector<16xf32>,
    %swap3A_63 = arith.constant 496 : index
    %swap3A_64 = tpu.vector_load %arg7[%swap3A_63] {strides = array<i32>} : memref<640xf32, #tpu.memory_space<vmem>>, vector<16xf32>,
    tpu.vector_store %arg7[%swap3A_63], %broadcast_in_dim3A_1 {strides = array<i32>} : memref<640xf32, #tpu.memory_space<vmem>>, vector<16xf32>,
    %swap3A_65 = arith.constant 512 : index
    %swap3A_66 = tpu.vector_load %arg7[%swap3A_65] {strides = array<i32>} : memref<640xf32, #tpu.memory_space<vmem>>, vector<16xf32>,
    tpu.vector_store %arg7[%swap3A_65], %broadcast_in_dim3A_1 {strides = array<i32>} : memref<640xf32, #tpu.memory_space<vmem>>, vector<16xf32>,
    %swap3A_67 = arith.constant 528 : index
    %swap3A_68 = tpu.vector_load %arg7[%swap3A_67] {strides = array<i32>} : memref<640xf32, #tpu.memory_space<vmem>>, vector<16xf32>,
    tpu.vector_store %arg7[%swap3A_67], %broadcast_in_dim3A_1 {strides = array<i32>} : memref<640xf32, #tpu.memory_space<vmem>>, vector<16xf32>,
    %swap3A_69 = arith.constant 544 : index
    %swap3A_70 = tpu.vector_load %arg7[%swap3A_69] {strides = array<i32>} : memref<640xf32, #tpu.memory_space<vmem>>, vector<16xf32>,
    tpu.vector_store %arg7[%swap3A_69], %broadcast_in_dim3A_1 {strides = array<i32>} : memref<640xf32, #tpu.memory_space<vmem>>, vector<16xf32>,
    %swap3A_71 = arith.constant 560 : index
    %swap3A_72 = tpu.vector_load %arg7[%swap3A_71] {strides = array<i32>} : memref<640xf32, #tpu.memory_space<vmem>>, vector<16xf32>,
    tpu.vector_store %arg7[%swap3A_71], %broadcast_in_dim3A_1 {strides = array<i32>} : memref<640xf32, #tpu.memory_space<vmem>>, vector<16xf32>,
    %swap3A_73 = arith.constant 576 : index
    %swap3A_74 = tpu.vector_load %arg7[%swap3A_73] {strides = array<i32>} : memref<640xf32, #tpu.memory_space<vmem>>, vector<16xf32>,
    tpu.vector_store %arg7[%swap3A_73], %broadcast_in_dim3A_1 {strides = array<i32>} : memref<640xf32, #tpu.memory_space<vmem>>, vector<16xf32>,
    %swap3A_75 = arith.constant 592 : index
    %swap3A_76 = tpu.vector_load %arg7[%swap3A_75] {strides = array<i32>} : memref<640xf32, #tpu.memory_space<vmem>>, vector<16xf32>,
    tpu.vector_store %arg7[%swap3A_75], %broadcast_in_dim3A_1 {strides = array<i32>} : memref<640xf32, #tpu.memory_space<vmem>>, vector<16xf32>,
    %swap3A_77 = arith.constant 608 : index
    %swap3A_78 = tpu.vector_load %arg7[%swap3A_77] {strides = array<i32>} : memref<640xf32, #tpu.memory_space<vmem>>, vector<16xf32>,
    tpu.vector_store %arg7[%swap3A_77], %broadcast_in_dim3A_1 {strides = array<i32>} : memref<640xf32, #tpu.memory_space<vmem>>, vector<16xf32>,
    %swap3A_79 = arith.constant 624 : index
    %swap3A_80 = tpu.vector_load %arg7[%swap3A_79] {strides = array<i32>} : memref<640xf32, #tpu.memory_space<vmem>>, vector<16xf32>,
    tpu.vector_store %arg7[%swap3A_79], %broadcast_in_dim3A_1 {strides = array<i32>} : memref<640xf32, #tpu.memory_space<vmem>>, vector<16xf32>,
    %mul3A_81 = arith.constant 640 : i32
    %mul3A_82 = arith.muli %arg1, %mul3A_81 : i32
    "tpu.region"() ({
      %run_scoped3A = tpu.sem_alloc : memref<!tpu.dma_semaphore, #tpu.memory_space<semaphore_mem>>
      %dma_start3A = tpu.memref_slice %arg8[%mul3A_82] : memref<10240xf32, #tpu.memory_space<vmem_shared>> -> memref<640xf32, #tpu.memory_space<vmem_shared>>
      %dma_start3A_93 = tpu.memref_slice %arg8[%mul3A_82] : memref<10240xf32, #tpu.memory_space<vmem_shared>> -> memref<640xf32, #tpu.memory_space<vmem_shared>>
      tpu.enqueue_dma source(%arg7 : memref<640xf32, #tpu.memory_space<vmem>>) target(%dma_start3A_93 : memref<640xf32, #tpu.memory_space<vmem_shared>>) target_semaphore(%run_scoped3A : memref<!tpu.dma_semaphore, #tpu.memory_space<semaphore_mem>>)
      %dma_wait3A = tpu.memref_slice %arg8[%mul3A_82] : memref<10240xf32, #tpu.memory_space<vmem_shared>> -> memref<640xf32, #tpu.memory_space<vmem_shared>>
      %dma_wait3A_94 = tpu.memref_slice %arg8[%mul3A_82] : memref<10240xf32, #tpu.memory_space<vmem_shared>> -> memref<640xf32, #tpu.memory_space<vmem_shared>>
      tpu.wait_dma2 semaphore(%run_scoped3A : memref<!tpu.dma_semaphore, #tpu.memory_space<semaphore_mem>>) src(%arg7 : memref<640xf32, #tpu.memory_space<vmem>>) dst(%dma_wait3A_94 : memref<640xf32, #tpu.memory_space<vmem_shared>>)
      tpu.yield
    }) : () -> ()
    %barrier3A = arith.constant 0 : index
    tpu.barrier barrier_id(%barrier3A)
    "tpu.region"() ({
      %run_scoped3A = tpu.sem_alloc : memref<!tpu.dma_semaphore, #tpu.memory_space<semaphore_mem>>
      %dma_start3A = arith.constant 0 : i32
      %dma_start3A_93 = arith.constant 0 : i32
      %dma_start3A_94 = tpu.memref_slice %arg2[%add3A, %dma_start3A, %dma_start3A_93] : memref<32x80x128xi32, #tpu.memory_space<hbm>> -> memref<1x80x128xi32, #tpu.memory_space<hbm>>
      %dma_start3A_95 = tpu.memref_squeeze %dma_start3A_94 : memref<1x80x128xi32, #tpu.memory_space<hbm>> -> memref<80x128xi32, #tpu.memory_space<hbm>>
      %dma_start3A_96 = arith.constant 0 : i32
      %dma_start3A_97 = arith.constant 0 : i32
      %dma_start3A_98 = tpu.memref_slice %arg2[%add3A, %dma_start3A_96, %dma_start3A_97] : memref<32x80x128xi32, #tpu.memory_space<hbm>> -> memref<1x80x128xi32, #tpu.memory_space<hbm>>
      %dma_start3A_99 = tpu.memref_squeeze %dma_start3A_98 : memref<1x80x128xi32, #tpu.memory_space<hbm>> -> memref<80x128xi32, #tpu.memory_space<hbm>>
      tpu.enqueue_dma source(%dma_start3A_99 : memref<80x128xi32, #tpu.memory_space<hbm>>) target(%arg5 : memref<80x128xi32, #tpu.memory_space<vmem>>) target_semaphore(%run_scoped3A : memref<!tpu.dma_semaphore, #tpu.memory_space<semaphore_mem>>)
      %dma_wait3A = arith.constant 0 : i32
      %dma_wait3A_100 = arith.constant 0 : i32
      %dma_wait3A_101 = tpu.memref_slice %arg2[%add3A, %dma_wait3A, %dma_wait3A_100] : memref<32x80x128xi32, #tpu.memory_space<hbm>> -> memref<1x80x128xi32, #tpu.memory_space<hbm>>
      %dma_wait3A_102 = tpu.memref_squeeze %dma_wait3A_101 : memref<1x80x128xi32, #tpu.memory_space<hbm>> -> memref<80x128xi32, #tpu.memory_space<hbm>>
      %dma_wait3A_103 = arith.constant 0 : i32
      %dma_wait3A_104 = arith.constant 0 : i32
      %dma_wait3A_105 = tpu.memref_slice %arg2[%add3A, %dma_wait3A_103, %dma_wait3A_104] : memref<32x80x128xi32, #tpu.memory_space<hbm>> -> memref<1x80x128xi32, #tpu.memory_space<hbm>>
      %dma_wait3A_106 = tpu.memref_squeeze %dma_wait3A_105 : memref<1x80x128xi32, #tpu.memory_space<hbm>> -> memref<80x128xi32, #tpu.memory_space<hbm>>
      tpu.wait_dma2 semaphore(%run_scoped3A : memref<!tpu.dma_semaphore, #tpu.memory_space<semaphore_mem>>) src(%dma_wait3A_106 : memref<80x128xi32, #tpu.memory_space<hbm>>) dst(%arg5 : memref<80x128xi32, #tpu.memory_space<vmem>>)
      tpu.yield
    }) : () -> ()
    "tpu.region"() ({
      %run_scoped3A = tpu.sem_alloc : memref<!tpu.dma_semaphore, #tpu.memory_space<semaphore_mem>>
      %dma_start3A = arith.constant 0 : i32
      %dma_start3A_93 = tpu.memref_slice %arg3[%add3A, %dma_start3A] : memref<32x10240xf32, #tpu.memory_space<hbm>> -> memref<1x10240xf32, #tpu.memory_space<hbm>>
      %dma_start3A_94 = tpu.memref_squeeze %dma_start3A_93 : memref<1x10240xf32, #tpu.memory_space<hbm>> -> memref<10240xf32, #tpu.memory_space<hbm>>
      %dma_start3A_95 = arith.constant 0 : i32
      %dma_start3A_96 = tpu.memref_slice %arg3[%add3A, %dma_start3A_95] : memref<32x10240xf32, #tpu.memory_space<hbm>> -> memref<1x10240xf32, #tpu.memory_space<hbm>>
      %dma_start3A_97 = tpu.memref_squeeze %dma_start3A_96 : memref<1x10240xf32, #tpu.memory_space<hbm>> -> memref<10240xf32, #tpu.memory_space<hbm>>
      tpu.enqueue_dma source(%dma_start3A_97 : memref<10240xf32, #tpu.memory_space<hbm>>) target(%arg6 : memref<10240xf32, #tpu.memory_space<vmem>>) target_semaphore(%run_scoped3A : memref<!tpu.dma_semaphore, #tpu.memory_space<semaphore_mem>>)
      %dma_wait3A = arith.constant 0 : i32
      %dma_wait3A_98 = tpu.memref_slice %arg3[%add3A, %dma_wait3A] : memref<32x10240xf32, #tpu.memory_space<hbm>> -> memref<1x10240xf32, #tpu.memory_space<hbm>>
      %dma_wait3A_99 = tpu.memref_squeeze %dma_wait3A_98 : memref<1x10240xf32, #tpu.memory_space<hbm>> -> memref<10240xf32, #tpu.memory_space<hbm>>
      %dma_wait3A_100 = arith.constant 0 : i32
      %dma_wait3A_101 = tpu.memref_slice %arg3[%add3A, %dma_wait3A_100] : memref<32x10240xf32, #tpu.memory_space<hbm>> -> memref<1x10240xf32, #tpu.memory_space<hbm>>
      %dma_wait3A_102 = tpu.memref_squeeze %dma_wait3A_101 : memref<1x10240xf32, #tpu.memory_space<hbm>> -> memref<10240xf32, #tpu.memory_space<hbm>>
      tpu.wait_dma2 semaphore(%run_scoped3A : memref<!tpu.dma_semaphore, #tpu.memory_space<semaphore_mem>>) src(%dma_wait3A_102 : memref<10240xf32, #tpu.memory_space<hbm>>) dst(%arg6 : memref<10240xf32, #tpu.memory_space<vmem>>)
      tpu.yield
    }) : () -> ()
    %scan3A = arith.constant 0 : i32
    %scan3A_83 = arith.constant 0 : i32
    %scan3A_84 = arith.constant 80 : i32
    %scan3A_85 = arith.addi %scan3A_83, %scan3A_84 : i32
    %scan3A_86 = arith.constant 1 : i32
    scf.for %scan3A_93 = %scan3A_83 to %scan3A_85 step %scan3A_86  : i32 {
      %mul3A_94 = arith.constant 128 : i32
      %mul3A_95 = arith.muli %scan3A_93, %mul3A_94 : i32
      "tpu.region"() ({
        %run_scoped3A = tpu.sem_alloc : memref<!tpu.dma_semaphore, #tpu.memory_space<semaphore_mem>>
        %dma_start3A = tpu.memref_slice %arg6[%mul3A_95] : memref<10240xf32, #tpu.memory_space<vmem>> -> memref<128xf32, #tpu.memory_space<vmem>>
        %dma_start3A_96 = arith.constant 0 : i32
        %dma_start3A_97 = tpu.memref_slice %arg5[%scan3A_93, %dma_start3A_96] : memref<80x128xi32, #tpu.memory_space<vmem>> -> memref<1x128xi32, #tpu.memory_space<vmem>>
        %dma_start3A_98 = tpu.memref_squeeze %dma_start3A_97 : memref<1x128xi32, #tpu.memory_space<vmem>> -> memref<128xi32, #tpu.memory_space<vmem>>
        %dma_start3A_99 = arith.constant 0 : i32
        %dma_start3A_100 = tpu.memref_slice %arg8[%dma_start3A_99] : memref<10240xf32, #tpu.memory_space<vmem_shared>> -> memref<10240xf32, #tpu.memory_space<vmem_shared>>
        tpu.enqueue_indirect_dma source(%dma_start3A : memref<128xf32, #tpu.memory_space<vmem>>) target(%dma_start3A_100 : memref<10240xf32, #tpu.memory_space<vmem_shared>>) offsets(%dma_start3A_98 : memref<128xi32, #tpu.memory_space<vmem>>) semaphore(%run_scoped3A : memref<!tpu.dma_semaphore, #tpu.memory_space<semaphore_mem>>) {add = true}
        %dma_wait3A = tpu.memref_slice %arg6[%mul3A_95] : memref<10240xf32, #tpu.memory_space<vmem>> -> memref<128xf32, #tpu.memory_space<vmem>>
        %dma_wait3A_101 = arith.constant 0 : i32
        %dma_wait3A_102 = tpu.memref_slice %arg5[%scan3A_93, %dma_wait3A_101] : memref<80x128xi32, #tpu.memory_space<vmem>> -> memref<1x128xi32, #tpu.memory_space<vmem>>
        %dma_wait3A_103 = tpu.memref_squeeze %dma_wait3A_102 : memref<1x128xi32, #tpu.memory_space<vmem>> -> memref<128xi32, #tpu.memory_space<vmem>>
        %dma_wait3A_104 = arith.constant 0 : i32
        %dma_wait3A_105 = tpu.memref_slice %arg8[%dma_wait3A_104] : memref<10240xf32, #tpu.memory_space<vmem_shared>> -> memref<10240xf32, #tpu.memory_space<vmem_shared>>
        tpu.wait_indirect_dma semaphore(%run_scoped3A : memref<!tpu.dma_semaphore, #tpu.memory_space<semaphore_mem>>) src(%dma_wait3A : memref<128xf32, #tpu.memory_space<vmem>>) dst(%dma_wait3A_105 : memref<10240xf32, #tpu.memory_space<vmem_shared>>)
        tpu.yield
      }) : () -> ()
    }
    %scan3A_87 = arith.constant 80 : i32
    %barrier3A_88 = arith.constant 0 : index
    tpu.barrier barrier_id(%barrier3A_88)
    %mul3A_89 = arith.constant 640 : i32
    %mul3A_90 = arith.muli %arg1, %mul3A_89 : i32
    %mul3A_91 = arith.constant 640 : i32
    %mul3A_92 = arith.muli %arg1, %mul3A_91 : i32
    "tpu.region"() ({
      %run_scoped3A = tpu.sem_alloc : memref<!tpu.dma_semaphore, #tpu.memory_space<semaphore_mem>>
      %dma_start3A = tpu.memref_slice %arg4[%arg0, %mul3A_92] : memref<2x10240xf32, #tpu.memory_space<hbm>> -> memref<1x640xf32, #tpu.memory_space<hbm>>
      %dma_start3A_93 = tpu.memref_squeeze %dma_start3A : memref<1x640xf32, #tpu.memory_space<hbm>> -> memref<640xf32, #tpu.memory_space<hbm>>
      %dma_start3A_94 = tpu.memref_slice %arg8[%mul3A_90] : memref<10240xf32, #tpu.memory_space<vmem_shared>> -> memref<640xf32, #tpu.memory_space<vmem_shared>>
      tpu.enqueue_dma source(%dma_start3A_94 : memref<640xf32, #tpu.memory_space<vmem_shared>>) target(%dma_start3A_93 : memref<640xf32, #tpu.memory_space<hbm>>) target_semaphore(%run_scoped3A : memref<!tpu.dma_semaphore, #tpu.memory_space<semaphore_mem>>)
      %dma_wait3A = tpu.memref_slice %arg4[%arg0, %mul3A_92] : memref<2x10240xf32, #tpu.memory_space<hbm>> -> memref<1x640xf32, #tpu.memory_space<hbm>>
      %dma_wait3A_95 = tpu.memref_squeeze %dma_wait3A : memref<1x640xf32, #tpu.memory_space<hbm>> -> memref<640xf32, #tpu.memory_space<hbm>>
      %dma_wait3A_96 = tpu.memref_slice %arg8[%mul3A_90] : memref<10240xf32, #tpu.memory_space<vmem_shared>> -> memref<640xf32, #tpu.memory_space<vmem_shared>>
      tpu.wait_dma2 semaphore(%run_scoped3A : memref<!tpu.dma_semaphore, #tpu.memory_space<semaphore_mem>>) src(%dma_wait3A_96 : memref<640xf32, #tpu.memory_space<vmem_shared>>) dst(%dma_wait3A_95 : memref<640xf32, #tpu.memory_space<hbm>>)
      tpu.yield
    }) : () -> ()
    return
  }
}

#map = affine_map<(d0, d1) -> (0, 0)>
#map1 = affine_map<(d0, d1) -> (0, 0, 0)>
module attributes {stable_mosaic.version = 14 : i64} {
  func.func @_msg_body(%arg0: i32, %arg1: i32, %arg2: memref<10000x128xf32, #tpu.memory_space<hbm>>, %arg3: memref<32x80x128xi32, #tpu.memory_space<hbm>>, %arg4: memref<32x80x128xi32, #tpu.memory_space<hbm>>, %arg5: memref<32x10240xf32, #tpu.memory_space<hbm>>, %arg6: memref<2x10240x128xf32, #tpu.memory_space<hbm>>, %arg7: memref<16x128xi32, #tpu.memory_space<vmem>>, %arg8: memref<16x128xi32, #tpu.memory_space<vmem>>, %arg9: memref<2048xf32, #tpu.memory_space<vmem>>, %arg10: memref<2x128x128xf32, #tpu.memory_space<vmem>>, %arg11: memref<10240x128xf32, #tpu.memory_space<vmem_shared>>, %arg12: memref<!tpu.dma_semaphore, #tpu.memory_space<semaphore_mem>>, %arg13: memref<!tpu.dma_semaphore, #tpu.memory_space<semaphore_mem>>, %arg14: memref<!tpu.dma_semaphore, #tpu.memory_space<semaphore_mem>>, %arg15: memref<!tpu.dma_semaphore, #tpu.memory_space<semaphore_mem>>) attributes {dimension_semantics = [#tpu.dimension_semantics<core_parallel>, #tpu.dimension_semantics<subcore_parallel>], iteration_bounds = array<i64: 2, 16>, scalar_prefetch = 0 : i64, scratch_operands = 9 : i64, tpu.core_type = #tpu.core_type<sc_vector_subcore>, window_params = [{transform_indices = #map}, {transform_indices = #map1}, {transform_indices = #map1}, {transform_indices = #map}, {transform_indices = #map1}]} {
    %mul3A = arith.constant 16 : i32
    %mul3A_0 = arith.muli %arg0, %mul3A : i32
    %add3A = arith.addi %mul3A_0, %arg1 : i32
    %broadcast_in_dim3A = arith.constant 0.000000e+00 : f32
    %broadcast_in_dim3A_1 = vector.broadcast %broadcast_in_dim3A : f32 to vector<16xf32>
    %scan3A = arith.constant 0 : i32
    %scan3A_2 = arith.constant 0 : i32
    %scan3A_3 = arith.constant 128 : i32
    %scan3A_4 = arith.addi %scan3A_2, %scan3A_3 : i32
    %scan3A_5 = arith.constant 1 : i32
    scf.for %scan3A_79 = %scan3A_2 to %scan3A_4 step %scan3A_5  : i32 {
      %swap3A = arith.constant 0 : i32
      %swap3A_80 = arith.index_cast %swap3A : i32 to index
      %swap3A_81 = arith.index_cast %scan3A_79 : i32 to index
      %swap3A_82 = arith.constant 0 : index
      %swap3A_83 = tpu.vector_load %arg10[%swap3A_80, %swap3A_81, %swap3A_82] {strides = array<i32>} : memref<2x128x128xf32, #tpu.memory_space<vmem>>, vector<16xf32>,
      tpu.vector_store %arg10[%swap3A_80, %swap3A_81, %swap3A_82], %broadcast_in_dim3A_1 {strides = array<i32>} : memref<2x128x128xf32, #tpu.memory_space<vmem>>, vector<16xf32>,
      %swap3A_84 = arith.constant 0 : i32
      %swap3A_85 = arith.index_cast %swap3A_84 : i32 to index
      %swap3A_86 = arith.index_cast %scan3A_79 : i32 to index
      %swap3A_87 = arith.constant 16 : index
      %swap3A_88 = tpu.vector_load %arg10[%swap3A_85, %swap3A_86, %swap3A_87] {strides = array<i32>} : memref<2x128x128xf32, #tpu.memory_space<vmem>>, vector<16xf32>,
      tpu.vector_store %arg10[%swap3A_85, %swap3A_86, %swap3A_87], %broadcast_in_dim3A_1 {strides = array<i32>} : memref<2x128x128xf32, #tpu.memory_space<vmem>>, vector<16xf32>,
      %swap3A_89 = arith.constant 0 : i32
      %swap3A_90 = arith.index_cast %swap3A_89 : i32 to index
      %swap3A_91 = arith.index_cast %scan3A_79 : i32 to index
      %swap3A_92 = arith.constant 32 : index
      %swap3A_93 = tpu.vector_load %arg10[%swap3A_90, %swap3A_91, %swap3A_92] {strides = array<i32>} : memref<2x128x128xf32, #tpu.memory_space<vmem>>, vector<16xf32>,
      tpu.vector_store %arg10[%swap3A_90, %swap3A_91, %swap3A_92], %broadcast_in_dim3A_1 {strides = array<i32>} : memref<2x128x128xf32, #tpu.memory_space<vmem>>, vector<16xf32>,
      %swap3A_94 = arith.constant 0 : i32
      %swap3A_95 = arith.index_cast %swap3A_94 : i32 to index
      %swap3A_96 = arith.index_cast %scan3A_79 : i32 to index
      %swap3A_97 = arith.constant 48 : index
      %swap3A_98 = tpu.vector_load %arg10[%swap3A_95, %swap3A_96, %swap3A_97] {strides = array<i32>} : memref<2x128x128xf32, #tpu.memory_space<vmem>>, vector<16xf32>,
      tpu.vector_store %arg10[%swap3A_95, %swap3A_96, %swap3A_97], %broadcast_in_dim3A_1 {strides = array<i32>} : memref<2x128x128xf32, #tpu.memory_space<vmem>>, vector<16xf32>,
      %swap3A_99 = arith.constant 0 : i32
      %swap3A_100 = arith.index_cast %swap3A_99 : i32 to index
      %swap3A_101 = arith.index_cast %scan3A_79 : i32 to index
      %swap3A_102 = arith.constant 64 : index
      %swap3A_103 = tpu.vector_load %arg10[%swap3A_100, %swap3A_101, %swap3A_102] {strides = array<i32>} : memref<2x128x128xf32, #tpu.memory_space<vmem>>, vector<16xf32>,
      tpu.vector_store %arg10[%swap3A_100, %swap3A_101, %swap3A_102], %broadcast_in_dim3A_1 {strides = array<i32>} : memref<2x128x128xf32, #tpu.memory_space<vmem>>, vector<16xf32>,
      %swap3A_104 = arith.constant 0 : i32
      %swap3A_105 = arith.index_cast %swap3A_104 : i32 to index
      %swap3A_106 = arith.index_cast %scan3A_79 : i32 to index
      %swap3A_107 = arith.constant 80 : index
      %swap3A_108 = tpu.vector_load %arg10[%swap3A_105, %swap3A_106, %swap3A_107] {strides = array<i32>} : memref<2x128x128xf32, #tpu.memory_space<vmem>>, vector<16xf32>,
      tpu.vector_store %arg10[%swap3A_105, %swap3A_106, %swap3A_107], %broadcast_in_dim3A_1 {strides = array<i32>} : memref<2x128x128xf32, #tpu.memory_space<vmem>>, vector<16xf32>,
      %swap3A_109 = arith.constant 0 : i32
      %swap3A_110 = arith.index_cast %swap3A_109 : i32 to index
      %swap3A_111 = arith.index_cast %scan3A_79 : i32 to index
      %swap3A_112 = arith.constant 96 : index
      %swap3A_113 = tpu.vector_load %arg10[%swap3A_110, %swap3A_111, %swap3A_112] {strides = array<i32>} : memref<2x128x128xf32, #tpu.memory_space<vmem>>, vector<16xf32>,
      tpu.vector_store %arg10[%swap3A_110, %swap3A_111, %swap3A_112], %broadcast_in_dim3A_1 {strides = array<i32>} : memref<2x128x128xf32, #tpu.memory_space<vmem>>, vector<16xf32>,
      %swap3A_114 = arith.constant 0 : i32
      %swap3A_115 = arith.index_cast %swap3A_114 : i32 to index
      %swap3A_116 = arith.index_cast %scan3A_79 : i32 to index
      %swap3A_117 = arith.constant 112 : index
      %swap3A_118 = tpu.vector_load %arg10[%swap3A_115, %swap3A_116, %swap3A_117] {strides = array<i32>} : memref<2x128x128xf32, #tpu.memory_space<vmem>>, vector<16xf32>,
      tpu.vector_store %arg10[%swap3A_115, %swap3A_116, %swap3A_117], %broadcast_in_dim3A_1 {strides = array<i32>} : memref<2x128x128xf32, #tpu.memory_space<vmem>>, vector<16xf32>,
    }
    %scan3A_6 = arith.constant 128 : i32
    %mul3A_7 = arith.constant 640 : i32
    %mul3A_8 = arith.muli %arg1, %mul3A_7 : i32
    %add3A_9 = arith.constant 0 : i32
    %add3A_10 = arith.addi %mul3A_8, %add3A_9 : i32
    %run_scoped3A = arith.constant 0 : i32
    "tpu.region"() ({
      %run_scoped3A_79 = tpu.sem_alloc : memref<!tpu.dma_semaphore, #tpu.memory_space<semaphore_mem>>
      %dma_start3A = arith.constant 0 : i32
      %dma_start3A_80 = arith.constant 0 : i32
      %dma_start3A_81 = tpu.memref_slice %arg10[%run_scoped3A, %dma_start3A, %dma_start3A_80] : memref<2x128x128xf32, #tpu.memory_space<vmem>> -> memref<1x128x128xf32, #tpu.memory_space<vmem>>
      %dma_start3A_82 = tpu.memref_squeeze %dma_start3A_81 : memref<1x128x128xf32, #tpu.memory_space<vmem>> -> memref<128x128xf32, #tpu.memory_space<vmem>>
      %dma_start3A_83 = arith.constant 0 : i32
      %dma_start3A_84 = tpu.memref_slice %arg11[%add3A_10, %dma_start3A_83] : memref<10240x128xf32, #tpu.memory_space<vmem_shared>> -> memref<128x128xf32, #tpu.memory_space<vmem_shared>>
      %dma_start3A_85 = arith.constant 0 : i32
      %dma_start3A_86 = tpu.memref_slice %arg11[%add3A_10, %dma_start3A_85] : memref<10240x128xf32, #tpu.memory_space<vmem_shared>> -> memref<128x128xf32, #tpu.memory_space<vmem_shared>>
      %dma_start3A_87 = arith.constant 0 : i32
      %dma_start3A_88 = arith.constant 0 : i32
      %dma_start3A_89 = tpu.memref_slice %arg10[%run_scoped3A, %dma_start3A_87, %dma_start3A_88] : memref<2x128x128xf32, #tpu.memory_space<vmem>> -> memref<1x128x128xf32, #tpu.memory_space<vmem>>
      %dma_start3A_90 = tpu.memref_squeeze %dma_start3A_89 : memref<1x128x128xf32, #tpu.memory_space<vmem>> -> memref<128x128xf32, #tpu.memory_space<vmem>>
      tpu.enqueue_dma source(%dma_start3A_90 : memref<128x128xf32, #tpu.memory_space<vmem>>) target(%dma_start3A_86 : memref<128x128xf32, #tpu.memory_space<vmem_shared>>) target_semaphore(%run_scoped3A_79 : memref<!tpu.dma_semaphore, #tpu.memory_space<semaphore_mem>>)
      %dma_wait3A_91 = arith.constant 0 : i32
      %dma_wait3A_92 = arith.constant 0 : i32
      %dma_wait3A_93 = tpu.memref_slice %arg10[%run_scoped3A, %dma_wait3A_91, %dma_wait3A_92] : memref<2x128x128xf32, #tpu.memory_space<vmem>> -> memref<1x128x128xf32, #tpu.memory_space<vmem>>
      %dma_wait3A_94 = tpu.memref_squeeze %dma_wait3A_93 : memref<1x128x128xf32, #tpu.memory_space<vmem>> -> memref<128x128xf32, #tpu.memory_space<vmem>>
      %dma_wait3A_95 = arith.constant 0 : i32
      %dma_wait3A_96 = tpu.memref_slice %arg11[%add3A_10, %dma_wait3A_95] : memref<10240x128xf32, #tpu.memory_space<vmem_shared>> -> memref<128x128xf32, #tpu.memory_space<vmem_shared>>
      %dma_wait3A_97 = arith.constant 0 : i32
      %dma_wait3A_98 = tpu.memref_slice %arg11[%add3A_10, %dma_wait3A_97] : memref<10240x128xf32, #tpu.memory_space<vmem_shared>> -> memref<128x128xf32, #tpu.memory_space<vmem_shared>>
      %dma_wait3A_99 = arith.constant 0 : i32
      %dma_wait3A_100 = arith.constant 0 : i32
      %dma_wait3A_101 = tpu.memref_slice %arg10[%run_scoped3A, %dma_wait3A_99, %dma_wait3A_100] : memref<2x128x128xf32, #tpu.memory_space<vmem>> -> memref<1x128x128xf32, #tpu.memory_space<vmem>>
      %dma_wait3A_102 = tpu.memref_squeeze %dma_wait3A_101 : memref<1x128x128xf32, #tpu.memory_space<vmem>> -> memref<128x128xf32, #tpu.memory_space<vmem>>
      tpu.wait_dma2 semaphore(%run_scoped3A_79 : memref<!tpu.dma_semaphore, #tpu.memory_space<semaphore_mem>>) src(%dma_wait3A_102 : memref<128x128xf32, #tpu.memory_space<vmem>>) dst(%dma_wait3A_98 : memref<128x128xf32, #tpu.memory_space<vmem_shared>>)
      tpu.yield
    }) : () -> ()
    %mul3A_11 = arith.constant 640 : i32
    %mul3A_12 = arith.muli %arg1, %mul3A_11 : i32
    %add3A_13 = arith.constant 128 : i32
    %add3A_14 = arith.addi %mul3A_12, %add3A_13 : i32
    %run_scoped3A_15 = arith.constant 0 : i32
    "tpu.region"() ({
      %run_scoped3A_79 = tpu.sem_alloc : memref<!tpu.dma_semaphore, #tpu.memory_space<semaphore_mem>>
      %dma_start3A = arith.constant 0 : i32
      %dma_start3A_80 = arith.constant 0 : i32
      %dma_start3A_81 = tpu.memref_slice %arg10[%run_scoped3A_15, %dma_start3A, %dma_start3A_80] : memref<2x128x128xf32, #tpu.memory_space<vmem>> -> memref<1x128x128xf32, #tpu.memory_space<vmem>>
      %dma_start3A_82 = tpu.memref_squeeze %dma_start3A_81 : memref<1x128x128xf32, #tpu.memory_space<vmem>> -> memref<128x128xf32, #tpu.memory_space<vmem>>
      %dma_start3A_83 = arith.constant 0 : i32
      %dma_start3A_84 = tpu.memref_slice %arg11[%add3A_14, %dma_start3A_83] : memref<10240x128xf32, #tpu.memory_space<vmem_shared>> -> memref<128x128xf32, #tpu.memory_space<vmem_shared>>
      %dma_start3A_85 = arith.constant 0 : i32
      %dma_start3A_86 = tpu.memref_slice %arg11[%add3A_14, %dma_start3A_85] : memref<10240x128xf32, #tpu.memory_space<vmem_shared>> -> memref<128x128xf32, #tpu.memory_space<vmem_shared>>
      %dma_start3A_87 = arith.constant 0 : i32
      %dma_start3A_88 = arith.constant 0 : i32
      %dma_start3A_89 = tpu.memref_slice %arg10[%run_scoped3A_15, %dma_start3A_87, %dma_start3A_88] : memref<2x128x128xf32, #tpu.memory_space<vmem>> -> memref<1x128x128xf32, #tpu.memory_space<vmem>>
      %dma_start3A_90 = tpu.memref_squeeze %dma_start3A_89 : memref<1x128x128xf32, #tpu.memory_space<vmem>> -> memref<128x128xf32, #tpu.memory_space<vmem>>
      tpu.enqueue_dma source(%dma_start3A_90 : memref<128x128xf32, #tpu.memory_space<vmem>>) target(%dma_start3A_86 : memref<128x128xf32, #tpu.memory_space<vmem_shared>>) target_semaphore(%run_scoped3A_79 : memref<!tpu.dma_semaphore, #tpu.memory_space<semaphore_mem>>)
      %dma_wait3A_91 = arith.constant 0 : i32
      %dma_wait3A_92 = arith.constant 0 : i32
      %dma_wait3A_93 = tpu.memref_slice %arg10[%run_scoped3A_15, %dma_wait3A_91, %dma_wait3A_92] : memref<2x128x128xf32, #tpu.memory_space<vmem>> -> memref<1x128x128xf32, #tpu.memory_space<vmem>>
      %dma_wait3A_94 = tpu.memref_squeeze %dma_wait3A_93 : memref<1x128x128xf32, #tpu.memory_space<vmem>> -> memref<128x128xf32, #tpu.memory_space<vmem>>
      %dma_wait3A_95 = arith.constant 0 : i32
      %dma_wait3A_96 = tpu.memref_slice %arg11[%add3A_14, %dma_wait3A_95] : memref<10240x128xf32, #tpu.memory_space<vmem_shared>> -> memref<128x128xf32, #tpu.memory_space<vmem_shared>>
      %dma_wait3A_97 = arith.constant 0 : i32
      %dma_wait3A_98 = tpu.memref_slice %arg11[%add3A_14, %dma_wait3A_97] : memref<10240x128xf32, #tpu.memory_space<vmem_shared>> -> memref<128x128xf32, #tpu.memory_space<vmem_shared>>
      %dma_wait3A_99 = arith.constant 0 : i32
      %dma_wait3A_100 = arith.constant 0 : i32
      %dma_wait3A_101 = tpu.memref_slice %arg10[%run_scoped3A_15, %dma_wait3A_99, %dma_wait3A_100] : memref<2x128x128xf32, #tpu.memory_space<vmem>> -> memref<1x128x128xf32, #tpu.memory_space<vmem>>
      %dma_wait3A_102 = tpu.memref_squeeze %dma_wait3A_101 : memref<1x128x128xf32, #tpu.memory_space<vmem>> -> memref<128x128xf32, #tpu.memory_space<vmem>>
      tpu.wait_dma2 semaphore(%run_scoped3A_79 : memref<!tpu.dma_semaphore, #tpu.memory_space<semaphore_mem>>) src(%dma_wait3A_102 : memref<128x128xf32, #tpu.memory_space<vmem>>) dst(%dma_wait3A_98 : memref<128x128xf32, #tpu.memory_space<vmem_shared>>)
      tpu.yield
    }) : () -> ()
    %mul3A_16 = arith.constant 640 : i32
    %mul3A_17 = arith.muli %arg1, %mul3A_16 : i32
    %add3A_18 = arith.constant 256 : i32
    %add3A_19 = arith.addi %mul3A_17, %add3A_18 : i32
    %run_scoped3A_20 = arith.constant 0 : i32
    "tpu.region"() ({
      %run_scoped3A_79 = tpu.sem_alloc : memref<!tpu.dma_semaphore, #tpu.memory_space<semaphore_mem>>
      %dma_start3A = arith.constant 0 : i32
      %dma_start3A_80 = arith.constant 0 : i32
      %dma_start3A_81 = tpu.memref_slice %arg10[%run_scoped3A_20, %dma_start3A, %dma_start3A_80] : memref<2x128x128xf32, #tpu.memory_space<vmem>> -> memref<1x128x128xf32, #tpu.memory_space<vmem>>
      %dma_start3A_82 = tpu.memref_squeeze %dma_start3A_81 : memref<1x128x128xf32, #tpu.memory_space<vmem>> -> memref<128x128xf32, #tpu.memory_space<vmem>>
      %dma_start3A_83 = arith.constant 0 : i32
      %dma_start3A_84 = tpu.memref_slice %arg11[%add3A_19, %dma_start3A_83] : memref<10240x128xf32, #tpu.memory_space<vmem_shared>> -> memref<128x128xf32, #tpu.memory_space<vmem_shared>>
      %dma_start3A_85 = arith.constant 0 : i32
      %dma_start3A_86 = tpu.memref_slice %arg11[%add3A_19, %dma_start3A_85] : memref<10240x128xf32, #tpu.memory_space<vmem_shared>> -> memref<128x128xf32, #tpu.memory_space<vmem_shared>>
      %dma_start3A_87 = arith.constant 0 : i32
      %dma_start3A_88 = arith.constant 0 : i32
      %dma_start3A_89 = tpu.memref_slice %arg10[%run_scoped3A_20, %dma_start3A_87, %dma_start3A_88] : memref<2x128x128xf32, #tpu.memory_space<vmem>> -> memref<1x128x128xf32, #tpu.memory_space<vmem>>
      %dma_start3A_90 = tpu.memref_squeeze %dma_start3A_89 : memref<1x128x128xf32, #tpu.memory_space<vmem>> -> memref<128x128xf32, #tpu.memory_space<vmem>>
      tpu.enqueue_dma source(%dma_start3A_90 : memref<128x128xf32, #tpu.memory_space<vmem>>) target(%dma_start3A_86 : memref<128x128xf32, #tpu.memory_space<vmem_shared>>) target_semaphore(%run_scoped3A_79 : memref<!tpu.dma_semaphore, #tpu.memory_space<semaphore_mem>>)
      %dma_wait3A_91 = arith.constant 0 : i32
      %dma_wait3A_92 = arith.constant 0 : i32
      %dma_wait3A_93 = tpu.memref_slice %arg10[%run_scoped3A_20, %dma_wait3A_91, %dma_wait3A_92] : memref<2x128x128xf32, #tpu.memory_space<vmem>> -> memref<1x128x128xf32, #tpu.memory_space<vmem>>
      %dma_wait3A_94 = tpu.memref_squeeze %dma_wait3A_93 : memref<1x128x128xf32, #tpu.memory_space<vmem>> -> memref<128x128xf32, #tpu.memory_space<vmem>>
      %dma_wait3A_95 = arith.constant 0 : i32
      %dma_wait3A_96 = tpu.memref_slice %arg11[%add3A_19, %dma_wait3A_95] : memref<10240x128xf32, #tpu.memory_space<vmem_shared>> -> memref<128x128xf32, #tpu.memory_space<vmem_shared>>
      %dma_wait3A_97 = arith.constant 0 : i32
      %dma_wait3A_98 = tpu.memref_slice %arg11[%add3A_19, %dma_wait3A_97] : memref<10240x128xf32, #tpu.memory_space<vmem_shared>> -> memref<128x128xf32, #tpu.memory_space<vmem_shared>>
      %dma_wait3A_99 = arith.constant 0 : i32
      %dma_wait3A_100 = arith.constant 0 : i32
      %dma_wait3A_101 = tpu.memref_slice %arg10[%run_scoped3A_20, %dma_wait3A_99, %dma_wait3A_100] : memref<2x128x128xf32, #tpu.memory_space<vmem>> -> memref<1x128x128xf32, #tpu.memory_space<vmem>>
      %dma_wait3A_102 = tpu.memref_squeeze %dma_wait3A_101 : memref<1x128x128xf32, #tpu.memory_space<vmem>> -> memref<128x128xf32, #tpu.memory_space<vmem>>
      tpu.wait_dma2 semaphore(%run_scoped3A_79 : memref<!tpu.dma_semaphore, #tpu.memory_space<semaphore_mem>>) src(%dma_wait3A_102 : memref<128x128xf32, #tpu.memory_space<vmem>>) dst(%dma_wait3A_98 : memref<128x128xf32, #tpu.memory_space<vmem_shared>>)
      tpu.yield
    }) : () -> ()
    %mul3A_21 = arith.constant 640 : i32
    %mul3A_22 = arith.muli %arg1, %mul3A_21 : i32
    %add3A_23 = arith.constant 384 : i32
    %add3A_24 = arith.addi %mul3A_22, %add3A_23 : i32
    %run_scoped3A_25 = arith.constant 0 : i32
    "tpu.region"() ({
      %run_scoped3A_79 = tpu.sem_alloc : memref<!tpu.dma_semaphore, #tpu.memory_space<semaphore_mem>>
      %dma_start3A = arith.constant 0 : i32
      %dma_start3A_80 = arith.constant 0 : i32
      %dma_start3A_81 = tpu.memref_slice %arg10[%run_scoped3A_25, %dma_start3A, %dma_start3A_80] : memref<2x128x128xf32, #tpu.memory_space<vmem>> -> memref<1x128x128xf32, #tpu.memory_space<vmem>>
      %dma_start3A_82 = tpu.memref_squeeze %dma_start3A_81 : memref<1x128x128xf32, #tpu.memory_space<vmem>> -> memref<128x128xf32, #tpu.memory_space<vmem>>
      %dma_start3A_83 = arith.constant 0 : i32
      %dma_start3A_84 = tpu.memref_slice %arg11[%add3A_24, %dma_start3A_83] : memref<10240x128xf32, #tpu.memory_space<vmem_shared>> -> memref<128x128xf32, #tpu.memory_space<vmem_shared>>
      %dma_start3A_85 = arith.constant 0 : i32
      %dma_start3A_86 = tpu.memref_slice %arg11[%add3A_24, %dma_start3A_85] : memref<10240x128xf32, #tpu.memory_space<vmem_shared>> -> memref<128x128xf32, #tpu.memory_space<vmem_shared>>
      %dma_start3A_87 = arith.constant 0 : i32
      %dma_start3A_88 = arith.constant 0 : i32
      %dma_start3A_89 = tpu.memref_slice %arg10[%run_scoped3A_25, %dma_start3A_87, %dma_start3A_88] : memref<2x128x128xf32, #tpu.memory_space<vmem>> -> memref<1x128x128xf32, #tpu.memory_space<vmem>>
      %dma_start3A_90 = tpu.memref_squeeze %dma_start3A_89 : memref<1x128x128xf32, #tpu.memory_space<vmem>> -> memref<128x128xf32, #tpu.memory_space<vmem>>
      tpu.enqueue_dma source(%dma_start3A_90 : memref<128x128xf32, #tpu.memory_space<vmem>>) target(%dma_start3A_86 : memref<128x128xf32, #tpu.memory_space<vmem_shared>>) target_semaphore(%run_scoped3A_79 : memref<!tpu.dma_semaphore, #tpu.memory_space<semaphore_mem>>)
      %dma_wait3A_91 = arith.constant 0 : i32
      %dma_wait3A_92 = arith.constant 0 : i32
      %dma_wait3A_93 = tpu.memref_slice %arg10[%run_scoped3A_25, %dma_wait3A_91, %dma_wait3A_92] : memref<2x128x128xf32, #tpu.memory_space<vmem>> -> memref<1x128x128xf32, #tpu.memory_space<vmem>>
      %dma_wait3A_94 = tpu.memref_squeeze %dma_wait3A_93 : memref<1x128x128xf32, #tpu.memory_space<vmem>> -> memref<128x128xf32, #tpu.memory_space<vmem>>
      %dma_wait3A_95 = arith.constant 0 : i32
      %dma_wait3A_96 = tpu.memref_slice %arg11[%add3A_24, %dma_wait3A_95] : memref<10240x128xf32, #tpu.memory_space<vmem_shared>> -> memref<128x128xf32, #tpu.memory_space<vmem_shared>>
      %dma_wait3A_97 = arith.constant 0 : i32
      %dma_wait3A_98 = tpu.memref_slice %arg11[%add3A_24, %dma_wait3A_97] : memref<10240x128xf32, #tpu.memory_space<vmem_shared>> -> memref<128x128xf32, #tpu.memory_space<vmem_shared>>
      %dma_wait3A_99 = arith.constant 0 : i32
      %dma_wait3A_100 = arith.constant 0 : i32
      %dma_wait3A_101 = tpu.memref_slice %arg10[%run_scoped3A_25, %dma_wait3A_99, %dma_wait3A_100] : memref<2x128x128xf32, #tpu.memory_space<vmem>> -> memref<1x128x128xf32, #tpu.memory_space<vmem>>
      %dma_wait3A_102 = tpu.memref_squeeze %dma_wait3A_101 : memref<1x128x128xf32, #tpu.memory_space<vmem>> -> memref<128x128xf32, #tpu.memory_space<vmem>>
      tpu.wait_dma2 semaphore(%run_scoped3A_79 : memref<!tpu.dma_semaphore, #tpu.memory_space<semaphore_mem>>) src(%dma_wait3A_102 : memref<128x128xf32, #tpu.memory_space<vmem>>) dst(%dma_wait3A_98 : memref<128x128xf32, #tpu.memory_space<vmem_shared>>)
      tpu.yield
    }) : () -> ()
    %mul3A_26 = arith.constant 640 : i32
    %mul3A_27 = arith.muli %arg1, %mul3A_26 : i32
    %add3A_28 = arith.constant 512 : i32
    %add3A_29 = arith.addi %mul3A_27, %add3A_28 : i32
    %run_scoped3A_30 = arith.constant 0 : i32
    "tpu.region"() ({
      %run_scoped3A_79 = tpu.sem_alloc : memref<!tpu.dma_semaphore, #tpu.memory_space<semaphore_mem>>
      %dma_start3A = arith.constant 0 : i32
      %dma_start3A_80 = arith.constant 0 : i32
      %dma_start3A_81 = tpu.memref_slice %arg10[%run_scoped3A_30, %dma_start3A, %dma_start3A_80] : memref<2x128x128xf32, #tpu.memory_space<vmem>> -> memref<1x128x128xf32, #tpu.memory_space<vmem>>
      %dma_start3A_82 = tpu.memref_squeeze %dma_start3A_81 : memref<1x128x128xf32, #tpu.memory_space<vmem>> -> memref<128x128xf32, #tpu.memory_space<vmem>>
      %dma_start3A_83 = arith.constant 0 : i32
      %dma_start3A_84 = tpu.memref_slice %arg11[%add3A_29, %dma_start3A_83] : memref<10240x128xf32, #tpu.memory_space<vmem_shared>> -> memref<128x128xf32, #tpu.memory_space<vmem_shared>>
      %dma_start3A_85 = arith.constant 0 : i32
      %dma_start3A_86 = tpu.memref_slice %arg11[%add3A_29, %dma_start3A_85] : memref<10240x128xf32, #tpu.memory_space<vmem_shared>> -> memref<128x128xf32, #tpu.memory_space<vmem_shared>>
      %dma_start3A_87 = arith.constant 0 : i32
      %dma_start3A_88 = arith.constant 0 : i32
      %dma_start3A_89 = tpu.memref_slice %arg10[%run_scoped3A_30, %dma_start3A_87, %dma_start3A_88] : memref<2x128x128xf32, #tpu.memory_space<vmem>> -> memref<1x128x128xf32, #tpu.memory_space<vmem>>
      %dma_start3A_90 = tpu.memref_squeeze %dma_start3A_89 : memref<1x128x128xf32, #tpu.memory_space<vmem>> -> memref<128x128xf32, #tpu.memory_space<vmem>>
      tpu.enqueue_dma source(%dma_start3A_90 : memref<128x128xf32, #tpu.memory_space<vmem>>) target(%dma_start3A_86 : memref<128x128xf32, #tpu.memory_space<vmem_shared>>) target_semaphore(%run_scoped3A_79 : memref<!tpu.dma_semaphore, #tpu.memory_space<semaphore_mem>>)
      %dma_wait3A_91 = arith.constant 0 : i32
      %dma_wait3A_92 = arith.constant 0 : i32
      %dma_wait3A_93 = tpu.memref_slice %arg10[%run_scoped3A_30, %dma_wait3A_91, %dma_wait3A_92] : memref<2x128x128xf32, #tpu.memory_space<vmem>> -> memref<1x128x128xf32, #tpu.memory_space<vmem>>
      %dma_wait3A_94 = tpu.memref_squeeze %dma_wait3A_93 : memref<1x128x128xf32, #tpu.memory_space<vmem>> -> memref<128x128xf32, #tpu.memory_space<vmem>>
      %dma_wait3A_95 = arith.constant 0 : i32
      %dma_wait3A_96 = tpu.memref_slice %arg11[%add3A_29, %dma_wait3A_95] : memref<10240x128xf32, #tpu.memory_space<vmem_shared>> -> memref<128x128xf32, #tpu.memory_space<vmem_shared>>
      %dma_wait3A_97 = arith.constant 0 : i32
      %dma_wait3A_98 = tpu.memref_slice %arg11[%add3A_29, %dma_wait3A_97] : memref<10240x128xf32, #tpu.memory_space<vmem_shared>> -> memref<128x128xf32, #tpu.memory_space<vmem_shared>>
      %dma_wait3A_99 = arith.constant 0 : i32
      %dma_wait3A_100 = arith.constant 0 : i32
      %dma_wait3A_101 = tpu.memref_slice %arg10[%run_scoped3A_30, %dma_wait3A_99, %dma_wait3A_100] : memref<2x128x128xf32, #tpu.memory_space<vmem>> -> memref<1x128x128xf32, #tpu.memory_space<vmem>>
      %dma_wait3A_102 = tpu.memref_squeeze %dma_wait3A_101 : memref<1x128x128xf32, #tpu.memory_space<vmem>> -> memref<128x128xf32, #tpu.memory_space<vmem>>
      tpu.wait_dma2 semaphore(%run_scoped3A_79 : memref<!tpu.dma_semaphore, #tpu.memory_space<semaphore_mem>>) src(%dma_wait3A_102 : memref<128x128xf32, #tpu.memory_space<vmem>>) dst(%dma_wait3A_98 : memref<128x128xf32, #tpu.memory_space<vmem_shared>>)
      tpu.yield
    }) : () -> ()
    %barrier3A = arith.constant 0 : index
    tpu.barrier barrier_id(%barrier3A)
    %scan3A_31 = arith.constant 0 : i32
    %scan3A_32 = arith.constant 0 : i32
    %scan3A_33 = arith.constant 5 : i32
    %scan3A_34 = arith.addi %scan3A_32, %scan3A_33 : i32
    %scan3A_35 = arith.constant 1 : i32
    scf.for %scan3A_79 = %scan3A_32 to %scan3A_34 step %scan3A_35  : i32 {
      %gt3A = arith.constant 0 : i32
      %gt3A_80 = arith.cmpi sgt, %scan3A_79, %gt3A : i32
      %convert_element_type3A = arith.extui %gt3A_80 : i1 to i32
      %cond3A = arith.constant 0 : i32
      %cond3A_81 = arith.cmpi ne, %convert_element_type3A, %cond3A : i32
      scf.if %cond3A_81 {
        %dma_wait3A_107 = arith.constant 1 : i32
        %dma_wait3A_108 = arith.constant 0 : i32
        %dma_wait3A_109 = arith.constant 0 : i32
        %dma_wait3A_110 = arith.constant 0 : i32
        %dma_wait3A_111 = tpu.memref_slice %arg10[%dma_wait3A_107, %dma_wait3A_109, %dma_wait3A_110] : memref<2x128x128xf32, #tpu.memory_space<vmem>> -> memref<1x128x128xf32, #tpu.memory_space<vmem>>
        %dma_wait3A_112 = tpu.memref_squeeze %dma_wait3A_111 : memref<1x128x128xf32, #tpu.memory_space<vmem>> -> memref<128x128xf32, #tpu.memory_space<vmem>>
        %dma_wait3A_113 = arith.constant 0 : i32
        %dma_wait3A_114 = tpu.memref_slice %arg8[%dma_wait3A_108, %dma_wait3A_113] : memref<16x128xi32, #tpu.memory_space<vmem>> -> memref<1x128xi32, #tpu.memory_space<vmem>>
        %dma_wait3A_115 = tpu.memref_squeeze %dma_wait3A_114 : memref<1x128xi32, #tpu.memory_space<vmem>> -> memref<128xi32, #tpu.memory_space<vmem>>
        %dma_wait3A_116 = arith.constant 0 : i32
        %dma_wait3A_117 = arith.constant 0 : i32
        %dma_wait3A_118 = tpu.memref_slice %arg11[%dma_wait3A_116, %dma_wait3A_117] : memref<10240x128xf32, #tpu.memory_space<vmem_shared>> -> memref<10240x128xf32, #tpu.memory_space<vmem_shared>>
        tpu.wait_indirect_dma semaphore(%arg15 : memref<!tpu.dma_semaphore, #tpu.memory_space<semaphore_mem>>) src(%dma_wait3A_112 : memref<128x128xf32, #tpu.memory_space<vmem>>) dst(%dma_wait3A_118 : memref<10240x128xf32, #tpu.memory_space<vmem_shared>>)
      } else {
      }
      %mul3A_82 = arith.constant 16 : i32
      %mul3A_83 = arith.muli %scan3A_79, %mul3A_82 : i32
      "tpu.region"() ({
        %run_scoped3A_107 = tpu.sem_alloc : memref<!tpu.dma_semaphore, #tpu.memory_space<semaphore_mem>>
        %dma_start3A_108 = arith.constant 0 : i32
        %dma_start3A_109 = tpu.memref_slice %arg3[%add3A, %mul3A_83, %dma_start3A_108] : memref<32x80x128xi32, #tpu.memory_space<hbm>> -> memref<1x16x128xi32, #tpu.memory_space<hbm>>
        %dma_start3A_110 = tpu.memref_squeeze %dma_start3A_109 : memref<1x16x128xi32, #tpu.memory_space<hbm>> -> memref<16x128xi32, #tpu.memory_space<hbm>>
        %dma_start3A_111 = arith.constant 0 : i32
        %dma_start3A_112 = tpu.memref_slice %arg3[%add3A, %mul3A_83, %dma_start3A_111] : memref<32x80x128xi32, #tpu.memory_space<hbm>> -> memref<1x16x128xi32, #tpu.memory_space<hbm>>
        %dma_start3A_113 = tpu.memref_squeeze %dma_start3A_112 : memref<1x16x128xi32, #tpu.memory_space<hbm>> -> memref<16x128xi32, #tpu.memory_space<hbm>>
        tpu.enqueue_dma source(%dma_start3A_113 : memref<16x128xi32, #tpu.memory_space<hbm>>) target(%arg7 : memref<16x128xi32, #tpu.memory_space<vmem>>) target_semaphore(%run_scoped3A_107 : memref<!tpu.dma_semaphore, #tpu.memory_space<semaphore_mem>>)
        %dma_wait3A_114 = arith.constant 0 : i32
        %dma_wait3A_115 = tpu.memref_slice %arg3[%add3A, %mul3A_83, %dma_wait3A_114] : memref<32x80x128xi32, #tpu.memory_space<hbm>> -> memref<1x16x128xi32, #tpu.memory_space<hbm>>
        %dma_wait3A_116 = tpu.memref_squeeze %dma_wait3A_115 : memref<1x16x128xi32, #tpu.memory_space<hbm>> -> memref<16x128xi32, #tpu.memory_space<hbm>>
        %dma_wait3A_117 = arith.constant 0 : i32
        %dma_wait3A_118 = tpu.memref_slice %arg3[%add3A, %mul3A_83, %dma_wait3A_117] : memref<32x80x128xi32, #tpu.memory_space<hbm>> -> memref<1x16x128xi32, #tpu.memory_space<hbm>>
        %dma_wait3A_119 = tpu.memref_squeeze %dma_wait3A_118 : memref<1x16x128xi32, #tpu.memory_space<hbm>> -> memref<16x128xi32, #tpu.memory_space<hbm>>
        tpu.wait_dma2 semaphore(%run_scoped3A_107 : memref<!tpu.dma_semaphore, #tpu.memory_space<semaphore_mem>>) src(%dma_wait3A_119 : memref<16x128xi32, #tpu.memory_space<hbm>>) dst(%arg7 : memref<16x128xi32, #tpu.memory_space<vmem>>)
        tpu.yield
      }) : () -> ()
      %mul3A_84 = arith.constant 16 : i32
      %mul3A_85 = arith.muli %scan3A_79, %mul3A_84 : i32
      "tpu.region"() ({
        %run_scoped3A_107 = tpu.sem_alloc : memref<!tpu.dma_semaphore, #tpu.memory_space<semaphore_mem>>
        %dma_start3A_108 = arith.constant 0 : i32
        %dma_start3A_109 = tpu.memref_slice %arg4[%add3A, %mul3A_85, %dma_start3A_108] : memref<32x80x128xi32, #tpu.memory_space<hbm>> -> memref<1x16x128xi32, #tpu.memory_space<hbm>>
        %dma_start3A_110 = tpu.memref_squeeze %dma_start3A_109 : memref<1x16x128xi32, #tpu.memory_space<hbm>> -> memref<16x128xi32, #tpu.memory_space<hbm>>
        %dma_start3A_111 = arith.constant 0 : i32
        %dma_start3A_112 = tpu.memref_slice %arg4[%add3A, %mul3A_85, %dma_start3A_111] : memref<32x80x128xi32, #tpu.memory_space<hbm>> -> memref<1x16x128xi32, #tpu.memory_space<hbm>>
        %dma_start3A_113 = tpu.memref_squeeze %dma_start3A_112 : memref<1x16x128xi32, #tpu.memory_space<hbm>> -> memref<16x128xi32, #tpu.memory_space<hbm>>
        tpu.enqueue_dma source(%dma_start3A_113 : memref<16x128xi32, #tpu.memory_space<hbm>>) target(%arg8 : memref<16x128xi32, #tpu.memory_space<vmem>>) target_semaphore(%run_scoped3A_107 : memref<!tpu.dma_semaphore, #tpu.memory_space<semaphore_mem>>)
        %dma_wait3A_114 = arith.constant 0 : i32
        %dma_wait3A_115 = tpu.memref_slice %arg4[%add3A, %mul3A_85, %dma_wait3A_114] : memref<32x80x128xi32, #tpu.memory_space<hbm>> -> memref<1x16x128xi32, #tpu.memory_space<hbm>>
        %dma_wait3A_116 = tpu.memref_squeeze %dma_wait3A_115 : memref<1x16x128xi32, #tpu.memory_space<hbm>> -> memref<16x128xi32, #tpu.memory_space<hbm>>
        %dma_wait3A_117 = arith.constant 0 : i32
        %dma_wait3A_118 = tpu.memref_slice %arg4[%add3A, %mul3A_85, %dma_wait3A_117] : memref<32x80x128xi32, #tpu.memory_space<hbm>> -> memref<1x16x128xi32, #tpu.memory_space<hbm>>
        %dma_wait3A_119 = tpu.memref_squeeze %dma_wait3A_118 : memref<1x16x128xi32, #tpu.memory_space<hbm>> -> memref<16x128xi32, #tpu.memory_space<hbm>>
        tpu.wait_dma2 semaphore(%run_scoped3A_107 : memref<!tpu.dma_semaphore, #tpu.memory_space<semaphore_mem>>) src(%dma_wait3A_119 : memref<16x128xi32, #tpu.memory_space<hbm>>) dst(%arg8 : memref<16x128xi32, #tpu.memory_space<vmem>>)
        tpu.yield
      }) : () -> ()
      %mul3A_86 = arith.constant 16 : i32
      %mul3A_87 = arith.muli %scan3A_79, %mul3A_86 : i32
      %mul3A_88 = arith.constant 128 : i32
      %mul3A_89 = arith.muli %mul3A_87, %mul3A_88 : i32
      "tpu.region"() ({
        %run_scoped3A_107 = tpu.sem_alloc : memref<!tpu.dma_semaphore, #tpu.memory_space<semaphore_mem>>
        %dma_start3A_108 = tpu.memref_slice %arg5[%add3A, %mul3A_89] : memref<32x10240xf32, #tpu.memory_space<hbm>> -> memref<1x2048xf32, #tpu.memory_space<hbm>>
        %dma_start3A_109 = tpu.memref_squeeze %dma_start3A_108 : memref<1x2048xf32, #tpu.memory_space<hbm>> -> memref<2048xf32, #tpu.memory_space<hbm>>
        %dma_start3A_110 = tpu.memref_slice %arg5[%add3A, %mul3A_89] : memref<32x10240xf32, #tpu.memory_space<hbm>> -> memref<1x2048xf32, #tpu.memory_space<hbm>>
        %dma_start3A_111 = tpu.memref_squeeze %dma_start3A_110 : memref<1x2048xf32, #tpu.memory_space<hbm>> -> memref<2048xf32, #tpu.memory_space<hbm>>
        tpu.enqueue_dma source(%dma_start3A_111 : memref<2048xf32, #tpu.memory_space<hbm>>) target(%arg9 : memref<2048xf32, #tpu.memory_space<vmem>>) target_semaphore(%run_scoped3A_107 : memref<!tpu.dma_semaphore, #tpu.memory_space<semaphore_mem>>)
        %dma_wait3A_112 = tpu.memref_slice %arg5[%add3A, %mul3A_89] : memref<32x10240xf32, #tpu.memory_space<hbm>> -> memref<1x2048xf32, #tpu.memory_space<hbm>>
        %dma_wait3A_113 = tpu.memref_squeeze %dma_wait3A_112 : memref<1x2048xf32, #tpu.memory_space<hbm>> -> memref<2048xf32, #tpu.memory_space<hbm>>
        %dma_wait3A_114 = tpu.memref_slice %arg5[%add3A, %mul3A_89] : memref<32x10240xf32, #tpu.memory_space<hbm>> -> memref<1x2048xf32, #tpu.memory_space<hbm>>
        %dma_wait3A_115 = tpu.memref_squeeze %dma_wait3A_114 : memref<1x2048xf32, #tpu.memory_space<hbm>> -> memref<2048xf32, #tpu.memory_space<hbm>>
        tpu.wait_dma2 semaphore(%run_scoped3A_107 : memref<!tpu.dma_semaphore, #tpu.memory_space<semaphore_mem>>) src(%dma_wait3A_115 : memref<2048xf32, #tpu.memory_space<hbm>>) dst(%arg9 : memref<2048xf32, #tpu.memory_space<vmem>>)
        tpu.yield
      }) : () -> ()
      %dma_start3A = arith.constant 0 : i32
      %dma_start3A_90 = arith.constant 0 : i32
      %dma_start3A_91 = arith.constant 0 : i32
      %dma_start3A_92 = arith.constant 0 : i32
      %dma_start3A_93 = tpu.memref_slice %arg10[%dma_start3A_90, %dma_start3A_91, %dma_start3A_92] : memref<2x128x128xf32, #tpu.memory_space<vmem>> -> memref<1x128x128xf32, #tpu.memory_space<vmem>>
      %dma_start3A_94 = tpu.memref_squeeze %dma_start3A_93 : memref<1x128x128xf32, #tpu.memory_space<vmem>> -> memref<128x128xf32, #tpu.memory_space<vmem>>
      %dma_start3A_95 = arith.constant 0 : i32
      %dma_start3A_96 = tpu.memref_slice %arg7[%dma_start3A, %dma_start3A_95] : memref<16x128xi32, #tpu.memory_space<vmem>> -> memref<1x128xi32, #tpu.memory_space<vmem>>
      %dma_start3A_97 = tpu.memref_squeeze %dma_start3A_96 : memref<1x128xi32, #tpu.memory_space<vmem>> -> memref<128xi32, #tpu.memory_space<vmem>>
      %dma_start3A_98 = arith.constant 0 : i32
      %dma_start3A_99 = arith.constant 0 : i32
      %dma_start3A_100 = tpu.memref_slice %arg2[%dma_start3A_98, %dma_start3A_99] : memref<10000x128xf32, #tpu.memory_space<hbm>> -> memref<10000x128xf32, #tpu.memory_space<hbm>>
      tpu.enqueue_indirect_dma source(%dma_start3A_100 : memref<10000x128xf32, #tpu.memory_space<hbm>>) target(%dma_start3A_94 : memref<128x128xf32, #tpu.memory_space<vmem>>) offsets(%dma_start3A_97 : memref<128xi32, #tpu.memory_space<vmem>>) semaphore(%arg12 : memref<!tpu.dma_semaphore, #tpu.memory_space<semaphore_mem>>)
      %scan3A_101 = arith.constant 0 : i32
      %scan3A_102 = arith.constant 0 : i32
      %scan3A_103 = arith.constant 8 : i32
      %scan3A_104 = arith.addi %scan3A_102, %scan3A_103 : i32
      %scan3A_105 = arith.constant 1 : i32
      scf.for %scan3A_107 = %scan3A_102 to %scan3A_104 step %scan3A_105  : i32 {
        %mul3A_108 = arith.constant 2 : i32
        %mul3A_109 = arith.muli %scan3A_107, %mul3A_108 : i32
        %add3A_110 = arith.constant 1 : i32
        %add3A_111 = arith.addi %mul3A_109, %add3A_110 : i32
        %dma_wait3A_112 = arith.constant 0 : i32
        %dma_wait3A_113 = arith.constant 0 : i32
        %dma_wait3A_114 = arith.constant 0 : i32
        %dma_wait3A_115 = arith.constant 0 : i32
        %dma_wait3A_116 = tpu.memref_slice %arg10[%dma_wait3A_113, %dma_wait3A_114, %dma_wait3A_115] : memref<2x128x128xf32, #tpu.memory_space<vmem>> -> memref<1x128x128xf32, #tpu.memory_space<vmem>>
        %dma_wait3A_117 = tpu.memref_squeeze %dma_wait3A_116 : memref<1x128x128xf32, #tpu.memory_space<vmem>> -> memref<128x128xf32, #tpu.memory_space<vmem>>
        %dma_wait3A_118 = arith.constant 0 : i32
        %dma_wait3A_119 = tpu.memref_slice %arg7[%dma_wait3A_112, %dma_wait3A_118] : memref<16x128xi32, #tpu.memory_space<vmem>> -> memref<1x128xi32, #tpu.memory_space<vmem>>
        %dma_wait3A_120 = tpu.memref_squeeze %dma_wait3A_119 : memref<1x128xi32, #tpu.memory_space<vmem>> -> memref<128xi32, #tpu.memory_space<vmem>>
        %dma_wait3A_121 = arith.constant 0 : i32
        %dma_wait3A_122 = arith.constant 0 : i32
        %dma_wait3A_123 = tpu.memref_slice %arg2[%dma_wait3A_121, %dma_wait3A_122] : memref<10000x128xf32, #tpu.memory_space<hbm>> -> memref<10000x128xf32, #tpu.memory_space<hbm>>
        tpu.wait_indirect_dma semaphore(%arg12 : memref<!tpu.dma_semaphore, #tpu.memory_space<semaphore_mem>>) src(%dma_wait3A_123 : memref<10000x128xf32, #tpu.memory_space<hbm>>) dst(%dma_wait3A_117 : memref<128x128xf32, #tpu.memory_space<vmem>>)
        %gt3A_124 = arith.constant 0 : i32
        %gt3A_125 = arith.cmpi sgt, %scan3A_107, %gt3A_124 : i32
        %convert_element_type3A_126 = arith.extui %gt3A_125 : i1 to i32
        %cond3A_127 = arith.constant 0 : i32
        %cond3A_128 = arith.cmpi ne, %convert_element_type3A_126, %cond3A_127 : i32
        scf.if %cond3A_128 {
          %dma_wait3A_202 = arith.constant 1 : i32
          %dma_wait3A_203 = arith.constant 0 : i32
          %dma_wait3A_204 = arith.constant 0 : i32
          %dma_wait3A_205 = arith.constant 0 : i32
          %dma_wait3A_206 = tpu.memref_slice %arg10[%dma_wait3A_202, %dma_wait3A_204, %dma_wait3A_205] : memref<2x128x128xf32, #tpu.memory_space<vmem>> -> memref<1x128x128xf32, #tpu.memory_space<vmem>>
          %dma_wait3A_207 = tpu.memref_squeeze %dma_wait3A_206 : memref<1x128x128xf32, #tpu.memory_space<vmem>> -> memref<128x128xf32, #tpu.memory_space<vmem>>
          %dma_wait3A_208 = arith.constant 0 : i32
          %dma_wait3A_209 = tpu.memref_slice %arg8[%dma_wait3A_203, %dma_wait3A_208] : memref<16x128xi32, #tpu.memory_space<vmem>> -> memref<1x128xi32, #tpu.memory_space<vmem>>
          %dma_wait3A_210 = tpu.memref_squeeze %dma_wait3A_209 : memref<1x128xi32, #tpu.memory_space<vmem>> -> memref<128xi32, #tpu.memory_space<vmem>>
          %dma_wait3A_211 = arith.constant 0 : i32
          %dma_wait3A_212 = arith.constant 0 : i32
          %dma_wait3A_213 = tpu.memref_slice %arg11[%dma_wait3A_211, %dma_wait3A_212] : memref<10240x128xf32, #tpu.memory_space<vmem_shared>> -> memref<10240x128xf32, #tpu.memory_space<vmem_shared>>
          tpu.wait_indirect_dma semaphore(%arg15 : memref<!tpu.dma_semaphore, #tpu.memory_space<semaphore_mem>>) src(%dma_wait3A_207 : memref<128x128xf32, #tpu.memory_space<vmem>>) dst(%dma_wait3A_213 : memref<10240x128xf32, #tpu.memory_space<vmem_shared>>)
        } else {
        }
        %dma_start3A_129 = arith.constant 1 : i32
        %dma_start3A_130 = arith.constant 0 : i32
        %dma_start3A_131 = arith.constant 0 : i32
        %dma_start3A_132 = tpu.memref_slice %arg10[%dma_start3A_129, %dma_start3A_130, %dma_start3A_131] : memref<2x128x128xf32, #tpu.memory_space<vmem>> -> memref<1x128x128xf32, #tpu.memory_space<vmem>>
        %dma_start3A_133 = tpu.memref_squeeze %dma_start3A_132 : memref<1x128x128xf32, #tpu.memory_space<vmem>> -> memref<128x128xf32, #tpu.memory_space<vmem>>
        %dma_start3A_134 = arith.constant 0 : i32
        %dma_start3A_135 = tpu.memref_slice %arg7[%add3A_111, %dma_start3A_134] : memref<16x128xi32, #tpu.memory_space<vmem>> -> memref<1x128xi32, #tpu.memory_space<vmem>>
        %dma_start3A_136 = tpu.memref_squeeze %dma_start3A_135 : memref<1x128xi32, #tpu.memory_space<vmem>> -> memref<128xi32, #tpu.memory_space<vmem>>
        %dma_start3A_137 = arith.constant 0 : i32
        %dma_start3A_138 = arith.constant 0 : i32
        %dma_start3A_139 = tpu.memref_slice %arg2[%dma_start3A_137, %dma_start3A_138] : memref<10000x128xf32, #tpu.memory_space<hbm>> -> memref<10000x128xf32, #tpu.memory_space<hbm>>
        tpu.enqueue_indirect_dma source(%dma_start3A_139 : memref<10000x128xf32, #tpu.memory_space<hbm>>) target(%dma_start3A_133 : memref<128x128xf32, #tpu.memory_space<vmem>>) offsets(%dma_start3A_136 : memref<128xi32, #tpu.memory_space<vmem>>) semaphore(%arg13 : memref<!tpu.dma_semaphore, #tpu.memory_space<semaphore_mem>>)
        %scan3A_140 = arith.constant 0 : i32
        %scan3A_141 = arith.constant 0 : i32
        %scan3A_142 = arith.constant 128 : i32
        %scan3A_143 = arith.addi %scan3A_141, %scan3A_142 : i32
        %scan3A_144 = arith.constant 1 : i32
        scf.for %scan3A_202 = %scan3A_141 to %scan3A_143 step %scan3A_144  : i32 {
          %mul3A_203 = arith.constant 128 : i32
          %mul3A_204 = arith.muli %mul3A_109, %mul3A_203 : i32
          %add3A_205 = arith.addi %mul3A_204, %scan3A_202 : i32
          %broadcast_in_dim3A_206 = vector.broadcast %add3A_205 : i32 to vector<16xi32>
          %gather3A = tpu.vector_load_idx %arg9[%broadcast_in_dim3A_206] : memref<2048xf32, #tpu.memory_space<vmem>>[vector<16xi32>], vector<16xf32>,
          %get3A = arith.constant 0 : i32
          %get3A_207 = arith.index_cast %get3A : i32 to index
          %get3A_208 = arith.index_cast %scan3A_202 : i32 to index
          %get3A_209 = arith.constant 0 : index
          %get3A_210 = tpu.vector_load %arg10[%get3A_207, %get3A_208, %get3A_209] {strides = array<i32>} : memref<2x128x128xf32, #tpu.memory_space<vmem>>, vector<16xf32>,
          %mul3A_211 = arith.mulf %get3A_210, %gather3A : vector<16xf32>
          %swap3A = arith.constant 0 : i32
          %swap3A_212 = arith.index_cast %swap3A : i32 to index
          %swap3A_213 = arith.index_cast %scan3A_202 : i32 to index
          %swap3A_214 = arith.constant 0 : index
          %swap3A_215 = tpu.vector_load %arg10[%swap3A_212, %swap3A_213, %swap3A_214] {strides = array<i32>} : memref<2x128x128xf32, #tpu.memory_space<vmem>>, vector<16xf32>,
          tpu.vector_store %arg10[%swap3A_212, %swap3A_213, %swap3A_214], %mul3A_211 {strides = array<i32>} : memref<2x128x128xf32, #tpu.memory_space<vmem>>, vector<16xf32>,
          %get3A_216 = arith.constant 0 : i32
          %get3A_217 = arith.index_cast %get3A_216 : i32 to index
          %get3A_218 = arith.index_cast %scan3A_202 : i32 to index
          %get3A_219 = arith.constant 16 : index
          %get3A_220 = tpu.vector_load %arg10[%get3A_217, %get3A_218, %get3A_219] {strides = array<i32>} : memref<2x128x128xf32, #tpu.memory_space<vmem>>, vector<16xf32>,
          %mul3A_221 = arith.mulf %get3A_220, %gather3A : vector<16xf32>
          %swap3A_222 = arith.constant 0 : i32
          %swap3A_223 = arith.index_cast %swap3A_222 : i32 to index
          %swap3A_224 = arith.index_cast %scan3A_202 : i32 to index
          %swap3A_225 = arith.constant 16 : index
          %swap3A_226 = tpu.vector_load %arg10[%swap3A_223, %swap3A_224, %swap3A_225] {strides = array<i32>} : memref<2x128x128xf32, #tpu.memory_space<vmem>>, vector<16xf32>,
          tpu.vector_store %arg10[%swap3A_223, %swap3A_224, %swap3A_225], %mul3A_221 {strides = array<i32>} : memref<2x128x128xf32, #tpu.memory_space<vmem>>, vector<16xf32>,
          %get3A_227 = arith.constant 0 : i32
          %get3A_228 = arith.index_cast %get3A_227 : i32 to index
          %get3A_229 = arith.index_cast %scan3A_202 : i32 to index
          %get3A_230 = arith.constant 32 : index
          %get3A_231 = tpu.vector_load %arg10[%get3A_228, %get3A_229, %get3A_230] {strides = array<i32>} : memref<2x128x128xf32, #tpu.memory_space<vmem>>, vector<16xf32>,
          %mul3A_232 = arith.mulf %get3A_231, %gather3A : vector<16xf32>
          %swap3A_233 = arith.constant 0 : i32
          %swap3A_234 = arith.index_cast %swap3A_233 : i32 to index
          %swap3A_235 = arith.index_cast %scan3A_202 : i32 to index
          %swap3A_236 = arith.constant 32 : index
          %swap3A_237 = tpu.vector_load %arg10[%swap3A_234, %swap3A_235, %swap3A_236] {strides = array<i32>} : memref<2x128x128xf32, #tpu.memory_space<vmem>>, vector<16xf32>,
          tpu.vector_store %arg10[%swap3A_234, %swap3A_235, %swap3A_236], %mul3A_232 {strides = array<i32>} : memref<2x128x128xf32, #tpu.memory_space<vmem>>, vector<16xf32>,
          %get3A_238 = arith.constant 0 : i32
          %get3A_239 = arith.index_cast %get3A_238 : i32 to index
          %get3A_240 = arith.index_cast %scan3A_202 : i32 to index
          %get3A_241 = arith.constant 48 : index
          %get3A_242 = tpu.vector_load %arg10[%get3A_239, %get3A_240, %get3A_241] {strides = array<i32>} : memref<2x128x128xf32, #tpu.memory_space<vmem>>, vector<16xf32>,
          %mul3A_243 = arith.mulf %get3A_242, %gather3A : vector<16xf32>
          %swap3A_244 = arith.constant 0 : i32
          %swap3A_245 = arith.index_cast %swap3A_244 : i32 to index
          %swap3A_246 = arith.index_cast %scan3A_202 : i32 to index
          %swap3A_247 = arith.constant 48 : index
          %swap3A_248 = tpu.vector_load %arg10[%swap3A_245, %swap3A_246, %swap3A_247] {strides = array<i32>} : memref<2x128x128xf32, #tpu.memory_space<vmem>>, vector<16xf32>,
          tpu.vector_store %arg10[%swap3A_245, %swap3A_246, %swap3A_247], %mul3A_243 {strides = array<i32>} : memref<2x128x128xf32, #tpu.memory_space<vmem>>, vector<16xf32>,
          %get3A_249 = arith.constant 0 : i32
          %get3A_250 = arith.index_cast %get3A_249 : i32 to index
          %get3A_251 = arith.index_cast %scan3A_202 : i32 to index
          %get3A_252 = arith.constant 64 : index
          %get3A_253 = tpu.vector_load %arg10[%get3A_250, %get3A_251, %get3A_252] {strides = array<i32>} : memref<2x128x128xf32, #tpu.memory_space<vmem>>, vector<16xf32>,
          %mul3A_254 = arith.mulf %get3A_253, %gather3A : vector<16xf32>
          %swap3A_255 = arith.constant 0 : i32
          %swap3A_256 = arith.index_cast %swap3A_255 : i32 to index
          %swap3A_257 = arith.index_cast %scan3A_202 : i32 to index
          %swap3A_258 = arith.constant 64 : index
          %swap3A_259 = tpu.vector_load %arg10[%swap3A_256, %swap3A_257, %swap3A_258] {strides = array<i32>} : memref<2x128x128xf32, #tpu.memory_space<vmem>>, vector<16xf32>,
          tpu.vector_store %arg10[%swap3A_256, %swap3A_257, %swap3A_258], %mul3A_254 {strides = array<i32>} : memref<2x128x128xf32, #tpu.memory_space<vmem>>, vector<16xf32>,
          %get3A_260 = arith.constant 0 : i32
          %get3A_261 = arith.index_cast %get3A_260 : i32 to index
          %get3A_262 = arith.index_cast %scan3A_202 : i32 to index
          %get3A_263 = arith.constant 80 : index
          %get3A_264 = tpu.vector_load %arg10[%get3A_261, %get3A_262, %get3A_263] {strides = array<i32>} : memref<2x128x128xf32, #tpu.memory_space<vmem>>, vector<16xf32>,
          %mul3A_265 = arith.mulf %get3A_264, %gather3A : vector<16xf32>
          %swap3A_266 = arith.constant 0 : i32
          %swap3A_267 = arith.index_cast %swap3A_266 : i32 to index
          %swap3A_268 = arith.index_cast %scan3A_202 : i32 to index
          %swap3A_269 = arith.constant 80 : index
          %swap3A_270 = tpu.vector_load %arg10[%swap3A_267, %swap3A_268, %swap3A_269] {strides = array<i32>} : memref<2x128x128xf32, #tpu.memory_space<vmem>>, vector<16xf32>,
          tpu.vector_store %arg10[%swap3A_267, %swap3A_268, %swap3A_269], %mul3A_265 {strides = array<i32>} : memref<2x128x128xf32, #tpu.memory_space<vmem>>, vector<16xf32>,
          %get3A_271 = arith.constant 0 : i32
          %get3A_272 = arith.index_cast %get3A_271 : i32 to index
          %get3A_273 = arith.index_cast %scan3A_202 : i32 to index
          %get3A_274 = arith.constant 96 : index
          %get3A_275 = tpu.vector_load %arg10[%get3A_272, %get3A_273, %get3A_274] {strides = array<i32>} : memref<2x128x128xf32, #tpu.memory_space<vmem>>, vector<16xf32>,
          %mul3A_276 = arith.mulf %get3A_275, %gather3A : vector<16xf32>
          %swap3A_277 = arith.constant 0 : i32
          %swap3A_278 = arith.index_cast %swap3A_277 : i32 to index
          %swap3A_279 = arith.index_cast %scan3A_202 : i32 to index
          %swap3A_280 = arith.constant 96 : index
          %swap3A_281 = tpu.vector_load %arg10[%swap3A_278, %swap3A_279, %swap3A_280] {strides = array<i32>} : memref<2x128x128xf32, #tpu.memory_space<vmem>>, vector<16xf32>,
          tpu.vector_store %arg10[%swap3A_278, %swap3A_279, %swap3A_280], %mul3A_276 {strides = array<i32>} : memref<2x128x128xf32, #tpu.memory_space<vmem>>, vector<16xf32>,
          %get3A_282 = arith.constant 0 : i32
          %get3A_283 = arith.index_cast %get3A_282 : i32 to index
          %get3A_284 = arith.index_cast %scan3A_202 : i32 to index
          %get3A_285 = arith.constant 112 : index
          %get3A_286 = tpu.vector_load %arg10[%get3A_283, %get3A_284, %get3A_285] {strides = array<i32>} : memref<2x128x128xf32, #tpu.memory_space<vmem>>, vector<16xf32>,
          %mul3A_287 = arith.mulf %get3A_286, %gather3A : vector<16xf32>
          %swap3A_288 = arith.constant 0 : i32
          %swap3A_289 = arith.index_cast %swap3A_288 : i32 to index
          %swap3A_290 = arith.index_cast %scan3A_202 : i32 to index
          %swap3A_291 = arith.constant 112 : index
          %swap3A_292 = tpu.vector_load %arg10[%swap3A_289, %swap3A_290, %swap3A_291] {strides = array<i32>} : memref<2x128x128xf32, #tpu.memory_space<vmem>>, vector<16xf32>,
          tpu.vector_store %arg10[%swap3A_289, %swap3A_290, %swap3A_291], %mul3A_287 {strides = array<i32>} : memref<2x128x128xf32, #tpu.memory_space<vmem>>, vector<16xf32>,
        }
        %scan3A_145 = arith.constant 128 : i32
        %dma_start3A_146 = arith.constant 0 : i32
        %dma_start3A_147 = arith.constant 0 : i32
        %dma_start3A_148 = arith.constant 0 : i32
        %dma_start3A_149 = tpu.memref_slice %arg10[%dma_start3A_146, %dma_start3A_147, %dma_start3A_148] : memref<2x128x128xf32, #tpu.memory_space<vmem>> -> memref<1x128x128xf32, #tpu.memory_space<vmem>>
        %dma_start3A_150 = tpu.memref_squeeze %dma_start3A_149 : memref<1x128x128xf32, #tpu.memory_space<vmem>> -> memref<128x128xf32, #tpu.memory_space<vmem>>
        %dma_start3A_151 = arith.constant 0 : i32
        %dma_start3A_152 = tpu.memref_slice %arg8[%mul3A_109, %dma_start3A_151] : memref<16x128xi32, #tpu.memory_space<vmem>> -> memref<1x128xi32, #tpu.memory_space<vmem>>
        %dma_start3A_153 = tpu.memref_squeeze %dma_start3A_152 : memref<1x128xi32, #tpu.memory_space<vmem>> -> memref<128xi32, #tpu.memory_space<vmem>>
        %dma_start3A_154 = arith.constant 0 : i32
        %dma_start3A_155 = arith.constant 0 : i32
        %dma_start3A_156 = tpu.memref_slice %arg11[%dma_start3A_154, %dma_start3A_155] : memref<10240x128xf32, #tpu.memory_space<vmem_shared>> -> memref<10240x128xf32, #tpu.memory_space<vmem_shared>>
        tpu.enqueue_indirect_dma source(%dma_start3A_150 : memref<128x128xf32, #tpu.memory_space<vmem>>) target(%dma_start3A_156 : memref<10240x128xf32, #tpu.memory_space<vmem_shared>>) offsets(%dma_start3A_153 : memref<128xi32, #tpu.memory_space<vmem>>) semaphore(%arg14 : memref<!tpu.dma_semaphore, #tpu.memory_space<semaphore_mem>>) {add = true}
        %dma_wait3A_157 = arith.constant 0 : i32
        %dma_wait3A_158 = arith.constant 1 : i32
        %dma_wait3A_159 = arith.constant 0 : i32
        %dma_wait3A_160 = arith.constant 0 : i32
        %dma_wait3A_161 = tpu.memref_slice %arg10[%dma_wait3A_158, %dma_wait3A_159, %dma_wait3A_160] : memref<2x128x128xf32, #tpu.memory_space<vmem>> -> memref<1x128x128xf32, #tpu.memory_space<vmem>>
        %dma_wait3A_162 = tpu.memref_squeeze %dma_wait3A_161 : memref<1x128x128xf32, #tpu.memory_space<vmem>> -> memref<128x128xf32, #tpu.memory_space<vmem>>
        %dma_wait3A_163 = arith.constant 0 : i32
        %dma_wait3A_164 = tpu.memref_slice %arg7[%dma_wait3A_157, %dma_wait3A_163] : memref<16x128xi32, #tpu.memory_space<vmem>> -> memref<1x128xi32, #tpu.memory_space<vmem>>
        %dma_wait3A_165 = tpu.memref_squeeze %dma_wait3A_164 : memref<1x128xi32, #tpu.memory_space<vmem>> -> memref<128xi32, #tpu.memory_space<vmem>>
        %dma_wait3A_166 = arith.constant 0 : i32
        %dma_wait3A_167 = arith.constant 0 : i32
        %dma_wait3A_168 = tpu.memref_slice %arg2[%dma_wait3A_166, %dma_wait3A_167] : memref<10000x128xf32, #tpu.memory_space<hbm>> -> memref<10000x128xf32, #tpu.memory_space<hbm>>
        tpu.wait_indirect_dma semaphore(%arg13 : memref<!tpu.dma_semaphore, #tpu.memory_space<semaphore_mem>>) src(%dma_wait3A_168 : memref<10000x128xf32, #tpu.memory_space<hbm>>) dst(%dma_wait3A_162 : memref<128x128xf32, #tpu.memory_space<vmem>>)
        %scan3A_169 = arith.constant 0 : i32
        %scan3A_170 = arith.constant 0 : i32
        %scan3A_171 = arith.constant 128 : i32
        %scan3A_172 = arith.addi %scan3A_170, %scan3A_171 : i32
        %scan3A_173 = arith.constant 1 : i32
        scf.for %scan3A_202 = %scan3A_170 to %scan3A_172 step %scan3A_173  : i32 {
          %mul3A_203 = arith.constant 128 : i32
          %mul3A_204 = arith.muli %add3A_111, %mul3A_203 : i32
          %add3A_205 = arith.addi %mul3A_204, %scan3A_202 : i32
          %broadcast_in_dim3A_206 = vector.broadcast %add3A_205 : i32 to vector<16xi32>
          %gather3A = tpu.vector_load_idx %arg9[%broadcast_in_dim3A_206] : memref<2048xf32, #tpu.memory_space<vmem>>[vector<16xi32>], vector<16xf32>,
          %get3A = arith.constant 1 : i32
          %get3A_207 = arith.index_cast %get3A : i32 to index
          %get3A_208 = arith.index_cast %scan3A_202 : i32 to index
          %get3A_209 = arith.constant 0 : index
          %get3A_210 = tpu.vector_load %arg10[%get3A_207, %get3A_208, %get3A_209] {strides = array<i32>} : memref<2x128x128xf32, #tpu.memory_space<vmem>>, vector<16xf32>,
          %mul3A_211 = arith.mulf %get3A_210, %gather3A : vector<16xf32>
          %swap3A = arith.constant 1 : i32
          %swap3A_212 = arith.index_cast %swap3A : i32 to index
          %swap3A_213 = arith.index_cast %scan3A_202 : i32 to index
          %swap3A_214 = arith.constant 0 : index
          %swap3A_215 = tpu.vector_load %arg10[%swap3A_212, %swap3A_213, %swap3A_214] {strides = array<i32>} : memref<2x128x128xf32, #tpu.memory_space<vmem>>, vector<16xf32>,
          tpu.vector_store %arg10[%swap3A_212, %swap3A_213, %swap3A_214], %mul3A_211 {strides = array<i32>} : memref<2x128x128xf32, #tpu.memory_space<vmem>>, vector<16xf32>,
          %get3A_216 = arith.constant 1 : i32
          %get3A_217 = arith.index_cast %get3A_216 : i32 to index
          %get3A_218 = arith.index_cast %scan3A_202 : i32 to index
          %get3A_219 = arith.constant 16 : index
          %get3A_220 = tpu.vector_load %arg10[%get3A_217, %get3A_218, %get3A_219] {strides = array<i32>} : memref<2x128x128xf32, #tpu.memory_space<vmem>>, vector<16xf32>,
          %mul3A_221 = arith.mulf %get3A_220, %gather3A : vector<16xf32>
          %swap3A_222 = arith.constant 1 : i32
          %swap3A_223 = arith.index_cast %swap3A_222 : i32 to index
          %swap3A_224 = arith.index_cast %scan3A_202 : i32 to index
          %swap3A_225 = arith.constant 16 : index
          %swap3A_226 = tpu.vector_load %arg10[%swap3A_223, %swap3A_224, %swap3A_225] {strides = array<i32>} : memref<2x128x128xf32, #tpu.memory_space<vmem>>, vector<16xf32>,
          tpu.vector_store %arg10[%swap3A_223, %swap3A_224, %swap3A_225], %mul3A_221 {strides = array<i32>} : memref<2x128x128xf32, #tpu.memory_space<vmem>>, vector<16xf32>,
          %get3A_227 = arith.constant 1 : i32
          %get3A_228 = arith.index_cast %get3A_227 : i32 to index
          %get3A_229 = arith.index_cast %scan3A_202 : i32 to index
          %get3A_230 = arith.constant 32 : index
          %get3A_231 = tpu.vector_load %arg10[%get3A_228, %get3A_229, %get3A_230] {strides = array<i32>} : memref<2x128x128xf32, #tpu.memory_space<vmem>>, vector<16xf32>,
          %mul3A_232 = arith.mulf %get3A_231, %gather3A : vector<16xf32>
          %swap3A_233 = arith.constant 1 : i32
          %swap3A_234 = arith.index_cast %swap3A_233 : i32 to index
          %swap3A_235 = arith.index_cast %scan3A_202 : i32 to index
          %swap3A_236 = arith.constant 32 : index
          %swap3A_237 = tpu.vector_load %arg10[%swap3A_234, %swap3A_235, %swap3A_236] {strides = array<i32>} : memref<2x128x128xf32, #tpu.memory_space<vmem>>, vector<16xf32>,
          tpu.vector_store %arg10[%swap3A_234, %swap3A_235, %swap3A_236], %mul3A_232 {strides = array<i32>} : memref<2x128x128xf32, #tpu.memory_space<vmem>>, vector<16xf32>,
          %get3A_238 = arith.constant 1 : i32
          %get3A_239 = arith.index_cast %get3A_238 : i32 to index
          %get3A_240 = arith.index_cast %scan3A_202 : i32 to index
          %get3A_241 = arith.constant 48 : index
          %get3A_242 = tpu.vector_load %arg10[%get3A_239, %get3A_240, %get3A_241] {strides = array<i32>} : memref<2x128x128xf32, #tpu.memory_space<vmem>>, vector<16xf32>,
          %mul3A_243 = arith.mulf %get3A_242, %gather3A : vector<16xf32>
          %swap3A_244 = arith.constant 1 : i32
          %swap3A_245 = arith.index_cast %swap3A_244 : i32 to index
          %swap3A_246 = arith.index_cast %scan3A_202 : i32 to index
          %swap3A_247 = arith.constant 48 : index
          %swap3A_248 = tpu.vector_load %arg10[%swap3A_245, %swap3A_246, %swap3A_247] {strides = array<i32>} : memref<2x128x128xf32, #tpu.memory_space<vmem>>, vector<16xf32>,
          tpu.vector_store %arg10[%swap3A_245, %swap3A_246, %swap3A_247], %mul3A_243 {strides = array<i32>} : memref<2x128x128xf32, #tpu.memory_space<vmem>>, vector<16xf32>,
          %get3A_249 = arith.constant 1 : i32
          %get3A_250 = arith.index_cast %get3A_249 : i32 to index
          %get3A_251 = arith.index_cast %scan3A_202 : i32 to index
          %get3A_252 = arith.constant 64 : index
          %get3A_253 = tpu.vector_load %arg10[%get3A_250, %get3A_251, %get3A_252] {strides = array<i32>} : memref<2x128x128xf32, #tpu.memory_space<vmem>>, vector<16xf32>,
          %mul3A_254 = arith.mulf %get3A_253, %gather3A : vector<16xf32>
          %swap3A_255 = arith.constant 1 : i32
          %swap3A_256 = arith.index_cast %swap3A_255 : i32 to index
          %swap3A_257 = arith.index_cast %scan3A_202 : i32 to index
          %swap3A_258 = arith.constant 64 : index
          %swap3A_259 = tpu.vector_load %arg10[%swap3A_256, %swap3A_257, %swap3A_258] {strides = array<i32>} : memref<2x128x128xf32, #tpu.memory_space<vmem>>, vector<16xf32>,
          tpu.vector_store %arg10[%swap3A_256, %swap3A_257, %swap3A_258], %mul3A_254 {strides = array<i32>} : memref<2x128x128xf32, #tpu.memory_space<vmem>>, vector<16xf32>,
          %get3A_260 = arith.constant 1 : i32
          %get3A_261 = arith.index_cast %get3A_260 : i32 to index
          %get3A_262 = arith.index_cast %scan3A_202 : i32 to index
          %get3A_263 = arith.constant 80 : index
          %get3A_264 = tpu.vector_load %arg10[%get3A_261, %get3A_262, %get3A_263] {strides = array<i32>} : memref<2x128x128xf32, #tpu.memory_space<vmem>>, vector<16xf32>,
          %mul3A_265 = arith.mulf %get3A_264, %gather3A : vector<16xf32>
          %swap3A_266 = arith.constant 1 : i32
          %swap3A_267 = arith.index_cast %swap3A_266 : i32 to index
          %swap3A_268 = arith.index_cast %scan3A_202 : i32 to index
          %swap3A_269 = arith.constant 80 : index
          %swap3A_270 = tpu.vector_load %arg10[%swap3A_267, %swap3A_268, %swap3A_269] {strides = array<i32>} : memref<2x128x128xf32, #tpu.memory_space<vmem>>, vector<16xf32>,
          tpu.vector_store %arg10[%swap3A_267, %swap3A_268, %swap3A_269], %mul3A_265 {strides = array<i32>} : memref<2x128x128xf32, #tpu.memory_space<vmem>>, vector<16xf32>,
          %get3A_271 = arith.constant 1 : i32
          %get3A_272 = arith.index_cast %get3A_271 : i32 to index
          %get3A_273 = arith.index_cast %scan3A_202 : i32 to index
          %get3A_274 = arith.constant 96 : index
          %get3A_275 = tpu.vector_load %arg10[%get3A_272, %get3A_273, %get3A_274] {strides = array<i32>} : memref<2x128x128xf32, #tpu.memory_space<vmem>>, vector<16xf32>,
          %mul3A_276 = arith.mulf %get3A_275, %gather3A : vector<16xf32>
          %swap3A_277 = arith.constant 1 : i32
          %swap3A_278 = arith.index_cast %swap3A_277 : i32 to index
          %swap3A_279 = arith.index_cast %scan3A_202 : i32 to index
          %swap3A_280 = arith.constant 96 : index
          %swap3A_281 = tpu.vector_load %arg10[%swap3A_278, %swap3A_279, %swap3A_280] {strides = array<i32>} : memref<2x128x128xf32, #tpu.memory_space<vmem>>, vector<16xf32>,
          tpu.vector_store %arg10[%swap3A_278, %swap3A_279, %swap3A_280], %mul3A_276 {strides = array<i32>} : memref<2x128x128xf32, #tpu.memory_space<vmem>>, vector<16xf32>,
          %get3A_282 = arith.constant 1 : i32
          %get3A_283 = arith.index_cast %get3A_282 : i32 to index
          %get3A_284 = arith.index_cast %scan3A_202 : i32 to index
          %get3A_285 = arith.constant 112 : index
          %get3A_286 = tpu.vector_load %arg10[%get3A_283, %get3A_284, %get3A_285] {strides = array<i32>} : memref<2x128x128xf32, #tpu.memory_space<vmem>>, vector<16xf32>,
          %mul3A_287 = arith.mulf %get3A_286, %gather3A : vector<16xf32>
          %swap3A_288 = arith.constant 1 : i32
          %swap3A_289 = arith.index_cast %swap3A_288 : i32 to index
          %swap3A_290 = arith.index_cast %scan3A_202 : i32 to index
          %swap3A_291 = arith.constant 112 : index
          %swap3A_292 = tpu.vector_load %arg10[%swap3A_289, %swap3A_290, %swap3A_291] {strides = array<i32>} : memref<2x128x128xf32, #tpu.memory_space<vmem>>, vector<16xf32>,
          tpu.vector_store %arg10[%swap3A_289, %swap3A_290, %swap3A_291], %mul3A_287 {strides = array<i32>} : memref<2x128x128xf32, #tpu.memory_space<vmem>>, vector<16xf32>,
        }
        %scan3A_174 = arith.constant 128 : i32
        %dma_wait3A_175 = arith.constant 0 : i32
        %dma_wait3A_176 = arith.constant 0 : i32
        %dma_wait3A_177 = arith.constant 0 : i32
        %dma_wait3A_178 = arith.constant 0 : i32
        %dma_wait3A_179 = tpu.memref_slice %arg10[%dma_wait3A_175, %dma_wait3A_177, %dma_wait3A_178] : memref<2x128x128xf32, #tpu.memory_space<vmem>> -> memref<1x128x128xf32, #tpu.memory_space<vmem>>
        %dma_wait3A_180 = tpu.memref_squeeze %dma_wait3A_179 : memref<1x128x128xf32, #tpu.memory_space<vmem>> -> memref<128x128xf32, #tpu.memory_space<vmem>>
        %dma_wait3A_181 = arith.constant 0 : i32
        %dma_wait3A_182 = tpu.memref_slice %arg8[%dma_wait3A_176, %dma_wait3A_181] : memref<16x128xi32, #tpu.memory_space<vmem>> -> memref<1x128xi32, #tpu.memory_space<vmem>>
        %dma_wait3A_183 = tpu.memref_squeeze %dma_wait3A_182 : memref<1x128xi32, #tpu.memory_space<vmem>> -> memref<128xi32, #tpu.memory_space<vmem>>
        %dma_wait3A_184 = arith.constant 0 : i32
        %dma_wait3A_185 = arith.constant 0 : i32
        %dma_wait3A_186 = tpu.memref_slice %arg11[%dma_wait3A_184, %dma_wait3A_185] : memref<10240x128xf32, #tpu.memory_space<vmem_shared>> -> memref<10240x128xf32, #tpu.memory_space<vmem_shared>>
        tpu.wait_indirect_dma semaphore(%arg14 : memref<!tpu.dma_semaphore, #tpu.memory_space<semaphore_mem>>) src(%dma_wait3A_180 : memref<128x128xf32, #tpu.memory_space<vmem>>) dst(%dma_wait3A_186 : memref<10240x128xf32, #tpu.memory_space<vmem_shared>>)
        %lt3A = arith.constant 7 : i32
        %lt3A_187 = arith.cmpi slt, %scan3A_107, %lt3A : i32
        %convert_element_type3A_188 = arith.extui %lt3A_187 : i1 to i32
        %cond3A_189 = arith.constant 0 : i32
        %cond3A_190 = arith.cmpi ne, %convert_element_type3A_188, %cond3A_189 : i32
        scf.if %cond3A_190 {
          %add3A_202 = arith.constant 2 : i32
          %add3A_203 = arith.addi %mul3A_109, %add3A_202 : i32
          %dma_start3A_204 = arith.constant 0 : i32
          %dma_start3A_205 = arith.constant 0 : i32
          %dma_start3A_206 = arith.constant 0 : i32
          %dma_start3A_207 = tpu.memref_slice %arg10[%dma_start3A_204, %dma_start3A_205, %dma_start3A_206] : memref<2x128x128xf32, #tpu.memory_space<vmem>> -> memref<1x128x128xf32, #tpu.memory_space<vmem>>
          %dma_start3A_208 = tpu.memref_squeeze %dma_start3A_207 : memref<1x128x128xf32, #tpu.memory_space<vmem>> -> memref<128x128xf32, #tpu.memory_space<vmem>>
          %dma_start3A_209 = arith.constant 0 : i32
          %dma_start3A_210 = tpu.memref_slice %arg7[%add3A_203, %dma_start3A_209] : memref<16x128xi32, #tpu.memory_space<vmem>> -> memref<1x128xi32, #tpu.memory_space<vmem>>
          %dma_start3A_211 = tpu.memref_squeeze %dma_start3A_210 : memref<1x128xi32, #tpu.memory_space<vmem>> -> memref<128xi32, #tpu.memory_space<vmem>>
          %dma_start3A_212 = arith.constant 0 : i32
          %dma_start3A_213 = arith.constant 0 : i32
          %dma_start3A_214 = tpu.memref_slice %arg2[%dma_start3A_212, %dma_start3A_213] : memref<10000x128xf32, #tpu.memory_space<hbm>> -> memref<10000x128xf32, #tpu.memory_space<hbm>>
          tpu.enqueue_indirect_dma source(%dma_start3A_214 : memref<10000x128xf32, #tpu.memory_space<hbm>>) target(%dma_start3A_208 : memref<128x128xf32, #tpu.memory_space<vmem>>) offsets(%dma_start3A_211 : memref<128xi32, #tpu.memory_space<vmem>>) semaphore(%arg12 : memref<!tpu.dma_semaphore, #tpu.memory_space<semaphore_mem>>)
        } else {
        }
        %dma_start3A_191 = arith.constant 1 : i32
        %dma_start3A_192 = arith.constant 0 : i32
        %dma_start3A_193 = arith.constant 0 : i32
        %dma_start3A_194 = tpu.memref_slice %arg10[%dma_start3A_191, %dma_start3A_192, %dma_start3A_193] : memref<2x128x128xf32, #tpu.memory_space<vmem>> -> memref<1x128x128xf32, #tpu.memory_space<vmem>>
        %dma_start3A_195 = tpu.memref_squeeze %dma_start3A_194 : memref<1x128x128xf32, #tpu.memory_space<vmem>> -> memref<128x128xf32, #tpu.memory_space<vmem>>
        %dma_start3A_196 = arith.constant 0 : i32
        %dma_start3A_197 = tpu.memref_slice %arg8[%add3A_111, %dma_start3A_196] : memref<16x128xi32, #tpu.memory_space<vmem>> -> memref<1x128xi32, #tpu.memory_space<vmem>>
        %dma_start3A_198 = tpu.memref_squeeze %dma_start3A_197 : memref<1x128xi32, #tpu.memory_space<vmem>> -> memref<128xi32, #tpu.memory_space<vmem>>
        %dma_start3A_199 = arith.constant 0 : i32
        %dma_start3A_200 = arith.constant 0 : i32
        %dma_start3A_201 = tpu.memref_slice %arg11[%dma_start3A_199, %dma_start3A_200] : memref<10240x128xf32, #tpu.memory_space<vmem_shared>> -> memref<10240x128xf32, #tpu.memory_space<vmem_shared>>
        tpu.enqueue_indirect_dma source(%dma_start3A_195 : memref<128x128xf32, #tpu.memory_space<vmem>>) target(%dma_start3A_201 : memref<10240x128xf32, #tpu.memory_space<vmem_shared>>) offsets(%dma_start3A_198 : memref<128xi32, #tpu.memory_space<vmem>>) semaphore(%arg15 : memref<!tpu.dma_semaphore, #tpu.memory_space<semaphore_mem>>) {add = true}
      }
      %scan3A_106 = arith.constant 8 : i32
    }
    %scan3A_36 = arith.constant 5 : i32
    %dma_wait3A = arith.constant 1 : i32
    %dma_wait3A_37 = arith.constant 0 : i32
    %dma_wait3A_38 = arith.constant 0 : i32
    %dma_wait3A_39 = arith.constant 0 : i32
    %dma_wait3A_40 = tpu.memref_slice %arg10[%dma_wait3A, %dma_wait3A_38, %dma_wait3A_39] : memref<2x128x128xf32, #tpu.memory_space<vmem>> -> memref<1x128x128xf32, #tpu.memory_space<vmem>>
    %dma_wait3A_41 = tpu.memref_squeeze %dma_wait3A_40 : memref<1x128x128xf32, #tpu.memory_space<vmem>> -> memref<128x128xf32, #tpu.memory_space<vmem>>
    %dma_wait3A_42 = arith.constant 0 : i32
    %dma_wait3A_43 = tpu.memref_slice %arg8[%dma_wait3A_37, %dma_wait3A_42] : memref<16x128xi32, #tpu.memory_space<vmem>> -> memref<1x128xi32, #tpu.memory_space<vmem>>
    %dma_wait3A_44 = tpu.memref_squeeze %dma_wait3A_43 : memref<1x128xi32, #tpu.memory_space<vmem>> -> memref<128xi32, #tpu.memory_space<vmem>>
    %dma_wait3A_45 = arith.constant 0 : i32
    %dma_wait3A_46 = arith.constant 0 : i32
    %dma_wait3A_47 = tpu.memref_slice %arg11[%dma_wait3A_45, %dma_wait3A_46] : memref<10240x128xf32, #tpu.memory_space<vmem_shared>> -> memref<10240x128xf32, #tpu.memory_space<vmem_shared>>
    tpu.wait_indirect_dma semaphore(%arg15 : memref<!tpu.dma_semaphore, #tpu.memory_space<semaphore_mem>>) src(%dma_wait3A_41 : memref<128x128xf32, #tpu.memory_space<vmem>>) dst(%dma_wait3A_47 : memref<10240x128xf32, #tpu.memory_space<vmem_shared>>)
    %barrier3A_48 = arith.constant 0 : index
    tpu.barrier barrier_id(%barrier3A_48)
    %mul3A_49 = arith.constant 640 : i32
    %mul3A_50 = arith.muli %arg1, %mul3A_49 : i32
    %add3A_51 = arith.constant 0 : i32
    %add3A_52 = arith.addi %mul3A_50, %add3A_51 : i32
    %run_scoped3A_53 = arith.constant 0 : i32
    "tpu.region"() ({
      %run_scoped3A_79 = tpu.sem_alloc : memref<!tpu.dma_semaphore, #tpu.memory_space<semaphore_mem>>
      %dma_start3A = arith.constant 0 : i32
      %dma_start3A_80 = arith.constant 0 : i32
      %dma_start3A_81 = tpu.memref_slice %arg10[%run_scoped3A_53, %dma_start3A, %dma_start3A_80] : memref<2x128x128xf32, #tpu.memory_space<vmem>> -> memref<1x128x128xf32, #tpu.memory_space<vmem>>
      %dma_start3A_82 = tpu.memref_squeeze %dma_start3A_81 : memref<1x128x128xf32, #tpu.memory_space<vmem>> -> memref<128x128xf32, #tpu.memory_space<vmem>>
      %dma_start3A_83 = arith.constant 0 : i32
      %dma_start3A_84 = tpu.memref_slice %arg11[%add3A_52, %dma_start3A_83] : memref<10240x128xf32, #tpu.memory_space<vmem_shared>> -> memref<128x128xf32, #tpu.memory_space<vmem_shared>>
      %dma_start3A_85 = arith.constant 0 : i32
      %dma_start3A_86 = arith.constant 0 : i32
      %dma_start3A_87 = tpu.memref_slice %arg10[%run_scoped3A_53, %dma_start3A_85, %dma_start3A_86] : memref<2x128x128xf32, #tpu.memory_space<vmem>> -> memref<1x128x128xf32, #tpu.memory_space<vmem>>
      %dma_start3A_88 = tpu.memref_squeeze %dma_start3A_87 : memref<1x128x128xf32, #tpu.memory_space<vmem>> -> memref<128x128xf32, #tpu.memory_space<vmem>>
      %dma_start3A_89 = arith.constant 0 : i32
      %dma_start3A_90 = tpu.memref_slice %arg11[%add3A_52, %dma_start3A_89] : memref<10240x128xf32, #tpu.memory_space<vmem_shared>> -> memref<128x128xf32, #tpu.memory_space<vmem_shared>>
      tpu.enqueue_dma source(%dma_start3A_90 : memref<128x128xf32, #tpu.memory_space<vmem_shared>>) target(%dma_start3A_88 : memref<128x128xf32, #tpu.memory_space<vmem>>) target_semaphore(%run_scoped3A_79 : memref<!tpu.dma_semaphore, #tpu.memory_space<semaphore_mem>>)
      %dma_wait3A_91 = arith.constant 0 : i32
      %dma_wait3A_92 = arith.constant 0 : i32
      %dma_wait3A_93 = tpu.memref_slice %arg10[%run_scoped3A_53, %dma_wait3A_91, %dma_wait3A_92] : memref<2x128x128xf32, #tpu.memory_space<vmem>> -> memref<1x128x128xf32, #tpu.memory_space<vmem>>
      %dma_wait3A_94 = tpu.memref_squeeze %dma_wait3A_93 : memref<1x128x128xf32, #tpu.memory_space<vmem>> -> memref<128x128xf32, #tpu.memory_space<vmem>>
      %dma_wait3A_95 = arith.constant 0 : i32
      %dma_wait3A_96 = tpu.memref_slice %arg11[%add3A_52, %dma_wait3A_95] : memref<10240x128xf32, #tpu.memory_space<vmem_shared>> -> memref<128x128xf32, #tpu.memory_space<vmem_shared>>
      %dma_wait3A_97 = arith.constant 0 : i32
      %dma_wait3A_98 = arith.constant 0 : i32
      %dma_wait3A_99 = tpu.memref_slice %arg10[%run_scoped3A_53, %dma_wait3A_97, %dma_wait3A_98] : memref<2x128x128xf32, #tpu.memory_space<vmem>> -> memref<1x128x128xf32, #tpu.memory_space<vmem>>
      %dma_wait3A_100 = tpu.memref_squeeze %dma_wait3A_99 : memref<1x128x128xf32, #tpu.memory_space<vmem>> -> memref<128x128xf32, #tpu.memory_space<vmem>>
      %dma_wait3A_101 = arith.constant 0 : i32
      %dma_wait3A_102 = tpu.memref_slice %arg11[%add3A_52, %dma_wait3A_101] : memref<10240x128xf32, #tpu.memory_space<vmem_shared>> -> memref<128x128xf32, #tpu.memory_space<vmem_shared>>
      tpu.wait_dma2 semaphore(%run_scoped3A_79 : memref<!tpu.dma_semaphore, #tpu.memory_space<semaphore_mem>>) src(%dma_wait3A_102 : memref<128x128xf32, #tpu.memory_space<vmem_shared>>) dst(%dma_wait3A_100 : memref<128x128xf32, #tpu.memory_space<vmem>>)
      tpu.yield
    }) : () -> ()
    %run_scoped3A_54 = arith.constant 0 : i32
    "tpu.region"() ({
      %run_scoped3A_79 = tpu.sem_alloc : memref<!tpu.dma_semaphore, #tpu.memory_space<semaphore_mem>>
      %dma_start3A = arith.constant 0 : i32
      %dma_start3A_80 = arith.constant 0 : i32
      %dma_start3A_81 = tpu.memref_slice %arg10[%run_scoped3A_54, %dma_start3A, %dma_start3A_80] : memref<2x128x128xf32, #tpu.memory_space<vmem>> -> memref<1x128x128xf32, #tpu.memory_space<vmem>>
      %dma_start3A_82 = tpu.memref_squeeze %dma_start3A_81 : memref<1x128x128xf32, #tpu.memory_space<vmem>> -> memref<128x128xf32, #tpu.memory_space<vmem>>
      %dma_start3A_83 = arith.constant 0 : i32
      %dma_start3A_84 = tpu.memref_slice %arg6[%arg0, %add3A_52, %dma_start3A_83] : memref<2x10240x128xf32, #tpu.memory_space<hbm>> -> memref<1x128x128xf32, #tpu.memory_space<hbm>>
      %dma_start3A_85 = tpu.memref_squeeze %dma_start3A_84 : memref<1x128x128xf32, #tpu.memory_space<hbm>> -> memref<128x128xf32, #tpu.memory_space<hbm>>
      %dma_start3A_86 = arith.constant 0 : i32
      %dma_start3A_87 = tpu.memref_slice %arg6[%arg0, %add3A_52, %dma_start3A_86] : memref<2x10240x128xf32, #tpu.memory_space<hbm>> -> memref<1x128x128xf32, #tpu.memory_space<hbm>>
      %dma_start3A_88 = tpu.memref_squeeze %dma_start3A_87 : memref<1x128x128xf32, #tpu.memory_space<hbm>> -> memref<128x128xf32, #tpu.memory_space<hbm>>
      %dma_start3A_89 = arith.constant 0 : i32
      %dma_start3A_90 = arith.constant 0 : i32
      %dma_start3A_91 = tpu.memref_slice %arg10[%run_scoped3A_54, %dma_start3A_89, %dma_start3A_90] : memref<2x128x128xf32, #tpu.memory_space<vmem>> -> memref<1x128x128xf32, #tpu.memory_space<vmem>>
      %dma_start3A_92 = tpu.memref_squeeze %dma_start3A_91 : memref<1x128x128xf32, #tpu.memory_space<vmem>> -> memref<128x128xf32, #tpu.memory_space<vmem>>
      tpu.enqueue_dma source(%dma_start3A_92 : memref<128x128xf32, #tpu.memory_space<vmem>>) target(%dma_start3A_88 : memref<128x128xf32, #tpu.memory_space<hbm>>) target_semaphore(%run_scoped3A_79 : memref<!tpu.dma_semaphore, #tpu.memory_space<semaphore_mem>>)
      %dma_wait3A_93 = arith.constant 0 : i32
      %dma_wait3A_94 = arith.constant 0 : i32
      %dma_wait3A_95 = tpu.memref_slice %arg10[%run_scoped3A_54, %dma_wait3A_93, %dma_wait3A_94] : memref<2x128x128xf32, #tpu.memory_space<vmem>> -> memref<1x128x128xf32, #tpu.memory_space<vmem>>
      %dma_wait3A_96 = tpu.memref_squeeze %dma_wait3A_95 : memref<1x128x128xf32, #tpu.memory_space<vmem>> -> memref<128x128xf32, #tpu.memory_space<vmem>>
      %dma_wait3A_97 = arith.constant 0 : i32
      %dma_wait3A_98 = tpu.memref_slice %arg6[%arg0, %add3A_52, %dma_wait3A_97] : memref<2x10240x128xf32, #tpu.memory_space<hbm>> -> memref<1x128x128xf32, #tpu.memory_space<hbm>>
      %dma_wait3A_99 = tpu.memref_squeeze %dma_wait3A_98 : memref<1x128x128xf32, #tpu.memory_space<hbm>> -> memref<128x128xf32, #tpu.memory_space<hbm>>
      %dma_wait3A_100 = arith.constant 0 : i32
      %dma_wait3A_101 = tpu.memref_slice %arg6[%arg0, %add3A_52, %dma_wait3A_100] : memref<2x10240x128xf32, #tpu.memory_space<hbm>> -> memref<1x128x128xf32, #tpu.memory_space<hbm>>
      %dma_wait3A_102 = tpu.memref_squeeze %dma_wait3A_101 : memref<1x128x128xf32, #tpu.memory_space<hbm>> -> memref<128x128xf32, #tpu.memory_space<hbm>>
      %dma_wait3A_103 = arith.constant 0 : i32
      %dma_wait3A_104 = arith.constant 0 : i32
      %dma_wait3A_105 = tpu.memref_slice %arg10[%run_scoped3A_54, %dma_wait3A_103, %dma_wait3A_104] : memref<2x128x128xf32, #tpu.memory_space<vmem>> -> memref<1x128x128xf32, #tpu.memory_space<vmem>>
      %dma_wait3A_106 = tpu.memref_squeeze %dma_wait3A_105 : memref<1x128x128xf32, #tpu.memory_space<vmem>> -> memref<128x128xf32, #tpu.memory_space<vmem>>
      tpu.wait_dma2 semaphore(%run_scoped3A_79 : memref<!tpu.dma_semaphore, #tpu.memory_space<semaphore_mem>>) src(%dma_wait3A_106 : memref<128x128xf32, #tpu.memory_space<vmem>>) dst(%dma_wait3A_102 : memref<128x128xf32, #tpu.memory_space<hbm>>)
      tpu.yield
    }) : () -> ()
    %mul3A_55 = arith.constant 640 : i32
    %mul3A_56 = arith.muli %arg1, %mul3A_55 : i32
    %add3A_57 = arith.constant 128 : i32
    %add3A_58 = arith.addi %mul3A_56, %add3A_57 : i32
    %run_scoped3A_59 = arith.constant 0 : i32
    "tpu.region"() ({
      %run_scoped3A_79 = tpu.sem_alloc : memref<!tpu.dma_semaphore, #tpu.memory_space<semaphore_mem>>
      %dma_start3A = arith.constant 0 : i32
      %dma_start3A_80 = arith.constant 0 : i32
      %dma_start3A_81 = tpu.memref_slice %arg10[%run_scoped3A_59, %dma_start3A, %dma_start3A_80] : memref<2x128x128xf32, #tpu.memory_space<vmem>> -> memref<1x128x128xf32, #tpu.memory_space<vmem>>
      %dma_start3A_82 = tpu.memref_squeeze %dma_start3A_81 : memref<1x128x128xf32, #tpu.memory_space<vmem>> -> memref<128x128xf32, #tpu.memory_space<vmem>>
      %dma_start3A_83 = arith.constant 0 : i32
      %dma_start3A_84 = tpu.memref_slice %arg11[%add3A_58, %dma_start3A_83] : memref<10240x128xf32, #tpu.memory_space<vmem_shared>> -> memref<128x128xf32, #tpu.memory_space<vmem_shared>>
      %dma_start3A_85 = arith.constant 0 : i32
      %dma_start3A_86 = arith.constant 0 : i32
      %dma_start3A_87 = tpu.memref_slice %arg10[%run_scoped3A_59, %dma_start3A_85, %dma_start3A_86] : memref<2x128x128xf32, #tpu.memory_space<vmem>> -> memref<1x128x128xf32, #tpu.memory_space<vmem>>
      %dma_start3A_88 = tpu.memref_squeeze %dma_start3A_87 : memref<1x128x128xf32, #tpu.memory_space<vmem>> -> memref<128x128xf32, #tpu.memory_space<vmem>>
      %dma_start3A_89 = arith.constant 0 : i32
      %dma_start3A_90 = tpu.memref_slice %arg11[%add3A_58, %dma_start3A_89] : memref<10240x128xf32, #tpu.memory_space<vmem_shared>> -> memref<128x128xf32, #tpu.memory_space<vmem_shared>>
      tpu.enqueue_dma source(%dma_start3A_90 : memref<128x128xf32, #tpu.memory_space<vmem_shared>>) target(%dma_start3A_88 : memref<128x128xf32, #tpu.memory_space<vmem>>) target_semaphore(%run_scoped3A_79 : memref<!tpu.dma_semaphore, #tpu.memory_space<semaphore_mem>>)
      %dma_wait3A_91 = arith.constant 0 : i32
      %dma_wait3A_92 = arith.constant 0 : i32
      %dma_wait3A_93 = tpu.memref_slice %arg10[%run_scoped3A_59, %dma_wait3A_91, %dma_wait3A_92] : memref<2x128x128xf32, #tpu.memory_space<vmem>> -> memref<1x128x128xf32, #tpu.memory_space<vmem>>
      %dma_wait3A_94 = tpu.memref_squeeze %dma_wait3A_93 : memref<1x128x128xf32, #tpu.memory_space<vmem>> -> memref<128x128xf32, #tpu.memory_space<vmem>>
      %dma_wait3A_95 = arith.constant 0 : i32
      %dma_wait3A_96 = tpu.memref_slice %arg11[%add3A_58, %dma_wait3A_95] : memref<10240x128xf32, #tpu.memory_space<vmem_shared>> -> memref<128x128xf32, #tpu.memory_space<vmem_shared>>
      %dma_wait3A_97 = arith.constant 0 : i32
      %dma_wait3A_98 = arith.constant 0 : i32
      %dma_wait3A_99 = tpu.memref_slice %arg10[%run_scoped3A_59, %dma_wait3A_97, %dma_wait3A_98] : memref<2x128x128xf32, #tpu.memory_space<vmem>> -> memref<1x128x128xf32, #tpu.memory_space<vmem>>
      %dma_wait3A_100 = tpu.memref_squeeze %dma_wait3A_99 : memref<1x128x128xf32, #tpu.memory_space<vmem>> -> memref<128x128xf32, #tpu.memory_space<vmem>>
      %dma_wait3A_101 = arith.constant 0 : i32
      %dma_wait3A_102 = tpu.memref_slice %arg11[%add3A_58, %dma_wait3A_101] : memref<10240x128xf32, #tpu.memory_space<vmem_shared>> -> memref<128x128xf32, #tpu.memory_space<vmem_shared>>
      tpu.wait_dma2 semaphore(%run_scoped3A_79 : memref<!tpu.dma_semaphore, #tpu.memory_space<semaphore_mem>>) src(%dma_wait3A_102 : memref<128x128xf32, #tpu.memory_space<vmem_shared>>) dst(%dma_wait3A_100 : memref<128x128xf32, #tpu.memory_space<vmem>>)
      tpu.yield
    }) : () -> ()
    %run_scoped3A_60 = arith.constant 0 : i32
    "tpu.region"() ({
      %run_scoped3A_79 = tpu.sem_alloc : memref<!tpu.dma_semaphore, #tpu.memory_space<semaphore_mem>>
      %dma_start3A = arith.constant 0 : i32
      %dma_start3A_80 = arith.constant 0 : i32
      %dma_start3A_81 = tpu.memref_slice %arg10[%run_scoped3A_60, %dma_start3A, %dma_start3A_80] : memref<2x128x128xf32, #tpu.memory_space<vmem>> -> memref<1x128x128xf32, #tpu.memory_space<vmem>>
      %dma_start3A_82 = tpu.memref_squeeze %dma_start3A_81 : memref<1x128x128xf32, #tpu.memory_space<vmem>> -> memref<128x128xf32, #tpu.memory_space<vmem>>
      %dma_start3A_83 = arith.constant 0 : i32
      %dma_start3A_84 = tpu.memref_slice %arg6[%arg0, %add3A_58, %dma_start3A_83] : memref<2x10240x128xf32, #tpu.memory_space<hbm>> -> memref<1x128x128xf32, #tpu.memory_space<hbm>>
      %dma_start3A_85 = tpu.memref_squeeze %dma_start3A_84 : memref<1x128x128xf32, #tpu.memory_space<hbm>> -> memref<128x128xf32, #tpu.memory_space<hbm>>
      %dma_start3A_86 = arith.constant 0 : i32
      %dma_start3A_87 = tpu.memref_slice %arg6[%arg0, %add3A_58, %dma_start3A_86] : memref<2x10240x128xf32, #tpu.memory_space<hbm>> -> memref<1x128x128xf32, #tpu.memory_space<hbm>>
      %dma_start3A_88 = tpu.memref_squeeze %dma_start3A_87 : memref<1x128x128xf32, #tpu.memory_space<hbm>> -> memref<128x128xf32, #tpu.memory_space<hbm>>
      %dma_start3A_89 = arith.constant 0 : i32
      %dma_start3A_90 = arith.constant 0 : i32
      %dma_start3A_91 = tpu.memref_slice %arg10[%run_scoped3A_60, %dma_start3A_89, %dma_start3A_90] : memref<2x128x128xf32, #tpu.memory_space<vmem>> -> memref<1x128x128xf32, #tpu.memory_space<vmem>>
      %dma_start3A_92 = tpu.memref_squeeze %dma_start3A_91 : memref<1x128x128xf32, #tpu.memory_space<vmem>> -> memref<128x128xf32, #tpu.memory_space<vmem>>
      tpu.enqueue_dma source(%dma_start3A_92 : memref<128x128xf32, #tpu.memory_space<vmem>>) target(%dma_start3A_88 : memref<128x128xf32, #tpu.memory_space<hbm>>) target_semaphore(%run_scoped3A_79 : memref<!tpu.dma_semaphore, #tpu.memory_space<semaphore_mem>>)
      %dma_wait3A_93 = arith.constant 0 : i32
      %dma_wait3A_94 = arith.constant 0 : i32
      %dma_wait3A_95 = tpu.memref_slice %arg10[%run_scoped3A_60, %dma_wait3A_93, %dma_wait3A_94] : memref<2x128x128xf32, #tpu.memory_space<vmem>> -> memref<1x128x128xf32, #tpu.memory_space<vmem>>
      %dma_wait3A_96 = tpu.memref_squeeze %dma_wait3A_95 : memref<1x128x128xf32, #tpu.memory_space<vmem>> -> memref<128x128xf32, #tpu.memory_space<vmem>>
      %dma_wait3A_97 = arith.constant 0 : i32
      %dma_wait3A_98 = tpu.memref_slice %arg6[%arg0, %add3A_58, %dma_wait3A_97] : memref<2x10240x128xf32, #tpu.memory_space<hbm>> -> memref<1x128x128xf32, #tpu.memory_space<hbm>>
      %dma_wait3A_99 = tpu.memref_squeeze %dma_wait3A_98 : memref<1x128x128xf32, #tpu.memory_space<hbm>> -> memref<128x128xf32, #tpu.memory_space<hbm>>
      %dma_wait3A_100 = arith.constant 0 : i32
      %dma_wait3A_101 = tpu.memref_slice %arg6[%arg0, %add3A_58, %dma_wait3A_100] : memref<2x10240x128xf32, #tpu.memory_space<hbm>> -> memref<1x128x128xf32, #tpu.memory_space<hbm>>
      %dma_wait3A_102 = tpu.memref_squeeze %dma_wait3A_101 : memref<1x128x128xf32, #tpu.memory_space<hbm>> -> memref<128x128xf32, #tpu.memory_space<hbm>>
      %dma_wait3A_103 = arith.constant 0 : i32
      %dma_wait3A_104 = arith.constant 0 : i32
      %dma_wait3A_105 = tpu.memref_slice %arg10[%run_scoped3A_60, %dma_wait3A_103, %dma_wait3A_104] : memref<2x128x128xf32, #tpu.memory_space<vmem>> -> memref<1x128x128xf32, #tpu.memory_space<vmem>>
      %dma_wait3A_106 = tpu.memref_squeeze %dma_wait3A_105 : memref<1x128x128xf32, #tpu.memory_space<vmem>> -> memref<128x128xf32, #tpu.memory_space<vmem>>
      tpu.wait_dma2 semaphore(%run_scoped3A_79 : memref<!tpu.dma_semaphore, #tpu.memory_space<semaphore_mem>>) src(%dma_wait3A_106 : memref<128x128xf32, #tpu.memory_space<vmem>>) dst(%dma_wait3A_102 : memref<128x128xf32, #tpu.memory_space<hbm>>)
      tpu.yield
    }) : () -> ()
    %mul3A_61 = arith.constant 640 : i32
    %mul3A_62 = arith.muli %arg1, %mul3A_61 : i32
    %add3A_63 = arith.constant 256 : i32
    %add3A_64 = arith.addi %mul3A_62, %add3A_63 : i32
    %run_scoped3A_65 = arith.constant 0 : i32
    "tpu.region"() ({
      %run_scoped3A_79 = tpu.sem_alloc : memref<!tpu.dma_semaphore, #tpu.memory_space<semaphore_mem>>
      %dma_start3A = arith.constant 0 : i32
      %dma_start3A_80 = arith.constant 0 : i32
      %dma_start3A_81 = tpu.memref_slice %arg10[%run_scoped3A_65, %dma_start3A, %dma_start3A_80] : memref<2x128x128xf32, #tpu.memory_space<vmem>> -> memref<1x128x128xf32, #tpu.memory_space<vmem>>
      %dma_start3A_82 = tpu.memref_squeeze %dma_start3A_81 : memref<1x128x128xf32, #tpu.memory_space<vmem>> -> memref<128x128xf32, #tpu.memory_space<vmem>>
      %dma_start3A_83 = arith.constant 0 : i32
      %dma_start3A_84 = tpu.memref_slice %arg11[%add3A_64, %dma_start3A_83] : memref<10240x128xf32, #tpu.memory_space<vmem_shared>> -> memref<128x128xf32, #tpu.memory_space<vmem_shared>>
      %dma_start3A_85 = arith.constant 0 : i32
      %dma_start3A_86 = arith.constant 0 : i32
      %dma_start3A_87 = tpu.memref_slice %arg10[%run_scoped3A_65, %dma_start3A_85, %dma_start3A_86] : memref<2x128x128xf32, #tpu.memory_space<vmem>> -> memref<1x128x128xf32, #tpu.memory_space<vmem>>
      %dma_start3A_88 = tpu.memref_squeeze %dma_start3A_87 : memref<1x128x128xf32, #tpu.memory_space<vmem>> -> memref<128x128xf32, #tpu.memory_space<vmem>>
      %dma_start3A_89 = arith.constant 0 : i32
      %dma_start3A_90 = tpu.memref_slice %arg11[%add3A_64, %dma_start3A_89] : memref<10240x128xf32, #tpu.memory_space<vmem_shared>> -> memref<128x128xf32, #tpu.memory_space<vmem_shared>>
      tpu.enqueue_dma source(%dma_start3A_90 : memref<128x128xf32, #tpu.memory_space<vmem_shared>>) target(%dma_start3A_88 : memref<128x128xf32, #tpu.memory_space<vmem>>) target_semaphore(%run_scoped3A_79 : memref<!tpu.dma_semaphore, #tpu.memory_space<semaphore_mem>>)
      %dma_wait3A_91 = arith.constant 0 : i32
      %dma_wait3A_92 = arith.constant 0 : i32
      %dma_wait3A_93 = tpu.memref_slice %arg10[%run_scoped3A_65, %dma_wait3A_91, %dma_wait3A_92] : memref<2x128x128xf32, #tpu.memory_space<vmem>> -> memref<1x128x128xf32, #tpu.memory_space<vmem>>
      %dma_wait3A_94 = tpu.memref_squeeze %dma_wait3A_93 : memref<1x128x128xf32, #tpu.memory_space<vmem>> -> memref<128x128xf32, #tpu.memory_space<vmem>>
      %dma_wait3A_95 = arith.constant 0 : i32
      %dma_wait3A_96 = tpu.memref_slice %arg11[%add3A_64, %dma_wait3A_95] : memref<10240x128xf32, #tpu.memory_space<vmem_shared>> -> memref<128x128xf32, #tpu.memory_space<vmem_shared>>
      %dma_wait3A_97 = arith.constant 0 : i32
      %dma_wait3A_98 = arith.constant 0 : i32
      %dma_wait3A_99 = tpu.memref_slice %arg10[%run_scoped3A_65, %dma_wait3A_97, %dma_wait3A_98] : memref<2x128x128xf32, #tpu.memory_space<vmem>> -> memref<1x128x128xf32, #tpu.memory_space<vmem>>
      %dma_wait3A_100 = tpu.memref_squeeze %dma_wait3A_99 : memref<1x128x128xf32, #tpu.memory_space<vmem>> -> memref<128x128xf32, #tpu.memory_space<vmem>>
      %dma_wait3A_101 = arith.constant 0 : i32
      %dma_wait3A_102 = tpu.memref_slice %arg11[%add3A_64, %dma_wait3A_101] : memref<10240x128xf32, #tpu.memory_space<vmem_shared>> -> memref<128x128xf32, #tpu.memory_space<vmem_shared>>
      tpu.wait_dma2 semaphore(%run_scoped3A_79 : memref<!tpu.dma_semaphore, #tpu.memory_space<semaphore_mem>>) src(%dma_wait3A_102 : memref<128x128xf32, #tpu.memory_space<vmem_shared>>) dst(%dma_wait3A_100 : memref<128x128xf32, #tpu.memory_space<vmem>>)
      tpu.yield
    }) : () -> ()
    %run_scoped3A_66 = arith.constant 0 : i32
    "tpu.region"() ({
      %run_scoped3A_79 = tpu.sem_alloc : memref<!tpu.dma_semaphore, #tpu.memory_space<semaphore_mem>>
      %dma_start3A = arith.constant 0 : i32
      %dma_start3A_80 = arith.constant 0 : i32
      %dma_start3A_81 = tpu.memref_slice %arg10[%run_scoped3A_66, %dma_start3A, %dma_start3A_80] : memref<2x128x128xf32, #tpu.memory_space<vmem>> -> memref<1x128x128xf32, #tpu.memory_space<vmem>>
      %dma_start3A_82 = tpu.memref_squeeze %dma_start3A_81 : memref<1x128x128xf32, #tpu.memory_space<vmem>> -> memref<128x128xf32, #tpu.memory_space<vmem>>
      %dma_start3A_83 = arith.constant 0 : i32
      %dma_start3A_84 = tpu.memref_slice %arg6[%arg0, %add3A_64, %dma_start3A_83] : memref<2x10240x128xf32, #tpu.memory_space<hbm>> -> memref<1x128x128xf32, #tpu.memory_space<hbm>>
      %dma_start3A_85 = tpu.memref_squeeze %dma_start3A_84 : memref<1x128x128xf32, #tpu.memory_space<hbm>> -> memref<128x128xf32, #tpu.memory_space<hbm>>
      %dma_start3A_86 = arith.constant 0 : i32
      %dma_start3A_87 = tpu.memref_slice %arg6[%arg0, %add3A_64, %dma_start3A_86] : memref<2x10240x128xf32, #tpu.memory_space<hbm>> -> memref<1x128x128xf32, #tpu.memory_space<hbm>>
      %dma_start3A_88 = tpu.memref_squeeze %dma_start3A_87 : memref<1x128x128xf32, #tpu.memory_space<hbm>> -> memref<128x128xf32, #tpu.memory_space<hbm>>
      %dma_start3A_89 = arith.constant 0 : i32
      %dma_start3A_90 = arith.constant 0 : i32
      %dma_start3A_91 = tpu.memref_slice %arg10[%run_scoped3A_66, %dma_start3A_89, %dma_start3A_90] : memref<2x128x128xf32, #tpu.memory_space<vmem>> -> memref<1x128x128xf32, #tpu.memory_space<vmem>>
      %dma_start3A_92 = tpu.memref_squeeze %dma_start3A_91 : memref<1x128x128xf32, #tpu.memory_space<vmem>> -> memref<128x128xf32, #tpu.memory_space<vmem>>
      tpu.enqueue_dma source(%dma_start3A_92 : memref<128x128xf32, #tpu.memory_space<vmem>>) target(%dma_start3A_88 : memref<128x128xf32, #tpu.memory_space<hbm>>) target_semaphore(%run_scoped3A_79 : memref<!tpu.dma_semaphore, #tpu.memory_space<semaphore_mem>>)
      %dma_wait3A_93 = arith.constant 0 : i32
      %dma_wait3A_94 = arith.constant 0 : i32
      %dma_wait3A_95 = tpu.memref_slice %arg10[%run_scoped3A_66, %dma_wait3A_93, %dma_wait3A_94] : memref<2x128x128xf32, #tpu.memory_space<vmem>> -> memref<1x128x128xf32, #tpu.memory_space<vmem>>
      %dma_wait3A_96 = tpu.memref_squeeze %dma_wait3A_95 : memref<1x128x128xf32, #tpu.memory_space<vmem>> -> memref<128x128xf32, #tpu.memory_space<vmem>>
      %dma_wait3A_97 = arith.constant 0 : i32
      %dma_wait3A_98 = tpu.memref_slice %arg6[%arg0, %add3A_64, %dma_wait3A_97] : memref<2x10240x128xf32, #tpu.memory_space<hbm>> -> memref<1x128x128xf32, #tpu.memory_space<hbm>>
      %dma_wait3A_99 = tpu.memref_squeeze %dma_wait3A_98 : memref<1x128x128xf32, #tpu.memory_space<hbm>> -> memref<128x128xf32, #tpu.memory_space<hbm>>
      %dma_wait3A_100 = arith.constant 0 : i32
      %dma_wait3A_101 = tpu.memref_slice %arg6[%arg0, %add3A_64, %dma_wait3A_100] : memref<2x10240x128xf32, #tpu.memory_space<hbm>> -> memref<1x128x128xf32, #tpu.memory_space<hbm>>
      %dma_wait3A_102 = tpu.memref_squeeze %dma_wait3A_101 : memref<1x128x128xf32, #tpu.memory_space<hbm>> -> memref<128x128xf32, #tpu.memory_space<hbm>>
      %dma_wait3A_103 = arith.constant 0 : i32
      %dma_wait3A_104 = arith.constant 0 : i32
      %dma_wait3A_105 = tpu.memref_slice %arg10[%run_scoped3A_66, %dma_wait3A_103, %dma_wait3A_104] : memref<2x128x128xf32, #tpu.memory_space<vmem>> -> memref<1x128x128xf32, #tpu.memory_space<vmem>>
      %dma_wait3A_106 = tpu.memref_squeeze %dma_wait3A_105 : memref<1x128x128xf32, #tpu.memory_space<vmem>> -> memref<128x128xf32, #tpu.memory_space<vmem>>
      tpu.wait_dma2 semaphore(%run_scoped3A_79 : memref<!tpu.dma_semaphore, #tpu.memory_space<semaphore_mem>>) src(%dma_wait3A_106 : memref<128x128xf32, #tpu.memory_space<vmem>>) dst(%dma_wait3A_102 : memref<128x128xf32, #tpu.memory_space<hbm>>)
      tpu.yield
    }) : () -> ()
    %mul3A_67 = arith.constant 640 : i32
    %mul3A_68 = arith.muli %arg1, %mul3A_67 : i32
    %add3A_69 = arith.constant 384 : i32
    %add3A_70 = arith.addi %mul3A_68, %add3A_69 : i32
    %run_scoped3A_71 = arith.constant 0 : i32
    "tpu.region"() ({
      %run_scoped3A_79 = tpu.sem_alloc : memref<!tpu.dma_semaphore, #tpu.memory_space<semaphore_mem>>
      %dma_start3A = arith.constant 0 : i32
      %dma_start3A_80 = arith.constant 0 : i32
      %dma_start3A_81 = tpu.memref_slice %arg10[%run_scoped3A_71, %dma_start3A, %dma_start3A_80] : memref<2x128x128xf32, #tpu.memory_space<vmem>> -> memref<1x128x128xf32, #tpu.memory_space<vmem>>
      %dma_start3A_82 = tpu.memref_squeeze %dma_start3A_81 : memref<1x128x128xf32, #tpu.memory_space<vmem>> -> memref<128x128xf32, #tpu.memory_space<vmem>>
      %dma_start3A_83 = arith.constant 0 : i32
      %dma_start3A_84 = tpu.memref_slice %arg11[%add3A_70, %dma_start3A_83] : memref<10240x128xf32, #tpu.memory_space<vmem_shared>> -> memref<128x128xf32, #tpu.memory_space<vmem_shared>>
      %dma_start3A_85 = arith.constant 0 : i32
      %dma_start3A_86 = arith.constant 0 : i32
      %dma_start3A_87 = tpu.memref_slice %arg10[%run_scoped3A_71, %dma_start3A_85, %dma_start3A_86] : memref<2x128x128xf32, #tpu.memory_space<vmem>> -> memref<1x128x128xf32, #tpu.memory_space<vmem>>
      %dma_start3A_88 = tpu.memref_squeeze %dma_start3A_87 : memref<1x128x128xf32, #tpu.memory_space<vmem>> -> memref<128x128xf32, #tpu.memory_space<vmem>>
      %dma_start3A_89 = arith.constant 0 : i32
      %dma_start3A_90 = tpu.memref_slice %arg11[%add3A_70, %dma_start3A_89] : memref<10240x128xf32, #tpu.memory_space<vmem_shared>> -> memref<128x128xf32, #tpu.memory_space<vmem_shared>>
      tpu.enqueue_dma source(%dma_start3A_90 : memref<128x128xf32, #tpu.memory_space<vmem_shared>>) target(%dma_start3A_88 : memref<128x128xf32, #tpu.memory_space<vmem>>) target_semaphore(%run_scoped3A_79 : memref<!tpu.dma_semaphore, #tpu.memory_space<semaphore_mem>>)
      %dma_wait3A_91 = arith.constant 0 : i32
      %dma_wait3A_92 = arith.constant 0 : i32
      %dma_wait3A_93 = tpu.memref_slice %arg10[%run_scoped3A_71, %dma_wait3A_91, %dma_wait3A_92] : memref<2x128x128xf32, #tpu.memory_space<vmem>> -> memref<1x128x128xf32, #tpu.memory_space<vmem>>
      %dma_wait3A_94 = tpu.memref_squeeze %dma_wait3A_93 : memref<1x128x128xf32, #tpu.memory_space<vmem>> -> memref<128x128xf32, #tpu.memory_space<vmem>>
      %dma_wait3A_95 = arith.constant 0 : i32
      %dma_wait3A_96 = tpu.memref_slice %arg11[%add3A_70, %dma_wait3A_95] : memref<10240x128xf32, #tpu.memory_space<vmem_shared>> -> memref<128x128xf32, #tpu.memory_space<vmem_shared>>
      %dma_wait3A_97 = arith.constant 0 : i32
      %dma_wait3A_98 = arith.constant 0 : i32
      %dma_wait3A_99 = tpu.memref_slice %arg10[%run_scoped3A_71, %dma_wait3A_97, %dma_wait3A_98] : memref<2x128x128xf32, #tpu.memory_space<vmem>> -> memref<1x128x128xf32, #tpu.memory_space<vmem>>
      %dma_wait3A_100 = tpu.memref_squeeze %dma_wait3A_99 : memref<1x128x128xf32, #tpu.memory_space<vmem>> -> memref<128x128xf32, #tpu.memory_space<vmem>>
      %dma_wait3A_101 = arith.constant 0 : i32
      %dma_wait3A_102 = tpu.memref_slice %arg11[%add3A_70, %dma_wait3A_101] : memref<10240x128xf32, #tpu.memory_space<vmem_shared>> -> memref<128x128xf32, #tpu.memory_space<vmem_shared>>
      tpu.wait_dma2 semaphore(%run_scoped3A_79 : memref<!tpu.dma_semaphore, #tpu.memory_space<semaphore_mem>>) src(%dma_wait3A_102 : memref<128x128xf32, #tpu.memory_space<vmem_shared>>) dst(%dma_wait3A_100 : memref<128x128xf32, #tpu.memory_space<vmem>>)
      tpu.yield
    }) : () -> ()
    %run_scoped3A_72 = arith.constant 0 : i32
    "tpu.region"() ({
      %run_scoped3A_79 = tpu.sem_alloc : memref<!tpu.dma_semaphore, #tpu.memory_space<semaphore_mem>>
      %dma_start3A = arith.constant 0 : i32
      %dma_start3A_80 = arith.constant 0 : i32
      %dma_start3A_81 = tpu.memref_slice %arg10[%run_scoped3A_72, %dma_start3A, %dma_start3A_80] : memref<2x128x128xf32, #tpu.memory_space<vmem>> -> memref<1x128x128xf32, #tpu.memory_space<vmem>>
      %dma_start3A_82 = tpu.memref_squeeze %dma_start3A_81 : memref<1x128x128xf32, #tpu.memory_space<vmem>> -> memref<128x128xf32, #tpu.memory_space<vmem>>
      %dma_start3A_83 = arith.constant 0 : i32
      %dma_start3A_84 = tpu.memref_slice %arg6[%arg0, %add3A_70, %dma_start3A_83] : memref<2x10240x128xf32, #tpu.memory_space<hbm>> -> memref<1x128x128xf32, #tpu.memory_space<hbm>>
      %dma_start3A_85 = tpu.memref_squeeze %dma_start3A_84 : memref<1x128x128xf32, #tpu.memory_space<hbm>> -> memref<128x128xf32, #tpu.memory_space<hbm>>
      %dma_start3A_86 = arith.constant 0 : i32
      %dma_start3A_87 = tpu.memref_slice %arg6[%arg0, %add3A_70, %dma_start3A_86] : memref<2x10240x128xf32, #tpu.memory_space<hbm>> -> memref<1x128x128xf32, #tpu.memory_space<hbm>>
      %dma_start3A_88 = tpu.memref_squeeze %dma_start3A_87 : memref<1x128x128xf32, #tpu.memory_space<hbm>> -> memref<128x128xf32, #tpu.memory_space<hbm>>
      %dma_start3A_89 = arith.constant 0 : i32
      %dma_start3A_90 = arith.constant 0 : i32
      %dma_start3A_91 = tpu.memref_slice %arg10[%run_scoped3A_72, %dma_start3A_89, %dma_start3A_90] : memref<2x128x128xf32, #tpu.memory_space<vmem>> -> memref<1x128x128xf32, #tpu.memory_space<vmem>>
      %dma_start3A_92 = tpu.memref_squeeze %dma_start3A_91 : memref<1x128x128xf32, #tpu.memory_space<vmem>> -> memref<128x128xf32, #tpu.memory_space<vmem>>
      tpu.enqueue_dma source(%dma_start3A_92 : memref<128x128xf32, #tpu.memory_space<vmem>>) target(%dma_start3A_88 : memref<128x128xf32, #tpu.memory_space<hbm>>) target_semaphore(%run_scoped3A_79 : memref<!tpu.dma_semaphore, #tpu.memory_space<semaphore_mem>>)
      %dma_wait3A_93 = arith.constant 0 : i32
      %dma_wait3A_94 = arith.constant 0 : i32
      %dma_wait3A_95 = tpu.memref_slice %arg10[%run_scoped3A_72, %dma_wait3A_93, %dma_wait3A_94] : memref<2x128x128xf32, #tpu.memory_space<vmem>> -> memref<1x128x128xf32, #tpu.memory_space<vmem>>
      %dma_wait3A_96 = tpu.memref_squeeze %dma_wait3A_95 : memref<1x128x128xf32, #tpu.memory_space<vmem>> -> memref<128x128xf32, #tpu.memory_space<vmem>>
      %dma_wait3A_97 = arith.constant 0 : i32
      %dma_wait3A_98 = tpu.memref_slice %arg6[%arg0, %add3A_70, %dma_wait3A_97] : memref<2x10240x128xf32, #tpu.memory_space<hbm>> -> memref<1x128x128xf32, #tpu.memory_space<hbm>>
      %dma_wait3A_99 = tpu.memref_squeeze %dma_wait3A_98 : memref<1x128x128xf32, #tpu.memory_space<hbm>> -> memref<128x128xf32, #tpu.memory_space<hbm>>
      %dma_wait3A_100 = arith.constant 0 : i32
      %dma_wait3A_101 = tpu.memref_slice %arg6[%arg0, %add3A_70, %dma_wait3A_100] : memref<2x10240x128xf32, #tpu.memory_space<hbm>> -> memref<1x128x128xf32, #tpu.memory_space<hbm>>
      %dma_wait3A_102 = tpu.memref_squeeze %dma_wait3A_101 : memref<1x128x128xf32, #tpu.memory_space<hbm>> -> memref<128x128xf32, #tpu.memory_space<hbm>>
      %dma_wait3A_103 = arith.constant 0 : i32
      %dma_wait3A_104 = arith.constant 0 : i32
      %dma_wait3A_105 = tpu.memref_slice %arg10[%run_scoped3A_72, %dma_wait3A_103, %dma_wait3A_104] : memref<2x128x128xf32, #tpu.memory_space<vmem>> -> memref<1x128x128xf32, #tpu.memory_space<vmem>>
      %dma_wait3A_106 = tpu.memref_squeeze %dma_wait3A_105 : memref<1x128x128xf32, #tpu.memory_space<vmem>> -> memref<128x128xf32, #tpu.memory_space<vmem>>
      tpu.wait_dma2 semaphore(%run_scoped3A_79 : memref<!tpu.dma_semaphore, #tpu.memory_space<semaphore_mem>>) src(%dma_wait3A_106 : memref<128x128xf32, #tpu.memory_space<vmem>>) dst(%dma_wait3A_102 : memref<128x128xf32, #tpu.memory_space<hbm>>)
      tpu.yield
    }) : () -> ()
    %mul3A_73 = arith.constant 640 : i32
    %mul3A_74 = arith.muli %arg1, %mul3A_73 : i32
    %add3A_75 = arith.constant 512 : i32
    %add3A_76 = arith.addi %mul3A_74, %add3A_75 : i32
    %run_scoped3A_77 = arith.constant 0 : i32
    "tpu.region"() ({
      %run_scoped3A_79 = tpu.sem_alloc : memref<!tpu.dma_semaphore, #tpu.memory_space<semaphore_mem>>
      %dma_start3A = arith.constant 0 : i32
      %dma_start3A_80 = arith.constant 0 : i32
      %dma_start3A_81 = tpu.memref_slice %arg10[%run_scoped3A_77, %dma_start3A, %dma_start3A_80] : memref<2x128x128xf32, #tpu.memory_space<vmem>> -> memref<1x128x128xf32, #tpu.memory_space<vmem>>
      %dma_start3A_82 = tpu.memref_squeeze %dma_start3A_81 : memref<1x128x128xf32, #tpu.memory_space<vmem>> -> memref<128x128xf32, #tpu.memory_space<vmem>>
      %dma_start3A_83 = arith.constant 0 : i32
      %dma_start3A_84 = tpu.memref_slice %arg11[%add3A_76, %dma_start3A_83] : memref<10240x128xf32, #tpu.memory_space<vmem_shared>> -> memref<128x128xf32, #tpu.memory_space<vmem_shared>>
      %dma_start3A_85 = arith.constant 0 : i32
      %dma_start3A_86 = arith.constant 0 : i32
      %dma_start3A_87 = tpu.memref_slice %arg10[%run_scoped3A_77, %dma_start3A_85, %dma_start3A_86] : memref<2x128x128xf32, #tpu.memory_space<vmem>> -> memref<1x128x128xf32, #tpu.memory_space<vmem>>
      %dma_start3A_88 = tpu.memref_squeeze %dma_start3A_87 : memref<1x128x128xf32, #tpu.memory_space<vmem>> -> memref<128x128xf32, #tpu.memory_space<vmem>>
      %dma_start3A_89 = arith.constant 0 : i32
      %dma_start3A_90 = tpu.memref_slice %arg11[%add3A_76, %dma_start3A_89] : memref<10240x128xf32, #tpu.memory_space<vmem_shared>> -> memref<128x128xf32, #tpu.memory_space<vmem_shared>>
      tpu.enqueue_dma source(%dma_start3A_90 : memref<128x128xf32, #tpu.memory_space<vmem_shared>>) target(%dma_start3A_88 : memref<128x128xf32, #tpu.memory_space<vmem>>) target_semaphore(%run_scoped3A_79 : memref<!tpu.dma_semaphore, #tpu.memory_space<semaphore_mem>>)
      %dma_wait3A_91 = arith.constant 0 : i32
      %dma_wait3A_92 = arith.constant 0 : i32
      %dma_wait3A_93 = tpu.memref_slice %arg10[%run_scoped3A_77, %dma_wait3A_91, %dma_wait3A_92] : memref<2x128x128xf32, #tpu.memory_space<vmem>> -> memref<1x128x128xf32, #tpu.memory_space<vmem>>
      %dma_wait3A_94 = tpu.memref_squeeze %dma_wait3A_93 : memref<1x128x128xf32, #tpu.memory_space<vmem>> -> memref<128x128xf32, #tpu.memory_space<vmem>>
      %dma_wait3A_95 = arith.constant 0 : i32
      %dma_wait3A_96 = tpu.memref_slice %arg11[%add3A_76, %dma_wait3A_95] : memref<10240x128xf32, #tpu.memory_space<vmem_shared>> -> memref<128x128xf32, #tpu.memory_space<vmem_shared>>
      %dma_wait3A_97 = arith.constant 0 : i32
      %dma_wait3A_98 = arith.constant 0 : i32
      %dma_wait3A_99 = tpu.memref_slice %arg10[%run_scoped3A_77, %dma_wait3A_97, %dma_wait3A_98] : memref<2x128x128xf32, #tpu.memory_space<vmem>> -> memref<1x128x128xf32, #tpu.memory_space<vmem>>
      %dma_wait3A_100 = tpu.memref_squeeze %dma_wait3A_99 : memref<1x128x128xf32, #tpu.memory_space<vmem>> -> memref<128x128xf32, #tpu.memory_space<vmem>>
      %dma_wait3A_101 = arith.constant 0 : i32
      %dma_wait3A_102 = tpu.memref_slice %arg11[%add3A_76, %dma_wait3A_101] : memref<10240x128xf32, #tpu.memory_space<vmem_shared>> -> memref<128x128xf32, #tpu.memory_space<vmem_shared>>
      tpu.wait_dma2 semaphore(%run_scoped3A_79 : memref<!tpu.dma_semaphore, #tpu.memory_space<semaphore_mem>>) src(%dma_wait3A_102 : memref<128x128xf32, #tpu.memory_space<vmem_shared>>) dst(%dma_wait3A_100 : memref<128x128xf32, #tpu.memory_space<vmem>>)
      tpu.yield
    }) : () -> ()
    %run_scoped3A_78 = arith.constant 0 : i32
    "tpu.region"() ({
      %run_scoped3A_79 = tpu.sem_alloc : memref<!tpu.dma_semaphore, #tpu.memory_space<semaphore_mem>>
      %dma_start3A = arith.constant 0 : i32
      %dma_start3A_80 = arith.constant 0 : i32
      %dma_start3A_81 = tpu.memref_slice %arg10[%run_scoped3A_78, %dma_start3A, %dma_start3A_80] : memref<2x128x128xf32, #tpu.memory_space<vmem>> -> memref<1x128x128xf32, #tpu.memory_space<vmem>>
      %dma_start3A_82 = tpu.memref_squeeze %dma_start3A_81 : memref<1x128x128xf32, #tpu.memory_space<vmem>> -> memref<128x128xf32, #tpu.memory_space<vmem>>
      %dma_start3A_83 = arith.constant 0 : i32
      %dma_start3A_84 = tpu.memref_slice %arg6[%arg0, %add3A_76, %dma_start3A_83] : memref<2x10240x128xf32, #tpu.memory_space<hbm>> -> memref<1x128x128xf32, #tpu.memory_space<hbm>>
      %dma_start3A_85 = tpu.memref_squeeze %dma_start3A_84 : memref<1x128x128xf32, #tpu.memory_space<hbm>> -> memref<128x128xf32, #tpu.memory_space<hbm>>
      %dma_start3A_86 = arith.constant 0 : i32
      %dma_start3A_87 = tpu.memref_slice %arg6[%arg0, %add3A_76, %dma_start3A_86] : memref<2x10240x128xf32, #tpu.memory_space<hbm>> -> memref<1x128x128xf32, #tpu.memory_space<hbm>>
      %dma_start3A_88 = tpu.memref_squeeze %dma_start3A_87 : memref<1x128x128xf32, #tpu.memory_space<hbm>> -> memref<128x128xf32, #tpu.memory_space<hbm>>
      %dma_start3A_89 = arith.constant 0 : i32
      %dma_start3A_90 = arith.constant 0 : i32
      %dma_start3A_91 = tpu.memref_slice %arg10[%run_scoped3A_78, %dma_start3A_89, %dma_start3A_90] : memref<2x128x128xf32, #tpu.memory_space<vmem>> -> memref<1x128x128xf32, #tpu.memory_space<vmem>>
      %dma_start3A_92 = tpu.memref_squeeze %dma_start3A_91 : memref<1x128x128xf32, #tpu.memory_space<vmem>> -> memref<128x128xf32, #tpu.memory_space<vmem>>
      tpu.enqueue_dma source(%dma_start3A_92 : memref<128x128xf32, #tpu.memory_space<vmem>>) target(%dma_start3A_88 : memref<128x128xf32, #tpu.memory_space<hbm>>) target_semaphore(%run_scoped3A_79 : memref<!tpu.dma_semaphore, #tpu.memory_space<semaphore_mem>>)
      %dma_wait3A_93 = arith.constant 0 : i32
      %dma_wait3A_94 = arith.constant 0 : i32
      %dma_wait3A_95 = tpu.memref_slice %arg10[%run_scoped3A_78, %dma_wait3A_93, %dma_wait3A_94] : memref<2x128x128xf32, #tpu.memory_space<vmem>> -> memref<1x128x128xf32, #tpu.memory_space<vmem>>
      %dma_wait3A_96 = tpu.memref_squeeze %dma_wait3A_95 : memref<1x128x128xf32, #tpu.memory_space<vmem>> -> memref<128x128xf32, #tpu.memory_space<vmem>>
      %dma_wait3A_97 = arith.constant 0 : i32
      %dma_wait3A_98 = tpu.memref_slice %arg6[%arg0, %add3A_76, %dma_wait3A_97] : memref<2x10240x128xf32, #tpu.memory_space<hbm>> -> memref<1x128x128xf32, #tpu.memory_space<hbm>>
      %dma_wait3A_99 = tpu.memref_squeeze %dma_wait3A_98 : memref<1x128x128xf32, #tpu.memory_space<hbm>> -> memref<128x128xf32, #tpu.memory_space<hbm>>
      %dma_wait3A_100 = arith.constant 0 : i32
      %dma_wait3A_101 = tpu.memref_slice %arg6[%arg0, %add3A_76, %dma_wait3A_100] : memref<2x10240x128xf32, #tpu.memory_space<hbm>> -> memref<1x128x128xf32, #tpu.memory_space<hbm>>
      %dma_wait3A_102 = tpu.memref_squeeze %dma_wait3A_101 : memref<1x128x128xf32, #tpu.memory_space<hbm>> -> memref<128x128xf32, #tpu.memory_space<hbm>>
      %dma_wait3A_103 = arith.constant 0 : i32
      %dma_wait3A_104 = arith.constant 0 : i32
      %dma_wait3A_105 = tpu.memref_slice %arg10[%run_scoped3A_78, %dma_wait3A_103, %dma_wait3A_104] : memref<2x128x128xf32, #tpu.memory_space<vmem>> -> memref<1x128x128xf32, #tpu.memory_space<vmem>>
      %dma_wait3A_106 = tpu.memref_squeeze %dma_wait3A_105 : memref<1x128x128xf32, #tpu.memory_space<vmem>> -> memref<128x128xf32, #tpu.memory_space<vmem>>
      tpu.wait_dma2 semaphore(%run_scoped3A_79 : memref<!tpu.dma_semaphore, #tpu.memory_space<semaphore_mem>>) src(%dma_wait3A_106 : memref<128x128xf32, #tpu.memory_space<vmem>>) dst(%dma_wait3A_102 : memref<128x128xf32, #tpu.memory_space<hbm>>)
      tpu.yield
    }) : () -> ()
    return
  }
}

#map = affine_map<(d0, d1) -> (0, 0)>
#map1 = affine_map<(d0, d1) -> (0, 0, 0)>
module attributes {stable_mosaic.version = 14 : i64} {
  func.func @_msg_body(%arg0: i32, %arg1: i32, %arg2: memref<10000x128xf32, #tpu.memory_space<hbm>>, %arg3: memref<32x80x128xi32, #tpu.memory_space<hbm>>, %arg4: memref<32x80x128xi32, #tpu.memory_space<hbm>>, %arg5: memref<32x10240xf32, #tpu.memory_space<hbm>>, %arg6: memref<2x10240x128xf32, #tpu.memory_space<hbm>>, %arg7: memref<16x128xi32, #tpu.memory_space<vmem>>, %arg8: memref<16x128xi32, #tpu.memory_space<vmem>>, %arg9: memref<2048xf32, #tpu.memory_space<vmem>>, %arg10: memref<2x128x128xf32, #tpu.memory_space<vmem>>, %arg11: memref<10240x128xf32, #tpu.memory_space<vmem_shared>>, %arg12: memref<!tpu.dma_semaphore, #tpu.memory_space<semaphore_mem>>, %arg13: memref<!tpu.dma_semaphore, #tpu.memory_space<semaphore_mem>>, %arg14: memref<!tpu.dma_semaphore, #tpu.memory_space<semaphore_mem>>, %arg15: memref<!tpu.dma_semaphore, #tpu.memory_space<semaphore_mem>>) attributes {dimension_semantics = [#tpu.dimension_semantics<core_parallel>, #tpu.dimension_semantics<subcore_parallel>], iteration_bounds = array<i64: 2, 16>, scalar_prefetch = 0 : i64, scratch_operands = 9 : i64, tpu.core_type = #tpu.core_type<sc_vector_subcore>, window_params = [{transform_indices = #map}, {transform_indices = #map1}, {transform_indices = #map1}, {transform_indices = #map}, {transform_indices = #map1}]} {
    %mul3A = arith.constant 16 : i32
    %mul3A_0 = arith.muli %arg0, %mul3A : i32
    %add3A = arith.addi %mul3A_0, %arg1 : i32
    %broadcast_in_dim3A = arith.constant 0.000000e+00 : f32
    %broadcast_in_dim3A_1 = vector.broadcast %broadcast_in_dim3A : f32 to vector<16xf32>
    %scan3A = arith.constant 0 : i32
    %scan3A_2 = arith.constant 0 : i32
    %scan3A_3 = arith.constant 128 : i32
    %scan3A_4 = arith.addi %scan3A_2, %scan3A_3 : i32
    %scan3A_5 = arith.constant 1 : i32
    scf.for %scan3A_79 = %scan3A_2 to %scan3A_4 step %scan3A_5  : i32 {
      %swap3A = arith.constant 0 : i32
      %swap3A_80 = arith.index_cast %swap3A : i32 to index
      %swap3A_81 = arith.index_cast %scan3A_79 : i32 to index
      %swap3A_82 = arith.constant 0 : index
      %swap3A_83 = tpu.vector_load %arg10[%swap3A_80, %swap3A_81, %swap3A_82] {strides = array<i32>} : memref<2x128x128xf32, #tpu.memory_space<vmem>>, vector<16xf32>,
      tpu.vector_store %arg10[%swap3A_80, %swap3A_81, %swap3A_82], %broadcast_in_dim3A_1 {strides = array<i32>} : memref<2x128x128xf32, #tpu.memory_space<vmem>>, vector<16xf32>,
      %swap3A_84 = arith.constant 0 : i32
      %swap3A_85 = arith.index_cast %swap3A_84 : i32 to index
      %swap3A_86 = arith.index_cast %scan3A_79 : i32 to index
      %swap3A_87 = arith.constant 16 : index
      %swap3A_88 = tpu.vector_load %arg10[%swap3A_85, %swap3A_86, %swap3A_87] {strides = array<i32>} : memref<2x128x128xf32, #tpu.memory_space<vmem>>, vector<16xf32>,
      tpu.vector_store %arg10[%swap3A_85, %swap3A_86, %swap3A_87], %broadcast_in_dim3A_1 {strides = array<i32>} : memref<2x128x128xf32, #tpu.memory_space<vmem>>, vector<16xf32>,
      %swap3A_89 = arith.constant 0 : i32
      %swap3A_90 = arith.index_cast %swap3A_89 : i32 to index
      %swap3A_91 = arith.index_cast %scan3A_79 : i32 to index
      %swap3A_92 = arith.constant 32 : index
      %swap3A_93 = tpu.vector_load %arg10[%swap3A_90, %swap3A_91, %swap3A_92] {strides = array<i32>} : memref<2x128x128xf32, #tpu.memory_space<vmem>>, vector<16xf32>,
      tpu.vector_store %arg10[%swap3A_90, %swap3A_91, %swap3A_92], %broadcast_in_dim3A_1 {strides = array<i32>} : memref<2x128x128xf32, #tpu.memory_space<vmem>>, vector<16xf32>,
      %swap3A_94 = arith.constant 0 : i32
      %swap3A_95 = arith.index_cast %swap3A_94 : i32 to index
      %swap3A_96 = arith.index_cast %scan3A_79 : i32 to index
      %swap3A_97 = arith.constant 48 : index
      %swap3A_98 = tpu.vector_load %arg10[%swap3A_95, %swap3A_96, %swap3A_97] {strides = array<i32>} : memref<2x128x128xf32, #tpu.memory_space<vmem>>, vector<16xf32>,
      tpu.vector_store %arg10[%swap3A_95, %swap3A_96, %swap3A_97], %broadcast_in_dim3A_1 {strides = array<i32>} : memref<2x128x128xf32, #tpu.memory_space<vmem>>, vector<16xf32>,
      %swap3A_99 = arith.constant 0 : i32
      %swap3A_100 = arith.index_cast %swap3A_99 : i32 to index
      %swap3A_101 = arith.index_cast %scan3A_79 : i32 to index
      %swap3A_102 = arith.constant 64 : index
      %swap3A_103 = tpu.vector_load %arg10[%swap3A_100, %swap3A_101, %swap3A_102] {strides = array<i32>} : memref<2x128x128xf32, #tpu.memory_space<vmem>>, vector<16xf32>,
      tpu.vector_store %arg10[%swap3A_100, %swap3A_101, %swap3A_102], %broadcast_in_dim3A_1 {strides = array<i32>} : memref<2x128x128xf32, #tpu.memory_space<vmem>>, vector<16xf32>,
      %swap3A_104 = arith.constant 0 : i32
      %swap3A_105 = arith.index_cast %swap3A_104 : i32 to index
      %swap3A_106 = arith.index_cast %scan3A_79 : i32 to index
      %swap3A_107 = arith.constant 80 : index
      %swap3A_108 = tpu.vector_load %arg10[%swap3A_105, %swap3A_106, %swap3A_107] {strides = array<i32>} : memref<2x128x128xf32, #tpu.memory_space<vmem>>, vector<16xf32>,
      tpu.vector_store %arg10[%swap3A_105, %swap3A_106, %swap3A_107], %broadcast_in_dim3A_1 {strides = array<i32>} : memref<2x128x128xf32, #tpu.memory_space<vmem>>, vector<16xf32>,
      %swap3A_109 = arith.constant 0 : i32
      %swap3A_110 = arith.index_cast %swap3A_109 : i32 to index
      %swap3A_111 = arith.index_cast %scan3A_79 : i32 to index
      %swap3A_112 = arith.constant 96 : index
      %swap3A_113 = tpu.vector_load %arg10[%swap3A_110, %swap3A_111, %swap3A_112] {strides = array<i32>} : memref<2x128x128xf32, #tpu.memory_space<vmem>>, vector<16xf32>,
      tpu.vector_store %arg10[%swap3A_110, %swap3A_111, %swap3A_112], %broadcast_in_dim3A_1 {strides = array<i32>} : memref<2x128x128xf32, #tpu.memory_space<vmem>>, vector<16xf32>,
      %swap3A_114 = arith.constant 0 : i32
      %swap3A_115 = arith.index_cast %swap3A_114 : i32 to index
      %swap3A_116 = arith.index_cast %scan3A_79 : i32 to index
      %swap3A_117 = arith.constant 112 : index
      %swap3A_118 = tpu.vector_load %arg10[%swap3A_115, %swap3A_116, %swap3A_117] {strides = array<i32>} : memref<2x128x128xf32, #tpu.memory_space<vmem>>, vector<16xf32>,
      tpu.vector_store %arg10[%swap3A_115, %swap3A_116, %swap3A_117], %broadcast_in_dim3A_1 {strides = array<i32>} : memref<2x128x128xf32, #tpu.memory_space<vmem>>, vector<16xf32>,
    }
    %scan3A_6 = arith.constant 128 : i32
    %mul3A_7 = arith.constant 640 : i32
    %mul3A_8 = arith.muli %arg1, %mul3A_7 : i32
    %add3A_9 = arith.constant 0 : i32
    %add3A_10 = arith.addi %mul3A_8, %add3A_9 : i32
    %run_scoped3A = arith.constant 0 : i32
    "tpu.region"() ({
      %run_scoped3A_79 = tpu.sem_alloc : memref<!tpu.dma_semaphore, #tpu.memory_space<semaphore_mem>>
      %dma_start3A = arith.constant 0 : i32
      %dma_start3A_80 = arith.constant 0 : i32
      %dma_start3A_81 = tpu.memref_slice %arg10[%run_scoped3A, %dma_start3A, %dma_start3A_80] : memref<2x128x128xf32, #tpu.memory_space<vmem>> -> memref<1x128x128xf32, #tpu.memory_space<vmem>>
      %dma_start3A_82 = tpu.memref_squeeze %dma_start3A_81 : memref<1x128x128xf32, #tpu.memory_space<vmem>> -> memref<128x128xf32, #tpu.memory_space<vmem>>
      %dma_start3A_83 = arith.constant 0 : i32
      %dma_start3A_84 = tpu.memref_slice %arg11[%add3A_10, %dma_start3A_83] : memref<10240x128xf32, #tpu.memory_space<vmem_shared>> -> memref<128x128xf32, #tpu.memory_space<vmem_shared>>
      %dma_start3A_85 = arith.constant 0 : i32
      %dma_start3A_86 = tpu.memref_slice %arg11[%add3A_10, %dma_start3A_85] : memref<10240x128xf32, #tpu.memory_space<vmem_shared>> -> memref<128x128xf32, #tpu.memory_space<vmem_shared>>
      %dma_start3A_87 = arith.constant 0 : i32
      %dma_start3A_88 = arith.constant 0 : i32
      %dma_start3A_89 = tpu.memref_slice %arg10[%run_scoped3A, %dma_start3A_87, %dma_start3A_88] : memref<2x128x128xf32, #tpu.memory_space<vmem>> -> memref<1x128x128xf32, #tpu.memory_space<vmem>>
      %dma_start3A_90 = tpu.memref_squeeze %dma_start3A_89 : memref<1x128x128xf32, #tpu.memory_space<vmem>> -> memref<128x128xf32, #tpu.memory_space<vmem>>
      tpu.enqueue_dma source(%dma_start3A_90 : memref<128x128xf32, #tpu.memory_space<vmem>>) target(%dma_start3A_86 : memref<128x128xf32, #tpu.memory_space<vmem_shared>>) target_semaphore(%run_scoped3A_79 : memref<!tpu.dma_semaphore, #tpu.memory_space<semaphore_mem>>)
      %dma_wait3A_91 = arith.constant 0 : i32
      %dma_wait3A_92 = arith.constant 0 : i32
      %dma_wait3A_93 = tpu.memref_slice %arg10[%run_scoped3A, %dma_wait3A_91, %dma_wait3A_92] : memref<2x128x128xf32, #tpu.memory_space<vmem>> -> memref<1x128x128xf32, #tpu.memory_space<vmem>>
      %dma_wait3A_94 = tpu.memref_squeeze %dma_wait3A_93 : memref<1x128x128xf32, #tpu.memory_space<vmem>> -> memref<128x128xf32, #tpu.memory_space<vmem>>
      %dma_wait3A_95 = arith.constant 0 : i32
      %dma_wait3A_96 = tpu.memref_slice %arg11[%add3A_10, %dma_wait3A_95] : memref<10240x128xf32, #tpu.memory_space<vmem_shared>> -> memref<128x128xf32, #tpu.memory_space<vmem_shared>>
      %dma_wait3A_97 = arith.constant 0 : i32
      %dma_wait3A_98 = tpu.memref_slice %arg11[%add3A_10, %dma_wait3A_97] : memref<10240x128xf32, #tpu.memory_space<vmem_shared>> -> memref<128x128xf32, #tpu.memory_space<vmem_shared>>
      %dma_wait3A_99 = arith.constant 0 : i32
      %dma_wait3A_100 = arith.constant 0 : i32
      %dma_wait3A_101 = tpu.memref_slice %arg10[%run_scoped3A, %dma_wait3A_99, %dma_wait3A_100] : memref<2x128x128xf32, #tpu.memory_space<vmem>> -> memref<1x128x128xf32, #tpu.memory_space<vmem>>
      %dma_wait3A_102 = tpu.memref_squeeze %dma_wait3A_101 : memref<1x128x128xf32, #tpu.memory_space<vmem>> -> memref<128x128xf32, #tpu.memory_space<vmem>>
      tpu.wait_dma2 semaphore(%run_scoped3A_79 : memref<!tpu.dma_semaphore, #tpu.memory_space<semaphore_mem>>) src(%dma_wait3A_102 : memref<128x128xf32, #tpu.memory_space<vmem>>) dst(%dma_wait3A_98 : memref<128x128xf32, #tpu.memory_space<vmem_shared>>)
      tpu.yield
    }) : () -> ()
    %mul3A_11 = arith.constant 640 : i32
    %mul3A_12 = arith.muli %arg1, %mul3A_11 : i32
    %add3A_13 = arith.constant 128 : i32
    %add3A_14 = arith.addi %mul3A_12, %add3A_13 : i32
    %run_scoped3A_15 = arith.constant 0 : i32
    "tpu.region"() ({
      %run_scoped3A_79 = tpu.sem_alloc : memref<!tpu.dma_semaphore, #tpu.memory_space<semaphore_mem>>
      %dma_start3A = arith.constant 0 : i32
      %dma_start3A_80 = arith.constant 0 : i32
      %dma_start3A_81 = tpu.memref_slice %arg10[%run_scoped3A_15, %dma_start3A, %dma_start3A_80] : memref<2x128x128xf32, #tpu.memory_space<vmem>> -> memref<1x128x128xf32, #tpu.memory_space<vmem>>
      %dma_start3A_82 = tpu.memref_squeeze %dma_start3A_81 : memref<1x128x128xf32, #tpu.memory_space<vmem>> -> memref<128x128xf32, #tpu.memory_space<vmem>>
      %dma_start3A_83 = arith.constant 0 : i32
      %dma_start3A_84 = tpu.memref_slice %arg11[%add3A_14, %dma_start3A_83] : memref<10240x128xf32, #tpu.memory_space<vmem_shared>> -> memref<128x128xf32, #tpu.memory_space<vmem_shared>>
      %dma_start3A_85 = arith.constant 0 : i32
      %dma_start3A_86 = tpu.memref_slice %arg11[%add3A_14, %dma_start3A_85] : memref<10240x128xf32, #tpu.memory_space<vmem_shared>> -> memref<128x128xf32, #tpu.memory_space<vmem_shared>>
      %dma_start3A_87 = arith.constant 0 : i32
      %dma_start3A_88 = arith.constant 0 : i32
      %dma_start3A_89 = tpu.memref_slice %arg10[%run_scoped3A_15, %dma_start3A_87, %dma_start3A_88] : memref<2x128x128xf32, #tpu.memory_space<vmem>> -> memref<1x128x128xf32, #tpu.memory_space<vmem>>
      %dma_start3A_90 = tpu.memref_squeeze %dma_start3A_89 : memref<1x128x128xf32, #tpu.memory_space<vmem>> -> memref<128x128xf32, #tpu.memory_space<vmem>>
      tpu.enqueue_dma source(%dma_start3A_90 : memref<128x128xf32, #tpu.memory_space<vmem>>) target(%dma_start3A_86 : memref<128x128xf32, #tpu.memory_space<vmem_shared>>) target_semaphore(%run_scoped3A_79 : memref<!tpu.dma_semaphore, #tpu.memory_space<semaphore_mem>>)
      %dma_wait3A_91 = arith.constant 0 : i32
      %dma_wait3A_92 = arith.constant 0 : i32
      %dma_wait3A_93 = tpu.memref_slice %arg10[%run_scoped3A_15, %dma_wait3A_91, %dma_wait3A_92] : memref<2x128x128xf32, #tpu.memory_space<vmem>> -> memref<1x128x128xf32, #tpu.memory_space<vmem>>
      %dma_wait3A_94 = tpu.memref_squeeze %dma_wait3A_93 : memref<1x128x128xf32, #tpu.memory_space<vmem>> -> memref<128x128xf32, #tpu.memory_space<vmem>>
      %dma_wait3A_95 = arith.constant 0 : i32
      %dma_wait3A_96 = tpu.memref_slice %arg11[%add3A_14, %dma_wait3A_95] : memref<10240x128xf32, #tpu.memory_space<vmem_shared>> -> memref<128x128xf32, #tpu.memory_space<vmem_shared>>
      %dma_wait3A_97 = arith.constant 0 : i32
      %dma_wait3A_98 = tpu.memref_slice %arg11[%add3A_14, %dma_wait3A_97] : memref<10240x128xf32, #tpu.memory_space<vmem_shared>> -> memref<128x128xf32, #tpu.memory_space<vmem_shared>>
      %dma_wait3A_99 = arith.constant 0 : i32
      %dma_wait3A_100 = arith.constant 0 : i32
      %dma_wait3A_101 = tpu.memref_slice %arg10[%run_scoped3A_15, %dma_wait3A_99, %dma_wait3A_100] : memref<2x128x128xf32, #tpu.memory_space<vmem>> -> memref<1x128x128xf32, #tpu.memory_space<vmem>>
      %dma_wait3A_102 = tpu.memref_squeeze %dma_wait3A_101 : memref<1x128x128xf32, #tpu.memory_space<vmem>> -> memref<128x128xf32, #tpu.memory_space<vmem>>
      tpu.wait_dma2 semaphore(%run_scoped3A_79 : memref<!tpu.dma_semaphore, #tpu.memory_space<semaphore_mem>>) src(%dma_wait3A_102 : memref<128x128xf32, #tpu.memory_space<vmem>>) dst(%dma_wait3A_98 : memref<128x128xf32, #tpu.memory_space<vmem_shared>>)
      tpu.yield
    }) : () -> ()
    %mul3A_16 = arith.constant 640 : i32
    %mul3A_17 = arith.muli %arg1, %mul3A_16 : i32
    %add3A_18 = arith.constant 256 : i32
    %add3A_19 = arith.addi %mul3A_17, %add3A_18 : i32
    %run_scoped3A_20 = arith.constant 0 : i32
    "tpu.region"() ({
      %run_scoped3A_79 = tpu.sem_alloc : memref<!tpu.dma_semaphore, #tpu.memory_space<semaphore_mem>>
      %dma_start3A = arith.constant 0 : i32
      %dma_start3A_80 = arith.constant 0 : i32
      %dma_start3A_81 = tpu.memref_slice %arg10[%run_scoped3A_20, %dma_start3A, %dma_start3A_80] : memref<2x128x128xf32, #tpu.memory_space<vmem>> -> memref<1x128x128xf32, #tpu.memory_space<vmem>>
      %dma_start3A_82 = tpu.memref_squeeze %dma_start3A_81 : memref<1x128x128xf32, #tpu.memory_space<vmem>> -> memref<128x128xf32, #tpu.memory_space<vmem>>
      %dma_start3A_83 = arith.constant 0 : i32
      %dma_start3A_84 = tpu.memref_slice %arg11[%add3A_19, %dma_start3A_83] : memref<10240x128xf32, #tpu.memory_space<vmem_shared>> -> memref<128x128xf32, #tpu.memory_space<vmem_shared>>
      %dma_start3A_85 = arith.constant 0 : i32
      %dma_start3A_86 = tpu.memref_slice %arg11[%add3A_19, %dma_start3A_85] : memref<10240x128xf32, #tpu.memory_space<vmem_shared>> -> memref<128x128xf32, #tpu.memory_space<vmem_shared>>
      %dma_start3A_87 = arith.constant 0 : i32
      %dma_start3A_88 = arith.constant 0 : i32
      %dma_start3A_89 = tpu.memref_slice %arg10[%run_scoped3A_20, %dma_start3A_87, %dma_start3A_88] : memref<2x128x128xf32, #tpu.memory_space<vmem>> -> memref<1x128x128xf32, #tpu.memory_space<vmem>>
      %dma_start3A_90 = tpu.memref_squeeze %dma_start3A_89 : memref<1x128x128xf32, #tpu.memory_space<vmem>> -> memref<128x128xf32, #tpu.memory_space<vmem>>
      tpu.enqueue_dma source(%dma_start3A_90 : memref<128x128xf32, #tpu.memory_space<vmem>>) target(%dma_start3A_86 : memref<128x128xf32, #tpu.memory_space<vmem_shared>>) target_semaphore(%run_scoped3A_79 : memref<!tpu.dma_semaphore, #tpu.memory_space<semaphore_mem>>)
      %dma_wait3A_91 = arith.constant 0 : i32
      %dma_wait3A_92 = arith.constant 0 : i32
      %dma_wait3A_93 = tpu.memref_slice %arg10[%run_scoped3A_20, %dma_wait3A_91, %dma_wait3A_92] : memref<2x128x128xf32, #tpu.memory_space<vmem>> -> memref<1x128x128xf32, #tpu.memory_space<vmem>>
      %dma_wait3A_94 = tpu.memref_squeeze %dma_wait3A_93 : memref<1x128x128xf32, #tpu.memory_space<vmem>> -> memref<128x128xf32, #tpu.memory_space<vmem>>
      %dma_wait3A_95 = arith.constant 0 : i32
      %dma_wait3A_96 = tpu.memref_slice %arg11[%add3A_19, %dma_wait3A_95] : memref<10240x128xf32, #tpu.memory_space<vmem_shared>> -> memref<128x128xf32, #tpu.memory_space<vmem_shared>>
      %dma_wait3A_97 = arith.constant 0 : i32
      %dma_wait3A_98 = tpu.memref_slice %arg11[%add3A_19, %dma_wait3A_97] : memref<10240x128xf32, #tpu.memory_space<vmem_shared>> -> memref<128x128xf32, #tpu.memory_space<vmem_shared>>
      %dma_wait3A_99 = arith.constant 0 : i32
      %dma_wait3A_100 = arith.constant 0 : i32
      %dma_wait3A_101 = tpu.memref_slice %arg10[%run_scoped3A_20, %dma_wait3A_99, %dma_wait3A_100] : memref<2x128x128xf32, #tpu.memory_space<vmem>> -> memref<1x128x128xf32, #tpu.memory_space<vmem>>
      %dma_wait3A_102 = tpu.memref_squeeze %dma_wait3A_101 : memref<1x128x128xf32, #tpu.memory_space<vmem>> -> memref<128x128xf32, #tpu.memory_space<vmem>>
      tpu.wait_dma2 semaphore(%run_scoped3A_79 : memref<!tpu.dma_semaphore, #tpu.memory_space<semaphore_mem>>) src(%dma_wait3A_102 : memref<128x128xf32, #tpu.memory_space<vmem>>) dst(%dma_wait3A_98 : memref<128x128xf32, #tpu.memory_space<vmem_shared>>)
      tpu.yield
    }) : () -> ()
    %mul3A_21 = arith.constant 640 : i32
    %mul3A_22 = arith.muli %arg1, %mul3A_21 : i32
    %add3A_23 = arith.constant 384 : i32
    %add3A_24 = arith.addi %mul3A_22, %add3A_23 : i32
    %run_scoped3A_25 = arith.constant 0 : i32
    "tpu.region"() ({
      %run_scoped3A_79 = tpu.sem_alloc : memref<!tpu.dma_semaphore, #tpu.memory_space<semaphore_mem>>
      %dma_start3A = arith.constant 0 : i32
      %dma_start3A_80 = arith.constant 0 : i32
      %dma_start3A_81 = tpu.memref_slice %arg10[%run_scoped3A_25, %dma_start3A, %dma_start3A_80] : memref<2x128x128xf32, #tpu.memory_space<vmem>> -> memref<1x128x128xf32, #tpu.memory_space<vmem>>
      %dma_start3A_82 = tpu.memref_squeeze %dma_start3A_81 : memref<1x128x128xf32, #tpu.memory_space<vmem>> -> memref<128x128xf32, #tpu.memory_space<vmem>>
      %dma_start3A_83 = arith.constant 0 : i32
      %dma_start3A_84 = tpu.memref_slice %arg11[%add3A_24, %dma_start3A_83] : memref<10240x128xf32, #tpu.memory_space<vmem_shared>> -> memref<128x128xf32, #tpu.memory_space<vmem_shared>>
      %dma_start3A_85 = arith.constant 0 : i32
      %dma_start3A_86 = tpu.memref_slice %arg11[%add3A_24, %dma_start3A_85] : memref<10240x128xf32, #tpu.memory_space<vmem_shared>> -> memref<128x128xf32, #tpu.memory_space<vmem_shared>>
      %dma_start3A_87 = arith.constant 0 : i32
      %dma_start3A_88 = arith.constant 0 : i32
      %dma_start3A_89 = tpu.memref_slice %arg10[%run_scoped3A_25, %dma_start3A_87, %dma_start3A_88] : memref<2x128x128xf32, #tpu.memory_space<vmem>> -> memref<1x128x128xf32, #tpu.memory_space<vmem>>
      %dma_start3A_90 = tpu.memref_squeeze %dma_start3A_89 : memref<1x128x128xf32, #tpu.memory_space<vmem>> -> memref<128x128xf32, #tpu.memory_space<vmem>>
      tpu.enqueue_dma source(%dma_start3A_90 : memref<128x128xf32, #tpu.memory_space<vmem>>) target(%dma_start3A_86 : memref<128x128xf32, #tpu.memory_space<vmem_shared>>) target_semaphore(%run_scoped3A_79 : memref<!tpu.dma_semaphore, #tpu.memory_space<semaphore_mem>>)
      %dma_wait3A_91 = arith.constant 0 : i32
      %dma_wait3A_92 = arith.constant 0 : i32
      %dma_wait3A_93 = tpu.memref_slice %arg10[%run_scoped3A_25, %dma_wait3A_91, %dma_wait3A_92] : memref<2x128x128xf32, #tpu.memory_space<vmem>> -> memref<1x128x128xf32, #tpu.memory_space<vmem>>
      %dma_wait3A_94 = tpu.memref_squeeze %dma_wait3A_93 : memref<1x128x128xf32, #tpu.memory_space<vmem>> -> memref<128x128xf32, #tpu.memory_space<vmem>>
      %dma_wait3A_95 = arith.constant 0 : i32
      %dma_wait3A_96 = tpu.memref_slice %arg11[%add3A_24, %dma_wait3A_95] : memref<10240x128xf32, #tpu.memory_space<vmem_shared>> -> memref<128x128xf32, #tpu.memory_space<vmem_shared>>
      %dma_wait3A_97 = arith.constant 0 : i32
      %dma_wait3A_98 = tpu.memref_slice %arg11[%add3A_24, %dma_wait3A_97] : memref<10240x128xf32, #tpu.memory_space<vmem_shared>> -> memref<128x128xf32, #tpu.memory_space<vmem_shared>>
      %dma_wait3A_99 = arith.constant 0 : i32
      %dma_wait3A_100 = arith.constant 0 : i32
      %dma_wait3A_101 = tpu.memref_slice %arg10[%run_scoped3A_25, %dma_wait3A_99, %dma_wait3A_100] : memref<2x128x128xf32, #tpu.memory_space<vmem>> -> memref<1x128x128xf32, #tpu.memory_space<vmem>>
      %dma_wait3A_102 = tpu.memref_squeeze %dma_wait3A_101 : memref<1x128x128xf32, #tpu.memory_space<vmem>> -> memref<128x128xf32, #tpu.memory_space<vmem>>
      tpu.wait_dma2 semaphore(%run_scoped3A_79 : memref<!tpu.dma_semaphore, #tpu.memory_space<semaphore_mem>>) src(%dma_wait3A_102 : memref<128x128xf32, #tpu.memory_space<vmem>>) dst(%dma_wait3A_98 : memref<128x128xf32, #tpu.memory_space<vmem_shared>>)
      tpu.yield
    }) : () -> ()
    %mul3A_26 = arith.constant 640 : i32
    %mul3A_27 = arith.muli %arg1, %mul3A_26 : i32
    %add3A_28 = arith.constant 512 : i32
    %add3A_29 = arith.addi %mul3A_27, %add3A_28 : i32
    %run_scoped3A_30 = arith.constant 0 : i32
    "tpu.region"() ({
      %run_scoped3A_79 = tpu.sem_alloc : memref<!tpu.dma_semaphore, #tpu.memory_space<semaphore_mem>>
      %dma_start3A = arith.constant 0 : i32
      %dma_start3A_80 = arith.constant 0 : i32
      %dma_start3A_81 = tpu.memref_slice %arg10[%run_scoped3A_30, %dma_start3A, %dma_start3A_80] : memref<2x128x128xf32, #tpu.memory_space<vmem>> -> memref<1x128x128xf32, #tpu.memory_space<vmem>>
      %dma_start3A_82 = tpu.memref_squeeze %dma_start3A_81 : memref<1x128x128xf32, #tpu.memory_space<vmem>> -> memref<128x128xf32, #tpu.memory_space<vmem>>
      %dma_start3A_83 = arith.constant 0 : i32
      %dma_start3A_84 = tpu.memref_slice %arg11[%add3A_29, %dma_start3A_83] : memref<10240x128xf32, #tpu.memory_space<vmem_shared>> -> memref<128x128xf32, #tpu.memory_space<vmem_shared>>
      %dma_start3A_85 = arith.constant 0 : i32
      %dma_start3A_86 = tpu.memref_slice %arg11[%add3A_29, %dma_start3A_85] : memref<10240x128xf32, #tpu.memory_space<vmem_shared>> -> memref<128x128xf32, #tpu.memory_space<vmem_shared>>
      %dma_start3A_87 = arith.constant 0 : i32
      %dma_start3A_88 = arith.constant 0 : i32
      %dma_start3A_89 = tpu.memref_slice %arg10[%run_scoped3A_30, %dma_start3A_87, %dma_start3A_88] : memref<2x128x128xf32, #tpu.memory_space<vmem>> -> memref<1x128x128xf32, #tpu.memory_space<vmem>>
      %dma_start3A_90 = tpu.memref_squeeze %dma_start3A_89 : memref<1x128x128xf32, #tpu.memory_space<vmem>> -> memref<128x128xf32, #tpu.memory_space<vmem>>
      tpu.enqueue_dma source(%dma_start3A_90 : memref<128x128xf32, #tpu.memory_space<vmem>>) target(%dma_start3A_86 : memref<128x128xf32, #tpu.memory_space<vmem_shared>>) target_semaphore(%run_scoped3A_79 : memref<!tpu.dma_semaphore, #tpu.memory_space<semaphore_mem>>)
      %dma_wait3A_91 = arith.constant 0 : i32
      %dma_wait3A_92 = arith.constant 0 : i32
      %dma_wait3A_93 = tpu.memref_slice %arg10[%run_scoped3A_30, %dma_wait3A_91, %dma_wait3A_92] : memref<2x128x128xf32, #tpu.memory_space<vmem>> -> memref<1x128x128xf32, #tpu.memory_space<vmem>>
      %dma_wait3A_94 = tpu.memref_squeeze %dma_wait3A_93 : memref<1x128x128xf32, #tpu.memory_space<vmem>> -> memref<128x128xf32, #tpu.memory_space<vmem>>
      %dma_wait3A_95 = arith.constant 0 : i32
      %dma_wait3A_96 = tpu.memref_slice %arg11[%add3A_29, %dma_wait3A_95] : memref<10240x128xf32, #tpu.memory_space<vmem_shared>> -> memref<128x128xf32, #tpu.memory_space<vmem_shared>>
      %dma_wait3A_97 = arith.constant 0 : i32
      %dma_wait3A_98 = tpu.memref_slice %arg11[%add3A_29, %dma_wait3A_97] : memref<10240x128xf32, #tpu.memory_space<vmem_shared>> -> memref<128x128xf32, #tpu.memory_space<vmem_shared>>
      %dma_wait3A_99 = arith.constant 0 : i32
      %dma_wait3A_100 = arith.constant 0 : i32
      %dma_wait3A_101 = tpu.memref_slice %arg10[%run_scoped3A_30, %dma_wait3A_99, %dma_wait3A_100] : memref<2x128x128xf32, #tpu.memory_space<vmem>> -> memref<1x128x128xf32, #tpu.memory_space<vmem>>
      %dma_wait3A_102 = tpu.memref_squeeze %dma_wait3A_101 : memref<1x128x128xf32, #tpu.memory_space<vmem>> -> memref<128x128xf32, #tpu.memory_space<vmem>>
      tpu.wait_dma2 semaphore(%run_scoped3A_79 : memref<!tpu.dma_semaphore, #tpu.memory_space<semaphore_mem>>) src(%dma_wait3A_102 : memref<128x128xf32, #tpu.memory_space<vmem>>) dst(%dma_wait3A_98 : memref<128x128xf32, #tpu.memory_space<vmem_shared>>)
      tpu.yield
    }) : () -> ()
    %barrier3A = arith.constant 0 : index
    tpu.barrier barrier_id(%barrier3A)
    %scan3A_31 = arith.constant 0 : i32
    %scan3A_32 = arith.constant 0 : i32
    %scan3A_33 = arith.constant 5 : i32
    %scan3A_34 = arith.addi %scan3A_32, %scan3A_33 : i32
    %scan3A_35 = arith.constant 1 : i32
    scf.for %scan3A_79 = %scan3A_32 to %scan3A_34 step %scan3A_35  : i32 {
      %gt3A = arith.constant 0 : i32
      %gt3A_80 = arith.cmpi sgt, %scan3A_79, %gt3A : i32
      %convert_element_type3A = arith.extui %gt3A_80 : i1 to i32
      %cond3A = arith.constant 0 : i32
      %cond3A_81 = arith.cmpi ne, %convert_element_type3A, %cond3A : i32
      scf.if %cond3A_81 {
        %dma_wait3A_107 = arith.constant 1 : i32
        %dma_wait3A_108 = arith.constant 0 : i32
        %dma_wait3A_109 = arith.constant 0 : i32
        %dma_wait3A_110 = arith.constant 0 : i32
        %dma_wait3A_111 = tpu.memref_slice %arg10[%dma_wait3A_107, %dma_wait3A_109, %dma_wait3A_110] : memref<2x128x128xf32, #tpu.memory_space<vmem>> -> memref<1x128x128xf32, #tpu.memory_space<vmem>>
        %dma_wait3A_112 = tpu.memref_squeeze %dma_wait3A_111 : memref<1x128x128xf32, #tpu.memory_space<vmem>> -> memref<128x128xf32, #tpu.memory_space<vmem>>
        %dma_wait3A_113 = arith.constant 0 : i32
        %dma_wait3A_114 = tpu.memref_slice %arg8[%dma_wait3A_108, %dma_wait3A_113] : memref<16x128xi32, #tpu.memory_space<vmem>> -> memref<1x128xi32, #tpu.memory_space<vmem>>
        %dma_wait3A_115 = tpu.memref_squeeze %dma_wait3A_114 : memref<1x128xi32, #tpu.memory_space<vmem>> -> memref<128xi32, #tpu.memory_space<vmem>>
        %dma_wait3A_116 = arith.constant 0 : i32
        %dma_wait3A_117 = arith.constant 0 : i32
        %dma_wait3A_118 = tpu.memref_slice %arg11[%dma_wait3A_116, %dma_wait3A_117] : memref<10240x128xf32, #tpu.memory_space<vmem_shared>> -> memref<10240x128xf32, #tpu.memory_space<vmem_shared>>
        tpu.wait_indirect_dma semaphore(%arg15 : memref<!tpu.dma_semaphore, #tpu.memory_space<semaphore_mem>>) src(%dma_wait3A_112 : memref<128x128xf32, #tpu.memory_space<vmem>>) dst(%dma_wait3A_118 : memref<10240x128xf32, #tpu.memory_space<vmem_shared>>)
      } else {
      }
      %mul3A_82 = arith.constant 16 : i32
      %mul3A_83 = arith.muli %scan3A_79, %mul3A_82 : i32
      "tpu.region"() ({
        %run_scoped3A_107 = tpu.sem_alloc : memref<!tpu.dma_semaphore, #tpu.memory_space<semaphore_mem>>
        %dma_start3A_108 = arith.constant 0 : i32
        %dma_start3A_109 = tpu.memref_slice %arg3[%add3A, %mul3A_83, %dma_start3A_108] : memref<32x80x128xi32, #tpu.memory_space<hbm>> -> memref<1x16x128xi32, #tpu.memory_space<hbm>>
        %dma_start3A_110 = tpu.memref_squeeze %dma_start3A_109 : memref<1x16x128xi32, #tpu.memory_space<hbm>> -> memref<16x128xi32, #tpu.memory_space<hbm>>
        %dma_start3A_111 = arith.constant 0 : i32
        %dma_start3A_112 = tpu.memref_slice %arg3[%add3A, %mul3A_83, %dma_start3A_111] : memref<32x80x128xi32, #tpu.memory_space<hbm>> -> memref<1x16x128xi32, #tpu.memory_space<hbm>>
        %dma_start3A_113 = tpu.memref_squeeze %dma_start3A_112 : memref<1x16x128xi32, #tpu.memory_space<hbm>> -> memref<16x128xi32, #tpu.memory_space<hbm>>
        tpu.enqueue_dma source(%dma_start3A_113 : memref<16x128xi32, #tpu.memory_space<hbm>>) target(%arg7 : memref<16x128xi32, #tpu.memory_space<vmem>>) target_semaphore(%run_scoped3A_107 : memref<!tpu.dma_semaphore, #tpu.memory_space<semaphore_mem>>)
        %dma_wait3A_114 = arith.constant 0 : i32
        %dma_wait3A_115 = tpu.memref_slice %arg3[%add3A, %mul3A_83, %dma_wait3A_114] : memref<32x80x128xi32, #tpu.memory_space<hbm>> -> memref<1x16x128xi32, #tpu.memory_space<hbm>>
        %dma_wait3A_116 = tpu.memref_squeeze %dma_wait3A_115 : memref<1x16x128xi32, #tpu.memory_space<hbm>> -> memref<16x128xi32, #tpu.memory_space<hbm>>
        %dma_wait3A_117 = arith.constant 0 : i32
        %dma_wait3A_118 = tpu.memref_slice %arg3[%add3A, %mul3A_83, %dma_wait3A_117] : memref<32x80x128xi32, #tpu.memory_space<hbm>> -> memref<1x16x128xi32, #tpu.memory_space<hbm>>
        %dma_wait3A_119 = tpu.memref_squeeze %dma_wait3A_118 : memref<1x16x128xi32, #tpu.memory_space<hbm>> -> memref<16x128xi32, #tpu.memory_space<hbm>>
        tpu.wait_dma2 semaphore(%run_scoped3A_107 : memref<!tpu.dma_semaphore, #tpu.memory_space<semaphore_mem>>) src(%dma_wait3A_119 : memref<16x128xi32, #tpu.memory_space<hbm>>) dst(%arg7 : memref<16x128xi32, #tpu.memory_space<vmem>>)
        tpu.yield
      }) : () -> ()
      %mul3A_84 = arith.constant 16 : i32
      %mul3A_85 = arith.muli %scan3A_79, %mul3A_84 : i32
      "tpu.region"() ({
        %run_scoped3A_107 = tpu.sem_alloc : memref<!tpu.dma_semaphore, #tpu.memory_space<semaphore_mem>>
        %dma_start3A_108 = arith.constant 0 : i32
        %dma_start3A_109 = tpu.memref_slice %arg4[%add3A, %mul3A_85, %dma_start3A_108] : memref<32x80x128xi32, #tpu.memory_space<hbm>> -> memref<1x16x128xi32, #tpu.memory_space<hbm>>
        %dma_start3A_110 = tpu.memref_squeeze %dma_start3A_109 : memref<1x16x128xi32, #tpu.memory_space<hbm>> -> memref<16x128xi32, #tpu.memory_space<hbm>>
        %dma_start3A_111 = arith.constant 0 : i32
        %dma_start3A_112 = tpu.memref_slice %arg4[%add3A, %mul3A_85, %dma_start3A_111] : memref<32x80x128xi32, #tpu.memory_space<hbm>> -> memref<1x16x128xi32, #tpu.memory_space<hbm>>
        %dma_start3A_113 = tpu.memref_squeeze %dma_start3A_112 : memref<1x16x128xi32, #tpu.memory_space<hbm>> -> memref<16x128xi32, #tpu.memory_space<hbm>>
        tpu.enqueue_dma source(%dma_start3A_113 : memref<16x128xi32, #tpu.memory_space<hbm>>) target(%arg8 : memref<16x128xi32, #tpu.memory_space<vmem>>) target_semaphore(%run_scoped3A_107 : memref<!tpu.dma_semaphore, #tpu.memory_space<semaphore_mem>>)
        %dma_wait3A_114 = arith.constant 0 : i32
        %dma_wait3A_115 = tpu.memref_slice %arg4[%add3A, %mul3A_85, %dma_wait3A_114] : memref<32x80x128xi32, #tpu.memory_space<hbm>> -> memref<1x16x128xi32, #tpu.memory_space<hbm>>
        %dma_wait3A_116 = tpu.memref_squeeze %dma_wait3A_115 : memref<1x16x128xi32, #tpu.memory_space<hbm>> -> memref<16x128xi32, #tpu.memory_space<hbm>>
        %dma_wait3A_117 = arith.constant 0 : i32
        %dma_wait3A_118 = tpu.memref_slice %arg4[%add3A, %mul3A_85, %dma_wait3A_117] : memref<32x80x128xi32, #tpu.memory_space<hbm>> -> memref<1x16x128xi32, #tpu.memory_space<hbm>>
        %dma_wait3A_119 = tpu.memref_squeeze %dma_wait3A_118 : memref<1x16x128xi32, #tpu.memory_space<hbm>> -> memref<16x128xi32, #tpu.memory_space<hbm>>
        tpu.wait_dma2 semaphore(%run_scoped3A_107 : memref<!tpu.dma_semaphore, #tpu.memory_space<semaphore_mem>>) src(%dma_wait3A_119 : memref<16x128xi32, #tpu.memory_space<hbm>>) dst(%arg8 : memref<16x128xi32, #tpu.memory_space<vmem>>)
        tpu.yield
      }) : () -> ()
      %mul3A_86 = arith.constant 16 : i32
      %mul3A_87 = arith.muli %scan3A_79, %mul3A_86 : i32
      %mul3A_88 = arith.constant 128 : i32
      %mul3A_89 = arith.muli %mul3A_87, %mul3A_88 : i32
      "tpu.region"() ({
        %run_scoped3A_107 = tpu.sem_alloc : memref<!tpu.dma_semaphore, #tpu.memory_space<semaphore_mem>>
        %dma_start3A_108 = tpu.memref_slice %arg5[%add3A, %mul3A_89] : memref<32x10240xf32, #tpu.memory_space<hbm>> -> memref<1x2048xf32, #tpu.memory_space<hbm>>
        %dma_start3A_109 = tpu.memref_squeeze %dma_start3A_108 : memref<1x2048xf32, #tpu.memory_space<hbm>> -> memref<2048xf32, #tpu.memory_space<hbm>>
        %dma_start3A_110 = tpu.memref_slice %arg5[%add3A, %mul3A_89] : memref<32x10240xf32, #tpu.memory_space<hbm>> -> memref<1x2048xf32, #tpu.memory_space<hbm>>
        %dma_start3A_111 = tpu.memref_squeeze %dma_start3A_110 : memref<1x2048xf32, #tpu.memory_space<hbm>> -> memref<2048xf32, #tpu.memory_space<hbm>>
        tpu.enqueue_dma source(%dma_start3A_111 : memref<2048xf32, #tpu.memory_space<hbm>>) target(%arg9 : memref<2048xf32, #tpu.memory_space<vmem>>) target_semaphore(%run_scoped3A_107 : memref<!tpu.dma_semaphore, #tpu.memory_space<semaphore_mem>>)
        %dma_wait3A_112 = tpu.memref_slice %arg5[%add3A, %mul3A_89] : memref<32x10240xf32, #tpu.memory_space<hbm>> -> memref<1x2048xf32, #tpu.memory_space<hbm>>
        %dma_wait3A_113 = tpu.memref_squeeze %dma_wait3A_112 : memref<1x2048xf32, #tpu.memory_space<hbm>> -> memref<2048xf32, #tpu.memory_space<hbm>>
        %dma_wait3A_114 = tpu.memref_slice %arg5[%add3A, %mul3A_89] : memref<32x10240xf32, #tpu.memory_space<hbm>> -> memref<1x2048xf32, #tpu.memory_space<hbm>>
        %dma_wait3A_115 = tpu.memref_squeeze %dma_wait3A_114 : memref<1x2048xf32, #tpu.memory_space<hbm>> -> memref<2048xf32, #tpu.memory_space<hbm>>
        tpu.wait_dma2 semaphore(%run_scoped3A_107 : memref<!tpu.dma_semaphore, #tpu.memory_space<semaphore_mem>>) src(%dma_wait3A_115 : memref<2048xf32, #tpu.memory_space<hbm>>) dst(%arg9 : memref<2048xf32, #tpu.memory_space<vmem>>)
        tpu.yield
      }) : () -> ()
      %dma_start3A = arith.constant 0 : i32
      %dma_start3A_90 = arith.constant 0 : i32
      %dma_start3A_91 = arith.constant 0 : i32
      %dma_start3A_92 = arith.constant 0 : i32
      %dma_start3A_93 = tpu.memref_slice %arg10[%dma_start3A_90, %dma_start3A_91, %dma_start3A_92] : memref<2x128x128xf32, #tpu.memory_space<vmem>> -> memref<1x128x128xf32, #tpu.memory_space<vmem>>
      %dma_start3A_94 = tpu.memref_squeeze %dma_start3A_93 : memref<1x128x128xf32, #tpu.memory_space<vmem>> -> memref<128x128xf32, #tpu.memory_space<vmem>>
      %dma_start3A_95 = arith.constant 0 : i32
      %dma_start3A_96 = tpu.memref_slice %arg7[%dma_start3A, %dma_start3A_95] : memref<16x128xi32, #tpu.memory_space<vmem>> -> memref<1x128xi32, #tpu.memory_space<vmem>>
      %dma_start3A_97 = tpu.memref_squeeze %dma_start3A_96 : memref<1x128xi32, #tpu.memory_space<vmem>> -> memref<128xi32, #tpu.memory_space<vmem>>
      %dma_start3A_98 = arith.constant 0 : i32
      %dma_start3A_99 = arith.constant 0 : i32
      %dma_start3A_100 = tpu.memref_slice %arg2[%dma_start3A_98, %dma_start3A_99] : memref<10000x128xf32, #tpu.memory_space<hbm>> -> memref<10000x128xf32, #tpu.memory_space<hbm>>
      tpu.enqueue_indirect_dma source(%dma_start3A_100 : memref<10000x128xf32, #tpu.memory_space<hbm>>) target(%dma_start3A_94 : memref<128x128xf32, #tpu.memory_space<vmem>>) offsets(%dma_start3A_97 : memref<128xi32, #tpu.memory_space<vmem>>) semaphore(%arg12 : memref<!tpu.dma_semaphore, #tpu.memory_space<semaphore_mem>>)
      %scan3A_101 = arith.constant 0 : i32
      %scan3A_102 = arith.constant 0 : i32
      %scan3A_103 = arith.constant 8 : i32
      %scan3A_104 = arith.addi %scan3A_102, %scan3A_103 : i32
      %scan3A_105 = arith.constant 1 : i32
      scf.for %scan3A_107 = %scan3A_102 to %scan3A_104 step %scan3A_105  : i32 {
        %mul3A_108 = arith.constant 2 : i32
        %mul3A_109 = arith.muli %scan3A_107, %mul3A_108 : i32
        %add3A_110 = arith.constant 1 : i32
        %add3A_111 = arith.addi %mul3A_109, %add3A_110 : i32
        %dma_wait3A_112 = arith.constant 0 : i32
        %dma_wait3A_113 = arith.constant 0 : i32
        %dma_wait3A_114 = arith.constant 0 : i32
        %dma_wait3A_115 = arith.constant 0 : i32
        %dma_wait3A_116 = tpu.memref_slice %arg10[%dma_wait3A_113, %dma_wait3A_114, %dma_wait3A_115] : memref<2x128x128xf32, #tpu.memory_space<vmem>> -> memref<1x128x128xf32, #tpu.memory_space<vmem>>
        %dma_wait3A_117 = tpu.memref_squeeze %dma_wait3A_116 : memref<1x128x128xf32, #tpu.memory_space<vmem>> -> memref<128x128xf32, #tpu.memory_space<vmem>>
        %dma_wait3A_118 = arith.constant 0 : i32
        %dma_wait3A_119 = tpu.memref_slice %arg7[%dma_wait3A_112, %dma_wait3A_118] : memref<16x128xi32, #tpu.memory_space<vmem>> -> memref<1x128xi32, #tpu.memory_space<vmem>>
        %dma_wait3A_120 = tpu.memref_squeeze %dma_wait3A_119 : memref<1x128xi32, #tpu.memory_space<vmem>> -> memref<128xi32, #tpu.memory_space<vmem>>
        %dma_wait3A_121 = arith.constant 0 : i32
        %dma_wait3A_122 = arith.constant 0 : i32
        %dma_wait3A_123 = tpu.memref_slice %arg2[%dma_wait3A_121, %dma_wait3A_122] : memref<10000x128xf32, #tpu.memory_space<hbm>> -> memref<10000x128xf32, #tpu.memory_space<hbm>>
        tpu.wait_indirect_dma semaphore(%arg12 : memref<!tpu.dma_semaphore, #tpu.memory_space<semaphore_mem>>) src(%dma_wait3A_123 : memref<10000x128xf32, #tpu.memory_space<hbm>>) dst(%dma_wait3A_117 : memref<128x128xf32, #tpu.memory_space<vmem>>)
        %gt3A_124 = arith.constant 0 : i32
        %gt3A_125 = arith.cmpi sgt, %scan3A_107, %gt3A_124 : i32
        %convert_element_type3A_126 = arith.extui %gt3A_125 : i1 to i32
        %cond3A_127 = arith.constant 0 : i32
        %cond3A_128 = arith.cmpi ne, %convert_element_type3A_126, %cond3A_127 : i32
        scf.if %cond3A_128 {
          %dma_wait3A_202 = arith.constant 1 : i32
          %dma_wait3A_203 = arith.constant 0 : i32
          %dma_wait3A_204 = arith.constant 0 : i32
          %dma_wait3A_205 = arith.constant 0 : i32
          %dma_wait3A_206 = tpu.memref_slice %arg10[%dma_wait3A_202, %dma_wait3A_204, %dma_wait3A_205] : memref<2x128x128xf32, #tpu.memory_space<vmem>> -> memref<1x128x128xf32, #tpu.memory_space<vmem>>
          %dma_wait3A_207 = tpu.memref_squeeze %dma_wait3A_206 : memref<1x128x128xf32, #tpu.memory_space<vmem>> -> memref<128x128xf32, #tpu.memory_space<vmem>>
          %dma_wait3A_208 = arith.constant 0 : i32
          %dma_wait3A_209 = tpu.memref_slice %arg8[%dma_wait3A_203, %dma_wait3A_208] : memref<16x128xi32, #tpu.memory_space<vmem>> -> memref<1x128xi32, #tpu.memory_space<vmem>>
          %dma_wait3A_210 = tpu.memref_squeeze %dma_wait3A_209 : memref<1x128xi32, #tpu.memory_space<vmem>> -> memref<128xi32, #tpu.memory_space<vmem>>
          %dma_wait3A_211 = arith.constant 0 : i32
          %dma_wait3A_212 = arith.constant 0 : i32
          %dma_wait3A_213 = tpu.memref_slice %arg11[%dma_wait3A_211, %dma_wait3A_212] : memref<10240x128xf32, #tpu.memory_space<vmem_shared>> -> memref<10240x128xf32, #tpu.memory_space<vmem_shared>>
          tpu.wait_indirect_dma semaphore(%arg15 : memref<!tpu.dma_semaphore, #tpu.memory_space<semaphore_mem>>) src(%dma_wait3A_207 : memref<128x128xf32, #tpu.memory_space<vmem>>) dst(%dma_wait3A_213 : memref<10240x128xf32, #tpu.memory_space<vmem_shared>>)
        } else {
        }
        %dma_start3A_129 = arith.constant 1 : i32
        %dma_start3A_130 = arith.constant 0 : i32
        %dma_start3A_131 = arith.constant 0 : i32
        %dma_start3A_132 = tpu.memref_slice %arg10[%dma_start3A_129, %dma_start3A_130, %dma_start3A_131] : memref<2x128x128xf32, #tpu.memory_space<vmem>> -> memref<1x128x128xf32, #tpu.memory_space<vmem>>
        %dma_start3A_133 = tpu.memref_squeeze %dma_start3A_132 : memref<1x128x128xf32, #tpu.memory_space<vmem>> -> memref<128x128xf32, #tpu.memory_space<vmem>>
        %dma_start3A_134 = arith.constant 0 : i32
        %dma_start3A_135 = tpu.memref_slice %arg7[%add3A_111, %dma_start3A_134] : memref<16x128xi32, #tpu.memory_space<vmem>> -> memref<1x128xi32, #tpu.memory_space<vmem>>
        %dma_start3A_136 = tpu.memref_squeeze %dma_start3A_135 : memref<1x128xi32, #tpu.memory_space<vmem>> -> memref<128xi32, #tpu.memory_space<vmem>>
        %dma_start3A_137 = arith.constant 0 : i32
        %dma_start3A_138 = arith.constant 0 : i32
        %dma_start3A_139 = tpu.memref_slice %arg2[%dma_start3A_137, %dma_start3A_138] : memref<10000x128xf32, #tpu.memory_space<hbm>> -> memref<10000x128xf32, #tpu.memory_space<hbm>>
        tpu.enqueue_indirect_dma source(%dma_start3A_139 : memref<10000x128xf32, #tpu.memory_space<hbm>>) target(%dma_start3A_133 : memref<128x128xf32, #tpu.memory_space<vmem>>) offsets(%dma_start3A_136 : memref<128xi32, #tpu.memory_space<vmem>>) semaphore(%arg13 : memref<!tpu.dma_semaphore, #tpu.memory_space<semaphore_mem>>)
        %scan3A_140 = arith.constant 0 : i32
        %scan3A_141 = arith.constant 0 : i32
        %scan3A_142 = arith.constant 128 : i32
        %scan3A_143 = arith.addi %scan3A_141, %scan3A_142 : i32
        %scan3A_144 = arith.constant 1 : i32
        scf.for %scan3A_202 = %scan3A_141 to %scan3A_143 step %scan3A_144  : i32 {
          %mul3A_203 = arith.constant 128 : i32
          %mul3A_204 = arith.muli %mul3A_109, %mul3A_203 : i32
          %add3A_205 = arith.addi %mul3A_204, %scan3A_202 : i32
          %broadcast_in_dim3A_206 = vector.broadcast %add3A_205 : i32 to vector<16xi32>
          %gather3A = tpu.vector_load_idx %arg9[%broadcast_in_dim3A_206] : memref<2048xf32, #tpu.memory_space<vmem>>[vector<16xi32>], vector<16xf32>,
          %get3A = arith.constant 0 : i32
          %get3A_207 = arith.index_cast %get3A : i32 to index
          %get3A_208 = arith.index_cast %scan3A_202 : i32 to index
          %get3A_209 = arith.constant 0 : index
          %get3A_210 = tpu.vector_load %arg10[%get3A_207, %get3A_208, %get3A_209] {strides = array<i32>} : memref<2x128x128xf32, #tpu.memory_space<vmem>>, vector<16xf32>,
          %mul3A_211 = arith.mulf %get3A_210, %gather3A : vector<16xf32>
          %swap3A = arith.constant 0 : i32
          %swap3A_212 = arith.index_cast %swap3A : i32 to index
          %swap3A_213 = arith.index_cast %scan3A_202 : i32 to index
          %swap3A_214 = arith.constant 0 : index
          %swap3A_215 = tpu.vector_load %arg10[%swap3A_212, %swap3A_213, %swap3A_214] {strides = array<i32>} : memref<2x128x128xf32, #tpu.memory_space<vmem>>, vector<16xf32>,
          tpu.vector_store %arg10[%swap3A_212, %swap3A_213, %swap3A_214], %mul3A_211 {strides = array<i32>} : memref<2x128x128xf32, #tpu.memory_space<vmem>>, vector<16xf32>,
          %get3A_216 = arith.constant 0 : i32
          %get3A_217 = arith.index_cast %get3A_216 : i32 to index
          %get3A_218 = arith.index_cast %scan3A_202 : i32 to index
          %get3A_219 = arith.constant 16 : index
          %get3A_220 = tpu.vector_load %arg10[%get3A_217, %get3A_218, %get3A_219] {strides = array<i32>} : memref<2x128x128xf32, #tpu.memory_space<vmem>>, vector<16xf32>,
          %mul3A_221 = arith.mulf %get3A_220, %gather3A : vector<16xf32>
          %swap3A_222 = arith.constant 0 : i32
          %swap3A_223 = arith.index_cast %swap3A_222 : i32 to index
          %swap3A_224 = arith.index_cast %scan3A_202 : i32 to index
          %swap3A_225 = arith.constant 16 : index
          %swap3A_226 = tpu.vector_load %arg10[%swap3A_223, %swap3A_224, %swap3A_225] {strides = array<i32>} : memref<2x128x128xf32, #tpu.memory_space<vmem>>, vector<16xf32>,
          tpu.vector_store %arg10[%swap3A_223, %swap3A_224, %swap3A_225], %mul3A_221 {strides = array<i32>} : memref<2x128x128xf32, #tpu.memory_space<vmem>>, vector<16xf32>,
          %get3A_227 = arith.constant 0 : i32
          %get3A_228 = arith.index_cast %get3A_227 : i32 to index
          %get3A_229 = arith.index_cast %scan3A_202 : i32 to index
          %get3A_230 = arith.constant 32 : index
          %get3A_231 = tpu.vector_load %arg10[%get3A_228, %get3A_229, %get3A_230] {strides = array<i32>} : memref<2x128x128xf32, #tpu.memory_space<vmem>>, vector<16xf32>,
          %mul3A_232 = arith.mulf %get3A_231, %gather3A : vector<16xf32>
          %swap3A_233 = arith.constant 0 : i32
          %swap3A_234 = arith.index_cast %swap3A_233 : i32 to index
          %swap3A_235 = arith.index_cast %scan3A_202 : i32 to index
          %swap3A_236 = arith.constant 32 : index
          %swap3A_237 = tpu.vector_load %arg10[%swap3A_234, %swap3A_235, %swap3A_236] {strides = array<i32>} : memref<2x128x128xf32, #tpu.memory_space<vmem>>, vector<16xf32>,
          tpu.vector_store %arg10[%swap3A_234, %swap3A_235, %swap3A_236], %mul3A_232 {strides = array<i32>} : memref<2x128x128xf32, #tpu.memory_space<vmem>>, vector<16xf32>,
          %get3A_238 = arith.constant 0 : i32
          %get3A_239 = arith.index_cast %get3A_238 : i32 to index
          %get3A_240 = arith.index_cast %scan3A_202 : i32 to index
          %get3A_241 = arith.constant 48 : index
          %get3A_242 = tpu.vector_load %arg10[%get3A_239, %get3A_240, %get3A_241] {strides = array<i32>} : memref<2x128x128xf32, #tpu.memory_space<vmem>>, vector<16xf32>,
          %mul3A_243 = arith.mulf %get3A_242, %gather3A : vector<16xf32>
          %swap3A_244 = arith.constant 0 : i32
          %swap3A_245 = arith.index_cast %swap3A_244 : i32 to index
          %swap3A_246 = arith.index_cast %scan3A_202 : i32 to index
          %swap3A_247 = arith.constant 48 : index
          %swap3A_248 = tpu.vector_load %arg10[%swap3A_245, %swap3A_246, %swap3A_247] {strides = array<i32>} : memref<2x128x128xf32, #tpu.memory_space<vmem>>, vector<16xf32>,
          tpu.vector_store %arg10[%swap3A_245, %swap3A_246, %swap3A_247], %mul3A_243 {strides = array<i32>} : memref<2x128x128xf32, #tpu.memory_space<vmem>>, vector<16xf32>,
          %get3A_249 = arith.constant 0 : i32
          %get3A_250 = arith.index_cast %get3A_249 : i32 to index
          %get3A_251 = arith.index_cast %scan3A_202 : i32 to index
          %get3A_252 = arith.constant 64 : index
          %get3A_253 = tpu.vector_load %arg10[%get3A_250, %get3A_251, %get3A_252] {strides = array<i32>} : memref<2x128x128xf32, #tpu.memory_space<vmem>>, vector<16xf32>,
          %mul3A_254 = arith.mulf %get3A_253, %gather3A : vector<16xf32>
          %swap3A_255 = arith.constant 0 : i32
          %swap3A_256 = arith.index_cast %swap3A_255 : i32 to index
          %swap3A_257 = arith.index_cast %scan3A_202 : i32 to index
          %swap3A_258 = arith.constant 64 : index
          %swap3A_259 = tpu.vector_load %arg10[%swap3A_256, %swap3A_257, %swap3A_258] {strides = array<i32>} : memref<2x128x128xf32, #tpu.memory_space<vmem>>, vector<16xf32>,
          tpu.vector_store %arg10[%swap3A_256, %swap3A_257, %swap3A_258], %mul3A_254 {strides = array<i32>} : memref<2x128x128xf32, #tpu.memory_space<vmem>>, vector<16xf32>,
          %get3A_260 = arith.constant 0 : i32
          %get3A_261 = arith.index_cast %get3A_260 : i32 to index
          %get3A_262 = arith.index_cast %scan3A_202 : i32 to index
          %get3A_263 = arith.constant 80 : index
          %get3A_264 = tpu.vector_load %arg10[%get3A_261, %get3A_262, %get3A_263] {strides = array<i32>} : memref<2x128x128xf32, #tpu.memory_space<vmem>>, vector<16xf32>,
          %mul3A_265 = arith.mulf %get3A_264, %gather3A : vector<16xf32>
          %swap3A_266 = arith.constant 0 : i32
          %swap3A_267 = arith.index_cast %swap3A_266 : i32 to index
          %swap3A_268 = arith.index_cast %scan3A_202 : i32 to index
          %swap3A_269 = arith.constant 80 : index
          %swap3A_270 = tpu.vector_load %arg10[%swap3A_267, %swap3A_268, %swap3A_269] {strides = array<i32>} : memref<2x128x128xf32, #tpu.memory_space<vmem>>, vector<16xf32>,
          tpu.vector_store %arg10[%swap3A_267, %swap3A_268, %swap3A_269], %mul3A_265 {strides = array<i32>} : memref<2x128x128xf32, #tpu.memory_space<vmem>>, vector<16xf32>,
          %get3A_271 = arith.constant 0 : i32
          %get3A_272 = arith.index_cast %get3A_271 : i32 to index
          %get3A_273 = arith.index_cast %scan3A_202 : i32 to index
          %get3A_274 = arith.constant 96 : index
          %get3A_275 = tpu.vector_load %arg10[%get3A_272, %get3A_273, %get3A_274] {strides = array<i32>} : memref<2x128x128xf32, #tpu.memory_space<vmem>>, vector<16xf32>,
          %mul3A_276 = arith.mulf %get3A_275, %gather3A : vector<16xf32>
          %swap3A_277 = arith.constant 0 : i32
          %swap3A_278 = arith.index_cast %swap3A_277 : i32 to index
          %swap3A_279 = arith.index_cast %scan3A_202 : i32 to index
          %swap3A_280 = arith.constant 96 : index
          %swap3A_281 = tpu.vector_load %arg10[%swap3A_278, %swap3A_279, %swap3A_280] {strides = array<i32>} : memref<2x128x128xf32, #tpu.memory_space<vmem>>, vector<16xf32>,
          tpu.vector_store %arg10[%swap3A_278, %swap3A_279, %swap3A_280], %mul3A_276 {strides = array<i32>} : memref<2x128x128xf32, #tpu.memory_space<vmem>>, vector<16xf32>,
          %get3A_282 = arith.constant 0 : i32
          %get3A_283 = arith.index_cast %get3A_282 : i32 to index
          %get3A_284 = arith.index_cast %scan3A_202 : i32 to index
          %get3A_285 = arith.constant 112 : index
          %get3A_286 = tpu.vector_load %arg10[%get3A_283, %get3A_284, %get3A_285] {strides = array<i32>} : memref<2x128x128xf32, #tpu.memory_space<vmem>>, vector<16xf32>,
          %mul3A_287 = arith.mulf %get3A_286, %gather3A : vector<16xf32>
          %swap3A_288 = arith.constant 0 : i32
          %swap3A_289 = arith.index_cast %swap3A_288 : i32 to index
          %swap3A_290 = arith.index_cast %scan3A_202 : i32 to index
          %swap3A_291 = arith.constant 112 : index
          %swap3A_292 = tpu.vector_load %arg10[%swap3A_289, %swap3A_290, %swap3A_291] {strides = array<i32>} : memref<2x128x128xf32, #tpu.memory_space<vmem>>, vector<16xf32>,
          tpu.vector_store %arg10[%swap3A_289, %swap3A_290, %swap3A_291], %mul3A_287 {strides = array<i32>} : memref<2x128x128xf32, #tpu.memory_space<vmem>>, vector<16xf32>,
        }
        %scan3A_145 = arith.constant 128 : i32
        %dma_start3A_146 = arith.constant 0 : i32
        %dma_start3A_147 = arith.constant 0 : i32
        %dma_start3A_148 = arith.constant 0 : i32
        %dma_start3A_149 = tpu.memref_slice %arg10[%dma_start3A_146, %dma_start3A_147, %dma_start3A_148] : memref<2x128x128xf32, #tpu.memory_space<vmem>> -> memref<1x128x128xf32, #tpu.memory_space<vmem>>
        %dma_start3A_150 = tpu.memref_squeeze %dma_start3A_149 : memref<1x128x128xf32, #tpu.memory_space<vmem>> -> memref<128x128xf32, #tpu.memory_space<vmem>>
        %dma_start3A_151 = arith.constant 0 : i32
        %dma_start3A_152 = tpu.memref_slice %arg8[%mul3A_109, %dma_start3A_151] : memref<16x128xi32, #tpu.memory_space<vmem>> -> memref<1x128xi32, #tpu.memory_space<vmem>>
        %dma_start3A_153 = tpu.memref_squeeze %dma_start3A_152 : memref<1x128xi32, #tpu.memory_space<vmem>> -> memref<128xi32, #tpu.memory_space<vmem>>
        %dma_start3A_154 = arith.constant 0 : i32
        %dma_start3A_155 = arith.constant 0 : i32
        %dma_start3A_156 = tpu.memref_slice %arg11[%dma_start3A_154, %dma_start3A_155] : memref<10240x128xf32, #tpu.memory_space<vmem_shared>> -> memref<10240x128xf32, #tpu.memory_space<vmem_shared>>
        tpu.enqueue_indirect_dma source(%dma_start3A_150 : memref<128x128xf32, #tpu.memory_space<vmem>>) target(%dma_start3A_156 : memref<10240x128xf32, #tpu.memory_space<vmem_shared>>) offsets(%dma_start3A_153 : memref<128xi32, #tpu.memory_space<vmem>>) semaphore(%arg14 : memref<!tpu.dma_semaphore, #tpu.memory_space<semaphore_mem>>) {add = true}
        %dma_wait3A_157 = arith.constant 0 : i32
        %dma_wait3A_158 = arith.constant 1 : i32
        %dma_wait3A_159 = arith.constant 0 : i32
        %dma_wait3A_160 = arith.constant 0 : i32
        %dma_wait3A_161 = tpu.memref_slice %arg10[%dma_wait3A_158, %dma_wait3A_159, %dma_wait3A_160] : memref<2x128x128xf32, #tpu.memory_space<vmem>> -> memref<1x128x128xf32, #tpu.memory_space<vmem>>
        %dma_wait3A_162 = tpu.memref_squeeze %dma_wait3A_161 : memref<1x128x128xf32, #tpu.memory_space<vmem>> -> memref<128x128xf32, #tpu.memory_space<vmem>>
        %dma_wait3A_163 = arith.constant 0 : i32
        %dma_wait3A_164 = tpu.memref_slice %arg7[%dma_wait3A_157, %dma_wait3A_163] : memref<16x128xi32, #tpu.memory_space<vmem>> -> memref<1x128xi32, #tpu.memory_space<vmem>>
        %dma_wait3A_165 = tpu.memref_squeeze %dma_wait3A_164 : memref<1x128xi32, #tpu.memory_space<vmem>> -> memref<128xi32, #tpu.memory_space<vmem>>
        %dma_wait3A_166 = arith.constant 0 : i32
        %dma_wait3A_167 = arith.constant 0 : i32
        %dma_wait3A_168 = tpu.memref_slice %arg2[%dma_wait3A_166, %dma_wait3A_167] : memref<10000x128xf32, #tpu.memory_space<hbm>> -> memref<10000x128xf32, #tpu.memory_space<hbm>>
        tpu.wait_indirect_dma semaphore(%arg13 : memref<!tpu.dma_semaphore, #tpu.memory_space<semaphore_mem>>) src(%dma_wait3A_168 : memref<10000x128xf32, #tpu.memory_space<hbm>>) dst(%dma_wait3A_162 : memref<128x128xf32, #tpu.memory_space<vmem>>)
        %scan3A_169 = arith.constant 0 : i32
        %scan3A_170 = arith.constant 0 : i32
        %scan3A_171 = arith.constant 128 : i32
        %scan3A_172 = arith.addi %scan3A_170, %scan3A_171 : i32
        %scan3A_173 = arith.constant 1 : i32
        scf.for %scan3A_202 = %scan3A_170 to %scan3A_172 step %scan3A_173  : i32 {
          %mul3A_203 = arith.constant 128 : i32
          %mul3A_204 = arith.muli %add3A_111, %mul3A_203 : i32
          %add3A_205 = arith.addi %mul3A_204, %scan3A_202 : i32
          %broadcast_in_dim3A_206 = vector.broadcast %add3A_205 : i32 to vector<16xi32>
          %gather3A = tpu.vector_load_idx %arg9[%broadcast_in_dim3A_206] : memref<2048xf32, #tpu.memory_space<vmem>>[vector<16xi32>], vector<16xf32>,
          %get3A = arith.constant 1 : i32
          %get3A_207 = arith.index_cast %get3A : i32 to index
          %get3A_208 = arith.index_cast %scan3A_202 : i32 to index
          %get3A_209 = arith.constant 0 : index
          %get3A_210 = tpu.vector_load %arg10[%get3A_207, %get3A_208, %get3A_209] {strides = array<i32>} : memref<2x128x128xf32, #tpu.memory_space<vmem>>, vector<16xf32>,
          %mul3A_211 = arith.mulf %get3A_210, %gather3A : vector<16xf32>
          %swap3A = arith.constant 1 : i32
          %swap3A_212 = arith.index_cast %swap3A : i32 to index
          %swap3A_213 = arith.index_cast %scan3A_202 : i32 to index
          %swap3A_214 = arith.constant 0 : index
          %swap3A_215 = tpu.vector_load %arg10[%swap3A_212, %swap3A_213, %swap3A_214] {strides = array<i32>} : memref<2x128x128xf32, #tpu.memory_space<vmem>>, vector<16xf32>,
          tpu.vector_store %arg10[%swap3A_212, %swap3A_213, %swap3A_214], %mul3A_211 {strides = array<i32>} : memref<2x128x128xf32, #tpu.memory_space<vmem>>, vector<16xf32>,
          %get3A_216 = arith.constant 1 : i32
          %get3A_217 = arith.index_cast %get3A_216 : i32 to index
          %get3A_218 = arith.index_cast %scan3A_202 : i32 to index
          %get3A_219 = arith.constant 16 : index
          %get3A_220 = tpu.vector_load %arg10[%get3A_217, %get3A_218, %get3A_219] {strides = array<i32>} : memref<2x128x128xf32, #tpu.memory_space<vmem>>, vector<16xf32>,
          %mul3A_221 = arith.mulf %get3A_220, %gather3A : vector<16xf32>
          %swap3A_222 = arith.constant 1 : i32
          %swap3A_223 = arith.index_cast %swap3A_222 : i32 to index
          %swap3A_224 = arith.index_cast %scan3A_202 : i32 to index
          %swap3A_225 = arith.constant 16 : index
          %swap3A_226 = tpu.vector_load %arg10[%swap3A_223, %swap3A_224, %swap3A_225] {strides = array<i32>} : memref<2x128x128xf32, #tpu.memory_space<vmem>>, vector<16xf32>,
          tpu.vector_store %arg10[%swap3A_223, %swap3A_224, %swap3A_225], %mul3A_221 {strides = array<i32>} : memref<2x128x128xf32, #tpu.memory_space<vmem>>, vector<16xf32>,
          %get3A_227 = arith.constant 1 : i32
          %get3A_228 = arith.index_cast %get3A_227 : i32 to index
          %get3A_229 = arith.index_cast %scan3A_202 : i32 to index
          %get3A_230 = arith.constant 32 : index
          %get3A_231 = tpu.vector_load %arg10[%get3A_228, %get3A_229, %get3A_230] {strides = array<i32>} : memref<2x128x128xf32, #tpu.memory_space<vmem>>, vector<16xf32>,
          %mul3A_232 = arith.mulf %get3A_231, %gather3A : vector<16xf32>
          %swap3A_233 = arith.constant 1 : i32
          %swap3A_234 = arith.index_cast %swap3A_233 : i32 to index
          %swap3A_235 = arith.index_cast %scan3A_202 : i32 to index
          %swap3A_236 = arith.constant 32 : index
          %swap3A_237 = tpu.vector_load %arg10[%swap3A_234, %swap3A_235, %swap3A_236] {strides = array<i32>} : memref<2x128x128xf32, #tpu.memory_space<vmem>>, vector<16xf32>,
          tpu.vector_store %arg10[%swap3A_234, %swap3A_235, %swap3A_236], %mul3A_232 {strides = array<i32>} : memref<2x128x128xf32, #tpu.memory_space<vmem>>, vector<16xf32>,
          %get3A_238 = arith.constant 1 : i32
          %get3A_239 = arith.index_cast %get3A_238 : i32 to index
          %get3A_240 = arith.index_cast %scan3A_202 : i32 to index
          %get3A_241 = arith.constant 48 : index
          %get3A_242 = tpu.vector_load %arg10[%get3A_239, %get3A_240, %get3A_241] {strides = array<i32>} : memref<2x128x128xf32, #tpu.memory_space<vmem>>, vector<16xf32>,
          %mul3A_243 = arith.mulf %get3A_242, %gather3A : vector<16xf32>
          %swap3A_244 = arith.constant 1 : i32
          %swap3A_245 = arith.index_cast %swap3A_244 : i32 to index
          %swap3A_246 = arith.index_cast %scan3A_202 : i32 to index
          %swap3A_247 = arith.constant 48 : index
          %swap3A_248 = tpu.vector_load %arg10[%swap3A_245, %swap3A_246, %swap3A_247] {strides = array<i32>} : memref<2x128x128xf32, #tpu.memory_space<vmem>>, vector<16xf32>,
          tpu.vector_store %arg10[%swap3A_245, %swap3A_246, %swap3A_247], %mul3A_243 {strides = array<i32>} : memref<2x128x128xf32, #tpu.memory_space<vmem>>, vector<16xf32>,
          %get3A_249 = arith.constant 1 : i32
          %get3A_250 = arith.index_cast %get3A_249 : i32 to index
          %get3A_251 = arith.index_cast %scan3A_202 : i32 to index
          %get3A_252 = arith.constant 64 : index
          %get3A_253 = tpu.vector_load %arg10[%get3A_250, %get3A_251, %get3A_252] {strides = array<i32>} : memref<2x128x128xf32, #tpu.memory_space<vmem>>, vector<16xf32>,
          %mul3A_254 = arith.mulf %get3A_253, %gather3A : vector<16xf32>
          %swap3A_255 = arith.constant 1 : i32
          %swap3A_256 = arith.index_cast %swap3A_255 : i32 to index
          %swap3A_257 = arith.index_cast %scan3A_202 : i32 to index
          %swap3A_258 = arith.constant 64 : index
          %swap3A_259 = tpu.vector_load %arg10[%swap3A_256, %swap3A_257, %swap3A_258] {strides = array<i32>} : memref<2x128x128xf32, #tpu.memory_space<vmem>>, vector<16xf32>,
          tpu.vector_store %arg10[%swap3A_256, %swap3A_257, %swap3A_258], %mul3A_254 {strides = array<i32>} : memref<2x128x128xf32, #tpu.memory_space<vmem>>, vector<16xf32>,
          %get3A_260 = arith.constant 1 : i32
          %get3A_261 = arith.index_cast %get3A_260 : i32 to index
          %get3A_262 = arith.index_cast %scan3A_202 : i32 to index
          %get3A_263 = arith.constant 80 : index
          %get3A_264 = tpu.vector_load %arg10[%get3A_261, %get3A_262, %get3A_263] {strides = array<i32>} : memref<2x128x128xf32, #tpu.memory_space<vmem>>, vector<16xf32>,
          %mul3A_265 = arith.mulf %get3A_264, %gather3A : vector<16xf32>
          %swap3A_266 = arith.constant 1 : i32
          %swap3A_267 = arith.index_cast %swap3A_266 : i32 to index
          %swap3A_268 = arith.index_cast %scan3A_202 : i32 to index
          %swap3A_269 = arith.constant 80 : index
          %swap3A_270 = tpu.vector_load %arg10[%swap3A_267, %swap3A_268, %swap3A_269] {strides = array<i32>} : memref<2x128x128xf32, #tpu.memory_space<vmem>>, vector<16xf32>,
          tpu.vector_store %arg10[%swap3A_267, %swap3A_268, %swap3A_269], %mul3A_265 {strides = array<i32>} : memref<2x128x128xf32, #tpu.memory_space<vmem>>, vector<16xf32>,
          %get3A_271 = arith.constant 1 : i32
          %get3A_272 = arith.index_cast %get3A_271 : i32 to index
          %get3A_273 = arith.index_cast %scan3A_202 : i32 to index
          %get3A_274 = arith.constant 96 : index
          %get3A_275 = tpu.vector_load %arg10[%get3A_272, %get3A_273, %get3A_274] {strides = array<i32>} : memref<2x128x128xf32, #tpu.memory_space<vmem>>, vector<16xf32>,
          %mul3A_276 = arith.mulf %get3A_275, %gather3A : vector<16xf32>
          %swap3A_277 = arith.constant 1 : i32
          %swap3A_278 = arith.index_cast %swap3A_277 : i32 to index
          %swap3A_279 = arith.index_cast %scan3A_202 : i32 to index
          %swap3A_280 = arith.constant 96 : index
          %swap3A_281 = tpu.vector_load %arg10[%swap3A_278, %swap3A_279, %swap3A_280] {strides = array<i32>} : memref<2x128x128xf32, #tpu.memory_space<vmem>>, vector<16xf32>,
          tpu.vector_store %arg10[%swap3A_278, %swap3A_279, %swap3A_280], %mul3A_276 {strides = array<i32>} : memref<2x128x128xf32, #tpu.memory_space<vmem>>, vector<16xf32>,
          %get3A_282 = arith.constant 1 : i32
          %get3A_283 = arith.index_cast %get3A_282 : i32 to index
          %get3A_284 = arith.index_cast %scan3A_202 : i32 to index
          %get3A_285 = arith.constant 112 : index
          %get3A_286 = tpu.vector_load %arg10[%get3A_283, %get3A_284, %get3A_285] {strides = array<i32>} : memref<2x128x128xf32, #tpu.memory_space<vmem>>, vector<16xf32>,
          %mul3A_287 = arith.mulf %get3A_286, %gather3A : vector<16xf32>
          %swap3A_288 = arith.constant 1 : i32
          %swap3A_289 = arith.index_cast %swap3A_288 : i32 to index
          %swap3A_290 = arith.index_cast %scan3A_202 : i32 to index
          %swap3A_291 = arith.constant 112 : index
          %swap3A_292 = tpu.vector_load %arg10[%swap3A_289, %swap3A_290, %swap3A_291] {strides = array<i32>} : memref<2x128x128xf32, #tpu.memory_space<vmem>>, vector<16xf32>,
          tpu.vector_store %arg10[%swap3A_289, %swap3A_290, %swap3A_291], %mul3A_287 {strides = array<i32>} : memref<2x128x128xf32, #tpu.memory_space<vmem>>, vector<16xf32>,
        }
        %scan3A_174 = arith.constant 128 : i32
        %dma_wait3A_175 = arith.constant 0 : i32
        %dma_wait3A_176 = arith.constant 0 : i32
        %dma_wait3A_177 = arith.constant 0 : i32
        %dma_wait3A_178 = arith.constant 0 : i32
        %dma_wait3A_179 = tpu.memref_slice %arg10[%dma_wait3A_175, %dma_wait3A_177, %dma_wait3A_178] : memref<2x128x128xf32, #tpu.memory_space<vmem>> -> memref<1x128x128xf32, #tpu.memory_space<vmem>>
        %dma_wait3A_180 = tpu.memref_squeeze %dma_wait3A_179 : memref<1x128x128xf32, #tpu.memory_space<vmem>> -> memref<128x128xf32, #tpu.memory_space<vmem>>
        %dma_wait3A_181 = arith.constant 0 : i32
        %dma_wait3A_182 = tpu.memref_slice %arg8[%dma_wait3A_176, %dma_wait3A_181] : memref<16x128xi32, #tpu.memory_space<vmem>> -> memref<1x128xi32, #tpu.memory_space<vmem>>
        %dma_wait3A_183 = tpu.memref_squeeze %dma_wait3A_182 : memref<1x128xi32, #tpu.memory_space<vmem>> -> memref<128xi32, #tpu.memory_space<vmem>>
        %dma_wait3A_184 = arith.constant 0 : i32
        %dma_wait3A_185 = arith.constant 0 : i32
        %dma_wait3A_186 = tpu.memref_slice %arg11[%dma_wait3A_184, %dma_wait3A_185] : memref<10240x128xf32, #tpu.memory_space<vmem_shared>> -> memref<10240x128xf32, #tpu.memory_space<vmem_shared>>
        tpu.wait_indirect_dma semaphore(%arg14 : memref<!tpu.dma_semaphore, #tpu.memory_space<semaphore_mem>>) src(%dma_wait3A_180 : memref<128x128xf32, #tpu.memory_space<vmem>>) dst(%dma_wait3A_186 : memref<10240x128xf32, #tpu.memory_space<vmem_shared>>)
        %lt3A = arith.constant 7 : i32
        %lt3A_187 = arith.cmpi slt, %scan3A_107, %lt3A : i32
        %convert_element_type3A_188 = arith.extui %lt3A_187 : i1 to i32
        %cond3A_189 = arith.constant 0 : i32
        %cond3A_190 = arith.cmpi ne, %convert_element_type3A_188, %cond3A_189 : i32
        scf.if %cond3A_190 {
          %add3A_202 = arith.constant 2 : i32
          %add3A_203 = arith.addi %mul3A_109, %add3A_202 : i32
          %dma_start3A_204 = arith.constant 0 : i32
          %dma_start3A_205 = arith.constant 0 : i32
          %dma_start3A_206 = arith.constant 0 : i32
          %dma_start3A_207 = tpu.memref_slice %arg10[%dma_start3A_204, %dma_start3A_205, %dma_start3A_206] : memref<2x128x128xf32, #tpu.memory_space<vmem>> -> memref<1x128x128xf32, #tpu.memory_space<vmem>>
          %dma_start3A_208 = tpu.memref_squeeze %dma_start3A_207 : memref<1x128x128xf32, #tpu.memory_space<vmem>> -> memref<128x128xf32, #tpu.memory_space<vmem>>
          %dma_start3A_209 = arith.constant 0 : i32
          %dma_start3A_210 = tpu.memref_slice %arg7[%add3A_203, %dma_start3A_209] : memref<16x128xi32, #tpu.memory_space<vmem>> -> memref<1x128xi32, #tpu.memory_space<vmem>>
          %dma_start3A_211 = tpu.memref_squeeze %dma_start3A_210 : memref<1x128xi32, #tpu.memory_space<vmem>> -> memref<128xi32, #tpu.memory_space<vmem>>
          %dma_start3A_212 = arith.constant 0 : i32
          %dma_start3A_213 = arith.constant 0 : i32
          %dma_start3A_214 = tpu.memref_slice %arg2[%dma_start3A_212, %dma_start3A_213] : memref<10000x128xf32, #tpu.memory_space<hbm>> -> memref<10000x128xf32, #tpu.memory_space<hbm>>
          tpu.enqueue_indirect_dma source(%dma_start3A_214 : memref<10000x128xf32, #tpu.memory_space<hbm>>) target(%dma_start3A_208 : memref<128x128xf32, #tpu.memory_space<vmem>>) offsets(%dma_start3A_211 : memref<128xi32, #tpu.memory_space<vmem>>) semaphore(%arg12 : memref<!tpu.dma_semaphore, #tpu.memory_space<semaphore_mem>>)
        } else {
        }
        %dma_start3A_191 = arith.constant 1 : i32
        %dma_start3A_192 = arith.constant 0 : i32
        %dma_start3A_193 = arith.constant 0 : i32
        %dma_start3A_194 = tpu.memref_slice %arg10[%dma_start3A_191, %dma_start3A_192, %dma_start3A_193] : memref<2x128x128xf32, #tpu.memory_space<vmem>> -> memref<1x128x128xf32, #tpu.memory_space<vmem>>
        %dma_start3A_195 = tpu.memref_squeeze %dma_start3A_194 : memref<1x128x128xf32, #tpu.memory_space<vmem>> -> memref<128x128xf32, #tpu.memory_space<vmem>>
        %dma_start3A_196 = arith.constant 0 : i32
        %dma_start3A_197 = tpu.memref_slice %arg8[%add3A_111, %dma_start3A_196] : memref<16x128xi32, #tpu.memory_space<vmem>> -> memref<1x128xi32, #tpu.memory_space<vmem>>
        %dma_start3A_198 = tpu.memref_squeeze %dma_start3A_197 : memref<1x128xi32, #tpu.memory_space<vmem>> -> memref<128xi32, #tpu.memory_space<vmem>>
        %dma_start3A_199 = arith.constant 0 : i32
        %dma_start3A_200 = arith.constant 0 : i32
        %dma_start3A_201 = tpu.memref_slice %arg11[%dma_start3A_199, %dma_start3A_200] : memref<10240x128xf32, #tpu.memory_space<vmem_shared>> -> memref<10240x128xf32, #tpu.memory_space<vmem_shared>>
        tpu.enqueue_indirect_dma source(%dma_start3A_195 : memref<128x128xf32, #tpu.memory_space<vmem>>) target(%dma_start3A_201 : memref<10240x128xf32, #tpu.memory_space<vmem_shared>>) offsets(%dma_start3A_198 : memref<128xi32, #tpu.memory_space<vmem>>) semaphore(%arg15 : memref<!tpu.dma_semaphore, #tpu.memory_space<semaphore_mem>>) {add = true}
      }
      %scan3A_106 = arith.constant 8 : i32
    }
    %scan3A_36 = arith.constant 5 : i32
    %dma_wait3A = arith.constant 1 : i32
    %dma_wait3A_37 = arith.constant 0 : i32
    %dma_wait3A_38 = arith.constant 0 : i32
    %dma_wait3A_39 = arith.constant 0 : i32
    %dma_wait3A_40 = tpu.memref_slice %arg10[%dma_wait3A, %dma_wait3A_38, %dma_wait3A_39] : memref<2x128x128xf32, #tpu.memory_space<vmem>> -> memref<1x128x128xf32, #tpu.memory_space<vmem>>
    %dma_wait3A_41 = tpu.memref_squeeze %dma_wait3A_40 : memref<1x128x128xf32, #tpu.memory_space<vmem>> -> memref<128x128xf32, #tpu.memory_space<vmem>>
    %dma_wait3A_42 = arith.constant 0 : i32
    %dma_wait3A_43 = tpu.memref_slice %arg8[%dma_wait3A_37, %dma_wait3A_42] : memref<16x128xi32, #tpu.memory_space<vmem>> -> memref<1x128xi32, #tpu.memory_space<vmem>>
    %dma_wait3A_44 = tpu.memref_squeeze %dma_wait3A_43 : memref<1x128xi32, #tpu.memory_space<vmem>> -> memref<128xi32, #tpu.memory_space<vmem>>
    %dma_wait3A_45 = arith.constant 0 : i32
    %dma_wait3A_46 = arith.constant 0 : i32
    %dma_wait3A_47 = tpu.memref_slice %arg11[%dma_wait3A_45, %dma_wait3A_46] : memref<10240x128xf32, #tpu.memory_space<vmem_shared>> -> memref<10240x128xf32, #tpu.memory_space<vmem_shared>>
    tpu.wait_indirect_dma semaphore(%arg15 : memref<!tpu.dma_semaphore, #tpu.memory_space<semaphore_mem>>) src(%dma_wait3A_41 : memref<128x128xf32, #tpu.memory_space<vmem>>) dst(%dma_wait3A_47 : memref<10240x128xf32, #tpu.memory_space<vmem_shared>>)
    %barrier3A_48 = arith.constant 0 : index
    tpu.barrier barrier_id(%barrier3A_48)
    %mul3A_49 = arith.constant 640 : i32
    %mul3A_50 = arith.muli %arg1, %mul3A_49 : i32
    %add3A_51 = arith.constant 0 : i32
    %add3A_52 = arith.addi %mul3A_50, %add3A_51 : i32
    %run_scoped3A_53 = arith.constant 0 : i32
    "tpu.region"() ({
      %run_scoped3A_79 = tpu.sem_alloc : memref<!tpu.dma_semaphore, #tpu.memory_space<semaphore_mem>>
      %dma_start3A = arith.constant 0 : i32
      %dma_start3A_80 = arith.constant 0 : i32
      %dma_start3A_81 = tpu.memref_slice %arg10[%run_scoped3A_53, %dma_start3A, %dma_start3A_80] : memref<2x128x128xf32, #tpu.memory_space<vmem>> -> memref<1x128x128xf32, #tpu.memory_space<vmem>>
      %dma_start3A_82 = tpu.memref_squeeze %dma_start3A_81 : memref<1x128x128xf32, #tpu.memory_space<vmem>> -> memref<128x128xf32, #tpu.memory_space<vmem>>
      %dma_start3A_83 = arith.constant 0 : i32
      %dma_start3A_84 = tpu.memref_slice %arg11[%add3A_52, %dma_start3A_83] : memref<10240x128xf32, #tpu.memory_space<vmem_shared>> -> memref<128x128xf32, #tpu.memory_space<vmem_shared>>
      %dma_start3A_85 = arith.constant 0 : i32
      %dma_start3A_86 = arith.constant 0 : i32
      %dma_start3A_87 = tpu.memref_slice %arg10[%run_scoped3A_53, %dma_start3A_85, %dma_start3A_86] : memref<2x128x128xf32, #tpu.memory_space<vmem>> -> memref<1x128x128xf32, #tpu.memory_space<vmem>>
      %dma_start3A_88 = tpu.memref_squeeze %dma_start3A_87 : memref<1x128x128xf32, #tpu.memory_space<vmem>> -> memref<128x128xf32, #tpu.memory_space<vmem>>
      %dma_start3A_89 = arith.constant 0 : i32
      %dma_start3A_90 = tpu.memref_slice %arg11[%add3A_52, %dma_start3A_89] : memref<10240x128xf32, #tpu.memory_space<vmem_shared>> -> memref<128x128xf32, #tpu.memory_space<vmem_shared>>
      tpu.enqueue_dma source(%dma_start3A_90 : memref<128x128xf32, #tpu.memory_space<vmem_shared>>) target(%dma_start3A_88 : memref<128x128xf32, #tpu.memory_space<vmem>>) target_semaphore(%run_scoped3A_79 : memref<!tpu.dma_semaphore, #tpu.memory_space<semaphore_mem>>)
      %dma_wait3A_91 = arith.constant 0 : i32
      %dma_wait3A_92 = arith.constant 0 : i32
      %dma_wait3A_93 = tpu.memref_slice %arg10[%run_scoped3A_53, %dma_wait3A_91, %dma_wait3A_92] : memref<2x128x128xf32, #tpu.memory_space<vmem>> -> memref<1x128x128xf32, #tpu.memory_space<vmem>>
      %dma_wait3A_94 = tpu.memref_squeeze %dma_wait3A_93 : memref<1x128x128xf32, #tpu.memory_space<vmem>> -> memref<128x128xf32, #tpu.memory_space<vmem>>
      %dma_wait3A_95 = arith.constant 0 : i32
      %dma_wait3A_96 = tpu.memref_slice %arg11[%add3A_52, %dma_wait3A_95] : memref<10240x128xf32, #tpu.memory_space<vmem_shared>> -> memref<128x128xf32, #tpu.memory_space<vmem_shared>>
      %dma_wait3A_97 = arith.constant 0 : i32
      %dma_wait3A_98 = arith.constant 0 : i32
      %dma_wait3A_99 = tpu.memref_slice %arg10[%run_scoped3A_53, %dma_wait3A_97, %dma_wait3A_98] : memref<2x128x128xf32, #tpu.memory_space<vmem>> -> memref<1x128x128xf32, #tpu.memory_space<vmem>>
      %dma_wait3A_100 = tpu.memref_squeeze %dma_wait3A_99 : memref<1x128x128xf32, #tpu.memory_space<vmem>> -> memref<128x128xf32, #tpu.memory_space<vmem>>
      %dma_wait3A_101 = arith.constant 0 : i32
      %dma_wait3A_102 = tpu.memref_slice %arg11[%add3A_52, %dma_wait3A_101] : memref<10240x128xf32, #tpu.memory_space<vmem_shared>> -> memref<128x128xf32, #tpu.memory_space<vmem_shared>>
      tpu.wait_dma2 semaphore(%run_scoped3A_79 : memref<!tpu.dma_semaphore, #tpu.memory_space<semaphore_mem>>) src(%dma_wait3A_102 : memref<128x128xf32, #tpu.memory_space<vmem_shared>>) dst(%dma_wait3A_100 : memref<128x128xf32, #tpu.memory_space<vmem>>)
      tpu.yield
    }) : () -> ()
    %run_scoped3A_54 = arith.constant 0 : i32
    "tpu.region"() ({
      %run_scoped3A_79 = tpu.sem_alloc : memref<!tpu.dma_semaphore, #tpu.memory_space<semaphore_mem>>
      %dma_start3A = arith.constant 0 : i32
      %dma_start3A_80 = arith.constant 0 : i32
      %dma_start3A_81 = tpu.memref_slice %arg10[%run_scoped3A_54, %dma_start3A, %dma_start3A_80] : memref<2x128x128xf32, #tpu.memory_space<vmem>> -> memref<1x128x128xf32, #tpu.memory_space<vmem>>
      %dma_start3A_82 = tpu.memref_squeeze %dma_start3A_81 : memref<1x128x128xf32, #tpu.memory_space<vmem>> -> memref<128x128xf32, #tpu.memory_space<vmem>>
      %dma_start3A_83 = arith.constant 0 : i32
      %dma_start3A_84 = tpu.memref_slice %arg6[%arg0, %add3A_52, %dma_start3A_83] : memref<2x10240x128xf32, #tpu.memory_space<hbm>> -> memref<1x128x128xf32, #tpu.memory_space<hbm>>
      %dma_start3A_85 = tpu.memref_squeeze %dma_start3A_84 : memref<1x128x128xf32, #tpu.memory_space<hbm>> -> memref<128x128xf32, #tpu.memory_space<hbm>>
      %dma_start3A_86 = arith.constant 0 : i32
      %dma_start3A_87 = tpu.memref_slice %arg6[%arg0, %add3A_52, %dma_start3A_86] : memref<2x10240x128xf32, #tpu.memory_space<hbm>> -> memref<1x128x128xf32, #tpu.memory_space<hbm>>
      %dma_start3A_88 = tpu.memref_squeeze %dma_start3A_87 : memref<1x128x128xf32, #tpu.memory_space<hbm>> -> memref<128x128xf32, #tpu.memory_space<hbm>>
      %dma_start3A_89 = arith.constant 0 : i32
      %dma_start3A_90 = arith.constant 0 : i32
      %dma_start3A_91 = tpu.memref_slice %arg10[%run_scoped3A_54, %dma_start3A_89, %dma_start3A_90] : memref<2x128x128xf32, #tpu.memory_space<vmem>> -> memref<1x128x128xf32, #tpu.memory_space<vmem>>
      %dma_start3A_92 = tpu.memref_squeeze %dma_start3A_91 : memref<1x128x128xf32, #tpu.memory_space<vmem>> -> memref<128x128xf32, #tpu.memory_space<vmem>>
      tpu.enqueue_dma source(%dma_start3A_92 : memref<128x128xf32, #tpu.memory_space<vmem>>) target(%dma_start3A_88 : memref<128x128xf32, #tpu.memory_space<hbm>>) target_semaphore(%run_scoped3A_79 : memref<!tpu.dma_semaphore, #tpu.memory_space<semaphore_mem>>)
      %dma_wait3A_93 = arith.constant 0 : i32
      %dma_wait3A_94 = arith.constant 0 : i32
      %dma_wait3A_95 = tpu.memref_slice %arg10[%run_scoped3A_54, %dma_wait3A_93, %dma_wait3A_94] : memref<2x128x128xf32, #tpu.memory_space<vmem>> -> memref<1x128x128xf32, #tpu.memory_space<vmem>>
      %dma_wait3A_96 = tpu.memref_squeeze %dma_wait3A_95 : memref<1x128x128xf32, #tpu.memory_space<vmem>> -> memref<128x128xf32, #tpu.memory_space<vmem>>
      %dma_wait3A_97 = arith.constant 0 : i32
      %dma_wait3A_98 = tpu.memref_slice %arg6[%arg0, %add3A_52, %dma_wait3A_97] : memref<2x10240x128xf32, #tpu.memory_space<hbm>> -> memref<1x128x128xf32, #tpu.memory_space<hbm>>
      %dma_wait3A_99 = tpu.memref_squeeze %dma_wait3A_98 : memref<1x128x128xf32, #tpu.memory_space<hbm>> -> memref<128x128xf32, #tpu.memory_space<hbm>>
      %dma_wait3A_100 = arith.constant 0 : i32
      %dma_wait3A_101 = tpu.memref_slice %arg6[%arg0, %add3A_52, %dma_wait3A_100] : memref<2x10240x128xf32, #tpu.memory_space<hbm>> -> memref<1x128x128xf32, #tpu.memory_space<hbm>>
      %dma_wait3A_102 = tpu.memref_squeeze %dma_wait3A_101 : memref<1x128x128xf32, #tpu.memory_space<hbm>> -> memref<128x128xf32, #tpu.memory_space<hbm>>
      %dma_wait3A_103 = arith.constant 0 : i32
      %dma_wait3A_104 = arith.constant 0 : i32
      %dma_wait3A_105 = tpu.memref_slice %arg10[%run_scoped3A_54, %dma_wait3A_103, %dma_wait3A_104] : memref<2x128x128xf32, #tpu.memory_space<vmem>> -> memref<1x128x128xf32, #tpu.memory_space<vmem>>
      %dma_wait3A_106 = tpu.memref_squeeze %dma_wait3A_105 : memref<1x128x128xf32, #tpu.memory_space<vmem>> -> memref<128x128xf32, #tpu.memory_space<vmem>>
      tpu.wait_dma2 semaphore(%run_scoped3A_79 : memref<!tpu.dma_semaphore, #tpu.memory_space<semaphore_mem>>) src(%dma_wait3A_106 : memref<128x128xf32, #tpu.memory_space<vmem>>) dst(%dma_wait3A_102 : memref<128x128xf32, #tpu.memory_space<hbm>>)
      tpu.yield
    }) : () -> ()
    %mul3A_55 = arith.constant 640 : i32
    %mul3A_56 = arith.muli %arg1, %mul3A_55 : i32
    %add3A_57 = arith.constant 128 : i32
    %add3A_58 = arith.addi %mul3A_56, %add3A_57 : i32
    %run_scoped3A_59 = arith.constant 0 : i32
    "tpu.region"() ({
      %run_scoped3A_79 = tpu.sem_alloc : memref<!tpu.dma_semaphore, #tpu.memory_space<semaphore_mem>>
      %dma_start3A = arith.constant 0 : i32
      %dma_start3A_80 = arith.constant 0 : i32
      %dma_start3A_81 = tpu.memref_slice %arg10[%run_scoped3A_59, %dma_start3A, %dma_start3A_80] : memref<2x128x128xf32, #tpu.memory_space<vmem>> -> memref<1x128x128xf32, #tpu.memory_space<vmem>>
      %dma_start3A_82 = tpu.memref_squeeze %dma_start3A_81 : memref<1x128x128xf32, #tpu.memory_space<vmem>> -> memref<128x128xf32, #tpu.memory_space<vmem>>
      %dma_start3A_83 = arith.constant 0 : i32
      %dma_start3A_84 = tpu.memref_slice %arg11[%add3A_58, %dma_start3A_83] : memref<10240x128xf32, #tpu.memory_space<vmem_shared>> -> memref<128x128xf32, #tpu.memory_space<vmem_shared>>
      %dma_start3A_85 = arith.constant 0 : i32
      %dma_start3A_86 = arith.constant 0 : i32
      %dma_start3A_87 = tpu.memref_slice %arg10[%run_scoped3A_59, %dma_start3A_85, %dma_start3A_86] : memref<2x128x128xf32, #tpu.memory_space<vmem>> -> memref<1x128x128xf32, #tpu.memory_space<vmem>>
      %dma_start3A_88 = tpu.memref_squeeze %dma_start3A_87 : memref<1x128x128xf32, #tpu.memory_space<vmem>> -> memref<128x128xf32, #tpu.memory_space<vmem>>
      %dma_start3A_89 = arith.constant 0 : i32
      %dma_start3A_90 = tpu.memref_slice %arg11[%add3A_58, %dma_start3A_89] : memref<10240x128xf32, #tpu.memory_space<vmem_shared>> -> memref<128x128xf32, #tpu.memory_space<vmem_shared>>
      tpu.enqueue_dma source(%dma_start3A_90 : memref<128x128xf32, #tpu.memory_space<vmem_shared>>) target(%dma_start3A_88 : memref<128x128xf32, #tpu.memory_space<vmem>>) target_semaphore(%run_scoped3A_79 : memref<!tpu.dma_semaphore, #tpu.memory_space<semaphore_mem>>)
      %dma_wait3A_91 = arith.constant 0 : i32
      %dma_wait3A_92 = arith.constant 0 : i32
      %dma_wait3A_93 = tpu.memref_slice %arg10[%run_scoped3A_59, %dma_wait3A_91, %dma_wait3A_92] : memref<2x128x128xf32, #tpu.memory_space<vmem>> -> memref<1x128x128xf32, #tpu.memory_space<vmem>>
      %dma_wait3A_94 = tpu.memref_squeeze %dma_wait3A_93 : memref<1x128x128xf32, #tpu.memory_space<vmem>> -> memref<128x128xf32, #tpu.memory_space<vmem>>
      %dma_wait3A_95 = arith.constant 0 : i32
      %dma_wait3A_96 = tpu.memref_slice %arg11[%add3A_58, %dma_wait3A_95] : memref<10240x128xf32, #tpu.memory_space<vmem_shared>> -> memref<128x128xf32, #tpu.memory_space<vmem_shared>>
      %dma_wait3A_97 = arith.constant 0 : i32
      %dma_wait3A_98 = arith.constant 0 : i32
      %dma_wait3A_99 = tpu.memref_slice %arg10[%run_scoped3A_59, %dma_wait3A_97, %dma_wait3A_98] : memref<2x128x128xf32, #tpu.memory_space<vmem>> -> memref<1x128x128xf32, #tpu.memory_space<vmem>>
      %dma_wait3A_100 = tpu.memref_squeeze %dma_wait3A_99 : memref<1x128x128xf32, #tpu.memory_space<vmem>> -> memref<128x128xf32, #tpu.memory_space<vmem>>
      %dma_wait3A_101 = arith.constant 0 : i32
      %dma_wait3A_102 = tpu.memref_slice %arg11[%add3A_58, %dma_wait3A_101] : memref<10240x128xf32, #tpu.memory_space<vmem_shared>> -> memref<128x128xf32, #tpu.memory_space<vmem_shared>>
      tpu.wait_dma2 semaphore(%run_scoped3A_79 : memref<!tpu.dma_semaphore, #tpu.memory_space<semaphore_mem>>) src(%dma_wait3A_102 : memref<128x128xf32, #tpu.memory_space<vmem_shared>>) dst(%dma_wait3A_100 : memref<128x128xf32, #tpu.memory_space<vmem>>)
      tpu.yield
    }) : () -> ()
    %run_scoped3A_60 = arith.constant 0 : i32
    "tpu.region"() ({
      %run_scoped3A_79 = tpu.sem_alloc : memref<!tpu.dma_semaphore, #tpu.memory_space<semaphore_mem>>
      %dma_start3A = arith.constant 0 : i32
      %dma_start3A_80 = arith.constant 0 : i32
      %dma_start3A_81 = tpu.memref_slice %arg10[%run_scoped3A_60, %dma_start3A, %dma_start3A_80] : memref<2x128x128xf32, #tpu.memory_space<vmem>> -> memref<1x128x128xf32, #tpu.memory_space<vmem>>
      %dma_start3A_82 = tpu.memref_squeeze %dma_start3A_81 : memref<1x128x128xf32, #tpu.memory_space<vmem>> -> memref<128x128xf32, #tpu.memory_space<vmem>>
      %dma_start3A_83 = arith.constant 0 : i32
      %dma_start3A_84 = tpu.memref_slice %arg6[%arg0, %add3A_58, %dma_start3A_83] : memref<2x10240x128xf32, #tpu.memory_space<hbm>> -> memref<1x128x128xf32, #tpu.memory_space<hbm>>
      %dma_start3A_85 = tpu.memref_squeeze %dma_start3A_84 : memref<1x128x128xf32, #tpu.memory_space<hbm>> -> memref<128x128xf32, #tpu.memory_space<hbm>>
      %dma_start3A_86 = arith.constant 0 : i32
      %dma_start3A_87 = tpu.memref_slice %arg6[%arg0, %add3A_58, %dma_start3A_86] : memref<2x10240x128xf32, #tpu.memory_space<hbm>> -> memref<1x128x128xf32, #tpu.memory_space<hbm>>
      %dma_start3A_88 = tpu.memref_squeeze %dma_start3A_87 : memref<1x128x128xf32, #tpu.memory_space<hbm>> -> memref<128x128xf32, #tpu.memory_space<hbm>>
      %dma_start3A_89 = arith.constant 0 : i32
      %dma_start3A_90 = arith.constant 0 : i32
      %dma_start3A_91 = tpu.memref_slice %arg10[%run_scoped3A_60, %dma_start3A_89, %dma_start3A_90] : memref<2x128x128xf32, #tpu.memory_space<vmem>> -> memref<1x128x128xf32, #tpu.memory_space<vmem>>
      %dma_start3A_92 = tpu.memref_squeeze %dma_start3A_91 : memref<1x128x128xf32, #tpu.memory_space<vmem>> -> memref<128x128xf32, #tpu.memory_space<vmem>>
      tpu.enqueue_dma source(%dma_start3A_92 : memref<128x128xf32, #tpu.memory_space<vmem>>) target(%dma_start3A_88 : memref<128x128xf32, #tpu.memory_space<hbm>>) target_semaphore(%run_scoped3A_79 : memref<!tpu.dma_semaphore, #tpu.memory_space<semaphore_mem>>)
      %dma_wait3A_93 = arith.constant 0 : i32
      %dma_wait3A_94 = arith.constant 0 : i32
      %dma_wait3A_95 = tpu.memref_slice %arg10[%run_scoped3A_60, %dma_wait3A_93, %dma_wait3A_94] : memref<2x128x128xf32, #tpu.memory_space<vmem>> -> memref<1x128x128xf32, #tpu.memory_space<vmem>>
      %dma_wait3A_96 = tpu.memref_squeeze %dma_wait3A_95 : memref<1x128x128xf32, #tpu.memory_space<vmem>> -> memref<128x128xf32, #tpu.memory_space<vmem>>
      %dma_wait3A_97 = arith.constant 0 : i32
      %dma_wait3A_98 = tpu.memref_slice %arg6[%arg0, %add3A_58, %dma_wait3A_97] : memref<2x10240x128xf32, #tpu.memory_space<hbm>> -> memref<1x128x128xf32, #tpu.memory_space<hbm>>
      %dma_wait3A_99 = tpu.memref_squeeze %dma_wait3A_98 : memref<1x128x128xf32, #tpu.memory_space<hbm>> -> memref<128x128xf32, #tpu.memory_space<hbm>>
      %dma_wait3A_100 = arith.constant 0 : i32
      %dma_wait3A_101 = tpu.memref_slice %arg6[%arg0, %add3A_58, %dma_wait3A_100] : memref<2x10240x128xf32, #tpu.memory_space<hbm>> -> memref<1x128x128xf32, #tpu.memory_space<hbm>>
      %dma_wait3A_102 = tpu.memref_squeeze %dma_wait3A_101 : memref<1x128x128xf32, #tpu.memory_space<hbm>> -> memref<128x128xf32, #tpu.memory_space<hbm>>
      %dma_wait3A_103 = arith.constant 0 : i32
      %dma_wait3A_104 = arith.constant 0 : i32
      %dma_wait3A_105 = tpu.memref_slice %arg10[%run_scoped3A_60, %dma_wait3A_103, %dma_wait3A_104] : memref<2x128x128xf32, #tpu.memory_space<vmem>> -> memref<1x128x128xf32, #tpu.memory_space<vmem>>
      %dma_wait3A_106 = tpu.memref_squeeze %dma_wait3A_105 : memref<1x128x128xf32, #tpu.memory_space<vmem>> -> memref<128x128xf32, #tpu.memory_space<vmem>>
      tpu.wait_dma2 semaphore(%run_scoped3A_79 : memref<!tpu.dma_semaphore, #tpu.memory_space<semaphore_mem>>) src(%dma_wait3A_106 : memref<128x128xf32, #tpu.memory_space<vmem>>) dst(%dma_wait3A_102 : memref<128x128xf32, #tpu.memory_space<hbm>>)
      tpu.yield
    }) : () -> ()
    %mul3A_61 = arith.constant 640 : i32
    %mul3A_62 = arith.muli %arg1, %mul3A_61 : i32
    %add3A_63 = arith.constant 256 : i32
    %add3A_64 = arith.addi %mul3A_62, %add3A_63 : i32
    %run_scoped3A_65 = arith.constant 0 : i32
    "tpu.region"() ({
      %run_scoped3A_79 = tpu.sem_alloc : memref<!tpu.dma_semaphore, #tpu.memory_space<semaphore_mem>>
      %dma_start3A = arith.constant 0 : i32
      %dma_start3A_80 = arith.constant 0 : i32
      %dma_start3A_81 = tpu.memref_slice %arg10[%run_scoped3A_65, %dma_start3A, %dma_start3A_80] : memref<2x128x128xf32, #tpu.memory_space<vmem>> -> memref<1x128x128xf32, #tpu.memory_space<vmem>>
      %dma_start3A_82 = tpu.memref_squeeze %dma_start3A_81 : memref<1x128x128xf32, #tpu.memory_space<vmem>> -> memref<128x128xf32, #tpu.memory_space<vmem>>
      %dma_start3A_83 = arith.constant 0 : i32
      %dma_start3A_84 = tpu.memref_slice %arg11[%add3A_64, %dma_start3A_83] : memref<10240x128xf32, #tpu.memory_space<vmem_shared>> -> memref<128x128xf32, #tpu.memory_space<vmem_shared>>
      %dma_start3A_85 = arith.constant 0 : i32
      %dma_start3A_86 = arith.constant 0 : i32
      %dma_start3A_87 = tpu.memref_slice %arg10[%run_scoped3A_65, %dma_start3A_85, %dma_start3A_86] : memref<2x128x128xf32, #tpu.memory_space<vmem>> -> memref<1x128x128xf32, #tpu.memory_space<vmem>>
      %dma_start3A_88 = tpu.memref_squeeze %dma_start3A_87 : memref<1x128x128xf32, #tpu.memory_space<vmem>> -> memref<128x128xf32, #tpu.memory_space<vmem>>
      %dma_start3A_89 = arith.constant 0 : i32
      %dma_start3A_90 = tpu.memref_slice %arg11[%add3A_64, %dma_start3A_89] : memref<10240x128xf32, #tpu.memory_space<vmem_shared>> -> memref<128x128xf32, #tpu.memory_space<vmem_shared>>
      tpu.enqueue_dma source(%dma_start3A_90 : memref<128x128xf32, #tpu.memory_space<vmem_shared>>) target(%dma_start3A_88 : memref<128x128xf32, #tpu.memory_space<vmem>>) target_semaphore(%run_scoped3A_79 : memref<!tpu.dma_semaphore, #tpu.memory_space<semaphore_mem>>)
      %dma_wait3A_91 = arith.constant 0 : i32
      %dma_wait3A_92 = arith.constant 0 : i32
      %dma_wait3A_93 = tpu.memref_slice %arg10[%run_scoped3A_65, %dma_wait3A_91, %dma_wait3A_92] : memref<2x128x128xf32, #tpu.memory_space<vmem>> -> memref<1x128x128xf32, #tpu.memory_space<vmem>>
      %dma_wait3A_94 = tpu.memref_squeeze %dma_wait3A_93 : memref<1x128x128xf32, #tpu.memory_space<vmem>> -> memref<128x128xf32, #tpu.memory_space<vmem>>
      %dma_wait3A_95 = arith.constant 0 : i32
      %dma_wait3A_96 = tpu.memref_slice %arg11[%add3A_64, %dma_wait3A_95] : memref<10240x128xf32, #tpu.memory_space<vmem_shared>> -> memref<128x128xf32, #tpu.memory_space<vmem_shared>>
      %dma_wait3A_97 = arith.constant 0 : i32
      %dma_wait3A_98 = arith.constant 0 : i32
      %dma_wait3A_99 = tpu.memref_slice %arg10[%run_scoped3A_65, %dma_wait3A_97, %dma_wait3A_98] : memref<2x128x128xf32, #tpu.memory_space<vmem>> -> memref<1x128x128xf32, #tpu.memory_space<vmem>>
      %dma_wait3A_100 = tpu.memref_squeeze %dma_wait3A_99 : memref<1x128x128xf32, #tpu.memory_space<vmem>> -> memref<128x128xf32, #tpu.memory_space<vmem>>
      %dma_wait3A_101 = arith.constant 0 : i32
      %dma_wait3A_102 = tpu.memref_slice %arg11[%add3A_64, %dma_wait3A_101] : memref<10240x128xf32, #tpu.memory_space<vmem_shared>> -> memref<128x128xf32, #tpu.memory_space<vmem_shared>>
      tpu.wait_dma2 semaphore(%run_scoped3A_79 : memref<!tpu.dma_semaphore, #tpu.memory_space<semaphore_mem>>) src(%dma_wait3A_102 : memref<128x128xf32, #tpu.memory_space<vmem_shared>>) dst(%dma_wait3A_100 : memref<128x128xf32, #tpu.memory_space<vmem>>)
      tpu.yield
    }) : () -> ()
    %run_scoped3A_66 = arith.constant 0 : i32
    "tpu.region"() ({
      %run_scoped3A_79 = tpu.sem_alloc : memref<!tpu.dma_semaphore, #tpu.memory_space<semaphore_mem>>
      %dma_start3A = arith.constant 0 : i32
      %dma_start3A_80 = arith.constant 0 : i32
      %dma_start3A_81 = tpu.memref_slice %arg10[%run_scoped3A_66, %dma_start3A, %dma_start3A_80] : memref<2x128x128xf32, #tpu.memory_space<vmem>> -> memref<1x128x128xf32, #tpu.memory_space<vmem>>
      %dma_start3A_82 = tpu.memref_squeeze %dma_start3A_81 : memref<1x128x128xf32, #tpu.memory_space<vmem>> -> memref<128x128xf32, #tpu.memory_space<vmem>>
      %dma_start3A_83 = arith.constant 0 : i32
      %dma_start3A_84 = tpu.memref_slice %arg6[%arg0, %add3A_64, %dma_start3A_83] : memref<2x10240x128xf32, #tpu.memory_space<hbm>> -> memref<1x128x128xf32, #tpu.memory_space<hbm>>
      %dma_start3A_85 = tpu.memref_squeeze %dma_start3A_84 : memref<1x128x128xf32, #tpu.memory_space<hbm>> -> memref<128x128xf32, #tpu.memory_space<hbm>>
      %dma_start3A_86 = arith.constant 0 : i32
      %dma_start3A_87 = tpu.memref_slice %arg6[%arg0, %add3A_64, %dma_start3A_86] : memref<2x10240x128xf32, #tpu.memory_space<hbm>> -> memref<1x128x128xf32, #tpu.memory_space<hbm>>
      %dma_start3A_88 = tpu.memref_squeeze %dma_start3A_87 : memref<1x128x128xf32, #tpu.memory_space<hbm>> -> memref<128x128xf32, #tpu.memory_space<hbm>>
      %dma_start3A_89 = arith.constant 0 : i32
      %dma_start3A_90 = arith.constant 0 : i32
      %dma_start3A_91 = tpu.memref_slice %arg10[%run_scoped3A_66, %dma_start3A_89, %dma_start3A_90] : memref<2x128x128xf32, #tpu.memory_space<vmem>> -> memref<1x128x128xf32, #tpu.memory_space<vmem>>
      %dma_start3A_92 = tpu.memref_squeeze %dma_start3A_91 : memref<1x128x128xf32, #tpu.memory_space<vmem>> -> memref<128x128xf32, #tpu.memory_space<vmem>>
      tpu.enqueue_dma source(%dma_start3A_92 : memref<128x128xf32, #tpu.memory_space<vmem>>) target(%dma_start3A_88 : memref<128x128xf32, #tpu.memory_space<hbm>>) target_semaphore(%run_scoped3A_79 : memref<!tpu.dma_semaphore, #tpu.memory_space<semaphore_mem>>)
      %dma_wait3A_93 = arith.constant 0 : i32
      %dma_wait3A_94 = arith.constant 0 : i32
      %dma_wait3A_95 = tpu.memref_slice %arg10[%run_scoped3A_66, %dma_wait3A_93, %dma_wait3A_94] : memref<2x128x128xf32, #tpu.memory_space<vmem>> -> memref<1x128x128xf32, #tpu.memory_space<vmem>>
      %dma_wait3A_96 = tpu.memref_squeeze %dma_wait3A_95 : memref<1x128x128xf32, #tpu.memory_space<vmem>> -> memref<128x128xf32, #tpu.memory_space<vmem>>
      %dma_wait3A_97 = arith.constant 0 : i32
      %dma_wait3A_98 = tpu.memref_slice %arg6[%arg0, %add3A_64, %dma_wait3A_97] : memref<2x10240x128xf32, #tpu.memory_space<hbm>> -> memref<1x128x128xf32, #tpu.memory_space<hbm>>
      %dma_wait3A_99 = tpu.memref_squeeze %dma_wait3A_98 : memref<1x128x128xf32, #tpu.memory_space<hbm>> -> memref<128x128xf32, #tpu.memory_space<hbm>>
      %dma_wait3A_100 = arith.constant 0 : i32
      %dma_wait3A_101 = tpu.memref_slice %arg6[%arg0, %add3A_64, %dma_wait3A_100] : memref<2x10240x128xf32, #tpu.memory_space<hbm>> -> memref<1x128x128xf32, #tpu.memory_space<hbm>>
      %dma_wait3A_102 = tpu.memref_squeeze %dma_wait3A_101 : memref<1x128x128xf32, #tpu.memory_space<hbm>> -> memref<128x128xf32, #tpu.memory_space<hbm>>
      %dma_wait3A_103 = arith.constant 0 : i32
      %dma_wait3A_104 = arith.constant 0 : i32
      %dma_wait3A_105 = tpu.memref_slice %arg10[%run_scoped3A_66, %dma_wait3A_103, %dma_wait3A_104] : memref<2x128x128xf32, #tpu.memory_space<vmem>> -> memref<1x128x128xf32, #tpu.memory_space<vmem>>
      %dma_wait3A_106 = tpu.memref_squeeze %dma_wait3A_105 : memref<1x128x128xf32, #tpu.memory_space<vmem>> -> memref<128x128xf32, #tpu.memory_space<vmem>>
      tpu.wait_dma2 semaphore(%run_scoped3A_79 : memref<!tpu.dma_semaphore, #tpu.memory_space<semaphore_mem>>) src(%dma_wait3A_106 : memref<128x128xf32, #tpu.memory_space<vmem>>) dst(%dma_wait3A_102 : memref<128x128xf32, #tpu.memory_space<hbm>>)
      tpu.yield
    }) : () -> ()
    %mul3A_67 = arith.constant 640 : i32
    %mul3A_68 = arith.muli %arg1, %mul3A_67 : i32
    %add3A_69 = arith.constant 384 : i32
    %add3A_70 = arith.addi %mul3A_68, %add3A_69 : i32
    %run_scoped3A_71 = arith.constant 0 : i32
    "tpu.region"() ({
      %run_scoped3A_79 = tpu.sem_alloc : memref<!tpu.dma_semaphore, #tpu.memory_space<semaphore_mem>>
      %dma_start3A = arith.constant 0 : i32
      %dma_start3A_80 = arith.constant 0 : i32
      %dma_start3A_81 = tpu.memref_slice %arg10[%run_scoped3A_71, %dma_start3A, %dma_start3A_80] : memref<2x128x128xf32, #tpu.memory_space<vmem>> -> memref<1x128x128xf32, #tpu.memory_space<vmem>>
      %dma_start3A_82 = tpu.memref_squeeze %dma_start3A_81 : memref<1x128x128xf32, #tpu.memory_space<vmem>> -> memref<128x128xf32, #tpu.memory_space<vmem>>
      %dma_start3A_83 = arith.constant 0 : i32
      %dma_start3A_84 = tpu.memref_slice %arg11[%add3A_70, %dma_start3A_83] : memref<10240x128xf32, #tpu.memory_space<vmem_shared>> -> memref<128x128xf32, #tpu.memory_space<vmem_shared>>
      %dma_start3A_85 = arith.constant 0 : i32
      %dma_start3A_86 = arith.constant 0 : i32
      %dma_start3A_87 = tpu.memref_slice %arg10[%run_scoped3A_71, %dma_start3A_85, %dma_start3A_86] : memref<2x128x128xf32, #tpu.memory_space<vmem>> -> memref<1x128x128xf32, #tpu.memory_space<vmem>>
      %dma_start3A_88 = tpu.memref_squeeze %dma_start3A_87 : memref<1x128x128xf32, #tpu.memory_space<vmem>> -> memref<128x128xf32, #tpu.memory_space<vmem>>
      %dma_start3A_89 = arith.constant 0 : i32
      %dma_start3A_90 = tpu.memref_slice %arg11[%add3A_70, %dma_start3A_89] : memref<10240x128xf32, #tpu.memory_space<vmem_shared>> -> memref<128x128xf32, #tpu.memory_space<vmem_shared>>
      tpu.enqueue_dma source(%dma_start3A_90 : memref<128x128xf32, #tpu.memory_space<vmem_shared>>) target(%dma_start3A_88 : memref<128x128xf32, #tpu.memory_space<vmem>>) target_semaphore(%run_scoped3A_79 : memref<!tpu.dma_semaphore, #tpu.memory_space<semaphore_mem>>)
      %dma_wait3A_91 = arith.constant 0 : i32
      %dma_wait3A_92 = arith.constant 0 : i32
      %dma_wait3A_93 = tpu.memref_slice %arg10[%run_scoped3A_71, %dma_wait3A_91, %dma_wait3A_92] : memref<2x128x128xf32, #tpu.memory_space<vmem>> -> memref<1x128x128xf32, #tpu.memory_space<vmem>>
      %dma_wait3A_94 = tpu.memref_squeeze %dma_wait3A_93 : memref<1x128x128xf32, #tpu.memory_space<vmem>> -> memref<128x128xf32, #tpu.memory_space<vmem>>
      %dma_wait3A_95 = arith.constant 0 : i32
      %dma_wait3A_96 = tpu.memref_slice %arg11[%add3A_70, %dma_wait3A_95] : memref<10240x128xf32, #tpu.memory_space<vmem_shared>> -> memref<128x128xf32, #tpu.memory_space<vmem_shared>>
      %dma_wait3A_97 = arith.constant 0 : i32
      %dma_wait3A_98 = arith.constant 0 : i32
      %dma_wait3A_99 = tpu.memref_slice %arg10[%run_scoped3A_71, %dma_wait3A_97, %dma_wait3A_98] : memref<2x128x128xf32, #tpu.memory_space<vmem>> -> memref<1x128x128xf32, #tpu.memory_space<vmem>>
      %dma_wait3A_100 = tpu.memref_squeeze %dma_wait3A_99 : memref<1x128x128xf32, #tpu.memory_space<vmem>> -> memref<128x128xf32, #tpu.memory_space<vmem>>
      %dma_wait3A_101 = arith.constant 0 : i32
      %dma_wait3A_102 = tpu.memref_slice %arg11[%add3A_70, %dma_wait3A_101] : memref<10240x128xf32, #tpu.memory_space<vmem_shared>> -> memref<128x128xf32, #tpu.memory_space<vmem_shared>>
      tpu.wait_dma2 semaphore(%run_scoped3A_79 : memref<!tpu.dma_semaphore, #tpu.memory_space<semaphore_mem>>) src(%dma_wait3A_102 : memref<128x128xf32, #tpu.memory_space<vmem_shared>>) dst(%dma_wait3A_100 : memref<128x128xf32, #tpu.memory_space<vmem>>)
      tpu.yield
    }) : () -> ()
    %run_scoped3A_72 = arith.constant 0 : i32
    "tpu.region"() ({
      %run_scoped3A_79 = tpu.sem_alloc : memref<!tpu.dma_semaphore, #tpu.memory_space<semaphore_mem>>
      %dma_start3A = arith.constant 0 : i32
      %dma_start3A_80 = arith.constant 0 : i32
      %dma_start3A_81 = tpu.memref_slice %arg10[%run_scoped3A_72, %dma_start3A, %dma_start3A_80] : memref<2x128x128xf32, #tpu.memory_space<vmem>> -> memref<1x128x128xf32, #tpu.memory_space<vmem>>
      %dma_start3A_82 = tpu.memref_squeeze %dma_start3A_81 : memref<1x128x128xf32, #tpu.memory_space<vmem>> -> memref<128x128xf32, #tpu.memory_space<vmem>>
      %dma_start3A_83 = arith.constant 0 : i32
      %dma_start3A_84 = tpu.memref_slice %arg6[%arg0, %add3A_70, %dma_start3A_83] : memref<2x10240x128xf32, #tpu.memory_space<hbm>> -> memref<1x128x128xf32, #tpu.memory_space<hbm>>
      %dma_start3A_85 = tpu.memref_squeeze %dma_start3A_84 : memref<1x128x128xf32, #tpu.memory_space<hbm>> -> memref<128x128xf32, #tpu.memory_space<hbm>>
      %dma_start3A_86 = arith.constant 0 : i32
      %dma_start3A_87 = tpu.memref_slice %arg6[%arg0, %add3A_70, %dma_start3A_86] : memref<2x10240x128xf32, #tpu.memory_space<hbm>> -> memref<1x128x128xf32, #tpu.memory_space<hbm>>
      %dma_start3A_88 = tpu.memref_squeeze %dma_start3A_87 : memref<1x128x128xf32, #tpu.memory_space<hbm>> -> memref<128x128xf32, #tpu.memory_space<hbm>>
      %dma_start3A_89 = arith.constant 0 : i32
      %dma_start3A_90 = arith.constant 0 : i32
      %dma_start3A_91 = tpu.memref_slice %arg10[%run_scoped3A_72, %dma_start3A_89, %dma_start3A_90] : memref<2x128x128xf32, #tpu.memory_space<vmem>> -> memref<1x128x128xf32, #tpu.memory_space<vmem>>
      %dma_start3A_92 = tpu.memref_squeeze %dma_start3A_91 : memref<1x128x128xf32, #tpu.memory_space<vmem>> -> memref<128x128xf32, #tpu.memory_space<vmem>>
      tpu.enqueue_dma source(%dma_start3A_92 : memref<128x128xf32, #tpu.memory_space<vmem>>) target(%dma_start3A_88 : memref<128x128xf32, #tpu.memory_space<hbm>>) target_semaphore(%run_scoped3A_79 : memref<!tpu.dma_semaphore, #tpu.memory_space<semaphore_mem>>)
      %dma_wait3A_93 = arith.constant 0 : i32
      %dma_wait3A_94 = arith.constant 0 : i32
      %dma_wait3A_95 = tpu.memref_slice %arg10[%run_scoped3A_72, %dma_wait3A_93, %dma_wait3A_94] : memref<2x128x128xf32, #tpu.memory_space<vmem>> -> memref<1x128x128xf32, #tpu.memory_space<vmem>>
      %dma_wait3A_96 = tpu.memref_squeeze %dma_wait3A_95 : memref<1x128x128xf32, #tpu.memory_space<vmem>> -> memref<128x128xf32, #tpu.memory_space<vmem>>
      %dma_wait3A_97 = arith.constant 0 : i32
      %dma_wait3A_98 = tpu.memref_slice %arg6[%arg0, %add3A_70, %dma_wait3A_97] : memref<2x10240x128xf32, #tpu.memory_space<hbm>> -> memref<1x128x128xf32, #tpu.memory_space<hbm>>
      %dma_wait3A_99 = tpu.memref_squeeze %dma_wait3A_98 : memref<1x128x128xf32, #tpu.memory_space<hbm>> -> memref<128x128xf32, #tpu.memory_space<hbm>>
      %dma_wait3A_100 = arith.constant 0 : i32
      %dma_wait3A_101 = tpu.memref_slice %arg6[%arg0, %add3A_70, %dma_wait3A_100] : memref<2x10240x128xf32, #tpu.memory_space<hbm>> -> memref<1x128x128xf32, #tpu.memory_space<hbm>>
      %dma_wait3A_102 = tpu.memref_squeeze %dma_wait3A_101 : memref<1x128x128xf32, #tpu.memory_space<hbm>> -> memref<128x128xf32, #tpu.memory_space<hbm>>
      %dma_wait3A_103 = arith.constant 0 : i32
      %dma_wait3A_104 = arith.constant 0 : i32
      %dma_wait3A_105 = tpu.memref_slice %arg10[%run_scoped3A_72, %dma_wait3A_103, %dma_wait3A_104] : memref<2x128x128xf32, #tpu.memory_space<vmem>> -> memref<1x128x128xf32, #tpu.memory_space<vmem>>
      %dma_wait3A_106 = tpu.memref_squeeze %dma_wait3A_105 : memref<1x128x128xf32, #tpu.memory_space<vmem>> -> memref<128x128xf32, #tpu.memory_space<vmem>>
      tpu.wait_dma2 semaphore(%run_scoped3A_79 : memref<!tpu.dma_semaphore, #tpu.memory_space<semaphore_mem>>) src(%dma_wait3A_106 : memref<128x128xf32, #tpu.memory_space<vmem>>) dst(%dma_wait3A_102 : memref<128x128xf32, #tpu.memory_space<hbm>>)
      tpu.yield
    }) : () -> ()
    %mul3A_73 = arith.constant 640 : i32
    %mul3A_74 = arith.muli %arg1, %mul3A_73 : i32
    %add3A_75 = arith.constant 512 : i32
    %add3A_76 = arith.addi %mul3A_74, %add3A_75 : i32
    %run_scoped3A_77 = arith.constant 0 : i32
    "tpu.region"() ({
      %run_scoped3A_79 = tpu.sem_alloc : memref<!tpu.dma_semaphore, #tpu.memory_space<semaphore_mem>>
      %dma_start3A = arith.constant 0 : i32
      %dma_start3A_80 = arith.constant 0 : i32
      %dma_start3A_81 = tpu.memref_slice %arg10[%run_scoped3A_77, %dma_start3A, %dma_start3A_80] : memref<2x128x128xf32, #tpu.memory_space<vmem>> -> memref<1x128x128xf32, #tpu.memory_space<vmem>>
      %dma_start3A_82 = tpu.memref_squeeze %dma_start3A_81 : memref<1x128x128xf32, #tpu.memory_space<vmem>> -> memref<128x128xf32, #tpu.memory_space<vmem>>
      %dma_start3A_83 = arith.constant 0 : i32
      %dma_start3A_84 = tpu.memref_slice %arg11[%add3A_76, %dma_start3A_83] : memref<10240x128xf32, #tpu.memory_space<vmem_shared>> -> memref<128x128xf32, #tpu.memory_space<vmem_shared>>
      %dma_start3A_85 = arith.constant 0 : i32
      %dma_start3A_86 = arith.constant 0 : i32
      %dma_start3A_87 = tpu.memref_slice %arg10[%run_scoped3A_77, %dma_start3A_85, %dma_start3A_86] : memref<2x128x128xf32, #tpu.memory_space<vmem>> -> memref<1x128x128xf32, #tpu.memory_space<vmem>>
      %dma_start3A_88 = tpu.memref_squeeze %dma_start3A_87 : memref<1x128x128xf32, #tpu.memory_space<vmem>> -> memref<128x128xf32, #tpu.memory_space<vmem>>
      %dma_start3A_89 = arith.constant 0 : i32
      %dma_start3A_90 = tpu.memref_slice %arg11[%add3A_76, %dma_start3A_89] : memref<10240x128xf32, #tpu.memory_space<vmem_shared>> -> memref<128x128xf32, #tpu.memory_space<vmem_shared>>
      tpu.enqueue_dma source(%dma_start3A_90 : memref<128x128xf32, #tpu.memory_space<vmem_shared>>) target(%dma_start3A_88 : memref<128x128xf32, #tpu.memory_space<vmem>>) target_semaphore(%run_scoped3A_79 : memref<!tpu.dma_semaphore, #tpu.memory_space<semaphore_mem>>)
      %dma_wait3A_91 = arith.constant 0 : i32
      %dma_wait3A_92 = arith.constant 0 : i32
      %dma_wait3A_93 = tpu.memref_slice %arg10[%run_scoped3A_77, %dma_wait3A_91, %dma_wait3A_92] : memref<2x128x128xf32, #tpu.memory_space<vmem>> -> memref<1x128x128xf32, #tpu.memory_space<vmem>>
      %dma_wait3A_94 = tpu.memref_squeeze %dma_wait3A_93 : memref<1x128x128xf32, #tpu.memory_space<vmem>> -> memref<128x128xf32, #tpu.memory_space<vmem>>
      %dma_wait3A_95 = arith.constant 0 : i32
      %dma_wait3A_96 = tpu.memref_slice %arg11[%add3A_76, %dma_wait3A_95] : memref<10240x128xf32, #tpu.memory_space<vmem_shared>> -> memref<128x128xf32, #tpu.memory_space<vmem_shared>>
      %dma_wait3A_97 = arith.constant 0 : i32
      %dma_wait3A_98 = arith.constant 0 : i32
      %dma_wait3A_99 = tpu.memref_slice %arg10[%run_scoped3A_77, %dma_wait3A_97, %dma_wait3A_98] : memref<2x128x128xf32, #tpu.memory_space<vmem>> -> memref<1x128x128xf32, #tpu.memory_space<vmem>>
      %dma_wait3A_100 = tpu.memref_squeeze %dma_wait3A_99 : memref<1x128x128xf32, #tpu.memory_space<vmem>> -> memref<128x128xf32, #tpu.memory_space<vmem>>
      %dma_wait3A_101 = arith.constant 0 : i32
      %dma_wait3A_102 = tpu.memref_slice %arg11[%add3A_76, %dma_wait3A_101] : memref<10240x128xf32, #tpu.memory_space<vmem_shared>> -> memref<128x128xf32, #tpu.memory_space<vmem_shared>>
      tpu.wait_dma2 semaphore(%run_scoped3A_79 : memref<!tpu.dma_semaphore, #tpu.memory_space<semaphore_mem>>) src(%dma_wait3A_102 : memref<128x128xf32, #tpu.memory_space<vmem_shared>>) dst(%dma_wait3A_100 : memref<128x128xf32, #tpu.memory_space<vmem>>)
      tpu.yield
    }) : () -> ()
    %run_scoped3A_78 = arith.constant 0 : i32
    "tpu.region"() ({
      %run_scoped3A_79 = tpu.sem_alloc : memref<!tpu.dma_semaphore, #tpu.memory_space<semaphore_mem>>
      %dma_start3A = arith.constant 0 : i32
      %dma_start3A_80 = arith.constant 0 : i32
      %dma_start3A_81 = tpu.memref_slice %arg10[%run_scoped3A_78, %dma_start3A, %dma_start3A_80] : memref<2x128x128xf32, #tpu.memory_space<vmem>> -> memref<1x128x128xf32, #tpu.memory_space<vmem>>
      %dma_start3A_82 = tpu.memref_squeeze %dma_start3A_81 : memref<1x128x128xf32, #tpu.memory_space<vmem>> -> memref<128x128xf32, #tpu.memory_space<vmem>>
      %dma_start3A_83 = arith.constant 0 : i32
      %dma_start3A_84 = tpu.memref_slice %arg6[%arg0, %add3A_76, %dma_start3A_83] : memref<2x10240x128xf32, #tpu.memory_space<hbm>> -> memref<1x128x128xf32, #tpu.memory_space<hbm>>
      %dma_start3A_85 = tpu.memref_squeeze %dma_start3A_84 : memref<1x128x128xf32, #tpu.memory_space<hbm>> -> memref<128x128xf32, #tpu.memory_space<hbm>>
      %dma_start3A_86 = arith.constant 0 : i32
      %dma_start3A_87 = tpu.memref_slice %arg6[%arg0, %add3A_76, %dma_start3A_86] : memref<2x10240x128xf32, #tpu.memory_space<hbm>> -> memref<1x128x128xf32, #tpu.memory_space<hbm>>
      %dma_start3A_88 = tpu.memref_squeeze %dma_start3A_87 : memref<1x128x128xf32, #tpu.memory_space<hbm>> -> memref<128x128xf32, #tpu.memory_space<hbm>>
      %dma_start3A_89 = arith.constant 0 : i32
      %dma_start3A_90 = arith.constant 0 : i32
      %dma_start3A_91 = tpu.memref_slice %arg10[%run_scoped3A_78, %dma_start3A_89, %dma_start3A_90] : memref<2x128x128xf32, #tpu.memory_space<vmem>> -> memref<1x128x128xf32, #tpu.memory_space<vmem>>
      %dma_start3A_92 = tpu.memref_squeeze %dma_start3A_91 : memref<1x128x128xf32, #tpu.memory_space<vmem>> -> memref<128x128xf32, #tpu.memory_space<vmem>>
      tpu.enqueue_dma source(%dma_start3A_92 : memref<128x128xf32, #tpu.memory_space<vmem>>) target(%dma_start3A_88 : memref<128x128xf32, #tpu.memory_space<hbm>>) target_semaphore(%run_scoped3A_79 : memref<!tpu.dma_semaphore, #tpu.memory_space<semaphore_mem>>)
      %dma_wait3A_93 = arith.constant 0 : i32
      %dma_wait3A_94 = arith.constant 0 : i32
      %dma_wait3A_95 = tpu.memref_slice %arg10[%run_scoped3A_78, %dma_wait3A_93, %dma_wait3A_94] : memref<2x128x128xf32, #tpu.memory_space<vmem>> -> memref<1x128x128xf32, #tpu.memory_space<vmem>>
      %dma_wait3A_96 = tpu.memref_squeeze %dma_wait3A_95 : memref<1x128x128xf32, #tpu.memory_space<vmem>> -> memref<128x128xf32, #tpu.memory_space<vmem>>
      %dma_wait3A_97 = arith.constant 0 : i32
      %dma_wait3A_98 = tpu.memref_slice %arg6[%arg0, %add3A_76, %dma_wait3A_97] : memref<2x10240x128xf32, #tpu.memory_space<hbm>> -> memref<1x128x128xf32, #tpu.memory_space<hbm>>
      %dma_wait3A_99 = tpu.memref_squeeze %dma_wait3A_98 : memref<1x128x128xf32, #tpu.memory_space<hbm>> -> memref<128x128xf32, #tpu.memory_space<hbm>>
      %dma_wait3A_100 = arith.constant 0 : i32
      %dma_wait3A_101 = tpu.memref_slice %arg6[%arg0, %add3A_76, %dma_wait3A_100] : memref<2x10240x128xf32, #tpu.memory_space<hbm>> -> memref<1x128x128xf32, #tpu.memory_space<hbm>>
      %dma_wait3A_102 = tpu.memref_squeeze %dma_wait3A_101 : memref<1x128x128xf32, #tpu.memory_space<hbm>> -> memref<128x128xf32, #tpu.memory_space<hbm>>
      %dma_wait3A_103 = arith.constant 0 : i32
      %dma_wait3A_104 = arith.constant 0 : i32
      %dma_wait3A_105 = tpu.memref_slice %arg10[%run_scoped3A_78, %dma_wait3A_103, %dma_wait3A_104] : memref<2x128x128xf32, #tpu.memory_space<vmem>> -> memref<1x128x128xf32, #tpu.memory_space<vmem>>
      %dma_wait3A_106 = tpu.memref_squeeze %dma_wait3A_105 : memref<1x128x128xf32, #tpu.memory_space<vmem>> -> memref<128x128xf32, #tpu.memory_space<vmem>>
      tpu.wait_dma2 semaphore(%run_scoped3A_79 : memref<!tpu.dma_semaphore, #tpu.memory_space<semaphore_mem>>) src(%dma_wait3A_106 : memref<128x128xf32, #tpu.memory_space<vmem>>) dst(%dma_wait3A_102 : memref<128x128xf32, #tpu.memory_space<hbm>>)
      tpu.yield
    }) : () -> ()
    return
  }
}

#map = affine_map<(d0, d1) -> (0, 0)>
#map1 = affine_map<(d0, d1) -> (0, 0, 0)>
module attributes {stable_mosaic.version = 14 : i64} {
  func.func @_msg_body(%arg0: i32, %arg1: i32, %arg2: memref<10000x128xf32, #tpu.memory_space<hbm>>, %arg3: memref<32x80x128xi32, #tpu.memory_space<hbm>>, %arg4: memref<32x80x128xi32, #tpu.memory_space<hbm>>, %arg5: memref<32x10240xf32, #tpu.memory_space<hbm>>, %arg6: memref<2x10240x128xf32, #tpu.memory_space<hbm>>, %arg7: memref<16x128xi32, #tpu.memory_space<vmem>>, %arg8: memref<16x128xi32, #tpu.memory_space<vmem>>, %arg9: memref<2048xf32, #tpu.memory_space<vmem>>, %arg10: memref<2x128x128xf32, #tpu.memory_space<vmem>>, %arg11: memref<10240x128xf32, #tpu.memory_space<vmem_shared>>, %arg12: memref<!tpu.dma_semaphore, #tpu.memory_space<semaphore_mem>>, %arg13: memref<!tpu.dma_semaphore, #tpu.memory_space<semaphore_mem>>, %arg14: memref<!tpu.dma_semaphore, #tpu.memory_space<semaphore_mem>>, %arg15: memref<!tpu.dma_semaphore, #tpu.memory_space<semaphore_mem>>) attributes {dimension_semantics = [#tpu.dimension_semantics<core_parallel>, #tpu.dimension_semantics<subcore_parallel>], iteration_bounds = array<i64: 2, 16>, scalar_prefetch = 0 : i64, scratch_operands = 9 : i64, tpu.core_type = #tpu.core_type<sc_vector_subcore>, window_params = [{transform_indices = #map}, {transform_indices = #map1}, {transform_indices = #map1}, {transform_indices = #map}, {transform_indices = #map1}]} {
    %mul3A = arith.constant 16 : i32
    %mul3A_0 = arith.muli %arg0, %mul3A : i32
    %add3A = arith.addi %mul3A_0, %arg1 : i32
    %broadcast_in_dim3A = arith.constant 0.000000e+00 : f32
    %broadcast_in_dim3A_1 = vector.broadcast %broadcast_in_dim3A : f32 to vector<16xf32>
    %scan3A = arith.constant 0 : i32
    %scan3A_2 = arith.constant 0 : i32
    %scan3A_3 = arith.constant 128 : i32
    %scan3A_4 = arith.addi %scan3A_2, %scan3A_3 : i32
    %scan3A_5 = arith.constant 1 : i32
    scf.for %scan3A_79 = %scan3A_2 to %scan3A_4 step %scan3A_5  : i32 {
      %swap3A = arith.constant 0 : i32
      %swap3A_80 = arith.index_cast %swap3A : i32 to index
      %swap3A_81 = arith.index_cast %scan3A_79 : i32 to index
      %swap3A_82 = arith.constant 0 : index
      %swap3A_83 = tpu.vector_load %arg10[%swap3A_80, %swap3A_81, %swap3A_82] {strides = array<i32>} : memref<2x128x128xf32, #tpu.memory_space<vmem>>, vector<16xf32>,
      tpu.vector_store %arg10[%swap3A_80, %swap3A_81, %swap3A_82], %broadcast_in_dim3A_1 {strides = array<i32>} : memref<2x128x128xf32, #tpu.memory_space<vmem>>, vector<16xf32>,
      %swap3A_84 = arith.constant 0 : i32
      %swap3A_85 = arith.index_cast %swap3A_84 : i32 to index
      %swap3A_86 = arith.index_cast %scan3A_79 : i32 to index
      %swap3A_87 = arith.constant 16 : index
      %swap3A_88 = tpu.vector_load %arg10[%swap3A_85, %swap3A_86, %swap3A_87] {strides = array<i32>} : memref<2x128x128xf32, #tpu.memory_space<vmem>>, vector<16xf32>,
      tpu.vector_store %arg10[%swap3A_85, %swap3A_86, %swap3A_87], %broadcast_in_dim3A_1 {strides = array<i32>} : memref<2x128x128xf32, #tpu.memory_space<vmem>>, vector<16xf32>,
      %swap3A_89 = arith.constant 0 : i32
      %swap3A_90 = arith.index_cast %swap3A_89 : i32 to index
      %swap3A_91 = arith.index_cast %scan3A_79 : i32 to index
      %swap3A_92 = arith.constant 32 : index
      %swap3A_93 = tpu.vector_load %arg10[%swap3A_90, %swap3A_91, %swap3A_92] {strides = array<i32>} : memref<2x128x128xf32, #tpu.memory_space<vmem>>, vector<16xf32>,
      tpu.vector_store %arg10[%swap3A_90, %swap3A_91, %swap3A_92], %broadcast_in_dim3A_1 {strides = array<i32>} : memref<2x128x128xf32, #tpu.memory_space<vmem>>, vector<16xf32>,
      %swap3A_94 = arith.constant 0 : i32
      %swap3A_95 = arith.index_cast %swap3A_94 : i32 to index
      %swap3A_96 = arith.index_cast %scan3A_79 : i32 to index
      %swap3A_97 = arith.constant 48 : index
      %swap3A_98 = tpu.vector_load %arg10[%swap3A_95, %swap3A_96, %swap3A_97] {strides = array<i32>} : memref<2x128x128xf32, #tpu.memory_space<vmem>>, vector<16xf32>,
      tpu.vector_store %arg10[%swap3A_95, %swap3A_96, %swap3A_97], %broadcast_in_dim3A_1 {strides = array<i32>} : memref<2x128x128xf32, #tpu.memory_space<vmem>>, vector<16xf32>,
      %swap3A_99 = arith.constant 0 : i32
      %swap3A_100 = arith.index_cast %swap3A_99 : i32 to index
      %swap3A_101 = arith.index_cast %scan3A_79 : i32 to index
      %swap3A_102 = arith.constant 64 : index
      %swap3A_103 = tpu.vector_load %arg10[%swap3A_100, %swap3A_101, %swap3A_102] {strides = array<i32>} : memref<2x128x128xf32, #tpu.memory_space<vmem>>, vector<16xf32>,
      tpu.vector_store %arg10[%swap3A_100, %swap3A_101, %swap3A_102], %broadcast_in_dim3A_1 {strides = array<i32>} : memref<2x128x128xf32, #tpu.memory_space<vmem>>, vector<16xf32>,
      %swap3A_104 = arith.constant 0 : i32
      %swap3A_105 = arith.index_cast %swap3A_104 : i32 to index
      %swap3A_106 = arith.index_cast %scan3A_79 : i32 to index
      %swap3A_107 = arith.constant 80 : index
      %swap3A_108 = tpu.vector_load %arg10[%swap3A_105, %swap3A_106, %swap3A_107] {strides = array<i32>} : memref<2x128x128xf32, #tpu.memory_space<vmem>>, vector<16xf32>,
      tpu.vector_store %arg10[%swap3A_105, %swap3A_106, %swap3A_107], %broadcast_in_dim3A_1 {strides = array<i32>} : memref<2x128x128xf32, #tpu.memory_space<vmem>>, vector<16xf32>,
      %swap3A_109 = arith.constant 0 : i32
      %swap3A_110 = arith.index_cast %swap3A_109 : i32 to index
      %swap3A_111 = arith.index_cast %scan3A_79 : i32 to index
      %swap3A_112 = arith.constant 96 : index
      %swap3A_113 = tpu.vector_load %arg10[%swap3A_110, %swap3A_111, %swap3A_112] {strides = array<i32>} : memref<2x128x128xf32, #tpu.memory_space<vmem>>, vector<16xf32>,
      tpu.vector_store %arg10[%swap3A_110, %swap3A_111, %swap3A_112], %broadcast_in_dim3A_1 {strides = array<i32>} : memref<2x128x128xf32, #tpu.memory_space<vmem>>, vector<16xf32>,
      %swap3A_114 = arith.constant 0 : i32
      %swap3A_115 = arith.index_cast %swap3A_114 : i32 to index
      %swap3A_116 = arith.index_cast %scan3A_79 : i32 to index
      %swap3A_117 = arith.constant 112 : index
      %swap3A_118 = tpu.vector_load %arg10[%swap3A_115, %swap3A_116, %swap3A_117] {strides = array<i32>} : memref<2x128x128xf32, #tpu.memory_space<vmem>>, vector<16xf32>,
      tpu.vector_store %arg10[%swap3A_115, %swap3A_116, %swap3A_117], %broadcast_in_dim3A_1 {strides = array<i32>} : memref<2x128x128xf32, #tpu.memory_space<vmem>>, vector<16xf32>,
    }
    %scan3A_6 = arith.constant 128 : i32
    %mul3A_7 = arith.constant 640 : i32
    %mul3A_8 = arith.muli %arg1, %mul3A_7 : i32
    %add3A_9 = arith.constant 0 : i32
    %add3A_10 = arith.addi %mul3A_8, %add3A_9 : i32
    %run_scoped3A = arith.constant 0 : i32
    "tpu.region"() ({
      %run_scoped3A_79 = tpu.sem_alloc : memref<!tpu.dma_semaphore, #tpu.memory_space<semaphore_mem>>
      %dma_start3A = arith.constant 0 : i32
      %dma_start3A_80 = arith.constant 0 : i32
      %dma_start3A_81 = tpu.memref_slice %arg10[%run_scoped3A, %dma_start3A, %dma_start3A_80] : memref<2x128x128xf32, #tpu.memory_space<vmem>> -> memref<1x128x128xf32, #tpu.memory_space<vmem>>
      %dma_start3A_82 = tpu.memref_squeeze %dma_start3A_81 : memref<1x128x128xf32, #tpu.memory_space<vmem>> -> memref<128x128xf32, #tpu.memory_space<vmem>>
      %dma_start3A_83 = arith.constant 0 : i32
      %dma_start3A_84 = tpu.memref_slice %arg11[%add3A_10, %dma_start3A_83] : memref<10240x128xf32, #tpu.memory_space<vmem_shared>> -> memref<128x128xf32, #tpu.memory_space<vmem_shared>>
      %dma_start3A_85 = arith.constant 0 : i32
      %dma_start3A_86 = tpu.memref_slice %arg11[%add3A_10, %dma_start3A_85] : memref<10240x128xf32, #tpu.memory_space<vmem_shared>> -> memref<128x128xf32, #tpu.memory_space<vmem_shared>>
      %dma_start3A_87 = arith.constant 0 : i32
      %dma_start3A_88 = arith.constant 0 : i32
      %dma_start3A_89 = tpu.memref_slice %arg10[%run_scoped3A, %dma_start3A_87, %dma_start3A_88] : memref<2x128x128xf32, #tpu.memory_space<vmem>> -> memref<1x128x128xf32, #tpu.memory_space<vmem>>
      %dma_start3A_90 = tpu.memref_squeeze %dma_start3A_89 : memref<1x128x128xf32, #tpu.memory_space<vmem>> -> memref<128x128xf32, #tpu.memory_space<vmem>>
      tpu.enqueue_dma source(%dma_start3A_90 : memref<128x128xf32, #tpu.memory_space<vmem>>) target(%dma_start3A_86 : memref<128x128xf32, #tpu.memory_space<vmem_shared>>) target_semaphore(%run_scoped3A_79 : memref<!tpu.dma_semaphore, #tpu.memory_space<semaphore_mem>>)
      %dma_wait3A_91 = arith.constant 0 : i32
      %dma_wait3A_92 = arith.constant 0 : i32
      %dma_wait3A_93 = tpu.memref_slice %arg10[%run_scoped3A, %dma_wait3A_91, %dma_wait3A_92] : memref<2x128x128xf32, #tpu.memory_space<vmem>> -> memref<1x128x128xf32, #tpu.memory_space<vmem>>
      %dma_wait3A_94 = tpu.memref_squeeze %dma_wait3A_93 : memref<1x128x128xf32, #tpu.memory_space<vmem>> -> memref<128x128xf32, #tpu.memory_space<vmem>>
      %dma_wait3A_95 = arith.constant 0 : i32
      %dma_wait3A_96 = tpu.memref_slice %arg11[%add3A_10, %dma_wait3A_95] : memref<10240x128xf32, #tpu.memory_space<vmem_shared>> -> memref<128x128xf32, #tpu.memory_space<vmem_shared>>
      %dma_wait3A_97 = arith.constant 0 : i32
      %dma_wait3A_98 = tpu.memref_slice %arg11[%add3A_10, %dma_wait3A_97] : memref<10240x128xf32, #tpu.memory_space<vmem_shared>> -> memref<128x128xf32, #tpu.memory_space<vmem_shared>>
      %dma_wait3A_99 = arith.constant 0 : i32
      %dma_wait3A_100 = arith.constant 0 : i32
      %dma_wait3A_101 = tpu.memref_slice %arg10[%run_scoped3A, %dma_wait3A_99, %dma_wait3A_100] : memref<2x128x128xf32, #tpu.memory_space<vmem>> -> memref<1x128x128xf32, #tpu.memory_space<vmem>>
      %dma_wait3A_102 = tpu.memref_squeeze %dma_wait3A_101 : memref<1x128x128xf32, #tpu.memory_space<vmem>> -> memref<128x128xf32, #tpu.memory_space<vmem>>
      tpu.wait_dma2 semaphore(%run_scoped3A_79 : memref<!tpu.dma_semaphore, #tpu.memory_space<semaphore_mem>>) src(%dma_wait3A_102 : memref<128x128xf32, #tpu.memory_space<vmem>>) dst(%dma_wait3A_98 : memref<128x128xf32, #tpu.memory_space<vmem_shared>>)
      tpu.yield
    }) : () -> ()
    %mul3A_11 = arith.constant 640 : i32
    %mul3A_12 = arith.muli %arg1, %mul3A_11 : i32
    %add3A_13 = arith.constant 128 : i32
    %add3A_14 = arith.addi %mul3A_12, %add3A_13 : i32
    %run_scoped3A_15 = arith.constant 0 : i32
    "tpu.region"() ({
      %run_scoped3A_79 = tpu.sem_alloc : memref<!tpu.dma_semaphore, #tpu.memory_space<semaphore_mem>>
      %dma_start3A = arith.constant 0 : i32
      %dma_start3A_80 = arith.constant 0 : i32
      %dma_start3A_81 = tpu.memref_slice %arg10[%run_scoped3A_15, %dma_start3A, %dma_start3A_80] : memref<2x128x128xf32, #tpu.memory_space<vmem>> -> memref<1x128x128xf32, #tpu.memory_space<vmem>>
      %dma_start3A_82 = tpu.memref_squeeze %dma_start3A_81 : memref<1x128x128xf32, #tpu.memory_space<vmem>> -> memref<128x128xf32, #tpu.memory_space<vmem>>
      %dma_start3A_83 = arith.constant 0 : i32
      %dma_start3A_84 = tpu.memref_slice %arg11[%add3A_14, %dma_start3A_83] : memref<10240x128xf32, #tpu.memory_space<vmem_shared>> -> memref<128x128xf32, #tpu.memory_space<vmem_shared>>
      %dma_start3A_85 = arith.constant 0 : i32
      %dma_start3A_86 = tpu.memref_slice %arg11[%add3A_14, %dma_start3A_85] : memref<10240x128xf32, #tpu.memory_space<vmem_shared>> -> memref<128x128xf32, #tpu.memory_space<vmem_shared>>
      %dma_start3A_87 = arith.constant 0 : i32
      %dma_start3A_88 = arith.constant 0 : i32
      %dma_start3A_89 = tpu.memref_slice %arg10[%run_scoped3A_15, %dma_start3A_87, %dma_start3A_88] : memref<2x128x128xf32, #tpu.memory_space<vmem>> -> memref<1x128x128xf32, #tpu.memory_space<vmem>>
      %dma_start3A_90 = tpu.memref_squeeze %dma_start3A_89 : memref<1x128x128xf32, #tpu.memory_space<vmem>> -> memref<128x128xf32, #tpu.memory_space<vmem>>
      tpu.enqueue_dma source(%dma_start3A_90 : memref<128x128xf32, #tpu.memory_space<vmem>>) target(%dma_start3A_86 : memref<128x128xf32, #tpu.memory_space<vmem_shared>>) target_semaphore(%run_scoped3A_79 : memref<!tpu.dma_semaphore, #tpu.memory_space<semaphore_mem>>)
      %dma_wait3A_91 = arith.constant 0 : i32
      %dma_wait3A_92 = arith.constant 0 : i32
      %dma_wait3A_93 = tpu.memref_slice %arg10[%run_scoped3A_15, %dma_wait3A_91, %dma_wait3A_92] : memref<2x128x128xf32, #tpu.memory_space<vmem>> -> memref<1x128x128xf32, #tpu.memory_space<vmem>>
      %dma_wait3A_94 = tpu.memref_squeeze %dma_wait3A_93 : memref<1x128x128xf32, #tpu.memory_space<vmem>> -> memref<128x128xf32, #tpu.memory_space<vmem>>
      %dma_wait3A_95 = arith.constant 0 : i32
      %dma_wait3A_96 = tpu.memref_slice %arg11[%add3A_14, %dma_wait3A_95] : memref<10240x128xf32, #tpu.memory_space<vmem_shared>> -> memref<128x128xf32, #tpu.memory_space<vmem_shared>>
      %dma_wait3A_97 = arith.constant 0 : i32
      %dma_wait3A_98 = tpu.memref_slice %arg11[%add3A_14, %dma_wait3A_97] : memref<10240x128xf32, #tpu.memory_space<vmem_shared>> -> memref<128x128xf32, #tpu.memory_space<vmem_shared>>
      %dma_wait3A_99 = arith.constant 0 : i32
      %dma_wait3A_100 = arith.constant 0 : i32
      %dma_wait3A_101 = tpu.memref_slice %arg10[%run_scoped3A_15, %dma_wait3A_99, %dma_wait3A_100] : memref<2x128x128xf32, #tpu.memory_space<vmem>> -> memref<1x128x128xf32, #tpu.memory_space<vmem>>
      %dma_wait3A_102 = tpu.memref_squeeze %dma_wait3A_101 : memref<1x128x128xf32, #tpu.memory_space<vmem>> -> memref<128x128xf32, #tpu.memory_space<vmem>>
      tpu.wait_dma2 semaphore(%run_scoped3A_79 : memref<!tpu.dma_semaphore, #tpu.memory_space<semaphore_mem>>) src(%dma_wait3A_102 : memref<128x128xf32, #tpu.memory_space<vmem>>) dst(%dma_wait3A_98 : memref<128x128xf32, #tpu.memory_space<vmem_shared>>)
      tpu.yield
    }) : () -> ()
    %mul3A_16 = arith.constant 640 : i32
    %mul3A_17 = arith.muli %arg1, %mul3A_16 : i32
    %add3A_18 = arith.constant 256 : i32
    %add3A_19 = arith.addi %mul3A_17, %add3A_18 : i32
    %run_scoped3A_20 = arith.constant 0 : i32
    "tpu.region"() ({
      %run_scoped3A_79 = tpu.sem_alloc : memref<!tpu.dma_semaphore, #tpu.memory_space<semaphore_mem>>
      %dma_start3A = arith.constant 0 : i32
      %dma_start3A_80 = arith.constant 0 : i32
      %dma_start3A_81 = tpu.memref_slice %arg10[%run_scoped3A_20, %dma_start3A, %dma_start3A_80] : memref<2x128x128xf32, #tpu.memory_space<vmem>> -> memref<1x128x128xf32, #tpu.memory_space<vmem>>
      %dma_start3A_82 = tpu.memref_squeeze %dma_start3A_81 : memref<1x128x128xf32, #tpu.memory_space<vmem>> -> memref<128x128xf32, #tpu.memory_space<vmem>>
      %dma_start3A_83 = arith.constant 0 : i32
      %dma_start3A_84 = tpu.memref_slice %arg11[%add3A_19, %dma_start3A_83] : memref<10240x128xf32, #tpu.memory_space<vmem_shared>> -> memref<128x128xf32, #tpu.memory_space<vmem_shared>>
      %dma_start3A_85 = arith.constant 0 : i32
      %dma_start3A_86 = tpu.memref_slice %arg11[%add3A_19, %dma_start3A_85] : memref<10240x128xf32, #tpu.memory_space<vmem_shared>> -> memref<128x128xf32, #tpu.memory_space<vmem_shared>>
      %dma_start3A_87 = arith.constant 0 : i32
      %dma_start3A_88 = arith.constant 0 : i32
      %dma_start3A_89 = tpu.memref_slice %arg10[%run_scoped3A_20, %dma_start3A_87, %dma_start3A_88] : memref<2x128x128xf32, #tpu.memory_space<vmem>> -> memref<1x128x128xf32, #tpu.memory_space<vmem>>
      %dma_start3A_90 = tpu.memref_squeeze %dma_start3A_89 : memref<1x128x128xf32, #tpu.memory_space<vmem>> -> memref<128x128xf32, #tpu.memory_space<vmem>>
      tpu.enqueue_dma source(%dma_start3A_90 : memref<128x128xf32, #tpu.memory_space<vmem>>) target(%dma_start3A_86 : memref<128x128xf32, #tpu.memory_space<vmem_shared>>) target_semaphore(%run_scoped3A_79 : memref<!tpu.dma_semaphore, #tpu.memory_space<semaphore_mem>>)
      %dma_wait3A_91 = arith.constant 0 : i32
      %dma_wait3A_92 = arith.constant 0 : i32
      %dma_wait3A_93 = tpu.memref_slice %arg10[%run_scoped3A_20, %dma_wait3A_91, %dma_wait3A_92] : memref<2x128x128xf32, #tpu.memory_space<vmem>> -> memref<1x128x128xf32, #tpu.memory_space<vmem>>
      %dma_wait3A_94 = tpu.memref_squeeze %dma_wait3A_93 : memref<1x128x128xf32, #tpu.memory_space<vmem>> -> memref<128x128xf32, #tpu.memory_space<vmem>>
      %dma_wait3A_95 = arith.constant 0 : i32
      %dma_wait3A_96 = tpu.memref_slice %arg11[%add3A_19, %dma_wait3A_95] : memref<10240x128xf32, #tpu.memory_space<vmem_shared>> -> memref<128x128xf32, #tpu.memory_space<vmem_shared>>
      %dma_wait3A_97 = arith.constant 0 : i32
      %dma_wait3A_98 = tpu.memref_slice %arg11[%add3A_19, %dma_wait3A_97] : memref<10240x128xf32, #tpu.memory_space<vmem_shared>> -> memref<128x128xf32, #tpu.memory_space<vmem_shared>>
      %dma_wait3A_99 = arith.constant 0 : i32
      %dma_wait3A_100 = arith.constant 0 : i32
      %dma_wait3A_101 = tpu.memref_slice %arg10[%run_scoped3A_20, %dma_wait3A_99, %dma_wait3A_100] : memref<2x128x128xf32, #tpu.memory_space<vmem>> -> memref<1x128x128xf32, #tpu.memory_space<vmem>>
      %dma_wait3A_102 = tpu.memref_squeeze %dma_wait3A_101 : memref<1x128x128xf32, #tpu.memory_space<vmem>> -> memref<128x128xf32, #tpu.memory_space<vmem>>
      tpu.wait_dma2 semaphore(%run_scoped3A_79 : memref<!tpu.dma_semaphore, #tpu.memory_space<semaphore_mem>>) src(%dma_wait3A_102 : memref<128x128xf32, #tpu.memory_space<vmem>>) dst(%dma_wait3A_98 : memref<128x128xf32, #tpu.memory_space<vmem_shared>>)
      tpu.yield
    }) : () -> ()
    %mul3A_21 = arith.constant 640 : i32
    %mul3A_22 = arith.muli %arg1, %mul3A_21 : i32
    %add3A_23 = arith.constant 384 : i32
    %add3A_24 = arith.addi %mul3A_22, %add3A_23 : i32
    %run_scoped3A_25 = arith.constant 0 : i32
    "tpu.region"() ({
      %run_scoped3A_79 = tpu.sem_alloc : memref<!tpu.dma_semaphore, #tpu.memory_space<semaphore_mem>>
      %dma_start3A = arith.constant 0 : i32
      %dma_start3A_80 = arith.constant 0 : i32
      %dma_start3A_81 = tpu.memref_slice %arg10[%run_scoped3A_25, %dma_start3A, %dma_start3A_80] : memref<2x128x128xf32, #tpu.memory_space<vmem>> -> memref<1x128x128xf32, #tpu.memory_space<vmem>>
      %dma_start3A_82 = tpu.memref_squeeze %dma_start3A_81 : memref<1x128x128xf32, #tpu.memory_space<vmem>> -> memref<128x128xf32, #tpu.memory_space<vmem>>
      %dma_start3A_83 = arith.constant 0 : i32
      %dma_start3A_84 = tpu.memref_slice %arg11[%add3A_24, %dma_start3A_83] : memref<10240x128xf32, #tpu.memory_space<vmem_shared>> -> memref<128x128xf32, #tpu.memory_space<vmem_shared>>
      %dma_start3A_85 = arith.constant 0 : i32
      %dma_start3A_86 = tpu.memref_slice %arg11[%add3A_24, %dma_start3A_85] : memref<10240x128xf32, #tpu.memory_space<vmem_shared>> -> memref<128x128xf32, #tpu.memory_space<vmem_shared>>
      %dma_start3A_87 = arith.constant 0 : i32
      %dma_start3A_88 = arith.constant 0 : i32
      %dma_start3A_89 = tpu.memref_slice %arg10[%run_scoped3A_25, %dma_start3A_87, %dma_start3A_88] : memref<2x128x128xf32, #tpu.memory_space<vmem>> -> memref<1x128x128xf32, #tpu.memory_space<vmem>>
      %dma_start3A_90 = tpu.memref_squeeze %dma_start3A_89 : memref<1x128x128xf32, #tpu.memory_space<vmem>> -> memref<128x128xf32, #tpu.memory_space<vmem>>
      tpu.enqueue_dma source(%dma_start3A_90 : memref<128x128xf32, #tpu.memory_space<vmem>>) target(%dma_start3A_86 : memref<128x128xf32, #tpu.memory_space<vmem_shared>>) target_semaphore(%run_scoped3A_79 : memref<!tpu.dma_semaphore, #tpu.memory_space<semaphore_mem>>)
      %dma_wait3A_91 = arith.constant 0 : i32
      %dma_wait3A_92 = arith.constant 0 : i32
      %dma_wait3A_93 = tpu.memref_slice %arg10[%run_scoped3A_25, %dma_wait3A_91, %dma_wait3A_92] : memref<2x128x128xf32, #tpu.memory_space<vmem>> -> memref<1x128x128xf32, #tpu.memory_space<vmem>>
      %dma_wait3A_94 = tpu.memref_squeeze %dma_wait3A_93 : memref<1x128x128xf32, #tpu.memory_space<vmem>> -> memref<128x128xf32, #tpu.memory_space<vmem>>
      %dma_wait3A_95 = arith.constant 0 : i32
      %dma_wait3A_96 = tpu.memref_slice %arg11[%add3A_24, %dma_wait3A_95] : memref<10240x128xf32, #tpu.memory_space<vmem_shared>> -> memref<128x128xf32, #tpu.memory_space<vmem_shared>>
      %dma_wait3A_97 = arith.constant 0 : i32
      %dma_wait3A_98 = tpu.memref_slice %arg11[%add3A_24, %dma_wait3A_97] : memref<10240x128xf32, #tpu.memory_space<vmem_shared>> -> memref<128x128xf32, #tpu.memory_space<vmem_shared>>
      %dma_wait3A_99 = arith.constant 0 : i32
      %dma_wait3A_100 = arith.constant 0 : i32
      %dma_wait3A_101 = tpu.memref_slice %arg10[%run_scoped3A_25, %dma_wait3A_99, %dma_wait3A_100] : memref<2x128x128xf32, #tpu.memory_space<vmem>> -> memref<1x128x128xf32, #tpu.memory_space<vmem>>
      %dma_wait3A_102 = tpu.memref_squeeze %dma_wait3A_101 : memref<1x128x128xf32, #tpu.memory_space<vmem>> -> memref<128x128xf32, #tpu.memory_space<vmem>>
      tpu.wait_dma2 semaphore(%run_scoped3A_79 : memref<!tpu.dma_semaphore, #tpu.memory_space<semaphore_mem>>) src(%dma_wait3A_102 : memref<128x128xf32, #tpu.memory_space<vmem>>) dst(%dma_wait3A_98 : memref<128x128xf32, #tpu.memory_space<vmem_shared>>)
      tpu.yield
    }) : () -> ()
    %mul3A_26 = arith.constant 640 : i32
    %mul3A_27 = arith.muli %arg1, %mul3A_26 : i32
    %add3A_28 = arith.constant 512 : i32
    %add3A_29 = arith.addi %mul3A_27, %add3A_28 : i32
    %run_scoped3A_30 = arith.constant 0 : i32
    "tpu.region"() ({
      %run_scoped3A_79 = tpu.sem_alloc : memref<!tpu.dma_semaphore, #tpu.memory_space<semaphore_mem>>
      %dma_start3A = arith.constant 0 : i32
      %dma_start3A_80 = arith.constant 0 : i32
      %dma_start3A_81 = tpu.memref_slice %arg10[%run_scoped3A_30, %dma_start3A, %dma_start3A_80] : memref<2x128x128xf32, #tpu.memory_space<vmem>> -> memref<1x128x128xf32, #tpu.memory_space<vmem>>
      %dma_start3A_82 = tpu.memref_squeeze %dma_start3A_81 : memref<1x128x128xf32, #tpu.memory_space<vmem>> -> memref<128x128xf32, #tpu.memory_space<vmem>>
      %dma_start3A_83 = arith.constant 0 : i32
      %dma_start3A_84 = tpu.memref_slice %arg11[%add3A_29, %dma_start3A_83] : memref<10240x128xf32, #tpu.memory_space<vmem_shared>> -> memref<128x128xf32, #tpu.memory_space<vmem_shared>>
      %dma_start3A_85 = arith.constant 0 : i32
      %dma_start3A_86 = tpu.memref_slice %arg11[%add3A_29, %dma_start3A_85] : memref<10240x128xf32, #tpu.memory_space<vmem_shared>> -> memref<128x128xf32, #tpu.memory_space<vmem_shared>>
      %dma_start3A_87 = arith.constant 0 : i32
      %dma_start3A_88 = arith.constant 0 : i32
      %dma_start3A_89 = tpu.memref_slice %arg10[%run_scoped3A_30, %dma_start3A_87, %dma_start3A_88] : memref<2x128x128xf32, #tpu.memory_space<vmem>> -> memref<1x128x128xf32, #tpu.memory_space<vmem>>
      %dma_start3A_90 = tpu.memref_squeeze %dma_start3A_89 : memref<1x128x128xf32, #tpu.memory_space<vmem>> -> memref<128x128xf32, #tpu.memory_space<vmem>>
      tpu.enqueue_dma source(%dma_start3A_90 : memref<128x128xf32, #tpu.memory_space<vmem>>) target(%dma_start3A_86 : memref<128x128xf32, #tpu.memory_space<vmem_shared>>) target_semaphore(%run_scoped3A_79 : memref<!tpu.dma_semaphore, #tpu.memory_space<semaphore_mem>>)
      %dma_wait3A_91 = arith.constant 0 : i32
      %dma_wait3A_92 = arith.constant 0 : i32
      %dma_wait3A_93 = tpu.memref_slice %arg10[%run_scoped3A_30, %dma_wait3A_91, %dma_wait3A_92] : memref<2x128x128xf32, #tpu.memory_space<vmem>> -> memref<1x128x128xf32, #tpu.memory_space<vmem>>
      %dma_wait3A_94 = tpu.memref_squeeze %dma_wait3A_93 : memref<1x128x128xf32, #tpu.memory_space<vmem>> -> memref<128x128xf32, #tpu.memory_space<vmem>>
      %dma_wait3A_95 = arith.constant 0 : i32
      %dma_wait3A_96 = tpu.memref_slice %arg11[%add3A_29, %dma_wait3A_95] : memref<10240x128xf32, #tpu.memory_space<vmem_shared>> -> memref<128x128xf32, #tpu.memory_space<vmem_shared>>
      %dma_wait3A_97 = arith.constant 0 : i32
      %dma_wait3A_98 = tpu.memref_slice %arg11[%add3A_29, %dma_wait3A_97] : memref<10240x128xf32, #tpu.memory_space<vmem_shared>> -> memref<128x128xf32, #tpu.memory_space<vmem_shared>>
      %dma_wait3A_99 = arith.constant 0 : i32
      %dma_wait3A_100 = arith.constant 0 : i32
      %dma_wait3A_101 = tpu.memref_slice %arg10[%run_scoped3A_30, %dma_wait3A_99, %dma_wait3A_100] : memref<2x128x128xf32, #tpu.memory_space<vmem>> -> memref<1x128x128xf32, #tpu.memory_space<vmem>>
      %dma_wait3A_102 = tpu.memref_squeeze %dma_wait3A_101 : memref<1x128x128xf32, #tpu.memory_space<vmem>> -> memref<128x128xf32, #tpu.memory_space<vmem>>
      tpu.wait_dma2 semaphore(%run_scoped3A_79 : memref<!tpu.dma_semaphore, #tpu.memory_space<semaphore_mem>>) src(%dma_wait3A_102 : memref<128x128xf32, #tpu.memory_space<vmem>>) dst(%dma_wait3A_98 : memref<128x128xf32, #tpu.memory_space<vmem_shared>>)
      tpu.yield
    }) : () -> ()
    %barrier3A = arith.constant 0 : index
    tpu.barrier barrier_id(%barrier3A)
    %scan3A_31 = arith.constant 0 : i32
    %scan3A_32 = arith.constant 0 : i32
    %scan3A_33 = arith.constant 5 : i32
    %scan3A_34 = arith.addi %scan3A_32, %scan3A_33 : i32
    %scan3A_35 = arith.constant 1 : i32
    scf.for %scan3A_79 = %scan3A_32 to %scan3A_34 step %scan3A_35  : i32 {
      %gt3A = arith.constant 0 : i32
      %gt3A_80 = arith.cmpi sgt, %scan3A_79, %gt3A : i32
      %convert_element_type3A = arith.extui %gt3A_80 : i1 to i32
      %cond3A = arith.constant 0 : i32
      %cond3A_81 = arith.cmpi ne, %convert_element_type3A, %cond3A : i32
      scf.if %cond3A_81 {
        %dma_wait3A_107 = arith.constant 1 : i32
        %dma_wait3A_108 = arith.constant 0 : i32
        %dma_wait3A_109 = arith.constant 0 : i32
        %dma_wait3A_110 = arith.constant 0 : i32
        %dma_wait3A_111 = tpu.memref_slice %arg10[%dma_wait3A_107, %dma_wait3A_109, %dma_wait3A_110] : memref<2x128x128xf32, #tpu.memory_space<vmem>> -> memref<1x128x128xf32, #tpu.memory_space<vmem>>
        %dma_wait3A_112 = tpu.memref_squeeze %dma_wait3A_111 : memref<1x128x128xf32, #tpu.memory_space<vmem>> -> memref<128x128xf32, #tpu.memory_space<vmem>>
        %dma_wait3A_113 = arith.constant 0 : i32
        %dma_wait3A_114 = tpu.memref_slice %arg8[%dma_wait3A_108, %dma_wait3A_113] : memref<16x128xi32, #tpu.memory_space<vmem>> -> memref<1x128xi32, #tpu.memory_space<vmem>>
        %dma_wait3A_115 = tpu.memref_squeeze %dma_wait3A_114 : memref<1x128xi32, #tpu.memory_space<vmem>> -> memref<128xi32, #tpu.memory_space<vmem>>
        %dma_wait3A_116 = arith.constant 0 : i32
        %dma_wait3A_117 = arith.constant 0 : i32
        %dma_wait3A_118 = tpu.memref_slice %arg11[%dma_wait3A_116, %dma_wait3A_117] : memref<10240x128xf32, #tpu.memory_space<vmem_shared>> -> memref<10240x128xf32, #tpu.memory_space<vmem_shared>>
        tpu.wait_indirect_dma semaphore(%arg15 : memref<!tpu.dma_semaphore, #tpu.memory_space<semaphore_mem>>) src(%dma_wait3A_112 : memref<128x128xf32, #tpu.memory_space<vmem>>) dst(%dma_wait3A_118 : memref<10240x128xf32, #tpu.memory_space<vmem_shared>>)
      } else {
      }
      %mul3A_82 = arith.constant 16 : i32
      %mul3A_83 = arith.muli %scan3A_79, %mul3A_82 : i32
      "tpu.region"() ({
        %run_scoped3A_107 = tpu.sem_alloc : memref<!tpu.dma_semaphore, #tpu.memory_space<semaphore_mem>>
        %dma_start3A_108 = arith.constant 0 : i32
        %dma_start3A_109 = tpu.memref_slice %arg3[%add3A, %mul3A_83, %dma_start3A_108] : memref<32x80x128xi32, #tpu.memory_space<hbm>> -> memref<1x16x128xi32, #tpu.memory_space<hbm>>
        %dma_start3A_110 = tpu.memref_squeeze %dma_start3A_109 : memref<1x16x128xi32, #tpu.memory_space<hbm>> -> memref<16x128xi32, #tpu.memory_space<hbm>>
        %dma_start3A_111 = arith.constant 0 : i32
        %dma_start3A_112 = tpu.memref_slice %arg3[%add3A, %mul3A_83, %dma_start3A_111] : memref<32x80x128xi32, #tpu.memory_space<hbm>> -> memref<1x16x128xi32, #tpu.memory_space<hbm>>
        %dma_start3A_113 = tpu.memref_squeeze %dma_start3A_112 : memref<1x16x128xi32, #tpu.memory_space<hbm>> -> memref<16x128xi32, #tpu.memory_space<hbm>>
        tpu.enqueue_dma source(%dma_start3A_113 : memref<16x128xi32, #tpu.memory_space<hbm>>) target(%arg7 : memref<16x128xi32, #tpu.memory_space<vmem>>) target_semaphore(%run_scoped3A_107 : memref<!tpu.dma_semaphore, #tpu.memory_space<semaphore_mem>>)
        %dma_wait3A_114 = arith.constant 0 : i32
        %dma_wait3A_115 = tpu.memref_slice %arg3[%add3A, %mul3A_83, %dma_wait3A_114] : memref<32x80x128xi32, #tpu.memory_space<hbm>> -> memref<1x16x128xi32, #tpu.memory_space<hbm>>
        %dma_wait3A_116 = tpu.memref_squeeze %dma_wait3A_115 : memref<1x16x128xi32, #tpu.memory_space<hbm>> -> memref<16x128xi32, #tpu.memory_space<hbm>>
        %dma_wait3A_117 = arith.constant 0 : i32
        %dma_wait3A_118 = tpu.memref_slice %arg3[%add3A, %mul3A_83, %dma_wait3A_117] : memref<32x80x128xi32, #tpu.memory_space<hbm>> -> memref<1x16x128xi32, #tpu.memory_space<hbm>>
        %dma_wait3A_119 = tpu.memref_squeeze %dma_wait3A_118 : memref<1x16x128xi32, #tpu.memory_space<hbm>> -> memref<16x128xi32, #tpu.memory_space<hbm>>
        tpu.wait_dma2 semaphore(%run_scoped3A_107 : memref<!tpu.dma_semaphore, #tpu.memory_space<semaphore_mem>>) src(%dma_wait3A_119 : memref<16x128xi32, #tpu.memory_space<hbm>>) dst(%arg7 : memref<16x128xi32, #tpu.memory_space<vmem>>)
        tpu.yield
      }) : () -> ()
      %mul3A_84 = arith.constant 16 : i32
      %mul3A_85 = arith.muli %scan3A_79, %mul3A_84 : i32
      "tpu.region"() ({
        %run_scoped3A_107 = tpu.sem_alloc : memref<!tpu.dma_semaphore, #tpu.memory_space<semaphore_mem>>
        %dma_start3A_108 = arith.constant 0 : i32
        %dma_start3A_109 = tpu.memref_slice %arg4[%add3A, %mul3A_85, %dma_start3A_108] : memref<32x80x128xi32, #tpu.memory_space<hbm>> -> memref<1x16x128xi32, #tpu.memory_space<hbm>>
        %dma_start3A_110 = tpu.memref_squeeze %dma_start3A_109 : memref<1x16x128xi32, #tpu.memory_space<hbm>> -> memref<16x128xi32, #tpu.memory_space<hbm>>
        %dma_start3A_111 = arith.constant 0 : i32
        %dma_start3A_112 = tpu.memref_slice %arg4[%add3A, %mul3A_85, %dma_start3A_111] : memref<32x80x128xi32, #tpu.memory_space<hbm>> -> memref<1x16x128xi32, #tpu.memory_space<hbm>>
        %dma_start3A_113 = tpu.memref_squeeze %dma_start3A_112 : memref<1x16x128xi32, #tpu.memory_space<hbm>> -> memref<16x128xi32, #tpu.memory_space<hbm>>
        tpu.enqueue_dma source(%dma_start3A_113 : memref<16x128xi32, #tpu.memory_space<hbm>>) target(%arg8 : memref<16x128xi32, #tpu.memory_space<vmem>>) target_semaphore(%run_scoped3A_107 : memref<!tpu.dma_semaphore, #tpu.memory_space<semaphore_mem>>)
        %dma_wait3A_114 = arith.constant 0 : i32
        %dma_wait3A_115 = tpu.memref_slice %arg4[%add3A, %mul3A_85, %dma_wait3A_114] : memref<32x80x128xi32, #tpu.memory_space<hbm>> -> memref<1x16x128xi32, #tpu.memory_space<hbm>>
        %dma_wait3A_116 = tpu.memref_squeeze %dma_wait3A_115 : memref<1x16x128xi32, #tpu.memory_space<hbm>> -> memref<16x128xi32, #tpu.memory_space<hbm>>
        %dma_wait3A_117 = arith.constant 0 : i32
        %dma_wait3A_118 = tpu.memref_slice %arg4[%add3A, %mul3A_85, %dma_wait3A_117] : memref<32x80x128xi32, #tpu.memory_space<hbm>> -> memref<1x16x128xi32, #tpu.memory_space<hbm>>
        %dma_wait3A_119 = tpu.memref_squeeze %dma_wait3A_118 : memref<1x16x128xi32, #tpu.memory_space<hbm>> -> memref<16x128xi32, #tpu.memory_space<hbm>>
        tpu.wait_dma2 semaphore(%run_scoped3A_107 : memref<!tpu.dma_semaphore, #tpu.memory_space<semaphore_mem>>) src(%dma_wait3A_119 : memref<16x128xi32, #tpu.memory_space<hbm>>) dst(%arg8 : memref<16x128xi32, #tpu.memory_space<vmem>>)
        tpu.yield
      }) : () -> ()
      %mul3A_86 = arith.constant 16 : i32
      %mul3A_87 = arith.muli %scan3A_79, %mul3A_86 : i32
      %mul3A_88 = arith.constant 128 : i32
      %mul3A_89 = arith.muli %mul3A_87, %mul3A_88 : i32
      "tpu.region"() ({
        %run_scoped3A_107 = tpu.sem_alloc : memref<!tpu.dma_semaphore, #tpu.memory_space<semaphore_mem>>
        %dma_start3A_108 = tpu.memref_slice %arg5[%add3A, %mul3A_89] : memref<32x10240xf32, #tpu.memory_space<hbm>> -> memref<1x2048xf32, #tpu.memory_space<hbm>>
        %dma_start3A_109 = tpu.memref_squeeze %dma_start3A_108 : memref<1x2048xf32, #tpu.memory_space<hbm>> -> memref<2048xf32, #tpu.memory_space<hbm>>
        %dma_start3A_110 = tpu.memref_slice %arg5[%add3A, %mul3A_89] : memref<32x10240xf32, #tpu.memory_space<hbm>> -> memref<1x2048xf32, #tpu.memory_space<hbm>>
        %dma_start3A_111 = tpu.memref_squeeze %dma_start3A_110 : memref<1x2048xf32, #tpu.memory_space<hbm>> -> memref<2048xf32, #tpu.memory_space<hbm>>
        tpu.enqueue_dma source(%dma_start3A_111 : memref<2048xf32, #tpu.memory_space<hbm>>) target(%arg9 : memref<2048xf32, #tpu.memory_space<vmem>>) target_semaphore(%run_scoped3A_107 : memref<!tpu.dma_semaphore, #tpu.memory_space<semaphore_mem>>)
        %dma_wait3A_112 = tpu.memref_slice %arg5[%add3A, %mul3A_89] : memref<32x10240xf32, #tpu.memory_space<hbm>> -> memref<1x2048xf32, #tpu.memory_space<hbm>>
        %dma_wait3A_113 = tpu.memref_squeeze %dma_wait3A_112 : memref<1x2048xf32, #tpu.memory_space<hbm>> -> memref<2048xf32, #tpu.memory_space<hbm>>
        %dma_wait3A_114 = tpu.memref_slice %arg5[%add3A, %mul3A_89] : memref<32x10240xf32, #tpu.memory_space<hbm>> -> memref<1x2048xf32, #tpu.memory_space<hbm>>
        %dma_wait3A_115 = tpu.memref_squeeze %dma_wait3A_114 : memref<1x2048xf32, #tpu.memory_space<hbm>> -> memref<2048xf32, #tpu.memory_space<hbm>>
        tpu.wait_dma2 semaphore(%run_scoped3A_107 : memref<!tpu.dma_semaphore, #tpu.memory_space<semaphore_mem>>) src(%dma_wait3A_115 : memref<2048xf32, #tpu.memory_space<hbm>>) dst(%arg9 : memref<2048xf32, #tpu.memory_space<vmem>>)
        tpu.yield
      }) : () -> ()
      %dma_start3A = arith.constant 0 : i32
      %dma_start3A_90 = arith.constant 0 : i32
      %dma_start3A_91 = arith.constant 0 : i32
      %dma_start3A_92 = arith.constant 0 : i32
      %dma_start3A_93 = tpu.memref_slice %arg10[%dma_start3A_90, %dma_start3A_91, %dma_start3A_92] : memref<2x128x128xf32, #tpu.memory_space<vmem>> -> memref<1x128x128xf32, #tpu.memory_space<vmem>>
      %dma_start3A_94 = tpu.memref_squeeze %dma_start3A_93 : memref<1x128x128xf32, #tpu.memory_space<vmem>> -> memref<128x128xf32, #tpu.memory_space<vmem>>
      %dma_start3A_95 = arith.constant 0 : i32
      %dma_start3A_96 = tpu.memref_slice %arg7[%dma_start3A, %dma_start3A_95] : memref<16x128xi32, #tpu.memory_space<vmem>> -> memref<1x128xi32, #tpu.memory_space<vmem>>
      %dma_start3A_97 = tpu.memref_squeeze %dma_start3A_96 : memref<1x128xi32, #tpu.memory_space<vmem>> -> memref<128xi32, #tpu.memory_space<vmem>>
      %dma_start3A_98 = arith.constant 0 : i32
      %dma_start3A_99 = arith.constant 0 : i32
      %dma_start3A_100 = tpu.memref_slice %arg2[%dma_start3A_98, %dma_start3A_99] : memref<10000x128xf32, #tpu.memory_space<hbm>> -> memref<10000x128xf32, #tpu.memory_space<hbm>>
      tpu.enqueue_indirect_dma source(%dma_start3A_100 : memref<10000x128xf32, #tpu.memory_space<hbm>>) target(%dma_start3A_94 : memref<128x128xf32, #tpu.memory_space<vmem>>) offsets(%dma_start3A_97 : memref<128xi32, #tpu.memory_space<vmem>>) semaphore(%arg12 : memref<!tpu.dma_semaphore, #tpu.memory_space<semaphore_mem>>)
      %scan3A_101 = arith.constant 0 : i32
      %scan3A_102 = arith.constant 0 : i32
      %scan3A_103 = arith.constant 8 : i32
      %scan3A_104 = arith.addi %scan3A_102, %scan3A_103 : i32
      %scan3A_105 = arith.constant 1 : i32
      scf.for %scan3A_107 = %scan3A_102 to %scan3A_104 step %scan3A_105  : i32 {
        %mul3A_108 = arith.constant 2 : i32
        %mul3A_109 = arith.muli %scan3A_107, %mul3A_108 : i32
        %add3A_110 = arith.constant 1 : i32
        %add3A_111 = arith.addi %mul3A_109, %add3A_110 : i32
        %dma_wait3A_112 = arith.constant 0 : i32
        %dma_wait3A_113 = arith.constant 0 : i32
        %dma_wait3A_114 = arith.constant 0 : i32
        %dma_wait3A_115 = arith.constant 0 : i32
        %dma_wait3A_116 = tpu.memref_slice %arg10[%dma_wait3A_113, %dma_wait3A_114, %dma_wait3A_115] : memref<2x128x128xf32, #tpu.memory_space<vmem>> -> memref<1x128x128xf32, #tpu.memory_space<vmem>>
        %dma_wait3A_117 = tpu.memref_squeeze %dma_wait3A_116 : memref<1x128x128xf32, #tpu.memory_space<vmem>> -> memref<128x128xf32, #tpu.memory_space<vmem>>
        %dma_wait3A_118 = arith.constant 0 : i32
        %dma_wait3A_119 = tpu.memref_slice %arg7[%dma_wait3A_112, %dma_wait3A_118] : memref<16x128xi32, #tpu.memory_space<vmem>> -> memref<1x128xi32, #tpu.memory_space<vmem>>
        %dma_wait3A_120 = tpu.memref_squeeze %dma_wait3A_119 : memref<1x128xi32, #tpu.memory_space<vmem>> -> memref<128xi32, #tpu.memory_space<vmem>>
        %dma_wait3A_121 = arith.constant 0 : i32
        %dma_wait3A_122 = arith.constant 0 : i32
        %dma_wait3A_123 = tpu.memref_slice %arg2[%dma_wait3A_121, %dma_wait3A_122] : memref<10000x128xf32, #tpu.memory_space<hbm>> -> memref<10000x128xf32, #tpu.memory_space<hbm>>
        tpu.wait_indirect_dma semaphore(%arg12 : memref<!tpu.dma_semaphore, #tpu.memory_space<semaphore_mem>>) src(%dma_wait3A_123 : memref<10000x128xf32, #tpu.memory_space<hbm>>) dst(%dma_wait3A_117 : memref<128x128xf32, #tpu.memory_space<vmem>>)
        %gt3A_124 = arith.constant 0 : i32
        %gt3A_125 = arith.cmpi sgt, %scan3A_107, %gt3A_124 : i32
        %convert_element_type3A_126 = arith.extui %gt3A_125 : i1 to i32
        %cond3A_127 = arith.constant 0 : i32
        %cond3A_128 = arith.cmpi ne, %convert_element_type3A_126, %cond3A_127 : i32
        scf.if %cond3A_128 {
          %dma_wait3A_202 = arith.constant 1 : i32
          %dma_wait3A_203 = arith.constant 0 : i32
          %dma_wait3A_204 = arith.constant 0 : i32
          %dma_wait3A_205 = arith.constant 0 : i32
          %dma_wait3A_206 = tpu.memref_slice %arg10[%dma_wait3A_202, %dma_wait3A_204, %dma_wait3A_205] : memref<2x128x128xf32, #tpu.memory_space<vmem>> -> memref<1x128x128xf32, #tpu.memory_space<vmem>>
          %dma_wait3A_207 = tpu.memref_squeeze %dma_wait3A_206 : memref<1x128x128xf32, #tpu.memory_space<vmem>> -> memref<128x128xf32, #tpu.memory_space<vmem>>
          %dma_wait3A_208 = arith.constant 0 : i32
          %dma_wait3A_209 = tpu.memref_slice %arg8[%dma_wait3A_203, %dma_wait3A_208] : memref<16x128xi32, #tpu.memory_space<vmem>> -> memref<1x128xi32, #tpu.memory_space<vmem>>
          %dma_wait3A_210 = tpu.memref_squeeze %dma_wait3A_209 : memref<1x128xi32, #tpu.memory_space<vmem>> -> memref<128xi32, #tpu.memory_space<vmem>>
          %dma_wait3A_211 = arith.constant 0 : i32
          %dma_wait3A_212 = arith.constant 0 : i32
          %dma_wait3A_213 = tpu.memref_slice %arg11[%dma_wait3A_211, %dma_wait3A_212] : memref<10240x128xf32, #tpu.memory_space<vmem_shared>> -> memref<10240x128xf32, #tpu.memory_space<vmem_shared>>
          tpu.wait_indirect_dma semaphore(%arg15 : memref<!tpu.dma_semaphore, #tpu.memory_space<semaphore_mem>>) src(%dma_wait3A_207 : memref<128x128xf32, #tpu.memory_space<vmem>>) dst(%dma_wait3A_213 : memref<10240x128xf32, #tpu.memory_space<vmem_shared>>)
        } else {
        }
        %dma_start3A_129 = arith.constant 1 : i32
        %dma_start3A_130 = arith.constant 0 : i32
        %dma_start3A_131 = arith.constant 0 : i32
        %dma_start3A_132 = tpu.memref_slice %arg10[%dma_start3A_129, %dma_start3A_130, %dma_start3A_131] : memref<2x128x128xf32, #tpu.memory_space<vmem>> -> memref<1x128x128xf32, #tpu.memory_space<vmem>>
        %dma_start3A_133 = tpu.memref_squeeze %dma_start3A_132 : memref<1x128x128xf32, #tpu.memory_space<vmem>> -> memref<128x128xf32, #tpu.memory_space<vmem>>
        %dma_start3A_134 = arith.constant 0 : i32
        %dma_start3A_135 = tpu.memref_slice %arg7[%add3A_111, %dma_start3A_134] : memref<16x128xi32, #tpu.memory_space<vmem>> -> memref<1x128xi32, #tpu.memory_space<vmem>>
        %dma_start3A_136 = tpu.memref_squeeze %dma_start3A_135 : memref<1x128xi32, #tpu.memory_space<vmem>> -> memref<128xi32, #tpu.memory_space<vmem>>
        %dma_start3A_137 = arith.constant 0 : i32
        %dma_start3A_138 = arith.constant 0 : i32
        %dma_start3A_139 = tpu.memref_slice %arg2[%dma_start3A_137, %dma_start3A_138] : memref<10000x128xf32, #tpu.memory_space<hbm>> -> memref<10000x128xf32, #tpu.memory_space<hbm>>
        tpu.enqueue_indirect_dma source(%dma_start3A_139 : memref<10000x128xf32, #tpu.memory_space<hbm>>) target(%dma_start3A_133 : memref<128x128xf32, #tpu.memory_space<vmem>>) offsets(%dma_start3A_136 : memref<128xi32, #tpu.memory_space<vmem>>) semaphore(%arg13 : memref<!tpu.dma_semaphore, #tpu.memory_space<semaphore_mem>>)
        %scan3A_140 = arith.constant 0 : i32
        %scan3A_141 = arith.constant 0 : i32
        %scan3A_142 = arith.constant 128 : i32
        %scan3A_143 = arith.addi %scan3A_141, %scan3A_142 : i32
        %scan3A_144 = arith.constant 1 : i32
        scf.for %scan3A_202 = %scan3A_141 to %scan3A_143 step %scan3A_144  : i32 {
          %mul3A_203 = arith.constant 128 : i32
          %mul3A_204 = arith.muli %mul3A_109, %mul3A_203 : i32
          %add3A_205 = arith.addi %mul3A_204, %scan3A_202 : i32
          %broadcast_in_dim3A_206 = vector.broadcast %add3A_205 : i32 to vector<16xi32>
          %gather3A = tpu.vector_load_idx %arg9[%broadcast_in_dim3A_206] : memref<2048xf32, #tpu.memory_space<vmem>>[vector<16xi32>], vector<16xf32>,
          %get3A = arith.constant 0 : i32
          %get3A_207 = arith.index_cast %get3A : i32 to index
          %get3A_208 = arith.index_cast %scan3A_202 : i32 to index
          %get3A_209 = arith.constant 0 : index
          %get3A_210 = tpu.vector_load %arg10[%get3A_207, %get3A_208, %get3A_209] {strides = array<i32>} : memref<2x128x128xf32, #tpu.memory_space<vmem>>, vector<16xf32>,
          %mul3A_211 = arith.mulf %get3A_210, %gather3A : vector<16xf32>
          %swap3A = arith.constant 0 : i32
          %swap3A_212 = arith.index_cast %swap3A : i32 to index
          %swap3A_213 = arith.index_cast %scan3A_202 : i32 to index
          %swap3A_214 = arith.constant 0 : index
          %swap3A_215 = tpu.vector_load %arg10[%swap3A_212, %swap3A_213, %swap3A_214] {strides = array<i32>} : memref<2x128x128xf32, #tpu.memory_space<vmem>>, vector<16xf32>,
          tpu.vector_store %arg10[%swap3A_212, %swap3A_213, %swap3A_214], %mul3A_211 {strides = array<i32>} : memref<2x128x128xf32, #tpu.memory_space<vmem>>, vector<16xf32>,
          %get3A_216 = arith.constant 0 : i32
          %get3A_217 = arith.index_cast %get3A_216 : i32 to index
          %get3A_218 = arith.index_cast %scan3A_202 : i32 to index
          %get3A_219 = arith.constant 16 : index
          %get3A_220 = tpu.vector_load %arg10[%get3A_217, %get3A_218, %get3A_219] {strides = array<i32>} : memref<2x128x128xf32, #tpu.memory_space<vmem>>, vector<16xf32>,
          %mul3A_221 = arith.mulf %get3A_220, %gather3A : vector<16xf32>
          %swap3A_222 = arith.constant 0 : i32
          %swap3A_223 = arith.index_cast %swap3A_222 : i32 to index
          %swap3A_224 = arith.index_cast %scan3A_202 : i32 to index
          %swap3A_225 = arith.constant 16 : index
          %swap3A_226 = tpu.vector_load %arg10[%swap3A_223, %swap3A_224, %swap3A_225] {strides = array<i32>} : memref<2x128x128xf32, #tpu.memory_space<vmem>>, vector<16xf32>,
          tpu.vector_store %arg10[%swap3A_223, %swap3A_224, %swap3A_225], %mul3A_221 {strides = array<i32>} : memref<2x128x128xf32, #tpu.memory_space<vmem>>, vector<16xf32>,
          %get3A_227 = arith.constant 0 : i32
          %get3A_228 = arith.index_cast %get3A_227 : i32 to index
          %get3A_229 = arith.index_cast %scan3A_202 : i32 to index
          %get3A_230 = arith.constant 32 : index
          %get3A_231 = tpu.vector_load %arg10[%get3A_228, %get3A_229, %get3A_230] {strides = array<i32>} : memref<2x128x128xf32, #tpu.memory_space<vmem>>, vector<16xf32>,
          %mul3A_232 = arith.mulf %get3A_231, %gather3A : vector<16xf32>
          %swap3A_233 = arith.constant 0 : i32
          %swap3A_234 = arith.index_cast %swap3A_233 : i32 to index
          %swap3A_235 = arith.index_cast %scan3A_202 : i32 to index
          %swap3A_236 = arith.constant 32 : index
          %swap3A_237 = tpu.vector_load %arg10[%swap3A_234, %swap3A_235, %swap3A_236] {strides = array<i32>} : memref<2x128x128xf32, #tpu.memory_space<vmem>>, vector<16xf32>,
          tpu.vector_store %arg10[%swap3A_234, %swap3A_235, %swap3A_236], %mul3A_232 {strides = array<i32>} : memref<2x128x128xf32, #tpu.memory_space<vmem>>, vector<16xf32>,
          %get3A_238 = arith.constant 0 : i32
          %get3A_239 = arith.index_cast %get3A_238 : i32 to index
          %get3A_240 = arith.index_cast %scan3A_202 : i32 to index
          %get3A_241 = arith.constant 48 : index
          %get3A_242 = tpu.vector_load %arg10[%get3A_239, %get3A_240, %get3A_241] {strides = array<i32>} : memref<2x128x128xf32, #tpu.memory_space<vmem>>, vector<16xf32>,
          %mul3A_243 = arith.mulf %get3A_242, %gather3A : vector<16xf32>
          %swap3A_244 = arith.constant 0 : i32
          %swap3A_245 = arith.index_cast %swap3A_244 : i32 to index
          %swap3A_246 = arith.index_cast %scan3A_202 : i32 to index
          %swap3A_247 = arith.constant 48 : index
          %swap3A_248 = tpu.vector_load %arg10[%swap3A_245, %swap3A_246, %swap3A_247] {strides = array<i32>} : memref<2x128x128xf32, #tpu.memory_space<vmem>>, vector<16xf32>,
          tpu.vector_store %arg10[%swap3A_245, %swap3A_246, %swap3A_247], %mul3A_243 {strides = array<i32>} : memref<2x128x128xf32, #tpu.memory_space<vmem>>, vector<16xf32>,
          %get3A_249 = arith.constant 0 : i32
          %get3A_250 = arith.index_cast %get3A_249 : i32 to index
          %get3A_251 = arith.index_cast %scan3A_202 : i32 to index
          %get3A_252 = arith.constant 64 : index
          %get3A_253 = tpu.vector_load %arg10[%get3A_250, %get3A_251, %get3A_252] {strides = array<i32>} : memref<2x128x128xf32, #tpu.memory_space<vmem>>, vector<16xf32>,
          %mul3A_254 = arith.mulf %get3A_253, %gather3A : vector<16xf32>
          %swap3A_255 = arith.constant 0 : i32
          %swap3A_256 = arith.index_cast %swap3A_255 : i32 to index
          %swap3A_257 = arith.index_cast %scan3A_202 : i32 to index
          %swap3A_258 = arith.constant 64 : index
          %swap3A_259 = tpu.vector_load %arg10[%swap3A_256, %swap3A_257, %swap3A_258] {strides = array<i32>} : memref<2x128x128xf32, #tpu.memory_space<vmem>>, vector<16xf32>,
          tpu.vector_store %arg10[%swap3A_256, %swap3A_257, %swap3A_258], %mul3A_254 {strides = array<i32>} : memref<2x128x128xf32, #tpu.memory_space<vmem>>, vector<16xf32>,
          %get3A_260 = arith.constant 0 : i32
          %get3A_261 = arith.index_cast %get3A_260 : i32 to index
          %get3A_262 = arith.index_cast %scan3A_202 : i32 to index
          %get3A_263 = arith.constant 80 : index
          %get3A_264 = tpu.vector_load %arg10[%get3A_261, %get3A_262, %get3A_263] {strides = array<i32>} : memref<2x128x128xf32, #tpu.memory_space<vmem>>, vector<16xf32>,
          %mul3A_265 = arith.mulf %get3A_264, %gather3A : vector<16xf32>
          %swap3A_266 = arith.constant 0 : i32
          %swap3A_267 = arith.index_cast %swap3A_266 : i32 to index
          %swap3A_268 = arith.index_cast %scan3A_202 : i32 to index
          %swap3A_269 = arith.constant 80 : index
          %swap3A_270 = tpu.vector_load %arg10[%swap3A_267, %swap3A_268, %swap3A_269] {strides = array<i32>} : memref<2x128x128xf32, #tpu.memory_space<vmem>>, vector<16xf32>,
          tpu.vector_store %arg10[%swap3A_267, %swap3A_268, %swap3A_269], %mul3A_265 {strides = array<i32>} : memref<2x128x128xf32, #tpu.memory_space<vmem>>, vector<16xf32>,
          %get3A_271 = arith.constant 0 : i32
          %get3A_272 = arith.index_cast %get3A_271 : i32 to index
          %get3A_273 = arith.index_cast %scan3A_202 : i32 to index
          %get3A_274 = arith.constant 96 : index
          %get3A_275 = tpu.vector_load %arg10[%get3A_272, %get3A_273, %get3A_274] {strides = array<i32>} : memref<2x128x128xf32, #tpu.memory_space<vmem>>, vector<16xf32>,
          %mul3A_276 = arith.mulf %get3A_275, %gather3A : vector<16xf32>
          %swap3A_277 = arith.constant 0 : i32
          %swap3A_278 = arith.index_cast %swap3A_277 : i32 to index
          %swap3A_279 = arith.index_cast %scan3A_202 : i32 to index
          %swap3A_280 = arith.constant 96 : index
          %swap3A_281 = tpu.vector_load %arg10[%swap3A_278, %swap3A_279, %swap3A_280] {strides = array<i32>} : memref<2x128x128xf32, #tpu.memory_space<vmem>>, vector<16xf32>,
          tpu.vector_store %arg10[%swap3A_278, %swap3A_279, %swap3A_280], %mul3A_276 {strides = array<i32>} : memref<2x128x128xf32, #tpu.memory_space<vmem>>, vector<16xf32>,
          %get3A_282 = arith.constant 0 : i32
          %get3A_283 = arith.index_cast %get3A_282 : i32 to index
          %get3A_284 = arith.index_cast %scan3A_202 : i32 to index
          %get3A_285 = arith.constant 112 : index
          %get3A_286 = tpu.vector_load %arg10[%get3A_283, %get3A_284, %get3A_285] {strides = array<i32>} : memref<2x128x128xf32, #tpu.memory_space<vmem>>, vector<16xf32>,
          %mul3A_287 = arith.mulf %get3A_286, %gather3A : vector<16xf32>
          %swap3A_288 = arith.constant 0 : i32
          %swap3A_289 = arith.index_cast %swap3A_288 : i32 to index
          %swap3A_290 = arith.index_cast %scan3A_202 : i32 to index
          %swap3A_291 = arith.constant 112 : index
          %swap3A_292 = tpu.vector_load %arg10[%swap3A_289, %swap3A_290, %swap3A_291] {strides = array<i32>} : memref<2x128x128xf32, #tpu.memory_space<vmem>>, vector<16xf32>,
          tpu.vector_store %arg10[%swap3A_289, %swap3A_290, %swap3A_291], %mul3A_287 {strides = array<i32>} : memref<2x128x128xf32, #tpu.memory_space<vmem>>, vector<16xf32>,
        }
        %scan3A_145 = arith.constant 128 : i32
        %dma_start3A_146 = arith.constant 0 : i32
        %dma_start3A_147 = arith.constant 0 : i32
        %dma_start3A_148 = arith.constant 0 : i32
        %dma_start3A_149 = tpu.memref_slice %arg10[%dma_start3A_146, %dma_start3A_147, %dma_start3A_148] : memref<2x128x128xf32, #tpu.memory_space<vmem>> -> memref<1x128x128xf32, #tpu.memory_space<vmem>>
        %dma_start3A_150 = tpu.memref_squeeze %dma_start3A_149 : memref<1x128x128xf32, #tpu.memory_space<vmem>> -> memref<128x128xf32, #tpu.memory_space<vmem>>
        %dma_start3A_151 = arith.constant 0 : i32
        %dma_start3A_152 = tpu.memref_slice %arg8[%mul3A_109, %dma_start3A_151] : memref<16x128xi32, #tpu.memory_space<vmem>> -> memref<1x128xi32, #tpu.memory_space<vmem>>
        %dma_start3A_153 = tpu.memref_squeeze %dma_start3A_152 : memref<1x128xi32, #tpu.memory_space<vmem>> -> memref<128xi32, #tpu.memory_space<vmem>>
        %dma_start3A_154 = arith.constant 0 : i32
        %dma_start3A_155 = arith.constant 0 : i32
        %dma_start3A_156 = tpu.memref_slice %arg11[%dma_start3A_154, %dma_start3A_155] : memref<10240x128xf32, #tpu.memory_space<vmem_shared>> -> memref<10240x128xf32, #tpu.memory_space<vmem_shared>>
        tpu.enqueue_indirect_dma source(%dma_start3A_150 : memref<128x128xf32, #tpu.memory_space<vmem>>) target(%dma_start3A_156 : memref<10240x128xf32, #tpu.memory_space<vmem_shared>>) offsets(%dma_start3A_153 : memref<128xi32, #tpu.memory_space<vmem>>) semaphore(%arg14 : memref<!tpu.dma_semaphore, #tpu.memory_space<semaphore_mem>>) {add = true}
        %dma_wait3A_157 = arith.constant 0 : i32
        %dma_wait3A_158 = arith.constant 1 : i32
        %dma_wait3A_159 = arith.constant 0 : i32
        %dma_wait3A_160 = arith.constant 0 : i32
        %dma_wait3A_161 = tpu.memref_slice %arg10[%dma_wait3A_158, %dma_wait3A_159, %dma_wait3A_160] : memref<2x128x128xf32, #tpu.memory_space<vmem>> -> memref<1x128x128xf32, #tpu.memory_space<vmem>>
        %dma_wait3A_162 = tpu.memref_squeeze %dma_wait3A_161 : memref<1x128x128xf32, #tpu.memory_space<vmem>> -> memref<128x128xf32, #tpu.memory_space<vmem>>
        %dma_wait3A_163 = arith.constant 0 : i32
        %dma_wait3A_164 = tpu.memref_slice %arg7[%dma_wait3A_157, %dma_wait3A_163] : memref<16x128xi32, #tpu.memory_space<vmem>> -> memref<1x128xi32, #tpu.memory_space<vmem>>
        %dma_wait3A_165 = tpu.memref_squeeze %dma_wait3A_164 : memref<1x128xi32, #tpu.memory_space<vmem>> -> memref<128xi32, #tpu.memory_space<vmem>>
        %dma_wait3A_166 = arith.constant 0 : i32
        %dma_wait3A_167 = arith.constant 0 : i32
        %dma_wait3A_168 = tpu.memref_slice %arg2[%dma_wait3A_166, %dma_wait3A_167] : memref<10000x128xf32, #tpu.memory_space<hbm>> -> memref<10000x128xf32, #tpu.memory_space<hbm>>
        tpu.wait_indirect_dma semaphore(%arg13 : memref<!tpu.dma_semaphore, #tpu.memory_space<semaphore_mem>>) src(%dma_wait3A_168 : memref<10000x128xf32, #tpu.memory_space<hbm>>) dst(%dma_wait3A_162 : memref<128x128xf32, #tpu.memory_space<vmem>>)
        %scan3A_169 = arith.constant 0 : i32
        %scan3A_170 = arith.constant 0 : i32
        %scan3A_171 = arith.constant 128 : i32
        %scan3A_172 = arith.addi %scan3A_170, %scan3A_171 : i32
        %scan3A_173 = arith.constant 1 : i32
        scf.for %scan3A_202 = %scan3A_170 to %scan3A_172 step %scan3A_173  : i32 {
          %mul3A_203 = arith.constant 128 : i32
          %mul3A_204 = arith.muli %add3A_111, %mul3A_203 : i32
          %add3A_205 = arith.addi %mul3A_204, %scan3A_202 : i32
          %broadcast_in_dim3A_206 = vector.broadcast %add3A_205 : i32 to vector<16xi32>
          %gather3A = tpu.vector_load_idx %arg9[%broadcast_in_dim3A_206] : memref<2048xf32, #tpu.memory_space<vmem>>[vector<16xi32>], vector<16xf32>,
          %get3A = arith.constant 1 : i32
          %get3A_207 = arith.index_cast %get3A : i32 to index
          %get3A_208 = arith.index_cast %scan3A_202 : i32 to index
          %get3A_209 = arith.constant 0 : index
          %get3A_210 = tpu.vector_load %arg10[%get3A_207, %get3A_208, %get3A_209] {strides = array<i32>} : memref<2x128x128xf32, #tpu.memory_space<vmem>>, vector<16xf32>,
          %mul3A_211 = arith.mulf %get3A_210, %gather3A : vector<16xf32>
          %swap3A = arith.constant 1 : i32
          %swap3A_212 = arith.index_cast %swap3A : i32 to index
          %swap3A_213 = arith.index_cast %scan3A_202 : i32 to index
          %swap3A_214 = arith.constant 0 : index
          %swap3A_215 = tpu.vector_load %arg10[%swap3A_212, %swap3A_213, %swap3A_214] {strides = array<i32>} : memref<2x128x128xf32, #tpu.memory_space<vmem>>, vector<16xf32>,
          tpu.vector_store %arg10[%swap3A_212, %swap3A_213, %swap3A_214], %mul3A_211 {strides = array<i32>} : memref<2x128x128xf32, #tpu.memory_space<vmem>>, vector<16xf32>,
          %get3A_216 = arith.constant 1 : i32
          %get3A_217 = arith.index_cast %get3A_216 : i32 to index
          %get3A_218 = arith.index_cast %scan3A_202 : i32 to index
          %get3A_219 = arith.constant 16 : index
          %get3A_220 = tpu.vector_load %arg10[%get3A_217, %get3A_218, %get3A_219] {strides = array<i32>} : memref<2x128x128xf32, #tpu.memory_space<vmem>>, vector<16xf32>,
          %mul3A_221 = arith.mulf %get3A_220, %gather3A : vector<16xf32>
          %swap3A_222 = arith.constant 1 : i32
          %swap3A_223 = arith.index_cast %swap3A_222 : i32 to index
          %swap3A_224 = arith.index_cast %scan3A_202 : i32 to index
          %swap3A_225 = arith.constant 16 : index
          %swap3A_226 = tpu.vector_load %arg10[%swap3A_223, %swap3A_224, %swap3A_225] {strides = array<i32>} : memref<2x128x128xf32, #tpu.memory_space<vmem>>, vector<16xf32>,
          tpu.vector_store %arg10[%swap3A_223, %swap3A_224, %swap3A_225], %mul3A_221 {strides = array<i32>} : memref<2x128x128xf32, #tpu.memory_space<vmem>>, vector<16xf32>,
          %get3A_227 = arith.constant 1 : i32
          %get3A_228 = arith.index_cast %get3A_227 : i32 to index
          %get3A_229 = arith.index_cast %scan3A_202 : i32 to index
          %get3A_230 = arith.constant 32 : index
          %get3A_231 = tpu.vector_load %arg10[%get3A_228, %get3A_229, %get3A_230] {strides = array<i32>} : memref<2x128x128xf32, #tpu.memory_space<vmem>>, vector<16xf32>,
          %mul3A_232 = arith.mulf %get3A_231, %gather3A : vector<16xf32>
          %swap3A_233 = arith.constant 1 : i32
          %swap3A_234 = arith.index_cast %swap3A_233 : i32 to index
          %swap3A_235 = arith.index_cast %scan3A_202 : i32 to index
          %swap3A_236 = arith.constant 32 : index
          %swap3A_237 = tpu.vector_load %arg10[%swap3A_234, %swap3A_235, %swap3A_236] {strides = array<i32>} : memref<2x128x128xf32, #tpu.memory_space<vmem>>, vector<16xf32>,
          tpu.vector_store %arg10[%swap3A_234, %swap3A_235, %swap3A_236], %mul3A_232 {strides = array<i32>} : memref<2x128x128xf32, #tpu.memory_space<vmem>>, vector<16xf32>,
          %get3A_238 = arith.constant 1 : i32
          %get3A_239 = arith.index_cast %get3A_238 : i32 to index
          %get3A_240 = arith.index_cast %scan3A_202 : i32 to index
          %get3A_241 = arith.constant 48 : index
          %get3A_242 = tpu.vector_load %arg10[%get3A_239, %get3A_240, %get3A_241] {strides = array<i32>} : memref<2x128x128xf32, #tpu.memory_space<vmem>>, vector<16xf32>,
          %mul3A_243 = arith.mulf %get3A_242, %gather3A : vector<16xf32>
          %swap3A_244 = arith.constant 1 : i32
          %swap3A_245 = arith.index_cast %swap3A_244 : i32 to index
          %swap3A_246 = arith.index_cast %scan3A_202 : i32 to index
          %swap3A_247 = arith.constant 48 : index
          %swap3A_248 = tpu.vector_load %arg10[%swap3A_245, %swap3A_246, %swap3A_247] {strides = array<i32>} : memref<2x128x128xf32, #tpu.memory_space<vmem>>, vector<16xf32>,
          tpu.vector_store %arg10[%swap3A_245, %swap3A_246, %swap3A_247], %mul3A_243 {strides = array<i32>} : memref<2x128x128xf32, #tpu.memory_space<vmem>>, vector<16xf32>,
          %get3A_249 = arith.constant 1 : i32
          %get3A_250 = arith.index_cast %get3A_249 : i32 to index
          %get3A_251 = arith.index_cast %scan3A_202 : i32 to index
          %get3A_252 = arith.constant 64 : index
          %get3A_253 = tpu.vector_load %arg10[%get3A_250, %get3A_251, %get3A_252] {strides = array<i32>} : memref<2x128x128xf32, #tpu.memory_space<vmem>>, vector<16xf32>,
          %mul3A_254 = arith.mulf %get3A_253, %gather3A : vector<16xf32>
          %swap3A_255 = arith.constant 1 : i32
          %swap3A_256 = arith.index_cast %swap3A_255 : i32 to index
          %swap3A_257 = arith.index_cast %scan3A_202 : i32 to index
          %swap3A_258 = arith.constant 64 : index
          %swap3A_259 = tpu.vector_load %arg10[%swap3A_256, %swap3A_257, %swap3A_258] {strides = array<i32>} : memref<2x128x128xf32, #tpu.memory_space<vmem>>, vector<16xf32>,
          tpu.vector_store %arg10[%swap3A_256, %swap3A_257, %swap3A_258], %mul3A_254 {strides = array<i32>} : memref<2x128x128xf32, #tpu.memory_space<vmem>>, vector<16xf32>,
          %get3A_260 = arith.constant 1 : i32
          %get3A_261 = arith.index_cast %get3A_260 : i32 to index
          %get3A_262 = arith.index_cast %scan3A_202 : i32 to index
          %get3A_263 = arith.constant 80 : index
          %get3A_264 = tpu.vector_load %arg10[%get3A_261, %get3A_262, %get3A_263] {strides = array<i32>} : memref<2x128x128xf32, #tpu.memory_space<vmem>>, vector<16xf32>,
          %mul3A_265 = arith.mulf %get3A_264, %gather3A : vector<16xf32>
          %swap3A_266 = arith.constant 1 : i32
          %swap3A_267 = arith.index_cast %swap3A_266 : i32 to index
          %swap3A_268 = arith.index_cast %scan3A_202 : i32 to index
          %swap3A_269 = arith.constant 80 : index
          %swap3A_270 = tpu.vector_load %arg10[%swap3A_267, %swap3A_268, %swap3A_269] {strides = array<i32>} : memref<2x128x128xf32, #tpu.memory_space<vmem>>, vector<16xf32>,
          tpu.vector_store %arg10[%swap3A_267, %swap3A_268, %swap3A_269], %mul3A_265 {strides = array<i32>} : memref<2x128x128xf32, #tpu.memory_space<vmem>>, vector<16xf32>,
          %get3A_271 = arith.constant 1 : i32
          %get3A_272 = arith.index_cast %get3A_271 : i32 to index
          %get3A_273 = arith.index_cast %scan3A_202 : i32 to index
          %get3A_274 = arith.constant 96 : index
          %get3A_275 = tpu.vector_load %arg10[%get3A_272, %get3A_273, %get3A_274] {strides = array<i32>} : memref<2x128x128xf32, #tpu.memory_space<vmem>>, vector<16xf32>,
          %mul3A_276 = arith.mulf %get3A_275, %gather3A : vector<16xf32>
          %swap3A_277 = arith.constant 1 : i32
          %swap3A_278 = arith.index_cast %swap3A_277 : i32 to index
          %swap3A_279 = arith.index_cast %scan3A_202 : i32 to index
          %swap3A_280 = arith.constant 96 : index
          %swap3A_281 = tpu.vector_load %arg10[%swap3A_278, %swap3A_279, %swap3A_280] {strides = array<i32>} : memref<2x128x128xf32, #tpu.memory_space<vmem>>, vector<16xf32>,
          tpu.vector_store %arg10[%swap3A_278, %swap3A_279, %swap3A_280], %mul3A_276 {strides = array<i32>} : memref<2x128x128xf32, #tpu.memory_space<vmem>>, vector<16xf32>,
          %get3A_282 = arith.constant 1 : i32
          %get3A_283 = arith.index_cast %get3A_282 : i32 to index
          %get3A_284 = arith.index_cast %scan3A_202 : i32 to index
          %get3A_285 = arith.constant 112 : index
          %get3A_286 = tpu.vector_load %arg10[%get3A_283, %get3A_284, %get3A_285] {strides = array<i32>} : memref<2x128x128xf32, #tpu.memory_space<vmem>>, vector<16xf32>,
          %mul3A_287 = arith.mulf %get3A_286, %gather3A : vector<16xf32>
          %swap3A_288 = arith.constant 1 : i32
          %swap3A_289 = arith.index_cast %swap3A_288 : i32 to index
          %swap3A_290 = arith.index_cast %scan3A_202 : i32 to index
          %swap3A_291 = arith.constant 112 : index
          %swap3A_292 = tpu.vector_load %arg10[%swap3A_289, %swap3A_290, %swap3A_291] {strides = array<i32>} : memref<2x128x128xf32, #tpu.memory_space<vmem>>, vector<16xf32>,
          tpu.vector_store %arg10[%swap3A_289, %swap3A_290, %swap3A_291], %mul3A_287 {strides = array<i32>} : memref<2x128x128xf32, #tpu.memory_space<vmem>>, vector<16xf32>,
        }
        %scan3A_174 = arith.constant 128 : i32
        %dma_wait3A_175 = arith.constant 0 : i32
        %dma_wait3A_176 = arith.constant 0 : i32
        %dma_wait3A_177 = arith.constant 0 : i32
        %dma_wait3A_178 = arith.constant 0 : i32
        %dma_wait3A_179 = tpu.memref_slice %arg10[%dma_wait3A_175, %dma_wait3A_177, %dma_wait3A_178] : memref<2x128x128xf32, #tpu.memory_space<vmem>> -> memref<1x128x128xf32, #tpu.memory_space<vmem>>
        %dma_wait3A_180 = tpu.memref_squeeze %dma_wait3A_179 : memref<1x128x128xf32, #tpu.memory_space<vmem>> -> memref<128x128xf32, #tpu.memory_space<vmem>>
        %dma_wait3A_181 = arith.constant 0 : i32
        %dma_wait3A_182 = tpu.memref_slice %arg8[%dma_wait3A_176, %dma_wait3A_181] : memref<16x128xi32, #tpu.memory_space<vmem>> -> memref<1x128xi32, #tpu.memory_space<vmem>>
        %dma_wait3A_183 = tpu.memref_squeeze %dma_wait3A_182 : memref<1x128xi32, #tpu.memory_space<vmem>> -> memref<128xi32, #tpu.memory_space<vmem>>
        %dma_wait3A_184 = arith.constant 0 : i32
        %dma_wait3A_185 = arith.constant 0 : i32
        %dma_wait3A_186 = tpu.memref_slice %arg11[%dma_wait3A_184, %dma_wait3A_185] : memref<10240x128xf32, #tpu.memory_space<vmem_shared>> -> memref<10240x128xf32, #tpu.memory_space<vmem_shared>>
        tpu.wait_indirect_dma semaphore(%arg14 : memref<!tpu.dma_semaphore, #tpu.memory_space<semaphore_mem>>) src(%dma_wait3A_180 : memref<128x128xf32, #tpu.memory_space<vmem>>) dst(%dma_wait3A_186 : memref<10240x128xf32, #tpu.memory_space<vmem_shared>>)
        %lt3A = arith.constant 7 : i32
        %lt3A_187 = arith.cmpi slt, %scan3A_107, %lt3A : i32
        %convert_element_type3A_188 = arith.extui %lt3A_187 : i1 to i32
        %cond3A_189 = arith.constant 0 : i32
        %cond3A_190 = arith.cmpi ne, %convert_element_type3A_188, %cond3A_189 : i32
        scf.if %cond3A_190 {
          %add3A_202 = arith.constant 2 : i32
          %add3A_203 = arith.addi %mul3A_109, %add3A_202 : i32
          %dma_start3A_204 = arith.constant 0 : i32
          %dma_start3A_205 = arith.constant 0 : i32
          %dma_start3A_206 = arith.constant 0 : i32
          %dma_start3A_207 = tpu.memref_slice %arg10[%dma_start3A_204, %dma_start3A_205, %dma_start3A_206] : memref<2x128x128xf32, #tpu.memory_space<vmem>> -> memref<1x128x128xf32, #tpu.memory_space<vmem>>
          %dma_start3A_208 = tpu.memref_squeeze %dma_start3A_207 : memref<1x128x128xf32, #tpu.memory_space<vmem>> -> memref<128x128xf32, #tpu.memory_space<vmem>>
          %dma_start3A_209 = arith.constant 0 : i32
          %dma_start3A_210 = tpu.memref_slice %arg7[%add3A_203, %dma_start3A_209] : memref<16x128xi32, #tpu.memory_space<vmem>> -> memref<1x128xi32, #tpu.memory_space<vmem>>
          %dma_start3A_211 = tpu.memref_squeeze %dma_start3A_210 : memref<1x128xi32, #tpu.memory_space<vmem>> -> memref<128xi32, #tpu.memory_space<vmem>>
          %dma_start3A_212 = arith.constant 0 : i32
          %dma_start3A_213 = arith.constant 0 : i32
          %dma_start3A_214 = tpu.memref_slice %arg2[%dma_start3A_212, %dma_start3A_213] : memref<10000x128xf32, #tpu.memory_space<hbm>> -> memref<10000x128xf32, #tpu.memory_space<hbm>>
          tpu.enqueue_indirect_dma source(%dma_start3A_214 : memref<10000x128xf32, #tpu.memory_space<hbm>>) target(%dma_start3A_208 : memref<128x128xf32, #tpu.memory_space<vmem>>) offsets(%dma_start3A_211 : memref<128xi32, #tpu.memory_space<vmem>>) semaphore(%arg12 : memref<!tpu.dma_semaphore, #tpu.memory_space<semaphore_mem>>)
        } else {
        }
        %dma_start3A_191 = arith.constant 1 : i32
        %dma_start3A_192 = arith.constant 0 : i32
        %dma_start3A_193 = arith.constant 0 : i32
        %dma_start3A_194 = tpu.memref_slice %arg10[%dma_start3A_191, %dma_start3A_192, %dma_start3A_193] : memref<2x128x128xf32, #tpu.memory_space<vmem>> -> memref<1x128x128xf32, #tpu.memory_space<vmem>>
        %dma_start3A_195 = tpu.memref_squeeze %dma_start3A_194 : memref<1x128x128xf32, #tpu.memory_space<vmem>> -> memref<128x128xf32, #tpu.memory_space<vmem>>
        %dma_start3A_196 = arith.constant 0 : i32
        %dma_start3A_197 = tpu.memref_slice %arg8[%add3A_111, %dma_start3A_196] : memref<16x128xi32, #tpu.memory_space<vmem>> -> memref<1x128xi32, #tpu.memory_space<vmem>>
        %dma_start3A_198 = tpu.memref_squeeze %dma_start3A_197 : memref<1x128xi32, #tpu.memory_space<vmem>> -> memref<128xi32, #tpu.memory_space<vmem>>
        %dma_start3A_199 = arith.constant 0 : i32
        %dma_start3A_200 = arith.constant 0 : i32
        %dma_start3A_201 = tpu.memref_slice %arg11[%dma_start3A_199, %dma_start3A_200] : memref<10240x128xf32, #tpu.memory_space<vmem_shared>> -> memref<10240x128xf32, #tpu.memory_space<vmem_shared>>
        tpu.enqueue_indirect_dma source(%dma_start3A_195 : memref<128x128xf32, #tpu.memory_space<vmem>>) target(%dma_start3A_201 : memref<10240x128xf32, #tpu.memory_space<vmem_shared>>) offsets(%dma_start3A_198 : memref<128xi32, #tpu.memory_space<vmem>>) semaphore(%arg15 : memref<!tpu.dma_semaphore, #tpu.memory_space<semaphore_mem>>) {add = true}
      }
      %scan3A_106 = arith.constant 8 : i32
    }
    %scan3A_36 = arith.constant 5 : i32
    %dma_wait3A = arith.constant 1 : i32
    %dma_wait3A_37 = arith.constant 0 : i32
    %dma_wait3A_38 = arith.constant 0 : i32
    %dma_wait3A_39 = arith.constant 0 : i32
    %dma_wait3A_40 = tpu.memref_slice %arg10[%dma_wait3A, %dma_wait3A_38, %dma_wait3A_39] : memref<2x128x128xf32, #tpu.memory_space<vmem>> -> memref<1x128x128xf32, #tpu.memory_space<vmem>>
    %dma_wait3A_41 = tpu.memref_squeeze %dma_wait3A_40 : memref<1x128x128xf32, #tpu.memory_space<vmem>> -> memref<128x128xf32, #tpu.memory_space<vmem>>
    %dma_wait3A_42 = arith.constant 0 : i32
    %dma_wait3A_43 = tpu.memref_slice %arg8[%dma_wait3A_37, %dma_wait3A_42] : memref<16x128xi32, #tpu.memory_space<vmem>> -> memref<1x128xi32, #tpu.memory_space<vmem>>
    %dma_wait3A_44 = tpu.memref_squeeze %dma_wait3A_43 : memref<1x128xi32, #tpu.memory_space<vmem>> -> memref<128xi32, #tpu.memory_space<vmem>>
    %dma_wait3A_45 = arith.constant 0 : i32
    %dma_wait3A_46 = arith.constant 0 : i32
    %dma_wait3A_47 = tpu.memref_slice %arg11[%dma_wait3A_45, %dma_wait3A_46] : memref<10240x128xf32, #tpu.memory_space<vmem_shared>> -> memref<10240x128xf32, #tpu.memory_space<vmem_shared>>
    tpu.wait_indirect_dma semaphore(%arg15 : memref<!tpu.dma_semaphore, #tpu.memory_space<semaphore_mem>>) src(%dma_wait3A_41 : memref<128x128xf32, #tpu.memory_space<vmem>>) dst(%dma_wait3A_47 : memref<10240x128xf32, #tpu.memory_space<vmem_shared>>)
    %barrier3A_48 = arith.constant 0 : index
    tpu.barrier barrier_id(%barrier3A_48)
    %mul3A_49 = arith.constant 640 : i32
    %mul3A_50 = arith.muli %arg1, %mul3A_49 : i32
    %add3A_51 = arith.constant 0 : i32
    %add3A_52 = arith.addi %mul3A_50, %add3A_51 : i32
    %run_scoped3A_53 = arith.constant 0 : i32
    "tpu.region"() ({
      %run_scoped3A_79 = tpu.sem_alloc : memref<!tpu.dma_semaphore, #tpu.memory_space<semaphore_mem>>
      %dma_start3A = arith.constant 0 : i32
      %dma_start3A_80 = arith.constant 0 : i32
      %dma_start3A_81 = tpu.memref_slice %arg10[%run_scoped3A_53, %dma_start3A, %dma_start3A_80] : memref<2x128x128xf32, #tpu.memory_space<vmem>> -> memref<1x128x128xf32, #tpu.memory_space<vmem>>
      %dma_start3A_82 = tpu.memref_squeeze %dma_start3A_81 : memref<1x128x128xf32, #tpu.memory_space<vmem>> -> memref<128x128xf32, #tpu.memory_space<vmem>>
      %dma_start3A_83 = arith.constant 0 : i32
      %dma_start3A_84 = tpu.memref_slice %arg11[%add3A_52, %dma_start3A_83] : memref<10240x128xf32, #tpu.memory_space<vmem_shared>> -> memref<128x128xf32, #tpu.memory_space<vmem_shared>>
      %dma_start3A_85 = arith.constant 0 : i32
      %dma_start3A_86 = arith.constant 0 : i32
      %dma_start3A_87 = tpu.memref_slice %arg10[%run_scoped3A_53, %dma_start3A_85, %dma_start3A_86] : memref<2x128x128xf32, #tpu.memory_space<vmem>> -> memref<1x128x128xf32, #tpu.memory_space<vmem>>
      %dma_start3A_88 = tpu.memref_squeeze %dma_start3A_87 : memref<1x128x128xf32, #tpu.memory_space<vmem>> -> memref<128x128xf32, #tpu.memory_space<vmem>>
      %dma_start3A_89 = arith.constant 0 : i32
      %dma_start3A_90 = tpu.memref_slice %arg11[%add3A_52, %dma_start3A_89] : memref<10240x128xf32, #tpu.memory_space<vmem_shared>> -> memref<128x128xf32, #tpu.memory_space<vmem_shared>>
      tpu.enqueue_dma source(%dma_start3A_90 : memref<128x128xf32, #tpu.memory_space<vmem_shared>>) target(%dma_start3A_88 : memref<128x128xf32, #tpu.memory_space<vmem>>) target_semaphore(%run_scoped3A_79 : memref<!tpu.dma_semaphore, #tpu.memory_space<semaphore_mem>>)
      %dma_wait3A_91 = arith.constant 0 : i32
      %dma_wait3A_92 = arith.constant 0 : i32
      %dma_wait3A_93 = tpu.memref_slice %arg10[%run_scoped3A_53, %dma_wait3A_91, %dma_wait3A_92] : memref<2x128x128xf32, #tpu.memory_space<vmem>> -> memref<1x128x128xf32, #tpu.memory_space<vmem>>
      %dma_wait3A_94 = tpu.memref_squeeze %dma_wait3A_93 : memref<1x128x128xf32, #tpu.memory_space<vmem>> -> memref<128x128xf32, #tpu.memory_space<vmem>>
      %dma_wait3A_95 = arith.constant 0 : i32
      %dma_wait3A_96 = tpu.memref_slice %arg11[%add3A_52, %dma_wait3A_95] : memref<10240x128xf32, #tpu.memory_space<vmem_shared>> -> memref<128x128xf32, #tpu.memory_space<vmem_shared>>
      %dma_wait3A_97 = arith.constant 0 : i32
      %dma_wait3A_98 = arith.constant 0 : i32
      %dma_wait3A_99 = tpu.memref_slice %arg10[%run_scoped3A_53, %dma_wait3A_97, %dma_wait3A_98] : memref<2x128x128xf32, #tpu.memory_space<vmem>> -> memref<1x128x128xf32, #tpu.memory_space<vmem>>
      %dma_wait3A_100 = tpu.memref_squeeze %dma_wait3A_99 : memref<1x128x128xf32, #tpu.memory_space<vmem>> -> memref<128x128xf32, #tpu.memory_space<vmem>>
      %dma_wait3A_101 = arith.constant 0 : i32
      %dma_wait3A_102 = tpu.memref_slice %arg11[%add3A_52, %dma_wait3A_101] : memref<10240x128xf32, #tpu.memory_space<vmem_shared>> -> memref<128x128xf32, #tpu.memory_space<vmem_shared>>
      tpu.wait_dma2 semaphore(%run_scoped3A_79 : memref<!tpu.dma_semaphore, #tpu.memory_space<semaphore_mem>>) src(%dma_wait3A_102 : memref<128x128xf32, #tpu.memory_space<vmem_shared>>) dst(%dma_wait3A_100 : memref<128x128xf32, #tpu.memory_space<vmem>>)
      tpu.yield
    }) : () -> ()
    %run_scoped3A_54 = arith.constant 0 : i32
    "tpu.region"() ({
      %run_scoped3A_79 = tpu.sem_alloc : memref<!tpu.dma_semaphore, #tpu.memory_space<semaphore_mem>>
      %dma_start3A = arith.constant 0 : i32
      %dma_start3A_80 = arith.constant 0 : i32
      %dma_start3A_81 = tpu.memref_slice %arg10[%run_scoped3A_54, %dma_start3A, %dma_start3A_80] : memref<2x128x128xf32, #tpu.memory_space<vmem>> -> memref<1x128x128xf32, #tpu.memory_space<vmem>>
      %dma_start3A_82 = tpu.memref_squeeze %dma_start3A_81 : memref<1x128x128xf32, #tpu.memory_space<vmem>> -> memref<128x128xf32, #tpu.memory_space<vmem>>
      %dma_start3A_83 = arith.constant 0 : i32
      %dma_start3A_84 = tpu.memref_slice %arg6[%arg0, %add3A_52, %dma_start3A_83] : memref<2x10240x128xf32, #tpu.memory_space<hbm>> -> memref<1x128x128xf32, #tpu.memory_space<hbm>>
      %dma_start3A_85 = tpu.memref_squeeze %dma_start3A_84 : memref<1x128x128xf32, #tpu.memory_space<hbm>> -> memref<128x128xf32, #tpu.memory_space<hbm>>
      %dma_start3A_86 = arith.constant 0 : i32
      %dma_start3A_87 = tpu.memref_slice %arg6[%arg0, %add3A_52, %dma_start3A_86] : memref<2x10240x128xf32, #tpu.memory_space<hbm>> -> memref<1x128x128xf32, #tpu.memory_space<hbm>>
      %dma_start3A_88 = tpu.memref_squeeze %dma_start3A_87 : memref<1x128x128xf32, #tpu.memory_space<hbm>> -> memref<128x128xf32, #tpu.memory_space<hbm>>
      %dma_start3A_89 = arith.constant 0 : i32
      %dma_start3A_90 = arith.constant 0 : i32
      %dma_start3A_91 = tpu.memref_slice %arg10[%run_scoped3A_54, %dma_start3A_89, %dma_start3A_90] : memref<2x128x128xf32, #tpu.memory_space<vmem>> -> memref<1x128x128xf32, #tpu.memory_space<vmem>>
      %dma_start3A_92 = tpu.memref_squeeze %dma_start3A_91 : memref<1x128x128xf32, #tpu.memory_space<vmem>> -> memref<128x128xf32, #tpu.memory_space<vmem>>
      tpu.enqueue_dma source(%dma_start3A_92 : memref<128x128xf32, #tpu.memory_space<vmem>>) target(%dma_start3A_88 : memref<128x128xf32, #tpu.memory_space<hbm>>) target_semaphore(%run_scoped3A_79 : memref<!tpu.dma_semaphore, #tpu.memory_space<semaphore_mem>>)
      %dma_wait3A_93 = arith.constant 0 : i32
      %dma_wait3A_94 = arith.constant 0 : i32
      %dma_wait3A_95 = tpu.memref_slice %arg10[%run_scoped3A_54, %dma_wait3A_93, %dma_wait3A_94] : memref<2x128x128xf32, #tpu.memory_space<vmem>> -> memref<1x128x128xf32, #tpu.memory_space<vmem>>
      %dma_wait3A_96 = tpu.memref_squeeze %dma_wait3A_95 : memref<1x128x128xf32, #tpu.memory_space<vmem>> -> memref<128x128xf32, #tpu.memory_space<vmem>>
      %dma_wait3A_97 = arith.constant 0 : i32
      %dma_wait3A_98 = tpu.memref_slice %arg6[%arg0, %add3A_52, %dma_wait3A_97] : memref<2x10240x128xf32, #tpu.memory_space<hbm>> -> memref<1x128x128xf32, #tpu.memory_space<hbm>>
      %dma_wait3A_99 = tpu.memref_squeeze %dma_wait3A_98 : memref<1x128x128xf32, #tpu.memory_space<hbm>> -> memref<128x128xf32, #tpu.memory_space<hbm>>
      %dma_wait3A_100 = arith.constant 0 : i32
      %dma_wait3A_101 = tpu.memref_slice %arg6[%arg0, %add3A_52, %dma_wait3A_100] : memref<2x10240x128xf32, #tpu.memory_space<hbm>> -> memref<1x128x128xf32, #tpu.memory_space<hbm>>
      %dma_wait3A_102 = tpu.memref_squeeze %dma_wait3A_101 : memref<1x128x128xf32, #tpu.memory_space<hbm>> -> memref<128x128xf32, #tpu.memory_space<hbm>>
      %dma_wait3A_103 = arith.constant 0 : i32
      %dma_wait3A_104 = arith.constant 0 : i32
      %dma_wait3A_105 = tpu.memref_slice %arg10[%run_scoped3A_54, %dma_wait3A_103, %dma_wait3A_104] : memref<2x128x128xf32, #tpu.memory_space<vmem>> -> memref<1x128x128xf32, #tpu.memory_space<vmem>>
      %dma_wait3A_106 = tpu.memref_squeeze %dma_wait3A_105 : memref<1x128x128xf32, #tpu.memory_space<vmem>> -> memref<128x128xf32, #tpu.memory_space<vmem>>
      tpu.wait_dma2 semaphore(%run_scoped3A_79 : memref<!tpu.dma_semaphore, #tpu.memory_space<semaphore_mem>>) src(%dma_wait3A_106 : memref<128x128xf32, #tpu.memory_space<vmem>>) dst(%dma_wait3A_102 : memref<128x128xf32, #tpu.memory_space<hbm>>)
      tpu.yield
    }) : () -> ()
    %mul3A_55 = arith.constant 640 : i32
    %mul3A_56 = arith.muli %arg1, %mul3A_55 : i32
    %add3A_57 = arith.constant 128 : i32
    %add3A_58 = arith.addi %mul3A_56, %add3A_57 : i32
    %run_scoped3A_59 = arith.constant 0 : i32
    "tpu.region"() ({
      %run_scoped3A_79 = tpu.sem_alloc : memref<!tpu.dma_semaphore, #tpu.memory_space<semaphore_mem>>
      %dma_start3A = arith.constant 0 : i32
      %dma_start3A_80 = arith.constant 0 : i32
      %dma_start3A_81 = tpu.memref_slice %arg10[%run_scoped3A_59, %dma_start3A, %dma_start3A_80] : memref<2x128x128xf32, #tpu.memory_space<vmem>> -> memref<1x128x128xf32, #tpu.memory_space<vmem>>
      %dma_start3A_82 = tpu.memref_squeeze %dma_start3A_81 : memref<1x128x128xf32, #tpu.memory_space<vmem>> -> memref<128x128xf32, #tpu.memory_space<vmem>>
      %dma_start3A_83 = arith.constant 0 : i32
      %dma_start3A_84 = tpu.memref_slice %arg11[%add3A_58, %dma_start3A_83] : memref<10240x128xf32, #tpu.memory_space<vmem_shared>> -> memref<128x128xf32, #tpu.memory_space<vmem_shared>>
      %dma_start3A_85 = arith.constant 0 : i32
      %dma_start3A_86 = arith.constant 0 : i32
      %dma_start3A_87 = tpu.memref_slice %arg10[%run_scoped3A_59, %dma_start3A_85, %dma_start3A_86] : memref<2x128x128xf32, #tpu.memory_space<vmem>> -> memref<1x128x128xf32, #tpu.memory_space<vmem>>
      %dma_start3A_88 = tpu.memref_squeeze %dma_start3A_87 : memref<1x128x128xf32, #tpu.memory_space<vmem>> -> memref<128x128xf32, #tpu.memory_space<vmem>>
      %dma_start3A_89 = arith.constant 0 : i32
      %dma_start3A_90 = tpu.memref_slice %arg11[%add3A_58, %dma_start3A_89] : memref<10240x128xf32, #tpu.memory_space<vmem_shared>> -> memref<128x128xf32, #tpu.memory_space<vmem_shared>>
      tpu.enqueue_dma source(%dma_start3A_90 : memref<128x128xf32, #tpu.memory_space<vmem_shared>>) target(%dma_start3A_88 : memref<128x128xf32, #tpu.memory_space<vmem>>) target_semaphore(%run_scoped3A_79 : memref<!tpu.dma_semaphore, #tpu.memory_space<semaphore_mem>>)
      %dma_wait3A_91 = arith.constant 0 : i32
      %dma_wait3A_92 = arith.constant 0 : i32
      %dma_wait3A_93 = tpu.memref_slice %arg10[%run_scoped3A_59, %dma_wait3A_91, %dma_wait3A_92] : memref<2x128x128xf32, #tpu.memory_space<vmem>> -> memref<1x128x128xf32, #tpu.memory_space<vmem>>
      %dma_wait3A_94 = tpu.memref_squeeze %dma_wait3A_93 : memref<1x128x128xf32, #tpu.memory_space<vmem>> -> memref<128x128xf32, #tpu.memory_space<vmem>>
      %dma_wait3A_95 = arith.constant 0 : i32
      %dma_wait3A_96 = tpu.memref_slice %arg11[%add3A_58, %dma_wait3A_95] : memref<10240x128xf32, #tpu.memory_space<vmem_shared>> -> memref<128x128xf32, #tpu.memory_space<vmem_shared>>
      %dma_wait3A_97 = arith.constant 0 : i32
      %dma_wait3A_98 = arith.constant 0 : i32
      %dma_wait3A_99 = tpu.memref_slice %arg10[%run_scoped3A_59, %dma_wait3A_97, %dma_wait3A_98] : memref<2x128x128xf32, #tpu.memory_space<vmem>> -> memref<1x128x128xf32, #tpu.memory_space<vmem>>
      %dma_wait3A_100 = tpu.memref_squeeze %dma_wait3A_99 : memref<1x128x128xf32, #tpu.memory_space<vmem>> -> memref<128x128xf32, #tpu.memory_space<vmem>>
      %dma_wait3A_101 = arith.constant 0 : i32
      %dma_wait3A_102 = tpu.memref_slice %arg11[%add3A_58, %dma_wait3A_101] : memref<10240x128xf32, #tpu.memory_space<vmem_shared>> -> memref<128x128xf32, #tpu.memory_space<vmem_shared>>
      tpu.wait_dma2 semaphore(%run_scoped3A_79 : memref<!tpu.dma_semaphore, #tpu.memory_space<semaphore_mem>>) src(%dma_wait3A_102 : memref<128x128xf32, #tpu.memory_space<vmem_shared>>) dst(%dma_wait3A_100 : memref<128x128xf32, #tpu.memory_space<vmem>>)
      tpu.yield
    }) : () -> ()
    %run_scoped3A_60 = arith.constant 0 : i32
    "tpu.region"() ({
      %run_scoped3A_79 = tpu.sem_alloc : memref<!tpu.dma_semaphore, #tpu.memory_space<semaphore_mem>>
      %dma_start3A = arith.constant 0 : i32
      %dma_start3A_80 = arith.constant 0 : i32
      %dma_start3A_81 = tpu.memref_slice %arg10[%run_scoped3A_60, %dma_start3A, %dma_start3A_80] : memref<2x128x128xf32, #tpu.memory_space<vmem>> -> memref<1x128x128xf32, #tpu.memory_space<vmem>>
      %dma_start3A_82 = tpu.memref_squeeze %dma_start3A_81 : memref<1x128x128xf32, #tpu.memory_space<vmem>> -> memref<128x128xf32, #tpu.memory_space<vmem>>
      %dma_start3A_83 = arith.constant 0 : i32
      %dma_start3A_84 = tpu.memref_slice %arg6[%arg0, %add3A_58, %dma_start3A_83] : memref<2x10240x128xf32, #tpu.memory_space<hbm>> -> memref<1x128x128xf32, #tpu.memory_space<hbm>>
      %dma_start3A_85 = tpu.memref_squeeze %dma_start3A_84 : memref<1x128x128xf32, #tpu.memory_space<hbm>> -> memref<128x128xf32, #tpu.memory_space<hbm>>
      %dma_start3A_86 = arith.constant 0 : i32
      %dma_start3A_87 = tpu.memref_slice %arg6[%arg0, %add3A_58, %dma_start3A_86] : memref<2x10240x128xf32, #tpu.memory_space<hbm>> -> memref<1x128x128xf32, #tpu.memory_space<hbm>>
      %dma_start3A_88 = tpu.memref_squeeze %dma_start3A_87 : memref<1x128x128xf32, #tpu.memory_space<hbm>> -> memref<128x128xf32, #tpu.memory_space<hbm>>
      %dma_start3A_89 = arith.constant 0 : i32
      %dma_start3A_90 = arith.constant 0 : i32
      %dma_start3A_91 = tpu.memref_slice %arg10[%run_scoped3A_60, %dma_start3A_89, %dma_start3A_90] : memref<2x128x128xf32, #tpu.memory_space<vmem>> -> memref<1x128x128xf32, #tpu.memory_space<vmem>>
      %dma_start3A_92 = tpu.memref_squeeze %dma_start3A_91 : memref<1x128x128xf32, #tpu.memory_space<vmem>> -> memref<128x128xf32, #tpu.memory_space<vmem>>
      tpu.enqueue_dma source(%dma_start3A_92 : memref<128x128xf32, #tpu.memory_space<vmem>>) target(%dma_start3A_88 : memref<128x128xf32, #tpu.memory_space<hbm>>) target_semaphore(%run_scoped3A_79 : memref<!tpu.dma_semaphore, #tpu.memory_space<semaphore_mem>>)
      %dma_wait3A_93 = arith.constant 0 : i32
      %dma_wait3A_94 = arith.constant 0 : i32
      %dma_wait3A_95 = tpu.memref_slice %arg10[%run_scoped3A_60, %dma_wait3A_93, %dma_wait3A_94] : memref<2x128x128xf32, #tpu.memory_space<vmem>> -> memref<1x128x128xf32, #tpu.memory_space<vmem>>
      %dma_wait3A_96 = tpu.memref_squeeze %dma_wait3A_95 : memref<1x128x128xf32, #tpu.memory_space<vmem>> -> memref<128x128xf32, #tpu.memory_space<vmem>>
      %dma_wait3A_97 = arith.constant 0 : i32
      %dma_wait3A_98 = tpu.memref_slice %arg6[%arg0, %add3A_58, %dma_wait3A_97] : memref<2x10240x128xf32, #tpu.memory_space<hbm>> -> memref<1x128x128xf32, #tpu.memory_space<hbm>>
      %dma_wait3A_99 = tpu.memref_squeeze %dma_wait3A_98 : memref<1x128x128xf32, #tpu.memory_space<hbm>> -> memref<128x128xf32, #tpu.memory_space<hbm>>
      %dma_wait3A_100 = arith.constant 0 : i32
      %dma_wait3A_101 = tpu.memref_slice %arg6[%arg0, %add3A_58, %dma_wait3A_100] : memref<2x10240x128xf32, #tpu.memory_space<hbm>> -> memref<1x128x128xf32, #tpu.memory_space<hbm>>
      %dma_wait3A_102 = tpu.memref_squeeze %dma_wait3A_101 : memref<1x128x128xf32, #tpu.memory_space<hbm>> -> memref<128x128xf32, #tpu.memory_space<hbm>>
      %dma_wait3A_103 = arith.constant 0 : i32
      %dma_wait3A_104 = arith.constant 0 : i32
      %dma_wait3A_105 = tpu.memref_slice %arg10[%run_scoped3A_60, %dma_wait3A_103, %dma_wait3A_104] : memref<2x128x128xf32, #tpu.memory_space<vmem>> -> memref<1x128x128xf32, #tpu.memory_space<vmem>>
      %dma_wait3A_106 = tpu.memref_squeeze %dma_wait3A_105 : memref<1x128x128xf32, #tpu.memory_space<vmem>> -> memref<128x128xf32, #tpu.memory_space<vmem>>
      tpu.wait_dma2 semaphore(%run_scoped3A_79 : memref<!tpu.dma_semaphore, #tpu.memory_space<semaphore_mem>>) src(%dma_wait3A_106 : memref<128x128xf32, #tpu.memory_space<vmem>>) dst(%dma_wait3A_102 : memref<128x128xf32, #tpu.memory_space<hbm>>)
      tpu.yield
    }) : () -> ()
    %mul3A_61 = arith.constant 640 : i32
    %mul3A_62 = arith.muli %arg1, %mul3A_61 : i32
    %add3A_63 = arith.constant 256 : i32
    %add3A_64 = arith.addi %mul3A_62, %add3A_63 : i32
    %run_scoped3A_65 = arith.constant 0 : i32
    "tpu.region"() ({
      %run_scoped3A_79 = tpu.sem_alloc : memref<!tpu.dma_semaphore, #tpu.memory_space<semaphore_mem>>
      %dma_start3A = arith.constant 0 : i32
      %dma_start3A_80 = arith.constant 0 : i32
      %dma_start3A_81 = tpu.memref_slice %arg10[%run_scoped3A_65, %dma_start3A, %dma_start3A_80] : memref<2x128x128xf32, #tpu.memory_space<vmem>> -> memref<1x128x128xf32, #tpu.memory_space<vmem>>
      %dma_start3A_82 = tpu.memref_squeeze %dma_start3A_81 : memref<1x128x128xf32, #tpu.memory_space<vmem>> -> memref<128x128xf32, #tpu.memory_space<vmem>>
      %dma_start3A_83 = arith.constant 0 : i32
      %dma_start3A_84 = tpu.memref_slice %arg11[%add3A_64, %dma_start3A_83] : memref<10240x128xf32, #tpu.memory_space<vmem_shared>> -> memref<128x128xf32, #tpu.memory_space<vmem_shared>>
      %dma_start3A_85 = arith.constant 0 : i32
      %dma_start3A_86 = arith.constant 0 : i32
      %dma_start3A_87 = tpu.memref_slice %arg10[%run_scoped3A_65, %dma_start3A_85, %dma_start3A_86] : memref<2x128x128xf32, #tpu.memory_space<vmem>> -> memref<1x128x128xf32, #tpu.memory_space<vmem>>
      %dma_start3A_88 = tpu.memref_squeeze %dma_start3A_87 : memref<1x128x128xf32, #tpu.memory_space<vmem>> -> memref<128x128xf32, #tpu.memory_space<vmem>>
      %dma_start3A_89 = arith.constant 0 : i32
      %dma_start3A_90 = tpu.memref_slice %arg11[%add3A_64, %dma_start3A_89] : memref<10240x128xf32, #tpu.memory_space<vmem_shared>> -> memref<128x128xf32, #tpu.memory_space<vmem_shared>>
      tpu.enqueue_dma source(%dma_start3A_90 : memref<128x128xf32, #tpu.memory_space<vmem_shared>>) target(%dma_start3A_88 : memref<128x128xf32, #tpu.memory_space<vmem>>) target_semaphore(%run_scoped3A_79 : memref<!tpu.dma_semaphore, #tpu.memory_space<semaphore_mem>>)
      %dma_wait3A_91 = arith.constant 0 : i32
      %dma_wait3A_92 = arith.constant 0 : i32
      %dma_wait3A_93 = tpu.memref_slice %arg10[%run_scoped3A_65, %dma_wait3A_91, %dma_wait3A_92] : memref<2x128x128xf32, #tpu.memory_space<vmem>> -> memref<1x128x128xf32, #tpu.memory_space<vmem>>
      %dma_wait3A_94 = tpu.memref_squeeze %dma_wait3A_93 : memref<1x128x128xf32, #tpu.memory_space<vmem>> -> memref<128x128xf32, #tpu.memory_space<vmem>>
      %dma_wait3A_95 = arith.constant 0 : i32
      %dma_wait3A_96 = tpu.memref_slice %arg11[%add3A_64, %dma_wait3A_95] : memref<10240x128xf32, #tpu.memory_space<vmem_shared>> -> memref<128x128xf32, #tpu.memory_space<vmem_shared>>
      %dma_wait3A_97 = arith.constant 0 : i32
      %dma_wait3A_98 = arith.constant 0 : i32
      %dma_wait3A_99 = tpu.memref_slice %arg10[%run_scoped3A_65, %dma_wait3A_97, %dma_wait3A_98] : memref<2x128x128xf32, #tpu.memory_space<vmem>> -> memref<1x128x128xf32, #tpu.memory_space<vmem>>
      %dma_wait3A_100 = tpu.memref_squeeze %dma_wait3A_99 : memref<1x128x128xf32, #tpu.memory_space<vmem>> -> memref<128x128xf32, #tpu.memory_space<vmem>>
      %dma_wait3A_101 = arith.constant 0 : i32
      %dma_wait3A_102 = tpu.memref_slice %arg11[%add3A_64, %dma_wait3A_101] : memref<10240x128xf32, #tpu.memory_space<vmem_shared>> -> memref<128x128xf32, #tpu.memory_space<vmem_shared>>
      tpu.wait_dma2 semaphore(%run_scoped3A_79 : memref<!tpu.dma_semaphore, #tpu.memory_space<semaphore_mem>>) src(%dma_wait3A_102 : memref<128x128xf32, #tpu.memory_space<vmem_shared>>) dst(%dma_wait3A_100 : memref<128x128xf32, #tpu.memory_space<vmem>>)
      tpu.yield
    }) : () -> ()
    %run_scoped3A_66 = arith.constant 0 : i32
    "tpu.region"() ({
      %run_scoped3A_79 = tpu.sem_alloc : memref<!tpu.dma_semaphore, #tpu.memory_space<semaphore_mem>>
      %dma_start3A = arith.constant 0 : i32
      %dma_start3A_80 = arith.constant 0 : i32
      %dma_start3A_81 = tpu.memref_slice %arg10[%run_scoped3A_66, %dma_start3A, %dma_start3A_80] : memref<2x128x128xf32, #tpu.memory_space<vmem>> -> memref<1x128x128xf32, #tpu.memory_space<vmem>>
      %dma_start3A_82 = tpu.memref_squeeze %dma_start3A_81 : memref<1x128x128xf32, #tpu.memory_space<vmem>> -> memref<128x128xf32, #tpu.memory_space<vmem>>
      %dma_start3A_83 = arith.constant 0 : i32
      %dma_start3A_84 = tpu.memref_slice %arg6[%arg0, %add3A_64, %dma_start3A_83] : memref<2x10240x128xf32, #tpu.memory_space<hbm>> -> memref<1x128x128xf32, #tpu.memory_space<hbm>>
      %dma_start3A_85 = tpu.memref_squeeze %dma_start3A_84 : memref<1x128x128xf32, #tpu.memory_space<hbm>> -> memref<128x128xf32, #tpu.memory_space<hbm>>
      %dma_start3A_86 = arith.constant 0 : i32
      %dma_start3A_87 = tpu.memref_slice %arg6[%arg0, %add3A_64, %dma_start3A_86] : memref<2x10240x128xf32, #tpu.memory_space<hbm>> -> memref<1x128x128xf32, #tpu.memory_space<hbm>>
      %dma_start3A_88 = tpu.memref_squeeze %dma_start3A_87 : memref<1x128x128xf32, #tpu.memory_space<hbm>> -> memref<128x128xf32, #tpu.memory_space<hbm>>
      %dma_start3A_89 = arith.constant 0 : i32
      %dma_start3A_90 = arith.constant 0 : i32
      %dma_start3A_91 = tpu.memref_slice %arg10[%run_scoped3A_66, %dma_start3A_89, %dma_start3A_90] : memref<2x128x128xf32, #tpu.memory_space<vmem>> -> memref<1x128x128xf32, #tpu.memory_space<vmem>>
      %dma_start3A_92 = tpu.memref_squeeze %dma_start3A_91 : memref<1x128x128xf32, #tpu.memory_space<vmem>> -> memref<128x128xf32, #tpu.memory_space<vmem>>
      tpu.enqueue_dma source(%dma_start3A_92 : memref<128x128xf32, #tpu.memory_space<vmem>>) target(%dma_start3A_88 : memref<128x128xf32, #tpu.memory_space<hbm>>) target_semaphore(%run_scoped3A_79 : memref<!tpu.dma_semaphore, #tpu.memory_space<semaphore_mem>>)
      %dma_wait3A_93 = arith.constant 0 : i32
      %dma_wait3A_94 = arith.constant 0 : i32
      %dma_wait3A_95 = tpu.memref_slice %arg10[%run_scoped3A_66, %dma_wait3A_93, %dma_wait3A_94] : memref<2x128x128xf32, #tpu.memory_space<vmem>> -> memref<1x128x128xf32, #tpu.memory_space<vmem>>
      %dma_wait3A_96 = tpu.memref_squeeze %dma_wait3A_95 : memref<1x128x128xf32, #tpu.memory_space<vmem>> -> memref<128x128xf32, #tpu.memory_space<vmem>>
      %dma_wait3A_97 = arith.constant 0 : i32
      %dma_wait3A_98 = tpu.memref_slice %arg6[%arg0, %add3A_64, %dma_wait3A_97] : memref<2x10240x128xf32, #tpu.memory_space<hbm>> -> memref<1x128x128xf32, #tpu.memory_space<hbm>>
      %dma_wait3A_99 = tpu.memref_squeeze %dma_wait3A_98 : memref<1x128x128xf32, #tpu.memory_space<hbm>> -> memref<128x128xf32, #tpu.memory_space<hbm>>
      %dma_wait3A_100 = arith.constant 0 : i32
      %dma_wait3A_101 = tpu.memref_slice %arg6[%arg0, %add3A_64, %dma_wait3A_100] : memref<2x10240x128xf32, #tpu.memory_space<hbm>> -> memref<1x128x128xf32, #tpu.memory_space<hbm>>
      %dma_wait3A_102 = tpu.memref_squeeze %dma_wait3A_101 : memref<1x128x128xf32, #tpu.memory_space<hbm>> -> memref<128x128xf32, #tpu.memory_space<hbm>>
      %dma_wait3A_103 = arith.constant 0 : i32
      %dma_wait3A_104 = arith.constant 0 : i32
      %dma_wait3A_105 = tpu.memref_slice %arg10[%run_scoped3A_66, %dma_wait3A_103, %dma_wait3A_104] : memref<2x128x128xf32, #tpu.memory_space<vmem>> -> memref<1x128x128xf32, #tpu.memory_space<vmem>>
      %dma_wait3A_106 = tpu.memref_squeeze %dma_wait3A_105 : memref<1x128x128xf32, #tpu.memory_space<vmem>> -> memref<128x128xf32, #tpu.memory_space<vmem>>
      tpu.wait_dma2 semaphore(%run_scoped3A_79 : memref<!tpu.dma_semaphore, #tpu.memory_space<semaphore_mem>>) src(%dma_wait3A_106 : memref<128x128xf32, #tpu.memory_space<vmem>>) dst(%dma_wait3A_102 : memref<128x128xf32, #tpu.memory_space<hbm>>)
      tpu.yield
    }) : () -> ()
    %mul3A_67 = arith.constant 640 : i32
    %mul3A_68 = arith.muli %arg1, %mul3A_67 : i32
    %add3A_69 = arith.constant 384 : i32
    %add3A_70 = arith.addi %mul3A_68, %add3A_69 : i32
    %run_scoped3A_71 = arith.constant 0 : i32
    "tpu.region"() ({
      %run_scoped3A_79 = tpu.sem_alloc : memref<!tpu.dma_semaphore, #tpu.memory_space<semaphore_mem>>
      %dma_start3A = arith.constant 0 : i32
      %dma_start3A_80 = arith.constant 0 : i32
      %dma_start3A_81 = tpu.memref_slice %arg10[%run_scoped3A_71, %dma_start3A, %dma_start3A_80] : memref<2x128x128xf32, #tpu.memory_space<vmem>> -> memref<1x128x128xf32, #tpu.memory_space<vmem>>
      %dma_start3A_82 = tpu.memref_squeeze %dma_start3A_81 : memref<1x128x128xf32, #tpu.memory_space<vmem>> -> memref<128x128xf32, #tpu.memory_space<vmem>>
      %dma_start3A_83 = arith.constant 0 : i32
      %dma_start3A_84 = tpu.memref_slice %arg11[%add3A_70, %dma_start3A_83] : memref<10240x128xf32, #tpu.memory_space<vmem_shared>> -> memref<128x128xf32, #tpu.memory_space<vmem_shared>>
      %dma_start3A_85 = arith.constant 0 : i32
      %dma_start3A_86 = arith.constant 0 : i32
      %dma_start3A_87 = tpu.memref_slice %arg10[%run_scoped3A_71, %dma_start3A_85, %dma_start3A_86] : memref<2x128x128xf32, #tpu.memory_space<vmem>> -> memref<1x128x128xf32, #tpu.memory_space<vmem>>
      %dma_start3A_88 = tpu.memref_squeeze %dma_start3A_87 : memref<1x128x128xf32, #tpu.memory_space<vmem>> -> memref<128x128xf32, #tpu.memory_space<vmem>>
      %dma_start3A_89 = arith.constant 0 : i32
      %dma_start3A_90 = tpu.memref_slice %arg11[%add3A_70, %dma_start3A_89] : memref<10240x128xf32, #tpu.memory_space<vmem_shared>> -> memref<128x128xf32, #tpu.memory_space<vmem_shared>>
      tpu.enqueue_dma source(%dma_start3A_90 : memref<128x128xf32, #tpu.memory_space<vmem_shared>>) target(%dma_start3A_88 : memref<128x128xf32, #tpu.memory_space<vmem>>) target_semaphore(%run_scoped3A_79 : memref<!tpu.dma_semaphore, #tpu.memory_space<semaphore_mem>>)
      %dma_wait3A_91 = arith.constant 0 : i32
      %dma_wait3A_92 = arith.constant 0 : i32
      %dma_wait3A_93 = tpu.memref_slice %arg10[%run_scoped3A_71, %dma_wait3A_91, %dma_wait3A_92] : memref<2x128x128xf32, #tpu.memory_space<vmem>> -> memref<1x128x128xf32, #tpu.memory_space<vmem>>
      %dma_wait3A_94 = tpu.memref_squeeze %dma_wait3A_93 : memref<1x128x128xf32, #tpu.memory_space<vmem>> -> memref<128x128xf32, #tpu.memory_space<vmem>>
      %dma_wait3A_95 = arith.constant 0 : i32
      %dma_wait3A_96 = tpu.memref_slice %arg11[%add3A_70, %dma_wait3A_95] : memref<10240x128xf32, #tpu.memory_space<vmem_shared>> -> memref<128x128xf32, #tpu.memory_space<vmem_shared>>
      %dma_wait3A_97 = arith.constant 0 : i32
      %dma_wait3A_98 = arith.constant 0 : i32
      %dma_wait3A_99 = tpu.memref_slice %arg10[%run_scoped3A_71, %dma_wait3A_97, %dma_wait3A_98] : memref<2x128x128xf32, #tpu.memory_space<vmem>> -> memref<1x128x128xf32, #tpu.memory_space<vmem>>
      %dma_wait3A_100 = tpu.memref_squeeze %dma_wait3A_99 : memref<1x128x128xf32, #tpu.memory_space<vmem>> -> memref<128x128xf32, #tpu.memory_space<vmem>>
      %dma_wait3A_101 = arith.constant 0 : i32
      %dma_wait3A_102 = tpu.memref_slice %arg11[%add3A_70, %dma_wait3A_101] : memref<10240x128xf32, #tpu.memory_space<vmem_shared>> -> memref<128x128xf32, #tpu.memory_space<vmem_shared>>
      tpu.wait_dma2 semaphore(%run_scoped3A_79 : memref<!tpu.dma_semaphore, #tpu.memory_space<semaphore_mem>>) src(%dma_wait3A_102 : memref<128x128xf32, #tpu.memory_space<vmem_shared>>) dst(%dma_wait3A_100 : memref<128x128xf32, #tpu.memory_space<vmem>>)
      tpu.yield
    }) : () -> ()
    %run_scoped3A_72 = arith.constant 0 : i32
    "tpu.region"() ({
      %run_scoped3A_79 = tpu.sem_alloc : memref<!tpu.dma_semaphore, #tpu.memory_space<semaphore_mem>>
      %dma_start3A = arith.constant 0 : i32
      %dma_start3A_80 = arith.constant 0 : i32
      %dma_start3A_81 = tpu.memref_slice %arg10[%run_scoped3A_72, %dma_start3A, %dma_start3A_80] : memref<2x128x128xf32, #tpu.memory_space<vmem>> -> memref<1x128x128xf32, #tpu.memory_space<vmem>>
      %dma_start3A_82 = tpu.memref_squeeze %dma_start3A_81 : memref<1x128x128xf32, #tpu.memory_space<vmem>> -> memref<128x128xf32, #tpu.memory_space<vmem>>
      %dma_start3A_83 = arith.constant 0 : i32
      %dma_start3A_84 = tpu.memref_slice %arg6[%arg0, %add3A_70, %dma_start3A_83] : memref<2x10240x128xf32, #tpu.memory_space<hbm>> -> memref<1x128x128xf32, #tpu.memory_space<hbm>>
      %dma_start3A_85 = tpu.memref_squeeze %dma_start3A_84 : memref<1x128x128xf32, #tpu.memory_space<hbm>> -> memref<128x128xf32, #tpu.memory_space<hbm>>
      %dma_start3A_86 = arith.constant 0 : i32
      %dma_start3A_87 = tpu.memref_slice %arg6[%arg0, %add3A_70, %dma_start3A_86] : memref<2x10240x128xf32, #tpu.memory_space<hbm>> -> memref<1x128x128xf32, #tpu.memory_space<hbm>>
      %dma_start3A_88 = tpu.memref_squeeze %dma_start3A_87 : memref<1x128x128xf32, #tpu.memory_space<hbm>> -> memref<128x128xf32, #tpu.memory_space<hbm>>
      %dma_start3A_89 = arith.constant 0 : i32
      %dma_start3A_90 = arith.constant 0 : i32
      %dma_start3A_91 = tpu.memref_slice %arg10[%run_scoped3A_72, %dma_start3A_89, %dma_start3A_90] : memref<2x128x128xf32, #tpu.memory_space<vmem>> -> memref<1x128x128xf32, #tpu.memory_space<vmem>>
      %dma_start3A_92 = tpu.memref_squeeze %dma_start3A_91 : memref<1x128x128xf32, #tpu.memory_space<vmem>> -> memref<128x128xf32, #tpu.memory_space<vmem>>
      tpu.enqueue_dma source(%dma_start3A_92 : memref<128x128xf32, #tpu.memory_space<vmem>>) target(%dma_start3A_88 : memref<128x128xf32, #tpu.memory_space<hbm>>) target_semaphore(%run_scoped3A_79 : memref<!tpu.dma_semaphore, #tpu.memory_space<semaphore_mem>>)
      %dma_wait3A_93 = arith.constant 0 : i32
      %dma_wait3A_94 = arith.constant 0 : i32
      %dma_wait3A_95 = tpu.memref_slice %arg10[%run_scoped3A_72, %dma_wait3A_93, %dma_wait3A_94] : memref<2x128x128xf32, #tpu.memory_space<vmem>> -> memref<1x128x128xf32, #tpu.memory_space<vmem>>
      %dma_wait3A_96 = tpu.memref_squeeze %dma_wait3A_95 : memref<1x128x128xf32, #tpu.memory_space<vmem>> -> memref<128x128xf32, #tpu.memory_space<vmem>>
      %dma_wait3A_97 = arith.constant 0 : i32
      %dma_wait3A_98 = tpu.memref_slice %arg6[%arg0, %add3A_70, %dma_wait3A_97] : memref<2x10240x128xf32, #tpu.memory_space<hbm>> -> memref<1x128x128xf32, #tpu.memory_space<hbm>>
      %dma_wait3A_99 = tpu.memref_squeeze %dma_wait3A_98 : memref<1x128x128xf32, #tpu.memory_space<hbm>> -> memref<128x128xf32, #tpu.memory_space<hbm>>
      %dma_wait3A_100 = arith.constant 0 : i32
      %dma_wait3A_101 = tpu.memref_slice %arg6[%arg0, %add3A_70, %dma_wait3A_100] : memref<2x10240x128xf32, #tpu.memory_space<hbm>> -> memref<1x128x128xf32, #tpu.memory_space<hbm>>
      %dma_wait3A_102 = tpu.memref_squeeze %dma_wait3A_101 : memref<1x128x128xf32, #tpu.memory_space<hbm>> -> memref<128x128xf32, #tpu.memory_space<hbm>>
      %dma_wait3A_103 = arith.constant 0 : i32
      %dma_wait3A_104 = arith.constant 0 : i32
      %dma_wait3A_105 = tpu.memref_slice %arg10[%run_scoped3A_72, %dma_wait3A_103, %dma_wait3A_104] : memref<2x128x128xf32, #tpu.memory_space<vmem>> -> memref<1x128x128xf32, #tpu.memory_space<vmem>>
      %dma_wait3A_106 = tpu.memref_squeeze %dma_wait3A_105 : memref<1x128x128xf32, #tpu.memory_space<vmem>> -> memref<128x128xf32, #tpu.memory_space<vmem>>
      tpu.wait_dma2 semaphore(%run_scoped3A_79 : memref<!tpu.dma_semaphore, #tpu.memory_space<semaphore_mem>>) src(%dma_wait3A_106 : memref<128x128xf32, #tpu.memory_space<vmem>>) dst(%dma_wait3A_102 : memref<128x128xf32, #tpu.memory_space<hbm>>)
      tpu.yield
    }) : () -> ()
    %mul3A_73 = arith.constant 640 : i32
    %mul3A_74 = arith.muli %arg1, %mul3A_73 : i32
    %add3A_75 = arith.constant 512 : i32
    %add3A_76 = arith.addi %mul3A_74, %add3A_75 : i32
    %run_scoped3A_77 = arith.constant 0 : i32
    "tpu.region"() ({
      %run_scoped3A_79 = tpu.sem_alloc : memref<!tpu.dma_semaphore, #tpu.memory_space<semaphore_mem>>
      %dma_start3A = arith.constant 0 : i32
      %dma_start3A_80 = arith.constant 0 : i32
      %dma_start3A_81 = tpu.memref_slice %arg10[%run_scoped3A_77, %dma_start3A, %dma_start3A_80] : memref<2x128x128xf32, #tpu.memory_space<vmem>> -> memref<1x128x128xf32, #tpu.memory_space<vmem>>
      %dma_start3A_82 = tpu.memref_squeeze %dma_start3A_81 : memref<1x128x128xf32, #tpu.memory_space<vmem>> -> memref<128x128xf32, #tpu.memory_space<vmem>>
      %dma_start3A_83 = arith.constant 0 : i32
      %dma_start3A_84 = tpu.memref_slice %arg11[%add3A_76, %dma_start3A_83] : memref<10240x128xf32, #tpu.memory_space<vmem_shared>> -> memref<128x128xf32, #tpu.memory_space<vmem_shared>>
      %dma_start3A_85 = arith.constant 0 : i32
      %dma_start3A_86 = arith.constant 0 : i32
      %dma_start3A_87 = tpu.memref_slice %arg10[%run_scoped3A_77, %dma_start3A_85, %dma_start3A_86] : memref<2x128x128xf32, #tpu.memory_space<vmem>> -> memref<1x128x128xf32, #tpu.memory_space<vmem>>
      %dma_start3A_88 = tpu.memref_squeeze %dma_start3A_87 : memref<1x128x128xf32, #tpu.memory_space<vmem>> -> memref<128x128xf32, #tpu.memory_space<vmem>>
      %dma_start3A_89 = arith.constant 0 : i32
      %dma_start3A_90 = tpu.memref_slice %arg11[%add3A_76, %dma_start3A_89] : memref<10240x128xf32, #tpu.memory_space<vmem_shared>> -> memref<128x128xf32, #tpu.memory_space<vmem_shared>>
      tpu.enqueue_dma source(%dma_start3A_90 : memref<128x128xf32, #tpu.memory_space<vmem_shared>>) target(%dma_start3A_88 : memref<128x128xf32, #tpu.memory_space<vmem>>) target_semaphore(%run_scoped3A_79 : memref<!tpu.dma_semaphore, #tpu.memory_space<semaphore_mem>>)
      %dma_wait3A_91 = arith.constant 0 : i32
      %dma_wait3A_92 = arith.constant 0 : i32
      %dma_wait3A_93 = tpu.memref_slice %arg10[%run_scoped3A_77, %dma_wait3A_91, %dma_wait3A_92] : memref<2x128x128xf32, #tpu.memory_space<vmem>> -> memref<1x128x128xf32, #tpu.memory_space<vmem>>
      %dma_wait3A_94 = tpu.memref_squeeze %dma_wait3A_93 : memref<1x128x128xf32, #tpu.memory_space<vmem>> -> memref<128x128xf32, #tpu.memory_space<vmem>>
      %dma_wait3A_95 = arith.constant 0 : i32
      %dma_wait3A_96 = tpu.memref_slice %arg11[%add3A_76, %dma_wait3A_95] : memref<10240x128xf32, #tpu.memory_space<vmem_shared>> -> memref<128x128xf32, #tpu.memory_space<vmem_shared>>
      %dma_wait3A_97 = arith.constant 0 : i32
      %dma_wait3A_98 = arith.constant 0 : i32
      %dma_wait3A_99 = tpu.memref_slice %arg10[%run_scoped3A_77, %dma_wait3A_97, %dma_wait3A_98] : memref<2x128x128xf32, #tpu.memory_space<vmem>> -> memref<1x128x128xf32, #tpu.memory_space<vmem>>
      %dma_wait3A_100 = tpu.memref_squeeze %dma_wait3A_99 : memref<1x128x128xf32, #tpu.memory_space<vmem>> -> memref<128x128xf32, #tpu.memory_space<vmem>>
      %dma_wait3A_101 = arith.constant 0 : i32
      %dma_wait3A_102 = tpu.memref_slice %arg11[%add3A_76, %dma_wait3A_101] : memref<10240x128xf32, #tpu.memory_space<vmem_shared>> -> memref<128x128xf32, #tpu.memory_space<vmem_shared>>
      tpu.wait_dma2 semaphore(%run_scoped3A_79 : memref<!tpu.dma_semaphore, #tpu.memory_space<semaphore_mem>>) src(%dma_wait3A_102 : memref<128x128xf32, #tpu.memory_space<vmem_shared>>) dst(%dma_wait3A_100 : memref<128x128xf32, #tpu.memory_space<vmem>>)
      tpu.yield
    }) : () -> ()
    %run_scoped3A_78 = arith.constant 0 : i32
    "tpu.region"() ({
      %run_scoped3A_79 = tpu.sem_alloc : memref<!tpu.dma_semaphore, #tpu.memory_space<semaphore_mem>>
      %dma_start3A = arith.constant 0 : i32
      %dma_start3A_80 = arith.constant 0 : i32
      %dma_start3A_81 = tpu.memref_slice %arg10[%run_scoped3A_78, %dma_start3A, %dma_start3A_80] : memref<2x128x128xf32, #tpu.memory_space<vmem>> -> memref<1x128x128xf32, #tpu.memory_space<vmem>>
      %dma_start3A_82 = tpu.memref_squeeze %dma_start3A_81 : memref<1x128x128xf32, #tpu.memory_space<vmem>> -> memref<128x128xf32, #tpu.memory_space<vmem>>
      %dma_start3A_83 = arith.constant 0 : i32
      %dma_start3A_84 = tpu.memref_slice %arg6[%arg0, %add3A_76, %dma_start3A_83] : memref<2x10240x128xf32, #tpu.memory_space<hbm>> -> memref<1x128x128xf32, #tpu.memory_space<hbm>>
      %dma_start3A_85 = tpu.memref_squeeze %dma_start3A_84 : memref<1x128x128xf32, #tpu.memory_space<hbm>> -> memref<128x128xf32, #tpu.memory_space<hbm>>
      %dma_start3A_86 = arith.constant 0 : i32
      %dma_start3A_87 = tpu.memref_slice %arg6[%arg0, %add3A_76, %dma_start3A_86] : memref<2x10240x128xf32, #tpu.memory_space<hbm>> -> memref<1x128x128xf32, #tpu.memory_space<hbm>>
      %dma_start3A_88 = tpu.memref_squeeze %dma_start3A_87 : memref<1x128x128xf32, #tpu.memory_space<hbm>> -> memref<128x128xf32, #tpu.memory_space<hbm>>
      %dma_start3A_89 = arith.constant 0 : i32
      %dma_start3A_90 = arith.constant 0 : i32
      %dma_start3A_91 = tpu.memref_slice %arg10[%run_scoped3A_78, %dma_start3A_89, %dma_start3A_90] : memref<2x128x128xf32, #tpu.memory_space<vmem>> -> memref<1x128x128xf32, #tpu.memory_space<vmem>>
      %dma_start3A_92 = tpu.memref_squeeze %dma_start3A_91 : memref<1x128x128xf32, #tpu.memory_space<vmem>> -> memref<128x128xf32, #tpu.memory_space<vmem>>
      tpu.enqueue_dma source(%dma_start3A_92 : memref<128x128xf32, #tpu.memory_space<vmem>>) target(%dma_start3A_88 : memref<128x128xf32, #tpu.memory_space<hbm>>) target_semaphore(%run_scoped3A_79 : memref<!tpu.dma_semaphore, #tpu.memory_space<semaphore_mem>>)
      %dma_wait3A_93 = arith.constant 0 : i32
      %dma_wait3A_94 = arith.constant 0 : i32
      %dma_wait3A_95 = tpu.memref_slice %arg10[%run_scoped3A_78, %dma_wait3A_93, %dma_wait3A_94] : memref<2x128x128xf32, #tpu.memory_space<vmem>> -> memref<1x128x128xf32, #tpu.memory_space<vmem>>
      %dma_wait3A_96 = tpu.memref_squeeze %dma_wait3A_95 : memref<1x128x128xf32, #tpu.memory_space<vmem>> -> memref<128x128xf32, #tpu.memory_space<vmem>>
      %dma_wait3A_97 = arith.constant 0 : i32
      %dma_wait3A_98 = tpu.memref_slice %arg6[%arg0, %add3A_76, %dma_wait3A_97] : memref<2x10240x128xf32, #tpu.memory_space<hbm>> -> memref<1x128x128xf32, #tpu.memory_space<hbm>>
      %dma_wait3A_99 = tpu.memref_squeeze %dma_wait3A_98 : memref<1x128x128xf32, #tpu.memory_space<hbm>> -> memref<128x128xf32, #tpu.memory_space<hbm>>
      %dma_wait3A_100 = arith.constant 0 : i32
      %dma_wait3A_101 = tpu.memref_slice %arg6[%arg0, %add3A_76, %dma_wait3A_100] : memref<2x10240x128xf32, #tpu.memory_space<hbm>> -> memref<1x128x128xf32, #tpu.memory_space<hbm>>
      %dma_wait3A_102 = tpu.memref_squeeze %dma_wait3A_101 : memref<1x128x128xf32, #tpu.memory_space<hbm>> -> memref<128x128xf32, #tpu.memory_space<hbm>>
      %dma_wait3A_103 = arith.constant 0 : i32
      %dma_wait3A_104 = arith.constant 0 : i32
      %dma_wait3A_105 = tpu.memref_slice %arg10[%run_scoped3A_78, %dma_wait3A_103, %dma_wait3A_104] : memref<2x128x128xf32, #tpu.memory_space<vmem>> -> memref<1x128x128xf32, #tpu.memory_space<vmem>>
      %dma_wait3A_106 = tpu.memref_squeeze %dma_wait3A_105 : memref<1x128x128xf32, #tpu.memory_space<vmem>> -> memref<128x128xf32, #tpu.memory_space<vmem>>
      tpu.wait_dma2 semaphore(%run_scoped3A_79 : memref<!tpu.dma_semaphore, #tpu.memory_space<semaphore_mem>>) src(%dma_wait3A_106 : memref<128x128xf32, #tpu.memory_space<vmem>>) dst(%dma_wait3A_102 : memref<128x128xf32, #tpu.memory_space<hbm>>)
      tpu.yield
    }) : () -> ()
    return
  }
}

module attributes {stable_mosaic.version = 14 : i64} {
  func.func @_enc_body(%arg0: i32, %arg1: memref<1000x2xf32, #tpu.memory_space<vmem>>, %arg2: memref<1000x2xf32, #tpu.memory_space<vmem>>, %arg3: memref<2x128xf32, #tpu.memory_space<vmem>>, %arg4: memref<1x128xf32, #tpu.memory_space<vmem>>, %arg5: memref<128x128xf32, #tpu.memory_space<vmem>>, %arg6: memref<1x128xf32, #tpu.memory_space<vmem>>, %arg7: memref<128x128xf32, #tpu.memory_space<vmem>>, %arg8: memref<1x128xf32, #tpu.memory_space<vmem>>, %arg9: memref<1000x128xf32, #tpu.memory_space<vmem>>, %arg10: memref<1000x128xf32, #tpu.memory_space<vmem>>, %arg11: memref<1000x128xf32, #tpu.memory_space<vmem>>, %arg12: memref<1000x128xf32, #tpu.memory_space<vmem>>) attributes {dimension_semantics = [#tpu.dimension_semantics<arbitrary>], iteration_bounds = array<i64: 10>, scalar_prefetch = 0 : i64, scratch_operands = 0 : i64, tpu.core_type = #tpu.core_type<tc>, window_params = [{transform_indices = @transform_0, window_bounds = array<i64: 1000, 2>}, {transform_indices = @transform_1, window_bounds = array<i64: 1000, 2>}, {pipeline_mode = #tpu.pipeline_mode<synchronous>, transform_indices = @transform_2, window_bounds = array<i64: 2, 128>}, {pipeline_mode = #tpu.pipeline_mode<synchronous>, transform_indices = @transform_3, window_bounds = array<i64: 1, 128>}, {pipeline_mode = #tpu.pipeline_mode<synchronous>, transform_indices = @transform_4, window_bounds = array<i64: 128, 128>}, {pipeline_mode = #tpu.pipeline_mode<synchronous>, transform_indices = @transform_5, window_bounds = array<i64: 1, 128>}, {pipeline_mode = #tpu.pipeline_mode<synchronous>, transform_indices = @transform_6, window_bounds = array<i64: 128, 128>}, {pipeline_mode = #tpu.pipeline_mode<synchronous>, transform_indices = @transform_7, window_bounds = array<i64: 1, 128>}, {transform_indices = @transform_8, window_bounds = array<i64: 1000, 128>}, {transform_indices = @transform_9, window_bounds = array<i64: 1000, 128>}, {transform_indices = @transform_10, window_bounds = array<i64: 1000, 128>}, {transform_indices = @transform_11, window_bounds = array<i64: 1000, 128>}]} {
    %get3A = arith.constant 0 : index
    %get3A_0 = arith.constant 0 : index
    %get3A_1 = vector.load %arg1[%get3A, %get3A_0] : memref<1000x2xf32, #tpu.memory_space<vmem>>, vector<1000x2xf32>
    %get3A_2 = arith.constant 0 : index
    %get3A_3 = arith.constant 0 : index
    %get3A_4 = vector.load %arg3[%get3A_2, %get3A_3] : memref<2x128xf32, #tpu.memory_space<vmem>>, vector<2x128xf32>
    %dot_general3A = arith.constant dense<0.000000e+00> : vector<1000x128xf32>
    %dot_general3A_5 = tpu.matmul %get3A_1, %get3A_4, %dot_general3A {dimension_numbers = #tpu.dot_dimension_numbers<[1], [0], [0], [1], [0, 0, 1, 1], [], []>, transpose_lhs_hint = false} : vector<1000x2xf32>, vector<2x128xf32>, vector<1000x128xf32> -> vector<1000x128xf32>
    %get3A_6 = arith.constant 0 : index
    %get3A_7 = arith.constant 0 : index
    %get3A_8 = vector.load %arg4[%get3A_6, %get3A_7] : memref<1x128xf32, #tpu.memory_space<vmem>>, vector<1x128xf32>
    %add3A = vector.broadcast %get3A_8 : vector<1x128xf32> to vector<1000x128xf32>
    %add3A_9 = arith.addf %dot_general3A_5, %add3A : vector<1000x128xf32>
    %max3A = arith.constant 0.000000e+00 : f32
    %max3A_10 = vector.broadcast %max3A : f32 to vector<1000x128xf32>
    %max3A_11 = arith.maximumf %add3A_9, %max3A_10 : vector<1000x128xf32>
    %get3A_12 = arith.constant 0 : index
    %get3A_13 = arith.constant 0 : index
    %get3A_14 = vector.load %arg5[%get3A_12, %get3A_13] : memref<128x128xf32, #tpu.memory_space<vmem>>, vector<128x128xf32>
    %dot_general3A_15 = arith.constant dense<0.000000e+00> : vector<1000x128xf32>
    %dot_general3A_16 = tpu.matmul %max3A_11, %get3A_14, %dot_general3A_15 {dimension_numbers = #tpu.dot_dimension_numbers<[1], [0], [0], [1], [0, 0, 1, 1], [], []>, transpose_lhs_hint = false} : vector<1000x128xf32>, vector<128x128xf32>, vector<1000x128xf32> -> vector<1000x128xf32>
    %get3A_17 = arith.constant 0 : index
    %get3A_18 = arith.constant 0 : index
    %get3A_19 = vector.load %arg6[%get3A_17, %get3A_18] : memref<1x128xf32, #tpu.memory_space<vmem>>, vector<1x128xf32>
    %add3A_20 = vector.broadcast %get3A_19 : vector<1x128xf32> to vector<1000x128xf32>
    %add3A_21 = arith.addf %dot_general3A_16, %add3A_20 : vector<1000x128xf32>
    %get3A_22 = arith.constant 0 : index
    %get3A_23 = arith.constant 0 : index
    %get3A_24 = vector.load %arg2[%get3A_22, %get3A_23] : memref<1000x2xf32, #tpu.memory_space<vmem>>, vector<1000x1xf32>
    %get3A_25 = arith.constant 0 : index
    %get3A_26 = arith.constant 1 : index
    %get3A_27 = vector.load %arg2[%get3A_25, %get3A_26] : memref<1000x2xf32, #tpu.memory_space<vmem>>, vector<1000x1xf32>
    %add3A_28 = arith.addf %get3A_24, %get3A_27 : vector<1000x1xf32>
    %add3A_29 = arith.constant 1.000000e+00 : f32
    %add3A_30 = vector.broadcast %add3A_29 : f32 to vector<1000x1xf32>
    %add3A_31 = arith.addf %add3A_28, %add3A_30 : vector<1000x1xf32>
    %rsqrt3A = math.rsqrt %add3A_31 : vector<1000x1xf32>
    %div3A = arith.constant 1.000000e+00 : f32
    %div3A_32 = vector.broadcast %div3A : f32 to vector<1000x1xf32>
    %div3A_33 = arith.divf %div3A_32, %add3A_31 : vector<1000x1xf32>
    %get3A_34 = arith.constant 0 : index
    %get3A_35 = arith.constant 0 : index
    %get3A_36 = vector.load %arg7[%get3A_34, %get3A_35] : memref<128x128xf32, #tpu.memory_space<vmem>>, vector<128x128xf32>
    %dot_general3A_37 = arith.constant dense<0.000000e+00> : vector<1000x128xf32>
    %dot_general3A_38 = tpu.matmul %add3A_21, %get3A_36, %dot_general3A_37 {dimension_numbers = #tpu.dot_dimension_numbers<[1], [0], [0], [1], [0, 0, 1, 1], [], []>, transpose_lhs_hint = false} : vector<1000x128xf32>, vector<128x128xf32>, vector<1000x128xf32> -> vector<1000x128xf32>
    %mul3A = vector.broadcast %rsqrt3A : vector<1000x1xf32> to vector<1000x128xf32>
    %mul3A_39 = arith.mulf %dot_general3A_38, %mul3A : vector<1000x128xf32>
    %swap3A = arith.constant 0 : index
    %swap3A_40 = arith.constant 0 : index
    %swap3A_41 = vector.load %arg9[%swap3A, %swap3A_40] : memref<1000x128xf32, #tpu.memory_space<vmem>>, vector<1000x128xf32>
    tpu.vector_store %arg9[%swap3A, %swap3A_40], %mul3A_39 {strides = array<i32>} : memref<1000x128xf32, #tpu.memory_space<vmem>>, vector<1000x128xf32>,
    %mul3A_42 = vector.broadcast %div3A_33 : vector<1000x1xf32> to vector<1000x128xf32>
    %mul3A_43 = arith.mulf %dot_general3A_38, %mul3A_42 : vector<1000x128xf32>
    %get3A_44 = arith.constant 0 : index
    %get3A_45 = arith.constant 0 : index
    %get3A_46 = vector.load %arg8[%get3A_44, %get3A_45] : memref<1x128xf32, #tpu.memory_space<vmem>>, vector<1x128xf32>
    %add3A_47 = vector.broadcast %get3A_46 : vector<1x128xf32> to vector<1000x128xf32>
    %add3A_48 = arith.addf %mul3A_43, %add3A_47 : vector<1000x128xf32>
    %swap3A_49 = arith.constant 0 : index
    %swap3A_50 = arith.constant 0 : index
    %swap3A_51 = vector.load %arg10[%swap3A_49, %swap3A_50] : memref<1000x128xf32, #tpu.memory_space<vmem>>, vector<1000x128xf32>
    tpu.vector_store %arg10[%swap3A_49, %swap3A_50], %add3A_48 {strides = array<i32>} : memref<1000x128xf32, #tpu.memory_space<vmem>>, vector<1000x128xf32>,
    %broadcast_in_dim3A = vector.shape_cast %rsqrt3A : vector<1000x1xf32> to vector<1000x1xf32>
    %broadcast_in_dim3A_52 = vector.broadcast %broadcast_in_dim3A : vector<1000x1xf32> to vector<1000x128xf32>
    %swap3A_53 = arith.constant 0 : index
    %swap3A_54 = arith.constant 0 : index
    %swap3A_55 = vector.load %arg11[%swap3A_53, %swap3A_54] : memref<1000x128xf32, #tpu.memory_space<vmem>>, vector<1000x128xf32>
    tpu.vector_store %arg11[%swap3A_53, %swap3A_54], %broadcast_in_dim3A_52 {strides = array<i32>} : memref<1000x128xf32, #tpu.memory_space<vmem>>, vector<1000x128xf32>,
    %broadcast_in_dim3A_56 = vector.shape_cast %div3A_33 : vector<1000x1xf32> to vector<1000x1xf32>
    %broadcast_in_dim3A_57 = vector.broadcast %broadcast_in_dim3A_56 : vector<1000x1xf32> to vector<1000x128xf32>
    %swap3A_58 = arith.constant 0 : index
    %swap3A_59 = arith.constant 0 : index
    %swap3A_60 = vector.load %arg12[%swap3A_58, %swap3A_59] : memref<1000x128xf32, #tpu.memory_space<vmem>>, vector<1000x128xf32>
    tpu.vector_store %arg12[%swap3A_58, %swap3A_59], %broadcast_in_dim3A_57 {strides = array<i32>} : memref<1000x128xf32, #tpu.memory_space<vmem>>, vector<1000x128xf32>,
    return
  }
  func.func @transform_0(%arg0: i32) -> (i32, i32) {
    %c0_i32 = arith.constant 0 : i32
    %c0_i32_0 = arith.constant 0 : i32
    return %arg0, %c0_i32 : i32, i32
  }
  func.func @transform_1(%arg0: i32) -> (i32, i32) {
    %c0_i32 = arith.constant 0 : i32
    %c0_i32_0 = arith.constant 0 : i32
    return %arg0, %c0_i32 : i32, i32
  }
  func.func @transform_2(%arg0: i32) -> (i32, i32) {
    %c0_i32 = arith.constant 0 : i32
    %c0_i32_0 = arith.constant 0 : i32
    %c0_i32_1 = arith.constant 0 : i32
    return %c0_i32, %c0_i32_0 : i32, i32
  }
  func.func @transform_3(%arg0: i32) -> (i32, i32) {
    %c0_i32 = arith.constant 0 : i32
    %c0_i32_0 = arith.constant 0 : i32
    %c0_i32_1 = arith.constant 0 : i32
    return %c0_i32, %c0_i32_0 : i32, i32
  }
  func.func @transform_4(%arg0: i32) -> (i32, i32) {
    %c0_i32 = arith.constant 0 : i32
    %c0_i32_0 = arith.constant 0 : i32
    %c0_i32_1 = arith.constant 0 : i32
    return %c0_i32, %c0_i32_0 : i32, i32
  }
  func.func @transform_5(%arg0: i32) -> (i32, i32) {
    %c0_i32 = arith.constant 0 : i32
    %c0_i32_0 = arith.constant 0 : i32
    %c0_i32_1 = arith.constant 0 : i32
    return %c0_i32, %c0_i32_0 : i32, i32
  }
  func.func @transform_6(%arg0: i32) -> (i32, i32) {
    %c0_i32 = arith.constant 0 : i32
    %c0_i32_0 = arith.constant 0 : i32
    %c0_i32_1 = arith.constant 0 : i32
    return %c0_i32, %c0_i32_0 : i32, i32
  }
  func.func @transform_7(%arg0: i32) -> (i32, i32) {
    %c0_i32 = arith.constant 0 : i32
    %c0_i32_0 = arith.constant 0 : i32
    %c0_i32_1 = arith.constant 0 : i32
    return %c0_i32, %c0_i32_0 : i32, i32
  }
  func.func @transform_8(%arg0: i32) -> (i32, i32) {
    %c0_i32 = arith.constant 0 : i32
    %c0_i32_0 = arith.constant 0 : i32
    return %arg0, %c0_i32 : i32, i32
  }
  func.func @transform_9(%arg0: i32) -> (i32, i32) {
    %c0_i32 = arith.constant 0 : i32
    %c0_i32_0 = arith.constant 0 : i32
    return %arg0, %c0_i32 : i32, i32
  }
  func.func @transform_10(%arg0: i32) -> (i32, i32) {
    %c0_i32 = arith.constant 0 : i32
    %c0_i32_0 = arith.constant 0 : i32
    return %arg0, %c0_i32 : i32, i32
  }
  func.func @transform_11(%arg0: i32) -> (i32, i32) {
    %c0_i32 = arith.constant 0 : i32
    %c0_i32_0 = arith.constant 0 : i32
    return %arg0, %c0_i32 : i32, i32
  }
}

module attributes {stable_mosaic.version = 14 : i64} {
  func.func @_mid_body(%arg0: i32, %arg1: memref<1000x128xf32, #tpu.memory_space<vmem>>, %arg2: memref<1000x128xf32, #tpu.memory_space<vmem>>, %arg3: memref<1000x128xf32, #tpu.memory_space<vmem>>, %arg4: memref<1000x128xf32, #tpu.memory_space<vmem>>, %arg5: memref<1000x128xf32, #tpu.memory_space<vmem>>, %arg6: memref<128x128xf32, #tpu.memory_space<vmem>>, %arg7: memref<1x128xf32, #tpu.memory_space<vmem>>, %arg8: memref<1000x128xf32, #tpu.memory_space<vmem>>, %arg9: memref<1000x128xf32, #tpu.memory_space<vmem>>) attributes {dimension_semantics = [#tpu.dimension_semantics<arbitrary>], iteration_bounds = array<i64: 10>, scalar_prefetch = 0 : i64, scratch_operands = 0 : i64, tpu.core_type = #tpu.core_type<tc>, window_params = [{transform_indices = @transform_0, window_bounds = array<i64: 1000, 128>}, {transform_indices = @transform_1, window_bounds = array<i64: 1000, 128>}, {transform_indices = @transform_2, window_bounds = array<i64: 1000, 128>}, {transform_indices = @transform_3, window_bounds = array<i64: 1000, 128>}, {transform_indices = @transform_4, window_bounds = array<i64: 1000, 128>}, {pipeline_mode = #tpu.pipeline_mode<synchronous>, transform_indices = @transform_5, window_bounds = array<i64: 128, 128>}, {pipeline_mode = #tpu.pipeline_mode<synchronous>, transform_indices = @transform_6, window_bounds = array<i64: 1, 128>}, {transform_indices = @transform_7, window_bounds = array<i64: 1000, 128>}, {transform_indices = @transform_8, window_bounds = array<i64: 1000, 128>}]} {
    %get3A = arith.constant 0 : index
    %get3A_0 = arith.constant 0 : index
    %get3A_1 = vector.load %arg4[%get3A, %get3A_0] : memref<1000x128xf32, #tpu.memory_space<vmem>>, vector<1000x128xf32>
    %get3A_2 = arith.constant 0 : index
    %get3A_3 = arith.constant 0 : index
    %get3A_4 = vector.load %arg1[%get3A_2, %get3A_3] : memref<1000x128xf32, #tpu.memory_space<vmem>>, vector<1000x128xf32>
    %get3A_5 = arith.constant 0 : index
    %get3A_6 = arith.constant 0 : index
    %get3A_7 = vector.load %arg2[%get3A_5, %get3A_6] : memref<1000x128xf32, #tpu.memory_space<vmem>>, vector<1000x128xf32>
    %add3A = arith.addf %get3A_4, %get3A_7 : vector<1000x128xf32>
    %mul3A = arith.mulf %add3A, %get3A_1 : vector<1000x128xf32>
    %get3A_8 = arith.constant 0 : index
    %get3A_9 = arith.constant 0 : index
    %get3A_10 = vector.load %arg3[%get3A_8, %get3A_9] : memref<1000x128xf32, #tpu.memory_space<vmem>>, vector<1000x128xf32>
    %add3A_11 = arith.addf %mul3A, %get3A_10 : vector<1000x128xf32>
    %max3A = arith.constant 0.000000e+00 : f32
    %max3A_12 = vector.broadcast %max3A : f32 to vector<1000x128xf32>
    %max3A_13 = arith.maximumf %add3A_11, %max3A_12 : vector<1000x128xf32>
    %get3A_14 = arith.constant 0 : index
    %get3A_15 = arith.constant 0 : index
    %get3A_16 = vector.load %arg6[%get3A_14, %get3A_15] : memref<128x128xf32, #tpu.memory_space<vmem>>, vector<128x128xf32>
    %dot_general3A = arith.constant dense<0.000000e+00> : vector<1000x128xf32>
    %dot_general3A_17 = tpu.matmul %max3A_13, %get3A_16, %dot_general3A {dimension_numbers = #tpu.dot_dimension_numbers<[1], [0], [0], [1], [0, 0, 1, 1], [], []>, transpose_lhs_hint = false} : vector<1000x128xf32>, vector<128x128xf32>, vector<1000x128xf32> -> vector<1000x128xf32>
    %mul3A_18 = arith.mulf %dot_general3A_17, %get3A_1 : vector<1000x128xf32>
    %swap3A = arith.constant 0 : index
    %swap3A_19 = arith.constant 0 : index
    %swap3A_20 = vector.load %arg8[%swap3A, %swap3A_19] : memref<1000x128xf32, #tpu.memory_space<vmem>>, vector<1000x128xf32>
    tpu.vector_store %arg8[%swap3A, %swap3A_19], %mul3A_18 {strides = array<i32>} : memref<1000x128xf32, #tpu.memory_space<vmem>>, vector<1000x128xf32>,
    %get3A_21 = arith.constant 0 : index
    %get3A_22 = arith.constant 0 : index
    %get3A_23 = vector.load %arg5[%get3A_21, %get3A_22] : memref<1000x128xf32, #tpu.memory_space<vmem>>, vector<1000x128xf32>
    %mul3A_24 = arith.mulf %dot_general3A_17, %get3A_23 : vector<1000x128xf32>
    %get3A_25 = arith.constant 0 : index
    %get3A_26 = arith.constant 0 : index
    %get3A_27 = vector.load %arg7[%get3A_25, %get3A_26] : memref<1x128xf32, #tpu.memory_space<vmem>>, vector<1x128xf32>
    %add3A_28 = vector.broadcast %get3A_27 : vector<1x128xf32> to vector<1000x128xf32>
    %add3A_29 = arith.addf %mul3A_24, %add3A_28 : vector<1000x128xf32>
    %swap3A_30 = arith.constant 0 : index
    %swap3A_31 = arith.constant 0 : index
    %swap3A_32 = vector.load %arg9[%swap3A_30, %swap3A_31] : memref<1000x128xf32, #tpu.memory_space<vmem>>, vector<1000x128xf32>
    tpu.vector_store %arg9[%swap3A_30, %swap3A_31], %add3A_29 {strides = array<i32>} : memref<1000x128xf32, #tpu.memory_space<vmem>>, vector<1000x128xf32>,
    return
  }
  func.func @transform_0(%arg0: i32) -> (i32, i32) {
    %c0_i32 = arith.constant 0 : i32
    %c0_i32_0 = arith.constant 0 : i32
    return %arg0, %c0_i32 : i32, i32
  }
  func.func @transform_1(%arg0: i32) -> (i32, i32) {
    %c0_i32 = arith.constant 0 : i32
    %c0_i32_0 = arith.constant 0 : i32
    return %arg0, %c0_i32 : i32, i32
  }
  func.func @transform_2(%arg0: i32) -> (i32, i32) {
    %c0_i32 = arith.constant 0 : i32
    %c0_i32_0 = arith.constant 0 : i32
    return %arg0, %c0_i32 : i32, i32
  }
  func.func @transform_3(%arg0: i32) -> (i32, i32) {
    %c0_i32 = arith.constant 0 : i32
    %c0_i32_0 = arith.constant 0 : i32
    return %arg0, %c0_i32 : i32, i32
  }
  func.func @transform_4(%arg0: i32) -> (i32, i32) {
    %c0_i32 = arith.constant 0 : i32
    %c0_i32_0 = arith.constant 0 : i32
    return %arg0, %c0_i32 : i32, i32
  }
  func.func @transform_5(%arg0: i32) -> (i32, i32) {
    %c0_i32 = arith.constant 0 : i32
    %c0_i32_0 = arith.constant 0 : i32
    %c0_i32_1 = arith.constant 0 : i32
    return %c0_i32, %c0_i32_0 : i32, i32
  }
  func.func @transform_6(%arg0: i32) -> (i32, i32) {
    %c0_i32 = arith.constant 0 : i32
    %c0_i32_0 = arith.constant 0 : i32
    %c0_i32_1 = arith.constant 0 : i32
    return %c0_i32, %c0_i32_0 : i32, i32
  }
  func.func @transform_7(%arg0: i32) -> (i32, i32) {
    %c0_i32 = arith.constant 0 : i32
    %c0_i32_0 = arith.constant 0 : i32
    return %arg0, %c0_i32 : i32, i32
  }
  func.func @transform_8(%arg0: i32) -> (i32, i32) {
    %c0_i32 = arith.constant 0 : i32
    %c0_i32_0 = arith.constant 0 : i32
    return %arg0, %c0_i32 : i32, i32
  }
}

module attributes {stable_mosaic.version = 14 : i64} {
  func.func @_dec_body(%arg0: i32, %arg1: memref<1000x128xf32, #tpu.memory_space<vmem>>, %arg2: memref<1000x128xf32, #tpu.memory_space<vmem>>, %arg3: memref<1000x128xf32, #tpu.memory_space<vmem>>, %arg4: memref<1000x128xf32, #tpu.memory_space<vmem>>, %arg5: memref<1000x2xf32, #tpu.memory_space<vmem>>, %arg6: memref<128x128xf32, #tpu.memory_space<vmem>>, %arg7: memref<1x128xf32, #tpu.memory_space<vmem>>, %arg8: memref<128x2xf32, #tpu.memory_space<vmem>>, %arg9: memref<1x2xf32, #tpu.memory_space<vmem>>, %arg10: memref<1000x2xf32, #tpu.memory_space<vmem>>) attributes {dimension_semantics = [#tpu.dimension_semantics<arbitrary>], iteration_bounds = array<i64: 10>, scalar_prefetch = 0 : i64, scratch_operands = 0 : i64, tpu.core_type = #tpu.core_type<tc>, window_params = [{transform_indices = @transform_0, window_bounds = array<i64: 1000, 128>}, {transform_indices = @transform_1, window_bounds = array<i64: 1000, 128>}, {transform_indices = @transform_2, window_bounds = array<i64: 1000, 128>}, {transform_indices = @transform_3, window_bounds = array<i64: 1000, 128>}, {transform_indices = @transform_4, window_bounds = array<i64: 1000, 2>}, {pipeline_mode = #tpu.pipeline_mode<synchronous>, transform_indices = @transform_5, window_bounds = array<i64: 128, 128>}, {pipeline_mode = #tpu.pipeline_mode<synchronous>, transform_indices = @transform_6, window_bounds = array<i64: 1, 128>}, {pipeline_mode = #tpu.pipeline_mode<synchronous>, transform_indices = @transform_7, window_bounds = array<i64: 128, 2>}, {pipeline_mode = #tpu.pipeline_mode<synchronous>, transform_indices = @transform_8, window_bounds = array<i64: 1, 2>}, {transform_indices = @transform_9, window_bounds = array<i64: 1000, 2>}]} {
    %get3A = arith.constant 0 : index
    %get3A_0 = arith.constant 0 : index
    %get3A_1 = vector.load %arg1[%get3A, %get3A_0] : memref<1000x128xf32, #tpu.memory_space<vmem>>, vector<1000x128xf32>
    %get3A_2 = arith.constant 0 : index
    %get3A_3 = arith.constant 0 : index
    %get3A_4 = vector.load %arg2[%get3A_2, %get3A_3] : memref<1000x128xf32, #tpu.memory_space<vmem>>, vector<1000x128xf32>
    %add3A = arith.addf %get3A_1, %get3A_4 : vector<1000x128xf32>
    %get3A_5 = arith.constant 0 : index
    %get3A_6 = arith.constant 0 : index
    %get3A_7 = vector.load %arg4[%get3A_5, %get3A_6] : memref<1000x128xf32, #tpu.memory_space<vmem>>, vector<1000x128xf32>
    %mul3A = arith.mulf %add3A, %get3A_7 : vector<1000x128xf32>
    %get3A_8 = arith.constant 0 : index
    %get3A_9 = arith.constant 0 : index
    %get3A_10 = vector.load %arg3[%get3A_8, %get3A_9] : memref<1000x128xf32, #tpu.memory_space<vmem>>, vector<1000x128xf32>
    %add3A_11 = arith.addf %mul3A, %get3A_10 : vector<1000x128xf32>
    %max3A = arith.constant 0.000000e+00 : f32
    %max3A_12 = vector.broadcast %max3A : f32 to vector<1000x128xf32>
    %max3A_13 = arith.maximumf %add3A_11, %max3A_12 : vector<1000x128xf32>
    %get3A_14 = arith.constant 0 : index
    %get3A_15 = arith.constant 0 : index
    %get3A_16 = vector.load %arg6[%get3A_14, %get3A_15] : memref<128x128xf32, #tpu.memory_space<vmem>>, vector<128x128xf32>
    %dot_general3A = arith.constant dense<0.000000e+00> : vector<1000x128xf32>
    %dot_general3A_17 = tpu.matmul %max3A_13, %get3A_16, %dot_general3A {dimension_numbers = #tpu.dot_dimension_numbers<[1], [0], [0], [1], [0, 0, 1, 1], [], []>, transpose_lhs_hint = false} : vector<1000x128xf32>, vector<128x128xf32>, vector<1000x128xf32> -> vector<1000x128xf32>
    %get3A_18 = arith.constant 0 : index
    %get3A_19 = arith.constant 0 : index
    %get3A_20 = vector.load %arg7[%get3A_18, %get3A_19] : memref<1x128xf32, #tpu.memory_space<vmem>>, vector<1x128xf32>
    %add3A_21 = vector.broadcast %get3A_20 : vector<1x128xf32> to vector<1000x128xf32>
    %add3A_22 = arith.addf %dot_general3A_17, %add3A_21 : vector<1000x128xf32>
    %max3A_23 = arith.constant 0.000000e+00 : f32
    %max3A_24 = vector.broadcast %max3A_23 : f32 to vector<1000x128xf32>
    %max3A_25 = arith.maximumf %add3A_22, %max3A_24 : vector<1000x128xf32>
    %get3A_26 = arith.constant 0 : index
    %get3A_27 = arith.constant 0 : index
    %get3A_28 = vector.load %arg8[%get3A_26, %get3A_27] : memref<128x2xf32, #tpu.memory_space<vmem>>, vector<128x2xf32>
    %dot_general3A_29 = arith.constant dense<0.000000e+00> : vector<1000x2xf32>
    %dot_general3A_30 = tpu.matmul %max3A_25, %get3A_28, %dot_general3A_29 {dimension_numbers = #tpu.dot_dimension_numbers<[1], [0], [0], [1], [0, 0, 1, 1], [], []>, transpose_lhs_hint = false} : vector<1000x128xf32>, vector<128x2xf32>, vector<1000x2xf32> -> vector<1000x2xf32>
    %get3A_31 = arith.constant 0 : index
    %get3A_32 = arith.constant 0 : index
    %get3A_33 = vector.load %arg9[%get3A_31, %get3A_32] : memref<1x2xf32, #tpu.memory_space<vmem>>, vector<1x2xf32>
    %add3A_34 = vector.broadcast %get3A_33 : vector<1x2xf32> to vector<1000x2xf32>
    %add3A_35 = arith.addf %dot_general3A_30, %add3A_34 : vector<1000x2xf32>
    %reduce_max3A = arith.constant dense<0xFF800000> : vector<1000xf32>
    %reduce_max3A_36 = vector.multi_reduction <maximumf>, %add3A_35, %reduce_max3A [1] : vector<1000x2xf32> to vector<1000xf32>
    %broadcast_in_dim3A = vector.shape_cast %reduce_max3A_36 : vector<1000xf32> to vector<1000x1xf32>
    %sub3A = vector.broadcast %broadcast_in_dim3A : vector<1000x1xf32> to vector<1000x2xf32>
    %sub3A_37 = arith.subf %add3A_35, %sub3A : vector<1000x2xf32>
    %exp3A = math.exp %sub3A_37 : vector<1000x2xf32>
    %reduce_sum3A = arith.constant dense<0.000000e+00> : vector<1000xf32>
    %reduce_sum3A_38 = vector.multi_reduction <add>, %exp3A, %reduce_sum3A [1] : vector<1000x2xf32> to vector<1000xf32>
    %broadcast_in_dim3A_39 = vector.shape_cast %reduce_sum3A_38 : vector<1000xf32> to vector<1000x1xf32>
    %div3A = vector.broadcast %broadcast_in_dim3A_39 : vector<1000x1xf32> to vector<1000x2xf32>
    %div3A_40 = arith.divf %exp3A, %div3A : vector<1000x2xf32>
    %iota3A = tpu.iota {dimensions = array<i32: 1>} : vector<1x2xi32>
    %eq3A = arith.constant 0 : i32
    %eq3A_41 = vector.broadcast %eq3A : i32 to vector<1x2xi32>
    %eq3A_42 = arith.cmpi eq, %iota3A, %eq3A_41 : vector<1x2xi32>
    %jit3A = arith.constant 2.000000e+00 : f32
    %jit3A_43 = arith.constant 0.000000e+00 : f32
    %broadcast_in_dim3A_44 = vector.broadcast %jit3A : f32 to vector<1x2xf32>
    %broadcast_in_dim3A_45 = vector.broadcast %jit3A_43 : f32 to vector<1x2xf32>
    %select_n3A = arith.select %eq3A_42, %broadcast_in_dim3A_44, %broadcast_in_dim3A_45 : vector<1x2xi1>, vector<1x2xf32>
    %get3A_46 = arith.constant 0 : index
    %get3A_47 = arith.constant 0 : index
    %get3A_48 = vector.load %arg5[%get3A_46, %get3A_47] : memref<1000x2xf32, #tpu.memory_space<vmem>>, vector<1000x2xf32>
    %mul3A_49 = vector.broadcast %select_n3A : vector<1x2xf32> to vector<1000x2xf32>
    %mul3A_50 = arith.mulf %get3A_48, %mul3A_49 : vector<1000x2xf32>
    %add3A_51 = arith.addf %div3A_40, %mul3A_50 : vector<1000x2xf32>
    %swap3A = arith.constant 0 : index
    %swap3A_52 = arith.constant 0 : index
    %swap3A_53 = vector.load %arg10[%swap3A, %swap3A_52] : memref<1000x2xf32, #tpu.memory_space<vmem>>, vector<1000x2xf32>
    tpu.vector_store %arg10[%swap3A, %swap3A_52], %add3A_51 {strides = array<i32>} : memref<1000x2xf32, #tpu.memory_space<vmem>>, vector<1000x2xf32>,
    return
  }
  func.func @transform_0(%arg0: i32) -> (i32, i32) {
    %c0_i32 = arith.constant 0 : i32
    %c0_i32_0 = arith.constant 0 : i32
    return %arg0, %c0_i32 : i32, i32
  }
  func.func @transform_1(%arg0: i32) -> (i32, i32) {
    %c0_i32 = arith.constant 0 : i32
    %c0_i32_0 = arith.constant 0 : i32
    return %arg0, %c0_i32 : i32, i32
  }
  func.func @transform_2(%arg0: i32) -> (i32, i32) {
    %c0_i32 = arith.constant 0 : i32
    %c0_i32_0 = arith.constant 0 : i32
    return %arg0, %c0_i32 : i32, i32
  }
  func.func @transform_3(%arg0: i32) -> (i32, i32) {
    %c0_i32 = arith.constant 0 : i32
    %c0_i32_0 = arith.constant 0 : i32
    return %arg0, %c0_i32 : i32, i32
  }
  func.func @transform_4(%arg0: i32) -> (i32, i32) {
    %c0_i32 = arith.constant 0 : i32
    %c0_i32_0 = arith.constant 0 : i32
    return %arg0, %c0_i32 : i32, i32
  }
  func.func @transform_5(%arg0: i32) -> (i32, i32) {
    %c0_i32 = arith.constant 0 : i32
    %c0_i32_0 = arith.constant 0 : i32
    %c0_i32_1 = arith.constant 0 : i32
    return %c0_i32, %c0_i32_0 : i32, i32
  }
  func.func @transform_6(%arg0: i32) -> (i32, i32) {
    %c0_i32 = arith.constant 0 : i32
    %c0_i32_0 = arith.constant 0 : i32
    %c0_i32_1 = arith.constant 0 : i32
    return %c0_i32, %c0_i32_0 : i32, i32
  }
  func.func @transform_7(%arg0: i32) -> (i32, i32) {
    %c0_i32 = arith.constant 0 : i32
    %c0_i32_0 = arith.constant 0 : i32
    %c0_i32_1 = arith.constant 0 : i32
    return %c0_i32, %c0_i32_0 : i32, i32
  }
  func.func @transform_8(%arg0: i32) -> (i32, i32) {
    %c0_i32 = arith.constant 0 : i32
    %c0_i32_0 = arith.constant 0 : i32
    %c0_i32_1 = arith.constant 0 : i32
    return %c0_i32, %c0_i32_0 : i32, i32
  }
  func.func @transform_9(%arg0: i32) -> (i32, i32) {
    %c0_i32 = arith.constant 0 : i32
    %c0_i32_0 = arith.constant 0 : i32
    return %arg0, %c0_i32 : i32, i32
  }
}

</mosaic_0001>

<sc_bundles>
// kernel: kernel.10.cloned.1.call-start
scs
__scs_entry_jumppad:
0x0: {  	(pc) =	sbr.rel $0x88, $3  }
0x1: {  	(tag) =	ssettag $0x0;
	lr =	simm.s32 $0x1  }
0x2: {  	[smem:$0x3F90] =	sst lr;
	_ =	strace $0xD0000000  }
0x3: {  	_ = 	snop  }
0x4: {  	_ = 	snop  }
0x5: {  	_ = 	snop  }
0x6: {  	_ = 	snop  }
0x7: {  	_ = 	snop  }
__scs_overlays_trampoline_lowered:
0x8: {  	[smem:$0x3F9F] =	sst s0  }
0x9: {  	[smem:$0x3FA0] =	sst s1  }
0xa: {  	[smem:$0x3FA1] =	sst s2  }
0xb: {  	[smem:$0x3FA2] =	sst s3  }
0xc: {  	[smem:$0x3FA3] =	sst s4  }
0xd: {  	[smem:$0x3FA4] =	sst s5  }
0xe: {  	[smem:$0x3FA5] =	sst s6  }
0xf: {  	[smem:$0x3FA6] =	sst s7  }
0x10: {  	[smem:$0x3FA7] =	sst s8  }
0x11: {  	[smem:$0x3FA8] =	sst s9;
	s0 =	simm.s32 @!p0 $0x0  }
0x12: {  	s1 =	sld [smem:$0x3F8E];
	s0 =	simm.s32 @p0 $0x1  }
0x13: {  	[smem:$0x3FA9] =	sst s0;
	s0 =	simm.s32 @!p1 $0x0  }
0x14: {  	s2 =	sld [smem:$0x3F8D];
	s0 =	simm.s32 @p1 $0x1  }
0x15: {  	[smem:$0x3FAA] =	sst s0;
	s0 =	simm.s32 @!p2 $0x0  }
0x16: {  	s3 =	sld [smem:$0x3FDB];
	s0 =	simm.s32 @p2 $0x1  }
0x17: {  	s4 =	simm.s32 $0x1BF5;
	[smem:$0x3FAC] =	sst s0  }
0x18: {  	s0 =	sld [smem:$0x3F8F];
	_ =	swait.ge [sflag:s4], $0x0  }
0x19: {  	s7 =	sld [smem:$0x3F90]  }
0x1a: {  	s8 =	sadd.s32 $0xFFFFE003, lr  }
0x1b: {  	s9 =	sadd.s32 $0xFFFFFEF7, lr;
	s5 =	simm.s32 $0xFFFFFFFF;
	p2 =	slt.u32 s8, $0xFFFFF086  }
0x1c: {  	p1 =	slt.u32 s9, $0xF7A;
	s5 =	simm.s32 @!p2 $0x0  }
0x1d: {  	s5 =	simm.s32 @p1 $0x1;
	p0 =	seq.s32 s7, s2  }
0x1e: {  	s7 =	smul.u32 @!p0 $0xF7A, s2;
	p2 =	seq.s32 @!p0 s5, $0x0  }
0x1f: {  	s9 =	smul.u32 $0xF7A, s1;
	s8 =	simm.s32 @!p0 $0x1BF5;
	p2 =	por !p2, p0  }
0x20: {  	[sflag:s8] =	ssyncset.s32 @!p0 $0xFFFFF086;
	s6 =	sadd.s32 @!p0 s3, s7;
	s7 =	simm.s32 @!p0 $0x108  }
0x21: {  	s3 =	sadd.s32 s3, s9;
	s6 =	sadd.s32 @!p0 $0x88, s6;
	s7 =	simm.s32 @p2 $0x1082  }
0x22: {  	[simem:s7], [sflag:s8] =	dma.local @!p0 [hbm:s6], $0xF7A  }
0x23: {  	s9 =	sor.u32 $0xD0000000, s2;
	s6 =	simm.s32 $0x108;
	_ =	swait.ge @!p0 [sflag:s8], $0x0  }
0x24: {  	s3 =	sadd.s32 $0x88, s3;
	s6 =	simm.s32 @!p1 $0x1082;
	[sflag:s4] =	ssyncset.s32 $0xFFFFF086  }
0x25: {  	[simem:s6], [sflag:s4] =	dma.local [hbm:s3], $0xF7A  }
0x26: {  	[smem:$0x3F90] =	sst s1;
	(tag) =	ssettag s2;
	_ =	strace s9  }
0x27: {  	s1 =	sld [smem:$0x3FA0]  }
0x28: {  	s2 =	sld [smem:$0x3FA1]  }
0x29: {  	s4 =	sld [smem:$0x3FA3]  }
0x2a: {  	p0 =	seq.s32 s5, $0x0;
	s5 =	sld [smem:$0x3FA4]  }
0x2b: {  	s6 =	sld [smem:$0x3FA5]  }
0x2c: {  	s7 =	sld [smem:$0x3FA6]  }
0x2d: {  	s3 =	simm.s32 $0x108;
	s8 =	sld [smem:$0x3FA7]  }
0x2e: {  	s3 =	simm.s32 @!p0 $0x1082;
	s9 =	sld [smem:$0x3FA8]  }
0x2f: {  	lr =	sadd.s32 s0, s3;
	s0 =	sld [smem:$0x3F9F]  }
0x30: {  	s3 =	sld [smem:$0x3FA2]  }
0x31: {  	[smem:$0x3FAB] =	sst s10  }
0x32: {  	s10 =	sld [smem:$0x3FA9];
	_ =	sdelay $0x3  }
0x33: {  	p0 =	seq.s32 s10, $0x1;
	s10 =	sld [smem:$0x3FAB];
	_ =	sdelay $0x3  }
0x34: {  	[smem:$0x3FAB] =	sst s10  }
0x35: {  	s10 =	sld [smem:$0x3FAA];
	_ =	sdelay $0x3  }
0x36: {  	p1 =	seq.s32 s10, $0x1;
	s10 =	sld [smem:$0x3FAB];
	_ =	sdelay $0x3  }
0x37: {  	[smem:$0x3FAB] =	sst s10  }
0x38: {  	s10 =	sld [smem:$0x3FAC]  }
0x39: {  	_ = 	snop;
	(pc) =	sbr.ind lr, $3  }
0x3a: {  	_ = 	snop  }
0x3b: {  	_ = 	snop  }
0x3c: {  	p2 =	seq.s32 s10, $0x1;
	s10 =	sld [smem:$0x3FAB]  }
0x3d: {  	_ =	shalt  }
0x3e: {  	_ =	shalt  }
0x3f: {  	_ =	shalt  }
0x40: {  	_ =	shalt  }
0x41: {  	_ =	shalt  }
0x42: {  	_ =	shalt  }
0x43: {  	_ =	shalt  }
0x44: {  	_ =	shalt  }
0x45: {  	_ =	shalt  }
0x46: {  	_ =	shalt  }
0x47: {  	_ =	shalt  }
0x48: {  	_ =	shalt  }
0x49: {  	_ =	shalt  }
0x4a: {  	_ =	shalt  }
0x4b: {  	_ =	shalt  }
0x4c: {  	_ =	shalt  }
0x4d: {  	_ =	shalt  }
0x4e: {  	_ =	shalt  }
0x4f: {  	_ =	shalt  }
0x50: {  	_ =	shalt  }
0x51: {  	_ =	shalt  }
0x52: {  	_ =	shalt  }
0x53: {  	_ =	shalt  }
0x54: {  	_ =	shalt  }
0x55: {  	_ =	shalt  }
0x56: {  	_ =	shalt  }
0x57: {  	_ =	shalt  }
0x58: {  	_ =	shalt  }
0x59: {  	_ =	shalt  }
0x5a: {  	_ =	shalt  }
0x5b: {  	_ =	shalt  }
0x5c: {  	_ =	shalt  }
0x5d: {  	_ =	shalt  }
0x5e: {  	_ =	shalt  }
0x5f: {  	_ =	shalt  }
0x60: {  	_ =	shalt  }
0x61: {  	_ =	shalt  }
0x62: {  	_ =	shalt  }
0x63: {  	_ =	shalt  }
0x64: {  	_ =	shalt  }
0x65: {  	_ =	shalt  }
0x66: {  	_ =	shalt  }
0x67: {  	_ =	shalt  }
0x68: {  	_ =	shalt  }
0x69: {  	_ =	shalt  }
0x6a: {  	_ =	shalt  }
0x6b: {  	_ =	shalt  }
0x6c: {  	_ =	shalt  }
0x6d: {  	_ =	shalt  }
0x6e: {  	_ =	shalt  }
0x6f: {  	_ =	shalt  }
0x70: {  	_ =	shalt  }
0x71: {  	_ =	shalt  }
0x72: {  	_ =	shalt  }
0x73: {  	_ =	shalt  }
0x74: {  	_ =	shalt  }
0x75: {  	_ =	shalt  }
0x76: {  	_ =	shalt  }
0x77: {  	_ =	shalt  }
0x78: {  	_ =	shalt  }
0x79: {  	_ =	shalt  }
0x7a: {  	_ =	shalt  }
0x7b: {  	_ =	shalt  }
0x7c: {  	_ =	shalt  }
0x7d: {  	_ =	shalt  }
0x7e: {  	_ =	shalt  }
0x7f: {  	_ =	shalt  }
0x80: {  	_ =	shalt  }
0x81: {  	_ =	shalt  }
0x82: {  	_ =	shalt  }
0x83: {  	_ =	shalt  }
0x84: {  	_ =	shalt  }
0x85: {  	_ =	shalt  }
0x86: {  	_ =	shalt  }
0x87: {  	_ =	shalt  }
.Lfunc_end0:
.L_simem_size_0:
called_computation_lowered:
.L_overlay_start_0:
0x88: {  	s2 =	sld [smem:$0x3FD9]  }
0x89: {  	s3 =	sld [smem:$0x3FFE];
	_ =	sdelay $0x1  }
0x8a: {  	s1 =	srdreg.scid  }
0x8b: {  	s0 =	sand.u32 $0x1, s1  }
0x8c: {  	s16 =	sshll.u32 s0, $0xA;
	s2 =	sadd.s32 s3, s2  }
0x8d: {  	s2 =	sadd.s32 s2, s16  }
0x8e: {  	[smem:$0x3FB7] =	sst s2  }
0x8f: {  	_ = 	snop  }
0x90: {  	(tm) =	ssettm $0x1  }
0x91: {  	s17 =	sld [smem:$0x3FFB];
	_ =	sdelay $0x3  }
0x92: {  	_ =	strace s17  }
0x93: {  	s2 =	sld [smem:$0x3FFC];
	_ =	sdelay $0x3  }
0x94: {  	_ =	strace s2  }
0x95: {  	s2 =	sld [smem:$0x3FFD];
	_ =	sdelay $0x3  }
0x96: {  	_ =	strace s2  }
0x97: {  	_ =	strace $0x8FFFFFFF  }
0x98: {  	s18 =	sld [smem:$0x3FDB];
	_ =	sdelay $0x1  }
0x99: {  	s19 =	simm.s32 $_scs_section_size  }
0x9a: {  	s4 =	simm.s32 $_size__tile_overlayer_lowered;
	s5 =	simm.s32 $_tile_overlayer_lowered  }
0x9b: {  	s22 =	simm.s32 $0x1BFF;
	s21 =	sshll.u32 s5, $0x1;
	s2 =	sadd.s32 s19, s18  }
0x9c: {  	s6 =	simm.s32 $0x0;
	s20 =	sshll.u32 s4, $0x1;
	s4 =	sadd.s32 s21, s2  }
0x9d: {  	[timem:s6], [sflag:s22] =	dma.local [hbm:s4], s20  }
0x9e: {  	_ =	swait.ge [sflag:s22], s20  }
0x9f: {  	s3 =	ssub.s32 $0x0, s20;
	[sflag:s22] =	ssyncset.done $0x0  }
0xa0: {  	[sflag:s22] =	ssyncadd.s32 s3;
	_ =	sdelay $0x1  }
0xa1: {  	s23 =	simm.s32 $0x1B8B  }
0xa2: {  	_ =	swait.ge [sflag:s23], $0x1  }
0xa3: {  	[sflag:s23] =	ssyncset.done $0x0  }
0xa4: {  	s25 =	simm.s32 $0x1B8E;
	s24 =	sld [smem:$0x3FFE];
	[sflag:s23] =	ssyncadd.s32 $0xFFFFFFFF  }
0xa5: {  	s26 =	simm.s32 $execute0_lowered;
	[smem:$0x3FD2] =	sst s25  }
0xa6: {  	s4 =	sshll.u32 s26, $0x1;
	_ =	strace $0x80000046;
	[dreg:$0x1] =	wrdreg $0xFFFFFFFF  }
0xa7: {  	s28 =	simm.s32 $_size_execute0_lowered;
	s2 =	sadd.s32 s2, s4;
	[dreg:$0x0] =	wrdreg $0x0  }
0xa8: {  	s4 =	sshll.u32 s28, $0x1;
	[dreg:$0x2] =	wrdreg s2  }
0xa9: {  	[dreg:$0x3] =	wrdreg s4  }
0xaa: {  	[dreg:$0x4] =	wrdreg $0xC0  }
0xab: {  	_ =	task [dreg:s6], $0x5FFFF  }
0xac: {  	[dreg:$0x1] =	wrdreg $0xFFFFFFFF  }
0xad: {  	[dreg:$0x0] =	wrdreg $0x60  }
0xae: {  	[dreg:$0x2] =	wrdreg s24  }
0xaf: {  	[dreg:$0x3] =	wrdreg $0x52800  }
0xb0: {  	[dreg:$0x4] =	wrdreg $0x9  }
0xb1: {  	_ =	task.clear_ibuf [dreg:s6], $0x5FFFF;
	_ =	strace $0x90000046  }
0xb2: {  	s29 =	simm.s32 $0x9;
	_ =	strace $0x80000048  }
0xb3: {  	_ =	swait.ge [sflag:s29], $0x1  }
0xb4: {  	[sflag:s29] =	ssyncadd.s32 $0xFFFFFFFF  }
0xb5: {  	_ =	strace $0x90000048  }
0xb6: {  	_ =	sfence  }
0xb7: {  	s30 =	sld [smem:$0x0];
	_ =	sdelay $0x2  }
0xb8: {  	s31 =	sshll.u32 s1, $0xD;
	s1 =	sshrl.u32 s1, $0x2  }
0xb9: {  	s3 =	sand.u32 $0x4000, s31;
	s1 =	sadd.s32 s1, s30  }
0xba: {  	s0 =	sor.u32 s3, s0;
	s1 =	sshll.u32 s1, $0x11  }
0xbb: {  	s0 =	sor.u32 s1, s0  }
0xbc: {  	s0 =	sadd.s32 $0x8F2B, s0  }
0xbd: {  	[sflag:s0] =	ssyncadd.remote.s32 $0x1  }
0xbe: {  	_ =	sfence.sel $0xFFFF  }
0xbf: {  	[dreg:$0x0] =	wrdreg $0xFFFFFFFF;
	(pc) =	sbr.abs _section_cstart, $3  }
0xc0: {  	[dreg:$0x1] =	wrdreg $0xFFFFFFFF  }
0xc1: {  	_ =	task.clear_ibuf [dreg:s6], $0x2FFFF;
	_ =	strace $0x9FFFFFFF  }
0xc2: {  	(tm) =	ssettm $0x7FFFFFFF  }
0xc3: {  	_ =	shalt  }
tec
execute0_lowered:
.L_overlay_start_1:
0x0: {  	(tag) =	ssettag $0x1  }
0x1: {  	s0 =	srdreg.scid;
	s4 =	rddreg [dreg:$0x0]  }
0x2: {  	s2 =	rddreg [dreg:$0x1];
	s1 =	stileid.u32  }
0x3: {  	s11 =	simm.s32 $0x80;
	s12 =	simm.s32 $0x400;
	s13 =	simm.s32 $0x2800  }
0x4: {  	s16 =	simm.s32 $0x20;
	s17 =	simm.s32 $0x10;
	s18 =	simm.s32 $0x0  }
0x5: {  	s5 =	sand.u32 $0x1, s0;
	s0 =	rddreg [dreg:$0x2];
	s30 =	smul.u32 $0x500, s1  }
0x6: {  	s8 =	sshll.u32 s1, $0x7;
	s10 =	smul.u32 $0xA00, s1;
	s14 =	sshll.u32 s1, $0x6  }
0x7: {  	s3 =	sshll.u32 s5, $0x4;
	s8 =	sand.u32 $0x380, s8;
	s9 =	sshll.u32 s5, $0x7  }
0x8: {  	s5 =	ssub.s32 $0x2, s5;
	s14 =	sor.u32 $0x1C01, s14;
	s6 =	sor.u32 s1, s3  }
0x9: {  	s3 =	simm.s32 $0x0;
	s7 =	smul.u32 $0x500, s6;
	s6 =	sshrl.u32 s6, $0x3  }
0xa: {  	s31 =	sshrl.u32 s5, $0x1;
	[smem:$0x7FF] =	sst s3;
	s6 =	smul.u32 $0x14000, s6  }
0xb: {  	s10 =	sshrl.u32 s10, $0x2;
	_ =	strace $0x80000047;
	s7 =	sadd.s32 s7, s4  }
0xc: {  	s6 =	sor.u32 s8, s6;
	s8 =	sor.u32 s9, s30;
	s9 =	ssub.s32 s5, s31  }
0xd: {  	s5 =	sadd.s32 $0xE200, s7;
	s6 =	sshrl.u32 s6, $0x3;
	s8 =	sshrl.u32 s8, $0x3  }
0xe: {  	s6 =	sadd.s32 s6, s4;
	s8 =	sadd.s32 s8, s4;
	s4 =	sadd.s32 s10, s2  }
0xf: {  	s10 =	simm.s32 $0x1;
	s6 =	sadd.s32 $0x4200, s6;
	s7 =	sadd.s32 $0x18200, s8  }
0x10: {  	v0 =	vimm.f32 $0.0e+00;
	s8 =	smax.u32 s9, $0x1;
	s9 =	simm.s32 $0x5000;
	s15 =	sshrl.u32 s4, $0x3  }
.LBB2_1:
0x11: {  	[tilespmem:$0x5000] =	vst v0  }
0x12: {  	[tilespmem:$0x5010] =	vst v0  }
0x13: {  	[tilespmem:$0x5020] =	vst v0  }
0x14: {  	[tilespmem:$0x5030] =	vst v0  }
0x15: {  	[tilespmem:$0x5040] =	vst v0  }
0x16: {  	[tilespmem:$0x5050] =	vst v0  }
0x17: {  	[tilespmem:$0x5060] =	vst v0  }
0x18: {  	[tilespmem:$0x5070] =	vst v0  }
0x19: {  	[tilespmem:$0x5080] =	vst v0  }
0x1a: {  	[tilespmem:$0x5090] =	vst v0  }
0x1b: {  	[tilespmem:$0x50A0] =	vst v0  }
0x1c: {  	[tilespmem:$0x50B0] =	vst v0  }
0x1d: {  	[tilespmem:$0x50C0] =	vst v0  }
0x1e: {  	[tilespmem:$0x50D0] =	vst v0  }
0x1f: {  	[tilespmem:$0x50E0] =	vst v0  }
0x20: {  	[tilespmem:$0x50F0] =	vst v0  }
0x21: {  	[tilespmem:$0x5100] =	vst v0  }
0x22: {  	[tilespmem:$0x5110] =	vst v0  }
0x23: {  	[tilespmem:$0x5120] =	vst v0  }
0x24: {  	[tilespmem:$0x5130] =	vst v0  }
0x25: {  	[tilespmem:$0x5140] =	vst v0  }
0x26: {  	[tilespmem:$0x5150] =	vst v0  }
0x27: {  	[tilespmem:$0x5160] =	vst v0  }
0x28: {  	[tilespmem:$0x5170] =	vst v0  }
0x29: {  	[tilespmem:$0x5180] =	vst v0  }
0x2a: {  	[tilespmem:$0x5190] =	vst v0  }
0x2b: {  	[tilespmem:$0x51A0] =	vst v0  }
0x2c: {  	[tilespmem:$0x51B0] =	vst v0  }
0x2d: {  	[tilespmem:$0x51C0] =	vst v0  }
0x2e: {  	[tilespmem:$0x51D0] =	vst v0  }
0x2f: {  	[tilespmem:$0x51E0] =	vst v0  }
0x30: {  	[tilespmem:$0x51F0] =	vst v0  }
0x31: {  	[tilespmem:$0x5200] =	vst v0  }
0x32: {  	[tilespmem:$0x5210] =	vst v0  }
0x33: {  	[tilespmem:$0x5220] =	vst v0  }
0x34: {  	[tilespmem:$0x5230] =	vst v0  }
0x35: {  	[tilespmem:$0x5240] =	vst v0  }
0x36: {  	[tilespmem:$0x5250] =	vst v0  }
0x37: {  	[tilespmem:$0x5260] =	vst v0  }
0x38: {  	[tilespmem:$0x5270] =	vst v0  }
0x39: {  	[spmem:s4] =	stream.linear.scatter [tilespmem:s9], [sflag:$0x1], $0x280, $0x38;
	[tilespmem:$0x5500] =	vst v63  }
0x3a: {  	_ =	swait.ge [sflag:s10], $0x280  }
0x3b: {  	[sflag:s10] =	ssyncset.done $0x0  }
0x3c: {  	[sflag:s10] =	ssyncadd.s32 $0xFFFFFD80  }
0x3d: {  	[bflag:$0x0] =	sbarrier.arrive $0xFFFF  }
0x3e: {  	[tilespmem:s3], [sflag:$0x1] =	stream.linear.gather [hbm4b:s5+s3], $0x2800, $0x38;
	[tilespmem:$0x5500] =	vst v63  }
0x3f: {  	_ =	swait.ge [sflag:s10], $0x2800  }
0x40: {  	[sflag:s10] =	ssyncset.done $0x0  }
0x41: {  	[sflag:s10] =	ssyncadd.s32 $0xFFFFD800  }
0x42: {  	[tilespmem:s13], [sflag:$0x1] =	stream.strided.gather [hbm4b:s6+s11], $0x2800, s12, s11, $0x38;
	[tilespmem:$0x5500] =	vst v63  }
0x43: {  	_ =	swait.ge [sflag:s10], $0x2800  }
0x44: {  	[sflag:s10] =	ssyncset.done $0x0  }
0x45: {  	s19 =	simm.s32 $0x0;
	s20 =	simm.s32 $0x2800;
	[sflag:s10] =	ssyncadd.s32 $0xFFFFD800  }
0x46: {  	[spmem:s2] =	stream.indirect.scatter.add.f32 [tilespmem:s20], [sflag:$0x1], $0x1, s19, s11, $0xb8;
	[tilespmem:$0x5500] =	vst v63  }
0x47: {  	s19 =	simm.s32 $0x200;
	_ =	swait.ge [sflag:s10], $0x80  }
.LBB2_2:
0x48: {  	s20 =	sshra.s32 s19, $0x2;
	[sflag:s10] =	ssyncset.done $0x0;
	p0 =	sne.s32 s19, $0x9E00  }
.Ltmp0:
0x49: {  	s21 =	sadd.s32 $0x2800, s20;
	[sflag:s10] =	ssyncadd.s32 $0xFFFFFF80;
	(pc) =	sbr.rel @p0 .LBB2_2-.Ltmp0, $3  }
0x4a: {  	[spmem:s2] =	stream.indirect.scatter.add.f32 [tilespmem:s21], [sflag:$0x1], $0x1, s20, s11, $0xb8;
	[tilespmem:$0x5500] =	vst v63  }
0x4b: {  	s19 =	sadd.s32 $0x200, s19;
	_ =	sdelay $0x1  }
0x4c: {  	_ =	swait.ge [sflag:s10], $0x80  }
0x4d: {  	[sflag:s10] =	ssyncset.done $0x0;
	s18 =	sadd.s32 $0x1, s18  }
0x4e: {  	[sflag:s10] =	ssyncadd.s32 $0xFFFFFF80;
	p0 =	sne.s32 s18, s8  }
.Ltmp1:
0x4f: {  	[bflag:$0x0] =	sbarrier.arrive $0xFFFF;
	(pc) =	sbr.rel @p0 .LBB2_1-.Ltmp1, $4  }
0x50: {  	[hbm:s7@s16], [sflag:s14] =	dma.strided [spmem:s15@s17], $0x50, s10, $0x10   }
0x51: {  	_ =	swait.ge [sflag:s10], $0x50  }
0x52: {  	[sflag:s10] =	ssyncset.done $0x0  }
0x53: {  	[sflag:s10] =	ssyncadd.s32 $0xFFFFFFB0  }
0x54: {  	_ =	sfence.sel $0x180000  }
0x55: {  	[bflag:$0x0] =	sbarrier.arrive $0xFFFF  }
0x56: {  	p0 =	sne.s32 s1, $0x0;
	_ =	strace $0x90000047  }
0x57: {  	s0 =	sadd.s32 @!p0 $0x100000, s0;
	[bflag:$0x2] =	sbarrier.arrive $0xFFFF  }
0x58: {  	[sflag:s0] =	ssyncadd.tile.s32 @!p0 $0x1;
	_ =	shalt  }
.Lfunc_end2:
_tile_overlayer_lowered:
.L_overlay_start_2:
0x59: {  	(tag) =	ssettag $0x2  }
0x5a: {  	s0 =	rddreg [dreg:$0x0];
	s2 =	stileid.u32  }
0x5b: {  	s1 =	rddreg [dreg:$0x1];
	p0 =	sne.s32 s2, $0x0  }
0x5c: {  	s3 =	rddreg [dreg:$0x2];
	[bflag:$0x3] =	sbarrier.arrive $0xFFFF;
	s2 =	simm.s32 @!p0 $0x1C01  }
0x5d: {  	[timem:s3], [sflag:s2] =	dma.local @!p0 [hbm:s0], s1  }
0x5e: {  	s0 =	simm.s32 @!p0 $0x1  }
0x5f: {  	_ =	swait.ge @!p0 [sflag:s0], s1  }
0x60: {  	s1 =	ssub.s32 @!p0 $0x0, s1;
	[sflag:s0] =	ssyncset.done @!p0 $0x0  }
0x61: {  	[sflag:s0] =	ssyncadd.s32 @!p0 s1  }
0x62: {  	[bflag:$0x3] =	sbarrier.arrive $0xFFFF  }
0x63: {  	_ =	shalt  }

// kernel: kernel.13.cloned.1.call-start
scs
__scs_entry_jumppad:
0x0: {  	(pc) =	sbr.rel $0x88, $3  }
0x1: {  	(tag) =	ssettag $0x0;
	lr =	simm.s32 $0x1  }
0x2: {  	[smem:$0x3F90] =	sst lr;
	_ =	strace $0xD0000000  }
0x3: {  	_ = 	snop  }
0x4: {  	_ = 	snop  }
0x5: {  	_ = 	snop  }
0x6: {  	_ = 	snop  }
0x7: {  	_ = 	snop  }
__scs_overlays_trampoline_lowered:
0x8: {  	[smem:$0x3F9F] =	sst s0  }
0x9: {  	[smem:$0x3FA0] =	sst s1  }
0xa: {  	[smem:$0x3FA1] =	sst s2  }
0xb: {  	[smem:$0x3FA2] =	sst s3  }
0xc: {  	[smem:$0x3FA3] =	sst s4  }
0xd: {  	[smem:$0x3FA4] =	sst s5  }
0xe: {  	[smem:$0x3FA5] =	sst s6  }
0xf: {  	[smem:$0x3FA6] =	sst s7  }
0x10: {  	[smem:$0x3FA7] =	sst s8  }
0x11: {  	[smem:$0x3FA8] =	sst s9;
	s0 =	simm.s32 @!p0 $0x0  }
0x12: {  	s1 =	sld [smem:$0x3F8E];
	s0 =	simm.s32 @p0 $0x1  }
0x13: {  	[smem:$0x3FA9] =	sst s0;
	s0 =	simm.s32 @!p1 $0x0  }
0x14: {  	s2 =	sld [smem:$0x3F8D];
	s0 =	simm.s32 @p1 $0x1  }
0x15: {  	[smem:$0x3FAA] =	sst s0;
	s0 =	simm.s32 @!p2 $0x0  }
0x16: {  	s3 =	sld [smem:$0x3FDB];
	s0 =	simm.s32 @p2 $0x1  }
0x17: {  	s4 =	simm.s32 $0x1BF5;
	[smem:$0x3FAC] =	sst s0  }
0x18: {  	s0 =	sld [smem:$0x3F8F];
	_ =	swait.ge [sflag:s4], $0x0  }
0x19: {  	s7 =	sld [smem:$0x3F90]  }
0x1a: {  	s8 =	sadd.s32 $0xFFFFE003, lr  }
0x1b: {  	s9 =	sadd.s32 $0xFFFFFEF7, lr;
	s5 =	simm.s32 $0xFFFFFFFF;
	p2 =	slt.u32 s8, $0xFFFFF086  }
0x1c: {  	p1 =	slt.u32 s9, $0xF7A;
	s5 =	simm.s32 @!p2 $0x0  }
0x1d: {  	s5 =	simm.s32 @p1 $0x1;
	p0 =	seq.s32 s7, s2  }
0x1e: {  	s7 =	smul.u32 @!p0 $0xF7A, s2;
	p2 =	seq.s32 @!p0 s5, $0x0  }
0x1f: {  	s9 =	smul.u32 $0xF7A, s1;
	s8 =	simm.s32 @!p0 $0x1BF5;
	p2 =	por !p2, p0  }
0x20: {  	[sflag:s8] =	ssyncset.s32 @!p0 $0xFFFFF086;
	s6 =	sadd.s32 @!p0 s3, s7;
	s7 =	simm.s32 @!p0 $0x108  }
0x21: {  	s3 =	sadd.s32 s3, s9;
	s6 =	sadd.s32 @!p0 $0x88, s6;
	s7 =	simm.s32 @p2 $0x1082  }
0x22: {  	[simem:s7], [sflag:s8] =	dma.local @!p0 [hbm:s6], $0xF7A  }
0x23: {  	s9 =	sor.u32 $0xD0000000, s2;
	s6 =	simm.s32 $0x108;
	_ =	swait.ge @!p0 [sflag:s8], $0x0  }
0x24: {  	s3 =	sadd.s32 $0x88, s3;
	s6 =	simm.s32 @!p1 $0x1082;
	[sflag:s4] =	ssyncset.s32 $0xFFFFF086  }
0x25: {  	[simem:s6], [sflag:s4] =	dma.local [hbm:s3], $0xF7A  }
0x26: {  	[smem:$0x3F90] =	sst s1;
	(tag) =	ssettag s2;
	_ =	strace s9  }
0x27: {  	s1 =	sld [smem:$0x3FA0]  }
0x28: {  	s2 =	sld [smem:$0x3FA1]  }
0x29: {  	s4 =	sld [smem:$0x3FA3]  }
0x2a: {  	p0 =	seq.s32 s5, $0x0;
	s5 =	sld [smem:$0x3FA4]  }
0x2b: {  	s6 =	sld [smem:$0x3FA5]  }
0x2c: {  	s7 =	sld [smem:$0x3FA6]  }
0x2d: {  	s3 =	simm.s32 $0x108;
	s8 =	sld [smem:$0x3FA7]  }
0x2e: {  	s3 =	simm.s32 @!p0 $0x1082;
	s9 =	sld [smem:$0x3FA8]  }
0x2f: {  	lr =	sadd.s32 s0, s3;
	s0 =	sld [smem:$0x3F9F]  }
0x30: {  	s3 =	sld [smem:$0x3FA2]  }
0x31: {  	[smem:$0x3FAB] =	sst s10  }
0x32: {  	s10 =	sld [smem:$0x3FA9];
	_ =	sdelay $0x3  }
0x33: {  	p0 =	seq.s32 s10, $0x1;
	s10 =	sld [smem:$0x3FAB];
	_ =	sdelay $0x3  }
0x34: {  	[smem:$0x3FAB] =	sst s10  }
0x35: {  	s10 =	sld [smem:$0x3FAA];
	_ =	sdelay $0x3  }
0x36: {  	p1 =	seq.s32 s10, $0x1;
	s10 =	sld [smem:$0x3FAB];
	_ =	sdelay $0x3  }
0x37: {  	[smem:$0x3FAB] =	sst s10  }
0x38: {  	s10 =	sld [smem:$0x3FAC]  }
0x39: {  	_ = 	snop;
	(pc) =	sbr.ind lr, $3  }
0x3a: {  	_ = 	snop  }
0x3b: {  	_ = 	snop  }
0x3c: {  	p2 =	seq.s32 s10, $0x1;
	s10 =	sld [smem:$0x3FAB]  }
0x3d: {  	_ =	shalt  }
0x3e: {  	_ =	shalt  }
0x3f: {  	_ =	shalt  }
0x40: {  	_ =	shalt  }
0x41: {  	_ =	shalt  }
0x42: {  	_ =	shalt  }
0x43: {  	_ =	shalt  }
0x44: {  	_ =	shalt  }
0x45: {  	_ =	shalt  }
0x46: {  	_ =	shalt  }
0x47: {  	_ =	shalt  }
0x48: {  	_ =	shalt  }
0x49: {  	_ =	shalt  }
0x4a: {  	_ =	shalt  }
0x4b: {  	_ =	shalt  }
0x4c: {  	_ =	shalt  }
0x4d: {  	_ =	shalt  }
0x4e: {  	_ =	shalt  }
0x4f: {  	_ =	shalt  }
0x50: {  	_ =	shalt  }
0x51: {  	_ =	shalt  }
0x52: {  	_ =	shalt  }
0x53: {  	_ =	shalt  }
0x54: {  	_ =	shalt  }
0x55: {  	_ =	shalt  }
0x56: {  	_ =	shalt  }
0x57: {  	_ =	shalt  }
0x58: {  	_ =	shalt  }
0x59: {  	_ =	shalt  }
0x5a: {  	_ =	shalt  }
0x5b: {  	_ =	shalt  }
0x5c: {  	_ =	shalt  }
0x5d: {  	_ =	shalt  }
0x5e: {  	_ =	shalt  }
0x5f: {  	_ =	shalt  }
0x60: {  	_ =	shalt  }
0x61: {  	_ =	shalt  }
0x62: {  	_ =	shalt  }
0x63: {  	_ =	shalt  }
0x64: {  	_ =	shalt  }
0x65: {  	_ =	shalt  }
0x66: {  	_ =	shalt  }
0x67: {  	_ =	shalt  }
0x68: {  	_ =	shalt  }
0x69: {  	_ =	shalt  }
0x6a: {  	_ =	shalt  }
0x6b: {  	_ =	shalt  }
0x6c: {  	_ =	shalt  }
0x6d: {  	_ =	shalt  }
0x6e: {  	_ =	shalt  }
0x6f: {  	_ =	shalt  }
0x70: {  	_ =	shalt  }
0x71: {  	_ =	shalt  }
0x72: {  	_ =	shalt  }
0x73: {  	_ =	shalt  }
0x74: {  	_ =	shalt  }
0x75: {  	_ =	shalt  }
0x76: {  	_ =	shalt  }
0x77: {  	_ =	shalt  }
0x78: {  	_ =	shalt  }
0x79: {  	_ =	shalt  }
0x7a: {  	_ =	shalt  }
0x7b: {  	_ =	shalt  }
0x7c: {  	_ =	shalt  }
0x7d: {  	_ =	shalt  }
0x7e: {  	_ =	shalt  }
0x7f: {  	_ =	shalt  }
0x80: {  	_ =	shalt  }
0x81: {  	_ =	shalt  }
0x82: {  	_ =	shalt  }
0x83: {  	_ =	shalt  }
0x84: {  	_ =	shalt  }
0x85: {  	_ =	shalt  }
0x86: {  	_ =	shalt  }
0x87: {  	_ =	shalt  }
.Lfunc_end0:
.L_simem_size_0:
called_computation.1_lowered:
.L_overlay_start_0:
0x88: {  	s2 =	sld [smem:$0x3FD9]  }
0x89: {  	s3 =	sld [smem:$0x3FFE];
	_ =	sdelay $0x1  }
0x8a: {  	s1 =	srdreg.scid  }
0x8b: {  	s0 =	sand.u32 $0x1, s1  }
0x8c: {  	s16 =	sshll.u32 s0, $0xA;
	s2 =	sadd.s32 s3, s2  }
0x8d: {  	s2 =	sadd.s32 s2, s16  }
0x8e: {  	[smem:$0x3FB7] =	sst s2  }
0x8f: {  	_ = 	snop  }
0x90: {  	(tm) =	ssettm $0x1  }
0x91: {  	s17 =	sld [smem:$0x3FFB];
	_ =	sdelay $0x3  }
0x92: {  	_ =	strace s17  }
0x93: {  	s2 =	sld [smem:$0x3FFC];
	_ =	sdelay $0x3  }
0x94: {  	_ =	strace s2  }
0x95: {  	s2 =	sld [smem:$0x3FFD];
	_ =	sdelay $0x3  }
0x96: {  	_ =	strace s2  }
0x97: {  	_ =	strace $0x8FFFFFFF  }
0x98: {  	s18 =	sld [smem:$0x3FDB];
	_ =	sdelay $0x1  }
0x99: {  	s19 =	simm.s32 $_scs_section_size  }
0x9a: {  	s4 =	simm.s32 $_size__tile_overlayer_lowered;
	s5 =	simm.s32 $_tile_overlayer_lowered  }
0x9b: {  	s22 =	simm.s32 $0x1BFF;
	s21 =	sshll.u32 s5, $0x1;
	s2 =	sadd.s32 s19, s18  }
0x9c: {  	s6 =	simm.s32 $0x0;
	s20 =	sshll.u32 s4, $0x1;
	s4 =	sadd.s32 s21, s2  }
0x9d: {  	[timem:s6], [sflag:s22] =	dma.local [hbm:s4], s20  }
0x9e: {  	_ =	swait.ge [sflag:s22], s20  }
0x9f: {  	s3 =	ssub.s32 $0x0, s20;
	[sflag:s22] =	ssyncset.done $0x0  }
0xa0: {  	[sflag:s22] =	ssyncadd.s32 s3;
	_ =	sdelay $0x1  }
0xa1: {  	s23 =	simm.s32 $0x1B8B  }
0xa2: {  	_ =	swait.ge [sflag:s23], $0x1  }
0xa3: {  	[sflag:s23] =	ssyncset.done $0x0  }
0xa4: {  	s25 =	simm.s32 $0x1B8E;
	s24 =	sld [smem:$0x3FFE];
	[sflag:s23] =	ssyncadd.s32 $0xFFFFFFFF  }
0xa5: {  	s26 =	simm.s32 $execute0_lowered;
	[smem:$0x3FD2] =	sst s25  }
0xa6: {  	s4 =	sshll.u32 s26, $0x1;
	_ =	strace $0x80000049;
	[dreg:$0x1] =	wrdreg $0xFFFFFFFF  }
0xa7: {  	s28 =	simm.s32 $_size_execute0_lowered;
	s2 =	sadd.s32 s2, s4;
	[dreg:$0x0] =	wrdreg $0x0  }
0xa8: {  	s4 =	sshll.u32 s28, $0x1;
	[dreg:$0x2] =	wrdreg s2  }
0xa9: {  	[dreg:$0x3] =	wrdreg s4  }
0xaa: {  	[dreg:$0x4] =	wrdreg $0xC0  }
0xab: {  	_ =	task [dreg:s6], $0x5FFFF  }
0xac: {  	[dreg:$0x1] =	wrdreg $0xFFFFFFFF  }
0xad: {  	[dreg:$0x0] =	wrdreg $0x60  }
0xae: {  	[dreg:$0x2] =	wrdreg s24  }
0xaf: {  	[dreg:$0x3] =	wrdreg $0x98000  }
0xb0: {  	[dreg:$0x4] =	wrdreg $0x9  }
0xb1: {  	_ =	task.clear_ibuf [dreg:s6], $0x5FFFF;
	_ =	strace $0x90000049  }
0xb2: {  	s29 =	simm.s32 $0x9;
	_ =	strace $0x8000004B  }
0xb3: {  	_ =	swait.ge [sflag:s29], $0x1  }
0xb4: {  	[sflag:s29] =	ssyncadd.s32 $0xFFFFFFFF  }
0xb5: {  	_ =	strace $0x9000004B  }
0xb6: {  	_ =	sfence  }
0xb7: {  	s30 =	sld [smem:$0x0];
	_ =	sdelay $0x2  }
0xb8: {  	s31 =	sshll.u32 s1, $0xD;
	s1 =	sshrl.u32 s1, $0x2  }
0xb9: {  	s3 =	sand.u32 $0x4000, s31;
	s1 =	sadd.s32 s1, s30  }
0xba: {  	s0 =	sor.u32 s3, s0;
	s1 =	sshll.u32 s1, $0x11  }
0xbb: {  	s0 =	sor.u32 s1, s0  }
0xbc: {  	s0 =	sadd.s32 $0x8F2B, s0  }
0xbd: {  	[sflag:s0] =	ssyncadd.remote.s32 $0x1  }
0xbe: {  	_ =	sfence.sel $0xFFFF  }
0xbf: {  	[dreg:$0x0] =	wrdreg $0xFFFFFFFF;
	(pc) =	sbr.abs _section_cstart, $3  }
0xc0: {  	[dreg:$0x1] =	wrdreg $0xFFFFFFFF  }
0xc1: {  	_ =	task.clear_ibuf [dreg:s6], $0x2FFFF;
	_ =	strace $0x9FFFFFFF  }
0xc2: {  	(tm) =	ssettm $0x7FFFFFFF  }
0xc3: {  	_ =	shalt  }
tec
execute0_lowered:
.L_overlay_start_1:
0x0: {  	(tag) =	ssettag $0x1  }
0x1: {  	s0 =	rddreg [dreg:$0x0]  }
0x2: {  	s1 =	rddreg [dreg:$0x1];
	s2 =	simm.s32 $0x0;
	s3 =	srdreg.scid  }
0x3: {  	s11 =	stileid.u32;
	s28 =	simm.s32 $0x80;
	s29 =	simm.s32 $0x5800  }
0x4: {  	s30 =	simm.s32 $0x2;
	s31 =	simm.s32 $0x3;
	[smem:$0x7FF] =	sst s2  }
0x5: {  	s4 =	sadd.s32 $0x49E00, s0;
	s5 =	sadd.s32 $0x3FE00, s0;
	s6 =	sadd.s32 $0xE200, s0  }
0x6: {  	s3 =	sand.u32 $0x1, s3;
	s7 =	sadd.s32 $0x4200, s0;
	s9 =	smul.u32 $0x50000, s11  }
0x7: {  	s0 =	sadd.s32 $0xE6600, s0;
	s14 =	smul.u32 $0x14000, s11;
	s18 =	sshll.u32 s11, $0x7  }
0x8: {  	_ =	strace $0x8000004A;
	s8 =	ssub.s32 $0x2, s3;
	s25 =	sshll.u32 s3, $0x4  }
0x9: {  	s3 =	smul.u32 $0x140000, s3;
	s18 =	sand.u32 $0x380, s18;
	s10 =	sshrl.u32 s8, $0x1  }
0xa: {  	s9 =	sshrl.u32 s9, $0x2;
	s26 =	sadd.s32 $0x4000, s14;
	s15 =	sadd.s32 $0x8000, s14  }
0xb: {  	s16 =	sadd.s32 $0xC000, s14;
	s17 =	sadd.s32 $0x10000, s14;
	s8 =	ssub.s32 s8, s10  }
0xc: {  	s10 =	sor.u32 s11, s25;
	s20 =	sadd.s32 s9, s1;
	s12 =	sadd.s32 s26, s1  }
0xd: {  	s19 =	sadd.s32 s15, s1;
	s21 =	sadd.s32 s16, s1;
	s13 =	sadd.s32 s17, s1  }
0xe: {  	s9 =	sadd.s32 s3, s26;
	s23 =	sadd.s32 s3, s15;
	[dreg:$0x3] =	wrdreg s12  }
0xf: {  	s24 =	sadd.s32 s3, s16;
	s15 =	simm.s32 $0x0;
	[dreg:$0x4] =	wrdreg s19  }
0x10: {  	[dreg:$0x5] =	wrdreg s21;
	s12 =	smul.u32 $0x2800, s10;
	s10 =	sshrl.u32 s10, $0x3  }
0x11: {  	[dreg:$0x6] =	wrdreg s13;
	s19 =	sadd.s32 s14, s3;
	s9 =	sshrl.u32 s9, $0x3  }
0x12: {  	s3 =	sadd.s32 s3, s17;
	s25 =	sshrl.u32 s24, $0x3;
	s26 =	smax.u32 s8, $0x1  }
0x13: {  	s21 =	simm.s32 $0x1800;
	s24 =	simm.s32 $0x400;
	s10 =	smul.u32 $0x14000, s10  }
0x14: {  	s22 =	sshrl.u32 s19, $0x3;
	s9 =	sadd.s32 s0, s9;
	[dreg:$0xc] =	wrdreg s26  }
0x15: {  	s3 =	sshrl.u32 s3, $0x3;
	[dreg:$0x8] =	wrdreg s9;
	s9 =	sshrl.u32 s23, $0x3  }
.Ltmp0:
0x16: {  	s14 =	sor.u32 s18, s10;
	s10 =	sadd.s32 s0, s22;
	(pc) =	sbr.rel .LBB2_1-.Ltmp0, $4  }
0x17: {  	s26 =	simm.s32 $0x1;
	s9 =	sadd.s32 s0, s9;
	[dreg:$0x7] =	wrdreg s10  }
0x18: {  	s23 =	simm.s32 $0x800;
	[dreg:$0x9] =	wrdreg s9;
	s9 =	sadd.s32 s0, s25  }
0x19: {  	s22 =	simm.s32 $0x5;
	s0 =	sadd.s32 s0, s3;
	[dreg:$0xa] =	wrdreg s9  }
0x1a: {  	v0 =	vimm.f32 $0.0e+00;
	s25 =	simm.s32 $0x1000;
	s3 =	simm.s32 $0x0;
	[dreg:$0xb] =	wrdreg s0  }
.LBB2_12:
0x1b: {  	s0 =	simm.s32 $0x4  }
0x1c: {  	_ =	swait.ge [sflag:s0], $0x4000  }
0x1d: {  	[sflag:s0] =	ssyncset.done $0x0  }
0x1e: {  	[sflag:s0] =	ssyncadd.s32 $0xFFFFC000  }
0x1f: {  	[bflag:$0x0] =	sbarrier.arrive $0xFFFF  }
0x20: {  	[tilespmem:s21], [sflag:$0x5] =	stream.linear.gather [spmem:s13], $0x4000, $0x38;
	[tilespmem:$0x1D800] =	vst v63  }
0x21: {  	_ =	swait.ge [sflag:s22], $0x4000  }
0x22: {  	[sflag:s22] =	ssyncset.done $0x0  }
0x23: {  	s19 =	rddreg [dreg:$0x7];
	[sflag:s22] =	ssyncadd.s32 $0xFFFFC000  }
0x24: {  	[hbm4b:s19+s2] =	stream.linear.scatter [tilespmem:s21], [sflag:$0x5], $0x4000, $0x38;
	[tilespmem:$0x1D800] =	vst v63  }
0x25: {  	_ =	swait.ge [sflag:s22], $0x4000  }
0x26: {  	[sflag:s22] =	ssyncset.done $0x0  }
0x27: {  	s8 =	rddreg [dreg:$0x3];
	[sflag:s22] =	ssyncadd.s32 $0xFFFFC000  }
0x28: {  	[tilespmem:s21], [sflag:$0x5] =	stream.linear.gather [spmem:s8], $0x4000, $0x38;
	[tilespmem:$0x1D800] =	vst v63  }
0x29: {  	_ =	swait.ge [sflag:s22], $0x4000  }
0x2a: {  	[sflag:s22] =	ssyncset.done $0x0  }
0x2b: {  	s9 =	rddreg [dreg:$0x8];
	[sflag:s22] =	ssyncadd.s32 $0xFFFFC000  }
0x2c: {  	[hbm4b:s9+s2] =	stream.linear.scatter [tilespmem:s21], [sflag:$0x5], $0x4000, $0x38;
	[tilespmem:$0x1D800] =	vst v63  }
0x2d: {  	_ =	swait.ge [sflag:s22], $0x4000  }
0x2e: {  	[sflag:s22] =	ssyncset.done $0x0  }
0x2f: {  	s10 =	rddreg [dreg:$0x4];
	[sflag:s22] =	ssyncadd.s32 $0xFFFFC000  }
0x30: {  	[tilespmem:s21], [sflag:$0x5] =	stream.linear.gather [spmem:s10], $0x4000, $0x38;
	[tilespmem:$0x1D800] =	vst v63  }
0x31: {  	_ =	swait.ge [sflag:s22], $0x4000  }
0x32: {  	[sflag:s22] =	ssyncset.done $0x0  }
0x33: {  	s11 =	rddreg [dreg:$0x9];
	[sflag:s22] =	ssyncadd.s32 $0xFFFFC000  }
0x34: {  	[hbm4b:s11+s2] =	stream.linear.scatter [tilespmem:s21], [sflag:$0x5], $0x4000, $0x38;
	[tilespmem:$0x1D800] =	vst v63  }
0x35: {  	_ =	swait.ge [sflag:s22], $0x4000  }
0x36: {  	[sflag:s22] =	ssyncset.done $0x0  }
0x37: {  	s20 =	smov.u32 s13;
	s13 =	rddreg [dreg:$0x5];
	[sflag:s22] =	ssyncadd.s32 $0xFFFFC000  }
0x38: {  	[tilespmem:s21], [sflag:$0x5] =	stream.linear.gather [spmem:s13], $0x4000, $0x38;
	[tilespmem:$0x1D800] =	vst v63  }
0x39: {  	_ =	swait.ge [sflag:s22], $0x4000  }
0x3a: {  	[sflag:s22] =	ssyncset.done $0x0  }
0x3b: {  	s16 =	rddreg [dreg:$0xa];
	[sflag:s22] =	ssyncadd.s32 $0xFFFFC000  }
0x3c: {  	[hbm4b:s16+s2] =	stream.linear.scatter [tilespmem:s21], [sflag:$0x5], $0x4000, $0x38;
	[tilespmem:$0x1D800] =	vst v63  }
0x3d: {  	_ =	swait.ge [sflag:s22], $0x4000  }
0x3e: {  	[sflag:s22] =	ssyncset.done $0x0  }
0x3f: {  	s17 =	rddreg [dreg:$0x6];
	[sflag:s22] =	ssyncadd.s32 $0xFFFFC000  }
0x40: {  	[tilespmem:s21], [sflag:$0x5] =	stream.linear.gather [spmem:s17], $0x4000, $0x38;
	[tilespmem:$0x1D800] =	vst v63  }
0x41: {  	_ =	swait.ge [sflag:s22], $0x4000  }
0x42: {  	[sflag:s22] =	ssyncset.done $0x0  }
0x43: {  	s18 =	rddreg [dreg:$0xb];
	[sflag:s22] =	ssyncadd.s32 $0xFFFFC000  }
0x44: {  	[hbm4b:s18+s2] =	stream.linear.scatter [tilespmem:s21], [sflag:$0x5], $0x4000, $0x38;
	[tilespmem:$0x1D800] =	vst v63  }
0x45: {  	_ =	swait.ge [sflag:s22], $0x4000  }
0x46: {  	s3 =	sadd.s32 $0x1, s3;
	s19 =	rddreg [dreg:$0xc]  }
0x47: {  	p0 =	sne.s32 s3, s19  }
.Ltmp1:
0x48: {  	_ = 	snop;
	(pc) =	sbr.rel @!p0 .LBB2_13-.Ltmp1, $3  }
0x49: {  	_ =	sdelay $0x1  }
0x4a: {  	[sflag:s22] =	ssyncset.done $0x0  }
0x4b: {  	[sflag:s22] =	ssyncadd.s32 $0xFFFFC000  }
.LBB2_1:
0x4c: {  	s0 =	simm.s32 $0x0;
	s8 =	simm.s32 $0x200  }
.LBB2_2:
0x4d: {  	p0 =	sne.s32 s8, $0xFE00;
	[tilespmem:s0+$0x1870] =	vst v0  }
0x4e: {  	[tilespmem:s0+$0x1800] =	vst v0  }
0x4f: {  	[tilespmem:s0+$0x1810] =	vst v0  }
.Ltmp2:
0x50: {  	[tilespmem:s0+$0x1820] =	vst v0;
	(pc) =	sbr.rel @p0 .LBB2_2-.Ltmp2, $4  }
0x51: {  	[tilespmem:s0+$0x1830] =	vst v0  }
0x52: {  	[tilespmem:s0+$0x1840] =	vst v0  }
0x53: {  	[tilespmem:s0+$0x1850] =	vst v0  }
0x54: {  	[tilespmem:s0+$0x1860] =	vst v0;
	s0 =	sshra.s32 s8, $0x2;
	s8 =	sadd.s32 $0x200, s8  }
0x55: {  	[tilespmem:s0+$0x1870] =	vst v0  }
0x56: {  	[tilespmem:s0+$0x1800] =	vst v0  }
0x57: {  	[tilespmem:s0+$0x1810] =	vst v0  }
0x58: {  	[tilespmem:s0+$0x1820] =	vst v0  }
0x59: {  	[tilespmem:s0+$0x1830] =	vst v0  }
0x5a: {  	[tilespmem:s0+$0x1840] =	vst v0  }
0x5b: {  	[tilespmem:s0+$0x1850] =	vst v0  }
0x5c: {  	[tilespmem:s0+$0x1860] =	vst v0  }
0x5d: {  	[spmem:s20] =	stream.linear.scatter [tilespmem:s21], [sflag:$0x5], $0x4000, $0x38;
	[tilespmem:$0x1D800] =	vst v63  }
0x5e: {  	_ =	swait.ge [sflag:s22], $0x4000  }
0x5f: {  	[sflag:s22] =	ssyncset.done $0x0  }
0x60: {  	s17 =	rddreg [dreg:$0x3];
	[sflag:s22] =	ssyncadd.s32 $0xFFFFC000  }
0x61: {  	[spmem:s17] =	stream.linear.scatter [tilespmem:s21], [sflag:$0x5], $0x4000, $0x38;
	[tilespmem:$0x1D800] =	vst v63  }
0x62: {  	_ =	swait.ge [sflag:s22], $0x4000  }
0x63: {  	[sflag:s22] =	ssyncset.done $0x0  }
0x64: {  	s18 =	rddreg [dreg:$0x4];
	[sflag:s22] =	ssyncadd.s32 $0xFFFFC000  }
0x65: {  	[spmem:s18] =	stream.linear.scatter [tilespmem:s21], [sflag:$0x5], $0x4000, $0x38;
	[tilespmem:$0x1D800] =	vst v63  }
0x66: {  	_ =	swait.ge [sflag:s22], $0x4000  }
0x67: {  	[sflag:s22] =	ssyncset.done $0x0  }
0x68: {  	s19 =	rddreg [dreg:$0x5];
	[sflag:s22] =	ssyncadd.s32 $0xFFFFC000  }
0x69: {  	[spmem:s19] =	stream.linear.scatter [tilespmem:s21], [sflag:$0x5], $0x4000, $0x38;
	[tilespmem:$0x1D800] =	vst v63  }
0x6a: {  	_ =	swait.ge [sflag:s22], $0x4000  }
0x6b: {  	[sflag:s22] =	ssyncset.done $0x0  }
0x6c: {  	s13 =	smov.u32 s20;
	s20 =	rddreg [dreg:$0x6];
	[sflag:s22] =	ssyncadd.s32 $0xFFFFC000  }
0x6d: {  	[spmem:s20] =	stream.linear.scatter [tilespmem:s21], [sflag:$0x5], $0x4000, $0x38;
	[tilespmem:$0x1D800] =	vst v63  }
.Ltmp3:
0x6e: {  	_ =	swait.ge [sflag:s22], $0x4000;
	(pc) =	sbr.rel .LBB2_4-.Ltmp3, $4  }
0x6f: {  	[sflag:s22] =	ssyncset.done $0x0  }
0x70: {  	[sflag:s22] =	ssyncadd.s32 $0xFFFFC000  }
0x71: {  	[bflag:$0x0] =	sbarrier.arrive $0xFFFF  }
0x72: {  	s16 =	simm.s32 $0x0  }
.LBB2_11:
0x73: {  	s16 =	sadd.s32 $0x1, s16  }
0x74: {  	p0 =	sne.s32 s16, $0x5  }
.Ltmp4:
0x75: {  	_ = 	snop;
	(pc) =	sbr.rel @!p0 .LBB2_12-.Ltmp4, $2  }
0x76: {  	_ =	sdelay $0x2  }
0x77: {  	[spmem:s1] =	stream.indirect.scatter.add.f32 [tilespmem:s29], [sflag:$0x4], $0x80, s8, s28, $0xb8;
	[tilespmem:$0x1D800] =	vst v63  }
.LBB2_4:
0x78: {  	p0 =	seq.s32 s16, $0x0  }
0x79: {  	s8 =	sshll.u32 s16, $0xB;
	s0 =	simm.s32 @!p0 $0x4  }
0x7a: {  	s8 =	sadd.s32 s12, s8;
	_ =	swait.ge @!p0 [sflag:s0], $0x4000  }
0x7b: {  	s8 =	sshrl.u32 s8, $0x3;
	[sflag:s0] =	ssyncset.done @!p0 $0x0  }
0x7c: {  	s18 =	sadd.s32 s5, s8;
	[sflag:s0] =	ssyncadd.s32 @!p0 $0xFFFFC000  }
0x7d: {  	[tilespmem:s15], [sflag:$0x5] =	stream.linear.gather [hbm4b:s18+s15], $0x800, $0x38;
	[tilespmem:$0x1D800] =	vst v63  }
0x7e: {  	_ =	swait.ge [sflag:s22], $0x800  }
0x7f: {  	[sflag:s22] =	ssyncset.done $0x0  }
0x80: {  	s20 =	sshll.u32 s16, $0xE;
	s19 =	sadd.s32 s6, s8;
	[sflag:s22] =	ssyncadd.s32 $0xFFFFF800  }
0x81: {  	[tilespmem:s23], [sflag:$0x5] =	stream.linear.gather [hbm4b:s19+s15], $0x800, $0x38;
	[tilespmem:$0x1D800] =	vst v63  }
0x82: {  	s0 =	sadd.s32 s14, s20;
	_ =	swait.ge [sflag:s22], $0x800  }
0x83: {  	s0 =	sshrl.u32 s0, $0x3;
	[sflag:s22] =	ssyncset.done $0x0  }
0x84: {  	s10 =	simm.s32 $0x80;
	s0 =	sadd.s32 s7, s0;
	[sflag:s22] =	ssyncadd.s32 $0xFFFFF800  }
0x85: {  	[tilespmem:s25], [sflag:$0x5] =	stream.strided.gather [hbm4b:s0+s10], $0x800, s24, s10, $0x38;
	[tilespmem:$0x1D800] =	vst v63  }
0x86: {  	_ =	swait.ge [sflag:s22], $0x800  }
0x87: {  	[sflag:s22] =	ssyncset.done $0x0  }
0x88: {  	s18 =	simm.s32 $0x0;
	s19 =	simm.s32 $0x0;
	[sflag:s22] =	ssyncadd.s32 $0xFFFFF800  }
0x89: {  	[tilespmem:s21], [sflag:$0x1] =	stream.indirect.gather [hbm4b:s4+s10], $0x80, s15, s10, $0xb8;
	[tilespmem:$0x1D800] =	vst v63  }
.LBB2_5:
0x8a: {  	_ =	swait.ge [sflag:s26], $0x4000  }
0x8b: {  	p0 =	seq.s32 s19, $0x0;
	[sflag:s26] =	ssyncset.done $0x0  }
0x8c: {  	s0 =	simm.s32 @!p0 $0x4;
	[sflag:s26] =	ssyncadd.s32 $0xFFFFC000  }
0x8d: {  	_ =	swait.ge @!p0 [sflag:s0], $0x4000  }
0x8e: {  	s8 =	sshll.u32 s19, $0x8;
	s17 =	sadd.s32 $0x0, s18;
	[sflag:s0] =	ssyncset.done @!p0 $0x0  }
0x8f: {  	s20 =	sor.u32 $0x80, s8;
	v1 =	vmov s17;
	s8 =	simm.s32 $0x1840;
	[sflag:s0] =	ssyncadd.s32 @!p0 $0xFFFFC000  }
0x90: {  	[tilespmem:s29], [sflag:$0x2] =	stream.indirect.gather [hbm4b:s4+s28], $0x80, s20, s28, $0xb8;
	[tilespmem:$0x1D800] =	vst v63  }
0x91: {  	v5 =	vld [tilespmem:s8+$0x30]  }
0x92: {  	v8 =	vld [tilespmem:s8+$0x10]  }
0x93: {  	v6 =	vld [tilespmem:s8+$0xFFFFFFC0]  }
0x94: {  	v2 =	vld.idx.msk [tilespmem:v1+s25+$0x0], $0xffff  }
0x95: {  	v10 =	vld [tilespmem:s8+$0xFFFFFFE0]  }
0x96: {  	v1 =	vld [tilespmem:s8+$0xFFFFFFF0]  }
0x97: {  	v3 =	vld [tilespmem:s8+$0x20]  }
0x98: {  	v4 =	vld [tilespmem:s8+$0xFFFFFFD0]  }
0x99: {  	v9 =	vmul.f32 v5, v2;
	v5 =	vld [tilespmem:s8+$0x0]  }
0x9a: {  	v7 =	vmul.f32 v6, v2  }
0x9b: {  	s9 =	simm.s32 $0x1840;
	s0 =	simm.s32 $0x1;
	v6 =	vmul.f32 v10, v2;
	v8 =	vmul.f32 v8, v2  }
.LBB2_6:
0x9c: {  	p0 =	sne.s32 s0, $0x7F  }
0x9d: {  	v4 =	vmul.f32 v4, v2;
	v3 =	vmul.f32 v3, v2;
	[tilespmem:s8+$0x30] =	vst v9;
	s9 =	sadd.s32 $0x80, s9;
	s17 =	smov.u32 s0;
	s0 =	sadd.s32 $0x1, s0  }
0x9e: {  	[tilespmem:s8+$0xFFFFFFC0] =	vst v7;
	v7 =	vmul.f32 v1, v2;
	v2 =	vmul.f32 v5, v2  }
0x9f: {  	s17 =	sadd.s32 s17, s18;
	[tilespmem:s8+$0x10] =	vst v8  }
0xa0: {  	v5 =	vmov s17;
	[tilespmem:s8+$0xFFFFFFE0] =	vst v6  }
0xa1: {  	v1 =	vld [tilespmem:s9+$0xFFFFFFF0];
	[tilespmem:s8+$0xFFFFFFF0] =	vst v7  }
0xa2: {  	v6 =	vld [tilespmem:s9+$0x30];
	[tilespmem:s8+$0x0] =	vst v2  }
0xa3: {  	v8 =	vld [tilespmem:s9+$0x10];
	[tilespmem:s8+$0x20] =	vst v3  }
0xa4: {  	v7 =	vld [tilespmem:s9+$0xFFFFFFC0];
	[tilespmem:s8+$0xFFFFFFD0] =	vst v4;
	s8 =	smov.u32 s9  }
0xa5: {  	v2 =	vld.idx.msk [tilespmem:v5+s25+$0x0], $0xffff  }
0xa6: {  	v10 =	vld [tilespmem:s9+$0xFFFFFFE0]  }
0xa7: {  	v3 =	vld [tilespmem:s9+$0x20]  }
.Ltmp5:
0xa8: {  	v4 =	vld [tilespmem:s9+$0xFFFFFFD0];
	(pc) =	sbr.rel @p0 .LBB2_6-.Ltmp5, $3  }
0xa9: {  	v5 =	vld [tilespmem:s9+$0x0];
	_ =	sdelay $0x1  }
0xaa: {  	v7 =	vmul.f32 v7, v2;
	v9 =	vmul.f32 v6, v2  }
0xab: {  	v8 =	vmul.f32 v8, v2;
	v6 =	vmul.f32 v10, v2  }
0xac: {  	[tilespmem:s8+$0x30] =	vst v9  }
0xad: {  	[tilespmem:s8+$0xFFFFFFC0] =	vst v7  }
0xae: {  	v1 =	vmul.f32 v1, v2;
	[tilespmem:s8+$0x10] =	vst v8  }
0xaf: {  	v3 =	vmul.f32 v3, v2;
	[tilespmem:s8+$0xFFFFFFE0] =	vst v6  }
0xb0: {  	v5 =	vmul.f32 v5, v2;
	[tilespmem:s8+$0xFFFFFFF0] =	vst v1  }
0xb1: {  	s0 =	sshll.u32 s19, $0xA;
	v1 =	vmul.f32 v4, v2;
	[tilespmem:s8+$0x20] =	vst v3  }
0xb2: {  	s0 =	sshrl.u32 s0, $0x2;
	[tilespmem:s8+$0x0] =	vst v5  }
0xb3: {  	s17 =	sadd.s32 $0x800, s0;
	[tilespmem:s8+$0xFFFFFFD0] =	vst v1  }
0xb4: {  	[spmem:s1] =	stream.indirect.scatter.add.f32 [tilespmem:s21], [sflag:$0x3], $0x80, s17, s28, $0xb8;
	[tilespmem:$0x1D800] =	vst v63  }
0xb5: {  	_ =	swait.ge [sflag:s30], $0x4000  }
0xb6: {  	v1 =	vmov s10;
	[sflag:s30] =	ssyncset.done $0x0  }
0xb7: {  	s8 =	simm.s32 $0x0;
	[sflag:s30] =	ssyncadd.s32 $0xFFFFC000  }
0xb8: {  	v9 =	vld [tilespmem:s8+$0x5820]  }
0xb9: {  	v8 =	vld [tilespmem:s8+$0x5800]  }
0xba: {  	v4 =	vld [tilespmem:s8+$0x5850]  }
0xbb: {  	v1 =	vld.idx.msk [tilespmem:v1+s25+$0x0], $0xffff  }
0xbc: {  	v5 =	vld [tilespmem:s8+$0x5830]  }
0xbd: {  	v3 =	vld [tilespmem:s8+$0x5860]  }
0xbe: {  	v6 =	vld [tilespmem:s8+$0x5840]  }
0xbf: {  	v7 =	vld [tilespmem:s8+$0x5870]  }
0xc0: {  	s9 =	simm.s32 $0x200;
	s17 =	smov.u32 s10;
	v2 =	vld [tilespmem:s8+$0x5810];
	v8 =	vmul.f32 v8, v1;
	v9 =	vmul.f32 v9, v1  }
.LBB2_8:
0xc1: {  	p0 =	sne.s32 s9, $0xFE00  }
0xc2: {  	v5 =	vmul.f32 v5, v1;
	v4 =	vmul.f32 v4, v1;
	s17 =	sadd.s32 $0x1, s17;
	s11 =	smov.u32 s9;
	s9 =	sadd.s32 $0x200, s9  }
0xc3: {  	v3 =	vmul.f32 v3, v1;
	[tilespmem:s8+$0x5820] =	vst v9;
	v6 =	vmul.f32 v6, v1  }
0xc4: {  	[tilespmem:s8+$0x5800] =	vst v8;
	v7 =	vmul.f32 v7, v1  }
0xc5: {  	v8 =	vmov s17;
	[tilespmem:s8+$0x5850] =	vst v4  }
0xc6: {  	s11 =	sshra.s32 s11, $0x2;
	[tilespmem:s8+$0x5870] =	vst v7  }
0xc7: {  	v1 =	vmul.f32 v2, v1;
	v9 =	vld [tilespmem:s11+$0x5820];
	[tilespmem:s8+$0x5830] =	vst v5  }
0xc8: {  	v10 =	vld [tilespmem:s11+$0x5800];
	[tilespmem:s8+$0x5840] =	vst v6  }
0xc9: {  	v4 =	vld [tilespmem:s11+$0x5850];
	[tilespmem:s8+$0x5860] =	vst v3  }
0xca: {  	v5 =	vld [tilespmem:s11+$0x5830];
	[tilespmem:s8+$0x5810] =	vst v1;
	s8 =	smov.u32 s11  }
0xcb: {  	v1 =	vld.idx.msk [tilespmem:v8+s25+$0x0], $0xffff  }
0xcc: {  	v3 =	vld [tilespmem:s8+$0x5860]  }
.Ltmp6:
0xcd: {  	v2 =	vld [tilespmem:s8+$0x5810];
	(pc) =	sbr.rel @p0 .LBB2_8-.Ltmp6, $3  }
0xce: {  	v6 =	vld [tilespmem:s8+$0x5840]  }
0xcf: {  	v7 =	vld [tilespmem:s8+$0x5870];
	_ =	sdelay $0x1  }
0xd0: {  	v8 =	vmul.f32 v10, v1;
	v9 =	vmul.f32 v9, v1  }
0xd1: {  	_ = 	snop  }
0xd2: {  	v4 =	vmul.f32 v4, v1;
	[tilespmem:s8+$0x5820] =	vst v9  }
0xd3: {  	v5 =	vmul.f32 v5, v1;
	[tilespmem:s8+$0x5800] =	vst v8  }
0xd4: {  	v3 =	vmul.f32 v3, v1;
	[tilespmem:s8+$0x5850] =	vst v4  }
0xd5: {  	v63 =	vmul.f32 v6, v1;
	[tilespmem:s8+$0x5830] =	vst v5  }
0xd6: {  	v7 =	vmul.f32 v7, v1;
	[tilespmem:s8+$0x5860] =	vst v3  }
0xd7: {  	p0 =	seq.s32 s19, $0x7;
	v1 =	vmul.f32 v2, v1;
	[tilespmem:s8+$0x5840] =	vst v63  }
.Ltmp7:
0xd8: {  	[tilespmem:s8+$0x5870] =	vst v7;
	(pc) =	sbr.rel @p0 .LBB2_11-.Ltmp7, $4  }
0xd9: {  	[tilespmem:s8+$0x5810] =	vst v1  }
0xda: {  	_ =	swait.ge [sflag:s31], $0x4000  }
0xdb: {  	[sflag:s31] =	ssyncset.done $0x0  }
0xdc: {  	s8 =	sadd.s32 $0x800, s20;
	[sflag:s31] =	ssyncadd.s32 $0xFFFFC000  }
.Ltmp8:
0xdd: {  	(pc) =	sbr.rel .LBB2_5-.Ltmp8, $4  }
0xde: {  	s0 =	sadd.s32 $0x100, s0  }
0xdf: {  	[tilespmem:s21], [sflag:$0x1] =	stream.indirect.gather [hbm4b:s4+s28], $0x80, s0, s28, $0xb8;
	[tilespmem:$0x1D800] =	vst v63  }
0xe0: {  	s19 =	sadd.s32 $0x1, s19;
	s18 =	sadd.s32 $0x100, s18;
	s10 =	sadd.s32 $0x100, s10  }
0xe1: {  	[spmem:s1] =	stream.indirect.scatter.add.f32 [tilespmem:s29], [sflag:$0x4], $0x80, s8, s28, $0xb8;
	[tilespmem:$0x1D800] =	vst v63  }
.LBB2_13:
0xe2: {  	_ =	sfence.sel $0x180000  }
0xe3: {  	[bflag:$0x0] =	sbarrier.arrive $0xFFFF  }
0xe4: {  	_ =	strace $0x9000004A  }
0xe5: {  	s0 =	stileid.u32;
	[bflag:$0x2] =	sbarrier.arrive $0xFFFF  }
0xe6: {  	p0 =	sne.s32 s0, $0x0;
	s0 =	rddreg [dreg:$0x2]  }
0xe7: {  	s0 =	sadd.s32 @!p0 $0x100000, s0  }
0xe8: {  	[sflag:s0] =	ssyncadd.tile.s32 @!p0 $0x1;
	_ =	shalt  }
.Lfunc_end2:
_tile_overlayer_lowered:
.L_overlay_start_2:
0xe9: {  	(tag) =	ssettag $0x2  }
0xea: {  	s0 =	rddreg [dreg:$0x0];
	s2 =	stileid.u32  }
0xeb: {  	s1 =	rddreg [dreg:$0x1];
	p0 =	sne.s32 s2, $0x0  }
0xec: {  	s3 =	rddreg [dreg:$0x2];
	[bflag:$0x3] =	sbarrier.arrive $0xFFFF;
	s2 =	simm.s32 @!p0 $0x1C05  }
0xed: {  	[timem:s3], [sflag:s2] =	dma.local @!p0 [hbm:s0], s1  }
0xee: {  	s0 =	simm.s32 @!p0 $0x5  }
0xef: {  	_ =	swait.ge @!p0 [sflag:s0], s1  }
0xf0: {  	s1 =	ssub.s32 @!p0 $0x0, s1;
	[sflag:s0] =	ssyncset.done @!p0 $0x0  }
0xf1: {  	[sflag:s0] =	ssyncadd.s32 @!p0 s1  }
0xf2: {  	[bflag:$0x3] =	sbarrier.arrive $0xFFFF  }
0xf3: {  	_ =	shalt  }

// kernel: kernel.16.cloned.1.call-start
scs
__scs_entry_jumppad:
0x0: {  	(pc) =	sbr.rel $0x88, $3  }
0x1: {  	(tag) =	ssettag $0x0;
	lr =	simm.s32 $0x1  }
0x2: {  	[smem:$0x3F90] =	sst lr;
	_ =	strace $0xD0000000  }
0x3: {  	_ = 	snop  }
0x4: {  	_ = 	snop  }
0x5: {  	_ = 	snop  }
0x6: {  	_ = 	snop  }
0x7: {  	_ = 	snop  }
__scs_overlays_trampoline_lowered:
0x8: {  	[smem:$0x3F9F] =	sst s0  }
0x9: {  	[smem:$0x3FA0] =	sst s1  }
0xa: {  	[smem:$0x3FA1] =	sst s2  }
0xb: {  	[smem:$0x3FA2] =	sst s3  }
0xc: {  	[smem:$0x3FA3] =	sst s4  }
0xd: {  	[smem:$0x3FA4] =	sst s5  }
0xe: {  	[smem:$0x3FA5] =	sst s6  }
0xf: {  	[smem:$0x3FA6] =	sst s7  }
0x10: {  	[smem:$0x3FA7] =	sst s8  }
0x11: {  	[smem:$0x3FA8] =	sst s9;
	s0 =	simm.s32 @!p0 $0x0  }
0x12: {  	s1 =	sld [smem:$0x3F8E];
	s0 =	simm.s32 @p0 $0x1  }
0x13: {  	[smem:$0x3FA9] =	sst s0;
	s0 =	simm.s32 @!p1 $0x0  }
0x14: {  	s2 =	sld [smem:$0x3F8D];
	s0 =	simm.s32 @p1 $0x1  }
0x15: {  	[smem:$0x3FAA] =	sst s0;
	s0 =	simm.s32 @!p2 $0x0  }
0x16: {  	s3 =	sld [smem:$0x3FDB];
	s0 =	simm.s32 @p2 $0x1  }
0x17: {  	s4 =	simm.s32 $0x1BF5;
	[smem:$0x3FAC] =	sst s0  }
0x18: {  	s0 =	sld [smem:$0x3F8F];
	_ =	swait.ge [sflag:s4], $0x0  }
0x19: {  	s7 =	sld [smem:$0x3F90]  }
0x1a: {  	s8 =	sadd.s32 $0xFFFFE003, lr  }
0x1b: {  	s9 =	sadd.s32 $0xFFFFFEF7, lr;
	s5 =	simm.s32 $0xFFFFFFFF;
	p2 =	slt.u32 s8, $0xFFFFF086  }
0x1c: {  	p1 =	slt.u32 s9, $0xF7A;
	s5 =	simm.s32 @!p2 $0x0  }
0x1d: {  	s5 =	simm.s32 @p1 $0x1;
	p0 =	seq.s32 s7, s2  }
0x1e: {  	s7 =	smul.u32 @!p0 $0xF7A, s2;
	p2 =	seq.s32 @!p0 s5, $0x0  }
0x1f: {  	s9 =	smul.u32 $0xF7A, s1;
	s8 =	simm.s32 @!p0 $0x1BF5;
	p2 =	por !p2, p0  }
0x20: {  	[sflag:s8] =	ssyncset.s32 @!p0 $0xFFFFF086;
	s6 =	sadd.s32 @!p0 s3, s7;
	s7 =	simm.s32 @!p0 $0x108  }
0x21: {  	s3 =	sadd.s32 s3, s9;
	s6 =	sadd.s32 @!p0 $0x88, s6;
	s7 =	simm.s32 @p2 $0x1082  }
0x22: {  	[simem:s7], [sflag:s8] =	dma.local @!p0 [hbm:s6], $0xF7A  }
0x23: {  	s9 =	sor.u32 $0xD0000000, s2;
	s6 =	simm.s32 $0x108;
	_ =	swait.ge @!p0 [sflag:s8], $0x0  }
0x24: {  	s3 =	sadd.s32 $0x88, s3;
	s6 =	simm.s32 @!p1 $0x1082;
	[sflag:s4] =	ssyncset.s32 $0xFFFFF086  }
0x25: {  	[simem:s6], [sflag:s4] =	dma.local [hbm:s3], $0xF7A  }
0x26: {  	[smem:$0x3F90] =	sst s1;
	(tag) =	ssettag s2;
	_ =	strace s9  }
0x27: {  	s1 =	sld [smem:$0x3FA0]  }
0x28: {  	s2 =	sld [smem:$0x3FA1]  }
0x29: {  	s4 =	sld [smem:$0x3FA3]  }
0x2a: {  	p0 =	seq.s32 s5, $0x0;
	s5 =	sld [smem:$0x3FA4]  }
0x2b: {  	s6 =	sld [smem:$0x3FA5]  }
0x2c: {  	s7 =	sld [smem:$0x3FA6]  }
0x2d: {  	s3 =	simm.s32 $0x108;
	s8 =	sld [smem:$0x3FA7]  }
0x2e: {  	s3 =	simm.s32 @!p0 $0x1082;
	s9 =	sld [smem:$0x3FA8]  }
0x2f: {  	lr =	sadd.s32 s0, s3;
	s0 =	sld [smem:$0x3F9F]  }
0x30: {  	s3 =	sld [smem:$0x3FA2]  }
0x31: {  	[smem:$0x3FAB] =	sst s10  }
0x32: {  	s10 =	sld [smem:$0x3FA9];
	_ =	sdelay $0x3  }
0x33: {  	p0 =	seq.s32 s10, $0x1;
	s10 =	sld [smem:$0x3FAB];
	_ =	sdelay $0x3  }
0x34: {  	[smem:$0x3FAB] =	sst s10  }
0x35: {  	s10 =	sld [smem:$0x3FAA];
	_ =	sdelay $0x3  }
0x36: {  	p1 =	seq.s32 s10, $0x1;
	s10 =	sld [smem:$0x3FAB];
	_ =	sdelay $0x3  }
0x37: {  	[smem:$0x3FAB] =	sst s10  }
0x38: {  	s10 =	sld [smem:$0x3FAC]  }
0x39: {  	_ = 	snop;
	(pc) =	sbr.ind lr, $3  }
0x3a: {  	_ = 	snop  }
0x3b: {  	_ = 	snop  }
0x3c: {  	p2 =	seq.s32 s10, $0x1;
	s10 =	sld [smem:$0x3FAB]  }
0x3d: {  	_ =	shalt  }
0x3e: {  	_ =	shalt  }
0x3f: {  	_ =	shalt  }
0x40: {  	_ =	shalt  }
0x41: {  	_ =	shalt  }
0x42: {  	_ =	shalt  }
0x43: {  	_ =	shalt  }
0x44: {  	_ =	shalt  }
0x45: {  	_ =	shalt  }
0x46: {  	_ =	shalt  }
0x47: {  	_ =	shalt  }
0x48: {  	_ =	shalt  }
0x49: {  	_ =	shalt  }
0x4a: {  	_ =	shalt  }
0x4b: {  	_ =	shalt  }
0x4c: {  	_ =	shalt  }
0x4d: {  	_ =	shalt  }
0x4e: {  	_ =	shalt  }
0x4f: {  	_ =	shalt  }
0x50: {  	_ =	shalt  }
0x51: {  	_ =	shalt  }
0x52: {  	_ =	shalt  }
0x53: {  	_ =	shalt  }
0x54: {  	_ =	shalt  }
0x55: {  	_ =	shalt  }
0x56: {  	_ =	shalt  }
0x57: {  	_ =	shalt  }
0x58: {  	_ =	shalt  }
0x59: {  	_ =	shalt  }
0x5a: {  	_ =	shalt  }
0x5b: {  	_ =	shalt  }
0x5c: {  	_ =	shalt  }
0x5d: {  	_ =	shalt  }
0x5e: {  	_ =	shalt  }
0x5f: {  	_ =	shalt  }
0x60: {  	_ =	shalt  }
0x61: {  	_ =	shalt  }
0x62: {  	_ =	shalt  }
0x63: {  	_ =	shalt  }
0x64: {  	_ =	shalt  }
0x65: {  	_ =	shalt  }
0x66: {  	_ =	shalt  }
0x67: {  	_ =	shalt  }
0x68: {  	_ =	shalt  }
0x69: {  	_ =	shalt  }
0x6a: {  	_ =	shalt  }
0x6b: {  	_ =	shalt  }
0x6c: {  	_ =	shalt  }
0x6d: {  	_ =	shalt  }
0x6e: {  	_ =	shalt  }
0x6f: {  	_ =	shalt  }
0x70: {  	_ =	shalt  }
0x71: {  	_ =	shalt  }
0x72: {  	_ =	shalt  }
0x73: {  	_ =	shalt  }
0x74: {  	_ =	shalt  }
0x75: {  	_ =	shalt  }
0x76: {  	_ =	shalt  }
0x77: {  	_ =	shalt  }
0x78: {  	_ =	shalt  }
0x79: {  	_ =	shalt  }
0x7a: {  	_ =	shalt  }
0x7b: {  	_ =	shalt  }
0x7c: {  	_ =	shalt  }
0x7d: {  	_ =	shalt  }
0x7e: {  	_ =	shalt  }
0x7f: {  	_ =	shalt  }
0x80: {  	_ =	shalt  }
0x81: {  	_ =	shalt  }
0x82: {  	_ =	shalt  }
0x83: {  	_ =	shalt  }
0x84: {  	_ =	shalt  }
0x85: {  	_ =	shalt  }
0x86: {  	_ =	shalt  }
0x87: {  	_ =	shalt  }
.Lfunc_end0:
.L_simem_size_0:
called_computation.2_lowered:
.L_overlay_start_0:
0x88: {  	s2 =	sld [smem:$0x3FD9]  }
0x89: {  	s3 =	sld [smem:$0x3FFE];
	_ =	sdelay $0x1  }
0x8a: {  	s1 =	srdreg.scid  }
0x8b: {  	s0 =	sand.u32 $0x1, s1  }
0x8c: {  	s16 =	sshll.u32 s0, $0xA;
	s2 =	sadd.s32 s3, s2  }
0x8d: {  	s2 =	sadd.s32 s2, s16  }
0x8e: {  	[smem:$0x3FB7] =	sst s2  }
0x8f: {  	_ = 	snop  }
0x90: {  	(tm) =	ssettm $0x1  }
0x91: {  	s17 =	sld [smem:$0x3FFB];
	_ =	sdelay $0x3  }
0x92: {  	_ =	strace s17  }
0x93: {  	s2 =	sld [smem:$0x3FFC];
	_ =	sdelay $0x3  }
0x94: {  	_ =	strace s2  }
0x95: {  	s2 =	sld [smem:$0x3FFD];
	_ =	sdelay $0x3  }
0x96: {  	_ =	strace s2  }
0x97: {  	_ =	strace $0x8FFFFFFF  }
0x98: {  	s18 =	sld [smem:$0x3FDB];
	_ =	sdelay $0x1  }
0x99: {  	s19 =	simm.s32 $_scs_section_size  }
0x9a: {  	s4 =	simm.s32 $_size__tile_overlayer_lowered;
	s5 =	simm.s32 $_tile_overlayer_lowered  }
0x9b: {  	s22 =	simm.s32 $0x1BFF;
	s21 =	sshll.u32 s5, $0x1;
	s2 =	sadd.s32 s19, s18  }
0x9c: {  	s6 =	simm.s32 $0x0;
	s20 =	sshll.u32 s4, $0x1;
	s4 =	sadd.s32 s21, s2  }
0x9d: {  	[timem:s6], [sflag:s22] =	dma.local [hbm:s4], s20  }
0x9e: {  	_ =	swait.ge [sflag:s22], s20  }
0x9f: {  	s3 =	ssub.s32 $0x0, s20;
	[sflag:s22] =	ssyncset.done $0x0  }
0xa0: {  	[sflag:s22] =	ssyncadd.s32 s3;
	_ =	sdelay $0x1  }
0xa1: {  	s23 =	simm.s32 $0x1B8B  }
0xa2: {  	_ =	swait.ge [sflag:s23], $0x1  }
0xa3: {  	[sflag:s23] =	ssyncset.done $0x0  }
0xa4: {  	s25 =	simm.s32 $0x1B8E;
	s24 =	sld [smem:$0x3FFE];
	[sflag:s23] =	ssyncadd.s32 $0xFFFFFFFF  }
0xa5: {  	s26 =	simm.s32 $execute0_lowered;
	[smem:$0x3FD2] =	sst s25  }
0xa6: {  	s4 =	sshll.u32 s26, $0x1;
	_ =	strace $0x8000004C;
	[dreg:$0x1] =	wrdreg $0xFFFFFFFF  }
0xa7: {  	s28 =	simm.s32 $_size_execute0_lowered;
	s2 =	sadd.s32 s2, s4;
	[dreg:$0x0] =	wrdreg $0x0  }
0xa8: {  	s4 =	sshll.u32 s28, $0x1;
	[dreg:$0x2] =	wrdreg s2  }
0xa9: {  	[dreg:$0x3] =	wrdreg s4  }
0xaa: {  	[dreg:$0x4] =	wrdreg $0xC0  }
0xab: {  	_ =	task [dreg:s6], $0x5FFFF  }
0xac: {  	[dreg:$0x1] =	wrdreg $0xFFFFFFFF  }
0xad: {  	[dreg:$0x0] =	wrdreg $0x60  }
0xae: {  	[dreg:$0x2] =	wrdreg s24  }
0xaf: {  	[dreg:$0x3] =	wrdreg $0x98000  }
0xb0: {  	[dreg:$0x4] =	wrdreg $0x9  }
0xb1: {  	_ =	task.clear_ibuf [dreg:s6], $0x5FFFF;
	_ =	strace $0x9000004C  }
0xb2: {  	s29 =	simm.s32 $0x9;
	_ =	strace $0x8000004E  }
0xb3: {  	_ =	swait.ge [sflag:s29], $0x1  }
0xb4: {  	[sflag:s29] =	ssyncadd.s32 $0xFFFFFFFF  }
0xb5: {  	_ =	strace $0x9000004E  }
0xb6: {  	_ =	sfence  }
0xb7: {  	s30 =	sld [smem:$0x0];
	_ =	sdelay $0x2  }
0xb8: {  	s31 =	sshll.u32 s1, $0xD;
	s1 =	sshrl.u32 s1, $0x2  }
0xb9: {  	s3 =	sand.u32 $0x4000, s31;
	s1 =	sadd.s32 s1, s30  }
0xba: {  	s0 =	sor.u32 s3, s0;
	s1 =	sshll.u32 s1, $0x11  }
0xbb: {  	s0 =	sor.u32 s1, s0  }
0xbc: {  	s0 =	sadd.s32 $0x8F2B, s0  }
0xbd: {  	[sflag:s0] =	ssyncadd.remote.s32 $0x1  }
0xbe: {  	_ =	sfence.sel $0xFFFF  }
0xbf: {  	[dreg:$0x0] =	wrdreg $0xFFFFFFFF;
	(pc) =	sbr.abs _section_cstart, $3  }
0xc0: {  	[dreg:$0x1] =	wrdreg $0xFFFFFFFF  }
0xc1: {  	_ =	task.clear_ibuf [dreg:s6], $0x2FFFF;
	_ =	strace $0x9FFFFFFF  }
0xc2: {  	(tm) =	ssettm $0x7FFFFFFF  }
0xc3: {  	_ =	shalt  }
tec
execute0_lowered:
.L_overlay_start_1:
0x0: {  	(tag) =	ssettag $0x1  }
0x1: {  	s0 =	rddreg [dreg:$0x0]  }
0x2: {  	s1 =	rddreg [dreg:$0x1];
	s2 =	simm.s32 $0x0;
	s3 =	srdreg.scid  }
0x3: {  	s11 =	stileid.u32;
	s28 =	simm.s32 $0x80;
	s29 =	simm.s32 $0x5800  }
0x4: {  	s30 =	simm.s32 $0x2;
	s31 =	simm.s32 $0x3;
	[smem:$0x7FF] =	sst s2  }
0x5: {  	s4 =	sadd.s32 $0x49E00, s0;
	s5 =	sadd.s32 $0x3FE00, s0;
	s6 =	sadd.s32 $0xE200, s0  }
0x6: {  	s3 =	sand.u32 $0x1, s3;
	s7 =	sadd.s32 $0x4200, s0;
	s9 =	smul.u32 $0x50000, s11  }
0x7: {  	s0 =	sadd.s32 $0xE6600, s0;
	s14 =	smul.u32 $0x14000, s11;
	s18 =	sshll.u32 s11, $0x7  }
0x8: {  	_ =	strace $0x8000004D;
	s8 =	ssub.s32 $0x2, s3;
	s25 =	sshll.u32 s3, $0x4  }
0x9: {  	s3 =	smul.u32 $0x140000, s3;
	s18 =	sand.u32 $0x380, s18;
	s10 =	sshrl.u32 s8, $0x1  }
0xa: {  	s9 =	sshrl.u32 s9, $0x2;
	s26 =	sadd.s32 $0x4000, s14;
	s15 =	sadd.s32 $0x8000, s14  }
0xb: {  	s16 =	sadd.s32 $0xC000, s14;
	s17 =	sadd.s32 $0x10000, s14;
	s8 =	ssub.s32 s8, s10  }
0xc: {  	s10 =	sor.u32 s11, s25;
	s20 =	sadd.s32 s9, s1;
	s12 =	sadd.s32 s26, s1  }
0xd: {  	s19 =	sadd.s32 s15, s1;
	s21 =	sadd.s32 s16, s1;
	s13 =	sadd.s32 s17, s1  }
0xe: {  	s9 =	sadd.s32 s3, s26;
	s23 =	sadd.s32 s3, s15;
	[dreg:$0x3] =	wrdreg s12  }
0xf: {  	s24 =	sadd.s32 s3, s16;
	s15 =	simm.s32 $0x0;
	[dreg:$0x4] =	wrdreg s19  }
0x10: {  	[dreg:$0x5] =	wrdreg s21;
	s12 =	smul.u32 $0x2800, s10;
	s10 =	sshrl.u32 s10, $0x3  }
0x11: {  	[dreg:$0x6] =	wrdreg s13;
	s19 =	sadd.s32 s14, s3;
	s9 =	sshrl.u32 s9, $0x3  }
0x12: {  	s3 =	sadd.s32 s3, s17;
	s25 =	sshrl.u32 s24, $0x3;
	s26 =	smax.u32 s8, $0x1  }
0x13: {  	s21 =	simm.s32 $0x1800;
	s24 =	simm.s32 $0x400;
	s10 =	smul.u32 $0x14000, s10  }
0x14: {  	s22 =	sshrl.u32 s19, $0x3;
	s9 =	sadd.s32 s0, s9;
	[dreg:$0xc] =	wrdreg s26  }
0x15: {  	s3 =	sshrl.u32 s3, $0x3;
	[dreg:$0x8] =	wrdreg s9;
	s9 =	sshrl.u32 s23, $0x3  }
.Ltmp0:
0x16: {  	s14 =	sor.u32 s18, s10;
	s10 =	sadd.s32 s0, s22;
	(pc) =	sbr.rel .LBB2_1-.Ltmp0, $4  }
0x17: {  	s26 =	simm.s32 $0x1;
	s9 =	sadd.s32 s0, s9;
	[dreg:$0x7] =	wrdreg s10  }
0x18: {  	s23 =	simm.s32 $0x800;
	[dreg:$0x9] =	wrdreg s9;
	s9 =	sadd.s32 s0, s25  }
0x19: {  	s22 =	simm.s32 $0x5;
	s0 =	sadd.s32 s0, s3;
	[dreg:$0xa] =	wrdreg s9  }
0x1a: {  	v0 =	vimm.f32 $0.0e+00;
	s25 =	simm.s32 $0x1000;
	s3 =	simm.s32 $0x0;
	[dreg:$0xb] =	wrdreg s0  }
.LBB2_12:
0x1b: {  	s0 =	simm.s32 $0x4  }
0x1c: {  	_ =	swait.ge [sflag:s0], $0x4000  }
0x1d: {  	[sflag:s0] =	ssyncset.done $0x0  }
0x1e: {  	[sflag:s0] =	ssyncadd.s32 $0xFFFFC000  }
0x1f: {  	[bflag:$0x0] =	sbarrier.arrive $0xFFFF  }
0x20: {  	[tilespmem:s21], [sflag:$0x5] =	stream.linear.gather [spmem:s13], $0x4000, $0x38;
	[tilespmem:$0x1D800] =	vst v63  }
0x21: {  	_ =	swait.ge [sflag:s22], $0x4000  }
0x22: {  	[sflag:s22] =	ssyncset.done $0x0  }
0x23: {  	s19 =	rddreg [dreg:$0x7];
	[sflag:s22] =	ssyncadd.s32 $0xFFFFC000  }
0x24: {  	[hbm4b:s19+s2] =	stream.linear.scatter [tilespmem:s21], [sflag:$0x5], $0x4000, $0x38;
	[tilespmem:$0x1D800] =	vst v63  }
0x25: {  	_ =	swait.ge [sflag:s22], $0x4000  }
0x26: {  	[sflag:s22] =	ssyncset.done $0x0  }
0x27: {  	s8 =	rddreg [dreg:$0x3];
	[sflag:s22] =	ssyncadd.s32 $0xFFFFC000  }
0x28: {  	[tilespmem:s21], [sflag:$0x5] =	stream.linear.gather [spmem:s8], $0x4000, $0x38;
	[tilespmem:$0x1D800] =	vst v63  }
0x29: {  	_ =	swait.ge [sflag:s22], $0x4000  }
0x2a: {  	[sflag:s22] =	ssyncset.done $0x0  }
0x2b: {  	s9 =	rddreg [dreg:$0x8];
	[sflag:s22] =	ssyncadd.s32 $0xFFFFC000  }
0x2c: {  	[hbm4b:s9+s2] =	stream.linear.scatter [tilespmem:s21], [sflag:$0x5], $0x4000, $0x38;
	[tilespmem:$0x1D800] =	vst v63  }
0x2d: {  	_ =	swait.ge [sflag:s22], $0x4000  }
0x2e: {  	[sflag:s22] =	ssyncset.done $0x0  }
0x2f: {  	s10 =	rddreg [dreg:$0x4];
	[sflag:s22] =	ssyncadd.s32 $0xFFFFC000  }
0x30: {  	[tilespmem:s21], [sflag:$0x5] =	stream.linear.gather [spmem:s10], $0x4000, $0x38;
	[tilespmem:$0x1D800] =	vst v63  }
0x31: {  	_ =	swait.ge [sflag:s22], $0x4000  }
0x32: {  	[sflag:s22] =	ssyncset.done $0x0  }
0x33: {  	s11 =	rddreg [dreg:$0x9];
	[sflag:s22] =	ssyncadd.s32 $0xFFFFC000  }
0x34: {  	[hbm4b:s11+s2] =	stream.linear.scatter [tilespmem:s21], [sflag:$0x5], $0x4000, $0x38;
	[tilespmem:$0x1D800] =	vst v63  }
0x35: {  	_ =	swait.ge [sflag:s22], $0x4000  }
0x36: {  	[sflag:s22] =	ssyncset.done $0x0  }
0x37: {  	s20 =	smov.u32 s13;
	s13 =	rddreg [dreg:$0x5];
	[sflag:s22] =	ssyncadd.s32 $0xFFFFC000  }
0x38: {  	[tilespmem:s21], [sflag:$0x5] =	stream.linear.gather [spmem:s13], $0x4000, $0x38;
	[tilespmem:$0x1D800] =	vst v63  }
0x39: {  	_ =	swait.ge [sflag:s22], $0x4000  }
0x3a: {  	[sflag:s22] =	ssyncset.done $0x0  }
0x3b: {  	s16 =	rddreg [dreg:$0xa];
	[sflag:s22] =	ssyncadd.s32 $0xFFFFC000  }
0x3c: {  	[hbm4b:s16+s2] =	stream.linear.scatter [tilespmem:s21], [sflag:$0x5], $0x4000, $0x38;
	[tilespmem:$0x1D800] =	vst v63  }
0x3d: {  	_ =	swait.ge [sflag:s22], $0x4000  }
0x3e: {  	[sflag:s22] =	ssyncset.done $0x0  }
0x3f: {  	s17 =	rddreg [dreg:$0x6];
	[sflag:s22] =	ssyncadd.s32 $0xFFFFC000  }
0x40: {  	[tilespmem:s21], [sflag:$0x5] =	stream.linear.gather [spmem:s17], $0x4000, $0x38;
	[tilespmem:$0x1D800] =	vst v63  }
0x41: {  	_ =	swait.ge [sflag:s22], $0x4000  }
0x42: {  	[sflag:s22] =	ssyncset.done $0x0  }
0x43: {  	s18 =	rddreg [dreg:$0xb];
	[sflag:s22] =	ssyncadd.s32 $0xFFFFC000  }
0x44: {  	[hbm4b:s18+s2] =	stream.linear.scatter [tilespmem:s21], [sflag:$0x5], $0x4000, $0x38;
	[tilespmem:$0x1D800] =	vst v63  }
0x45: {  	_ =	swait.ge [sflag:s22], $0x4000  }
0x46: {  	s3 =	sadd.s32 $0x1, s3;
	s19 =	rddreg [dreg:$0xc]  }
0x47: {  	p0 =	sne.s32 s3, s19  }
.Ltmp1:
0x48: {  	_ = 	snop;
	(pc) =	sbr.rel @!p0 .LBB2_13-.Ltmp1, $3  }
0x49: {  	_ =	sdelay $0x1  }
0x4a: {  	[sflag:s22] =	ssyncset.done $0x0  }
0x4b: {  	[sflag:s22] =	ssyncadd.s32 $0xFFFFC000  }
.LBB2_1:
0x4c: {  	s0 =	simm.s32 $0x0;
	s8 =	simm.s32 $0x200  }
.LBB2_2:
0x4d: {  	p0 =	sne.s32 s8, $0xFE00;
	[tilespmem:s0+$0x1870] =	vst v0  }
0x4e: {  	[tilespmem:s0+$0x1800] =	vst v0  }
0x4f: {  	[tilespmem:s0+$0x1810] =	vst v0  }
.Ltmp2:
0x50: {  	[tilespmem:s0+$0x1820] =	vst v0;
	(pc) =	sbr.rel @p0 .LBB2_2-.Ltmp2, $4  }
0x51: {  	[tilespmem:s0+$0x1830] =	vst v0  }
0x52: {  	[tilespmem:s0+$0x1840] =	vst v0  }
0x53: {  	[tilespmem:s0+$0x1850] =	vst v0  }
0x54: {  	[tilespmem:s0+$0x1860] =	vst v0;
	s0 =	sshra.s32 s8, $0x2;
	s8 =	sadd.s32 $0x200, s8  }
0x55: {  	[tilespmem:s0+$0x1870] =	vst v0  }
0x56: {  	[tilespmem:s0+$0x1800] =	vst v0  }
0x57: {  	[tilespmem:s0+$0x1810] =	vst v0  }
0x58: {  	[tilespmem:s0+$0x1820] =	vst v0  }
0x59: {  	[tilespmem:s0+$0x1830] =	vst v0  }
0x5a: {  	[tilespmem:s0+$0x1840] =	vst v0  }
0x5b: {  	[tilespmem:s0+$0x1850] =	vst v0  }
0x5c: {  	[tilespmem:s0+$0x1860] =	vst v0  }
0x5d: {  	[spmem:s20] =	stream.linear.scatter [tilespmem:s21], [sflag:$0x5], $0x4000, $0x38;
	[tilespmem:$0x1D800] =	vst v63  }
0x5e: {  	_ =	swait.ge [sflag:s22], $0x4000  }
0x5f: {  	[sflag:s22] =	ssyncset.done $0x0  }
0x60: {  	s17 =	rddreg [dreg:$0x3];
	[sflag:s22] =	ssyncadd.s32 $0xFFFFC000  }
0x61: {  	[spmem:s17] =	stream.linear.scatter [tilespmem:s21], [sflag:$0x5], $0x4000, $0x38;
	[tilespmem:$0x1D800] =	vst v63  }
0x62: {  	_ =	swait.ge [sflag:s22], $0x4000  }
0x63: {  	[sflag:s22] =	ssyncset.done $0x0  }
0x64: {  	s18 =	rddreg [dreg:$0x4];
	[sflag:s22] =	ssyncadd.s32 $0xFFFFC000  }
0x65: {  	[spmem:s18] =	stream.linear.scatter [tilespmem:s21], [sflag:$0x5], $0x4000, $0x38;
	[tilespmem:$0x1D800] =	vst v63  }
0x66: {  	_ =	swait.ge [sflag:s22], $0x4000  }
0x67: {  	[sflag:s22] =	ssyncset.done $0x0  }
0x68: {  	s19 =	rddreg [dreg:$0x5];
	[sflag:s22] =	ssyncadd.s32 $0xFFFFC000  }
0x69: {  	[spmem:s19] =	stream.linear.scatter [tilespmem:s21], [sflag:$0x5], $0x4000, $0x38;
	[tilespmem:$0x1D800] =	vst v63  }
0x6a: {  	_ =	swait.ge [sflag:s22], $0x4000  }
0x6b: {  	[sflag:s22] =	ssyncset.done $0x0  }
0x6c: {  	s13 =	smov.u32 s20;
	s20 =	rddreg [dreg:$0x6];
	[sflag:s22] =	ssyncadd.s32 $0xFFFFC000  }
0x6d: {  	[spmem:s20] =	stream.linear.scatter [tilespmem:s21], [sflag:$0x5], $0x4000, $0x38;
	[tilespmem:$0x1D800] =	vst v63  }
.Ltmp3:
0x6e: {  	_ =	swait.ge [sflag:s22], $0x4000;
	(pc) =	sbr.rel .LBB2_4-.Ltmp3, $4  }
0x6f: {  	[sflag:s22] =	ssyncset.done $0x0  }
0x70: {  	[sflag:s22] =	ssyncadd.s32 $0xFFFFC000  }
0x71: {  	[bflag:$0x0] =	sbarrier.arrive $0xFFFF  }
0x72: {  	s16 =	simm.s32 $0x0  }
.LBB2_11:
0x73: {  	s16 =	sadd.s32 $0x1, s16  }
0x74: {  	p0 =	sne.s32 s16, $0x5  }
.Ltmp4:
0x75: {  	_ = 	snop;
	(pc) =	sbr.rel @!p0 .LBB2_12-.Ltmp4, $2  }
0x76: {  	_ =	sdelay $0x2  }
0x77: {  	[spmem:s1] =	stream.indirect.scatter.add.f32 [tilespmem:s29], [sflag:$0x4], $0x80, s8, s28, $0xb8;
	[tilespmem:$0x1D800] =	vst v63  }
.LBB2_4:
0x78: {  	p0 =	seq.s32 s16, $0x0  }
0x79: {  	s8 =	sshll.u32 s16, $0xB;
	s0 =	simm.s32 @!p0 $0x4  }
0x7a: {  	s8 =	sadd.s32 s12, s8;
	_ =	swait.ge @!p0 [sflag:s0], $0x4000  }
0x7b: {  	s8 =	sshrl.u32 s8, $0x3;
	[sflag:s0] =	ssyncset.done @!p0 $0x0  }
0x7c: {  	s18 =	sadd.s32 s5, s8;
	[sflag:s0] =	ssyncadd.s32 @!p0 $0xFFFFC000  }
0x7d: {  	[tilespmem:s15], [sflag:$0x5] =	stream.linear.gather [hbm4b:s18+s15], $0x800, $0x38;
	[tilespmem:$0x1D800] =	vst v63  }
0x7e: {  	_ =	swait.ge [sflag:s22], $0x800  }
0x7f: {  	[sflag:s22] =	ssyncset.done $0x0  }
0x80: {  	s20 =	sshll.u32 s16, $0xE;
	s19 =	sadd.s32 s6, s8;
	[sflag:s22] =	ssyncadd.s32 $0xFFFFF800  }
0x81: {  	[tilespmem:s23], [sflag:$0x5] =	stream.linear.gather [hbm4b:s19+s15], $0x800, $0x38;
	[tilespmem:$0x1D800] =	vst v63  }
0x82: {  	s0 =	sadd.s32 s14, s20;
	_ =	swait.ge [sflag:s22], $0x800  }
0x83: {  	s0 =	sshrl.u32 s0, $0x3;
	[sflag:s22] =	ssyncset.done $0x0  }
0x84: {  	s10 =	simm.s32 $0x80;
	s0 =	sadd.s32 s7, s0;
	[sflag:s22] =	ssyncadd.s32 $0xFFFFF800  }
0x85: {  	[tilespmem:s25], [sflag:$0x5] =	stream.strided.gather [hbm4b:s0+s10], $0x800, s24, s10, $0x38;
	[tilespmem:$0x1D800] =	vst v63  }
0x86: {  	_ =	swait.ge [sflag:s22], $0x800  }
0x87: {  	[sflag:s22] =	ssyncset.done $0x0  }
0x88: {  	s18 =	simm.s32 $0x0;
	s19 =	simm.s32 $0x0;
	[sflag:s22] =	ssyncadd.s32 $0xFFFFF800  }
0x89: {  	[tilespmem:s21], [sflag:$0x1] =	stream.indirect.gather [hbm4b:s4+s10], $0x80, s15, s10, $0xb8;
	[tilespmem:$0x1D800] =	vst v63  }
.LBB2_5:
0x8a: {  	_ =	swait.ge [sflag:s26], $0x4000  }
0x8b: {  	p0 =	seq.s32 s19, $0x0;
	[sflag:s26] =	ssyncset.done $0x0  }
0x8c: {  	s0 =	simm.s32 @!p0 $0x4;
	[sflag:s26] =	ssyncadd.s32 $0xFFFFC000  }
0x8d: {  	_ =	swait.ge @!p0 [sflag:s0], $0x4000  }
0x8e: {  	s8 =	sshll.u32 s19, $0x8;
	s17 =	sadd.s32 $0x0, s18;
	[sflag:s0] =	ssyncset.done @!p0 $0x0  }
0x8f: {  	s20 =	sor.u32 $0x80, s8;
	v1 =	vmov s17;
	s8 =	simm.s32 $0x1840;
	[sflag:s0] =	ssyncadd.s32 @!p0 $0xFFFFC000  }
0x90: {  	[tilespmem:s29], [sflag:$0x2] =	stream.indirect.gather [hbm4b:s4+s28], $0x80, s20, s28, $0xb8;
	[tilespmem:$0x1D800] =	vst v63  }
0x91: {  	v5 =	vld [tilespmem:s8+$0x30]  }
0x92: {  	v8 =	vld [tilespmem:s8+$0x10]  }
0x93: {  	v6 =	vld [tilespmem:s8+$0xFFFFFFC0]  }
0x94: {  	v2 =	vld.idx.msk [tilespmem:v1+s25+$0x0], $0xffff  }
0x95: {  	v10 =	vld [tilespmem:s8+$0xFFFFFFE0]  }
0x96: {  	v1 =	vld [tilespmem:s8+$0xFFFFFFF0]  }
0x97: {  	v3 =	vld [tilespmem:s8+$0x20]  }
0x98: {  	v4 =	vld [tilespmem:s8+$0xFFFFFFD0]  }
0x99: {  	v9 =	vmul.f32 v5, v2;
	v5 =	vld [tilespmem:s8+$0x0]  }
0x9a: {  	v7 =	vmul.f32 v6, v2  }
0x9b: {  	s9 =	simm.s32 $0x1840;
	s0 =	simm.s32 $0x1;
	v6 =	vmul.f32 v10, v2;
	v8 =	vmul.f32 v8, v2  }
.LBB2_6:
0x9c: {  	p0 =	sne.s32 s0, $0x7F  }
0x9d: {  	v4 =	vmul.f32 v4, v2;
	v3 =	vmul.f32 v3, v2;
	[tilespmem:s8+$0x30] =	vst v9;
	s9 =	sadd.s32 $0x80, s9;
	s17 =	smov.u32 s0;
	s0 =	sadd.s32 $0x1, s0  }
0x9e: {  	[tilespmem:s8+$0xFFFFFFC0] =	vst v7;
	v7 =	vmul.f32 v1, v2;
	v2 =	vmul.f32 v5, v2  }
0x9f: {  	s17 =	sadd.s32 s17, s18;
	[tilespmem:s8+$0x10] =	vst v8  }
0xa0: {  	v5 =	vmov s17;
	[tilespmem:s8+$0xFFFFFFE0] =	vst v6  }
0xa1: {  	v1 =	vld [tilespmem:s9+$0xFFFFFFF0];
	[tilespmem:s8+$0xFFFFFFF0] =	vst v7  }
0xa2: {  	v6 =	vld [tilespmem:s9+$0x30];
	[tilespmem:s8+$0x0] =	vst v2  }
0xa3: {  	v8 =	vld [tilespmem:s9+$0x10];
	[tilespmem:s8+$0x20] =	vst v3  }
0xa4: {  	v7 =	vld [tilespmem:s9+$0xFFFFFFC0];
	[tilespmem:s8+$0xFFFFFFD0] =	vst v4;
	s8 =	smov.u32 s9  }
0xa5: {  	v2 =	vld.idx.msk [tilespmem:v5+s25+$0x0], $0xffff  }
0xa6: {  	v10 =	vld [tilespmem:s9+$0xFFFFFFE0]  }
0xa7: {  	v3 =	vld [tilespmem:s9+$0x20]  }
.Ltmp5:
0xa8: {  	v4 =	vld [tilespmem:s9+$0xFFFFFFD0];
	(pc) =	sbr.rel @p0 .LBB2_6-.Ltmp5, $3  }
0xa9: {  	v5 =	vld [tilespmem:s9+$0x0];
	_ =	sdelay $0x1  }
0xaa: {  	v7 =	vmul.f32 v7, v2;
	v9 =	vmul.f32 v6, v2  }
0xab: {  	v8 =	vmul.f32 v8, v2;
	v6 =	vmul.f32 v10, v2  }
0xac: {  	[tilespmem:s8+$0x30] =	vst v9  }
0xad: {  	[tilespmem:s8+$0xFFFFFFC0] =	vst v7  }
0xae: {  	v1 =	vmul.f32 v1, v2;
	[tilespmem:s8+$0x10] =	vst v8  }
0xaf: {  	v3 =	vmul.f32 v3, v2;
	[tilespmem:s8+$0xFFFFFFE0] =	vst v6  }
0xb0: {  	v5 =	vmul.f32 v5, v2;
	[tilespmem:s8+$0xFFFFFFF0] =	vst v1  }
0xb1: {  	s0 =	sshll.u32 s19, $0xA;
	v1 =	vmul.f32 v4, v2;
	[tilespmem:s8+$0x20] =	vst v3  }
0xb2: {  	s0 =	sshrl.u32 s0, $0x2;
	[tilespmem:s8+$0x0] =	vst v5  }
0xb3: {  	s17 =	sadd.s32 $0x800, s0;
	[tilespmem:s8+$0xFFFFFFD0] =	vst v1  }
0xb4: {  	[spmem:s1] =	stream.indirect.scatter.add.f32 [tilespmem:s21], [sflag:$0x3], $0x80, s17, s28, $0xb8;
	[tilespmem:$0x1D800] =	vst v63  }
0xb5: {  	_ =	swait.ge [sflag:s30], $0x4000  }
0xb6: {  	v1 =	vmov s10;
	[sflag:s30] =	ssyncset.done $0x0  }
0xb7: {  	s8 =	simm.s32 $0x0;
	[sflag:s30] =	ssyncadd.s32 $0xFFFFC000  }
0xb8: {  	v9 =	vld [tilespmem:s8+$0x5820]  }
0xb9: {  	v8 =	vld [tilespmem:s8+$0x5800]  }
0xba: {  	v4 =	vld [tilespmem:s8+$0x5850]  }
0xbb: {  	v1 =	vld.idx.msk [tilespmem:v1+s25+$0x0], $0xffff  }
0xbc: {  	v5 =	vld [tilespmem:s8+$0x5830]  }
0xbd: {  	v3 =	vld [tilespmem:s8+$0x5860]  }
0xbe: {  	v6 =	vld [tilespmem:s8+$0x5840]  }
0xbf: {  	v7 =	vld [tilespmem:s8+$0x5870]  }
0xc0: {  	s9 =	simm.s32 $0x200;
	s17 =	smov.u32 s10;
	v2 =	vld [tilespmem:s8+$0x5810];
	v8 =	vmul.f32 v8, v1;
	v9 =	vmul.f32 v9, v1  }
.LBB2_8:
0xc1: {  	p0 =	sne.s32 s9, $0xFE00  }
0xc2: {  	v5 =	vmul.f32 v5, v1;
	v4 =	vmul.f32 v4, v1;
	s17 =	sadd.s32 $0x1, s17;
	s11 =	smov.u32 s9;
	s9 =	sadd.s32 $0x200, s9  }
0xc3: {  	v3 =	vmul.f32 v3, v1;
	[tilespmem:s8+$0x5820] =	vst v9;
	v6 =	vmul.f32 v6, v1  }
0xc4: {  	[tilespmem:s8+$0x5800] =	vst v8;
	v7 =	vmul.f32 v7, v1  }
0xc5: {  	v8 =	vmov s17;
	[tilespmem:s8+$0x5850] =	vst v4  }
0xc6: {  	s11 =	sshra.s32 s11, $0x2;
	[tilespmem:s8+$0x5870] =	vst v7  }
0xc7: {  	v1 =	vmul.f32 v2, v1;
	v9 =	vld [tilespmem:s11+$0x5820];
	[tilespmem:s8+$0x5830] =	vst v5  }
0xc8: {  	v10 =	vld [tilespmem:s11+$0x5800];
	[tilespmem:s8+$0x5840] =	vst v6  }
0xc9: {  	v4 =	vld [tilespmem:s11+$0x5850];
	[tilespmem:s8+$0x5860] =	vst v3  }
0xca: {  	v5 =	vld [tilespmem:s11+$0x5830];
	[tilespmem:s8+$0x5810] =	vst v1;
	s8 =	smov.u32 s11  }
0xcb: {  	v1 =	vld.idx.msk [tilespmem:v8+s25+$0x0], $0xffff  }
0xcc: {  	v3 =	vld [tilespmem:s8+$0x5860]  }
.Ltmp6:
0xcd: {  	v2 =	vld [tilespmem:s8+$0x5810];
	(pc) =	sbr.rel @p0 .LBB2_8-.Ltmp6, $3  }
0xce: {  	v6 =	vld [tilespmem:s8+$0x5840]  }
0xcf: {  	v7 =	vld [tilespmem:s8+$0x5870];
	_ =	sdelay $0x1  }
0xd0: {  	v8 =	vmul.f32 v10, v1;
	v9 =	vmul.f32 v9, v1  }
0xd1: {  	_ = 	snop  }
0xd2: {  	v4 =	vmul.f32 v4, v1;
	[tilespmem:s8+$0x5820] =	vst v9  }
0xd3: {  	v5 =	vmul.f32 v5, v1;
	[tilespmem:s8+$0x5800] =	vst v8  }
0xd4: {  	v3 =	vmul.f32 v3, v1;
	[tilespmem:s8+$0x5850] =	vst v4  }
0xd5: {  	v63 =	vmul.f32 v6, v1;
	[tilespmem:s8+$0x5830] =	vst v5  }
0xd6: {  	v7 =	vmul.f32 v7, v1;
	[tilespmem:s8+$0x5860] =	vst v3  }
0xd7: {  	p0 =	seq.s32 s19, $0x7;
	v1 =	vmul.f32 v2, v1;
	[tilespmem:s8+$0x5840] =	vst v63  }
.Ltmp7:
0xd8: {  	[tilespmem:s8+$0x5870] =	vst v7;
	(pc) =	sbr.rel @p0 .LBB2_11-.Ltmp7, $4  }
0xd9: {  	[tilespmem:s8+$0x5810] =	vst v1  }
0xda: {  	_ =	swait.ge [sflag:s31], $0x4000  }
0xdb: {  	[sflag:s31] =	ssyncset.done $0x0  }
0xdc: {  	s8 =	sadd.s32 $0x800, s20;
	[sflag:s31] =	ssyncadd.s32 $0xFFFFC000  }
.Ltmp8:
0xdd: {  	(pc) =	sbr.rel .LBB2_5-.Ltmp8, $4  }
0xde: {  	s0 =	sadd.s32 $0x100, s0  }
0xdf: {  	[tilespmem:s21], [sflag:$0x1] =	stream.indirect.gather [hbm4b:s4+s28], $0x80, s0, s28, $0xb8;
	[tilespmem:$0x1D800] =	vst v63  }
0xe0: {  	s19 =	sadd.s32 $0x1, s19;
	s18 =	sadd.s32 $0x100, s18;
	s10 =	sadd.s32 $0x100, s10  }
0xe1: {  	[spmem:s1] =	stream.indirect.scatter.add.f32 [tilespmem:s29], [sflag:$0x4], $0x80, s8, s28, $0xb8;
	[tilespmem:$0x1D800] =	vst v63  }
.LBB2_13:
0xe2: {  	_ =	sfence.sel $0x180000  }
0xe3: {  	[bflag:$0x0] =	sbarrier.arrive $0xFFFF  }
0xe4: {  	_ =	strace $0x9000004D  }
0xe5: {  	s0 =	stileid.u32;
	[bflag:$0x2] =	sbarrier.arrive $0xFFFF  }
0xe6: {  	p0 =	sne.s32 s0, $0x0;
	s0 =	rddreg [dreg:$0x2]  }
0xe7: {  	s0 =	sadd.s32 @!p0 $0x100000, s0  }
0xe8: {  	[sflag:s0] =	ssyncadd.tile.s32 @!p0 $0x1;
	_ =	shalt  }
.Lfunc_end2:
_tile_overlayer_lowered:
.L_overlay_start_2:
0xe9: {  	(tag) =	ssettag $0x2  }
0xea: {  	s0 =	rddreg [dreg:$0x0];
	s2 =	stileid.u32  }
0xeb: {  	s1 =	rddreg [dreg:$0x1];
	p0 =	sne.s32 s2, $0x0  }
0xec: {  	s3 =	rddreg [dreg:$0x2];
	[bflag:$0x3] =	sbarrier.arrive $0xFFFF;
	s2 =	simm.s32 @!p0 $0x1C05  }
0xed: {  	[timem:s3], [sflag:s2] =	dma.local @!p0 [hbm:s0], s1  }
0xee: {  	s0 =	simm.s32 @!p0 $0x5  }
0xef: {  	_ =	swait.ge @!p0 [sflag:s0], s1  }
0xf0: {  	s1 =	ssub.s32 @!p0 $0x0, s1;
	[sflag:s0] =	ssyncset.done @!p0 $0x0  }
0xf1: {  	[sflag:s0] =	ssyncadd.s32 @!p0 s1  }
0xf2: {  	[bflag:$0x3] =	sbarrier.arrive $0xFFFF  }
0xf3: {  	_ =	shalt  }

// kernel: kernel.19.cloned.1.call-start
scs
__scs_entry_jumppad:
0x0: {  	(pc) =	sbr.rel $0x88, $3  }
0x1: {  	(tag) =	ssettag $0x0;
	lr =	simm.s32 $0x1  }
0x2: {  	[smem:$0x3F90] =	sst lr;
	_ =	strace $0xD0000000  }
0x3: {  	_ = 	snop  }
0x4: {  	_ = 	snop  }
0x5: {  	_ = 	snop  }
0x6: {  	_ = 	snop  }
0x7: {  	_ = 	snop  }
__scs_overlays_trampoline_lowered:
0x8: {  	[smem:$0x3F9F] =	sst s0  }
0x9: {  	[smem:$0x3FA0] =	sst s1  }
0xa: {  	[smem:$0x3FA1] =	sst s2  }
0xb: {  	[smem:$0x3FA2] =	sst s3  }
0xc: {  	[smem:$0x3FA3] =	sst s4  }
0xd: {  	[smem:$0x3FA4] =	sst s5  }
0xe: {  	[smem:$0x3FA5] =	sst s6  }
0xf: {  	[smem:$0x3FA6] =	sst s7  }
0x10: {  	[smem:$0x3FA7] =	sst s8  }
0x11: {  	[smem:$0x3FA8] =	sst s9;
	s0 =	simm.s32 @!p0 $0x0  }
0x12: {  	s1 =	sld [smem:$0x3F8E];
	s0 =	simm.s32 @p0 $0x1  }
0x13: {  	[smem:$0x3FA9] =	sst s0;
	s0 =	simm.s32 @!p1 $0x0  }
0x14: {  	s2 =	sld [smem:$0x3F8D];
	s0 =	simm.s32 @p1 $0x1  }
0x15: {  	[smem:$0x3FAA] =	sst s0;
	s0 =	simm.s32 @!p2 $0x0  }
0x16: {  	s3 =	sld [smem:$0x3FDB];
	s0 =	simm.s32 @p2 $0x1  }
0x17: {  	s4 =	simm.s32 $0x1BF5;
	[smem:$0x3FAC] =	sst s0  }
0x18: {  	s0 =	sld [smem:$0x3F8F];
	_ =	swait.ge [sflag:s4], $0x0  }
0x19: {  	s7 =	sld [smem:$0x3F90]  }
0x1a: {  	s8 =	sadd.s32 $0xFFFFE003, lr  }
0x1b: {  	s9 =	sadd.s32 $0xFFFFFEF7, lr;
	s5 =	simm.s32 $0xFFFFFFFF;
	p2 =	slt.u32 s8, $0xFFFFF086  }
0x1c: {  	p1 =	slt.u32 s9, $0xF7A;
	s5 =	simm.s32 @!p2 $0x0  }
0x1d: {  	s5 =	simm.s32 @p1 $0x1;
	p0 =	seq.s32 s7, s2  }
0x1e: {  	s7 =	smul.u32 @!p0 $0xF7A, s2;
	p2 =	seq.s32 @!p0 s5, $0x0  }
0x1f: {  	s9 =	smul.u32 $0xF7A, s1;
	s8 =	simm.s32 @!p0 $0x1BF5;
	p2 =	por !p2, p0  }
0x20: {  	[sflag:s8] =	ssyncset.s32 @!p0 $0xFFFFF086;
	s6 =	sadd.s32 @!p0 s3, s7;
	s7 =	simm.s32 @!p0 $0x108  }
0x21: {  	s3 =	sadd.s32 s3, s9;
	s6 =	sadd.s32 @!p0 $0x88, s6;
	s7 =	simm.s32 @p2 $0x1082  }
0x22: {  	[simem:s7], [sflag:s8] =	dma.local @!p0 [hbm:s6], $0xF7A  }
0x23: {  	s9 =	sor.u32 $0xD0000000, s2;
	s6 =	simm.s32 $0x108;
	_ =	swait.ge @!p0 [sflag:s8], $0x0  }
0x24: {  	s3 =	sadd.s32 $0x88, s3;
	s6 =	simm.s32 @!p1 $0x1082;
	[sflag:s4] =	ssyncset.s32 $0xFFFFF086  }
0x25: {  	[simem:s6], [sflag:s4] =	dma.local [hbm:s3], $0xF7A  }
0x26: {  	[smem:$0x3F90] =	sst s1;
	(tag) =	ssettag s2;
	_ =	strace s9  }
0x27: {  	s1 =	sld [smem:$0x3FA0]  }
0x28: {  	s2 =	sld [smem:$0x3FA1]  }
0x29: {  	s4 =	sld [smem:$0x3FA3]  }
0x2a: {  	p0 =	seq.s32 s5, $0x0;
	s5 =	sld [smem:$0x3FA4]  }
0x2b: {  	s6 =	sld [smem:$0x3FA5]  }
0x2c: {  	s7 =	sld [smem:$0x3FA6]  }
0x2d: {  	s3 =	simm.s32 $0x108;
	s8 =	sld [smem:$0x3FA7]  }
0x2e: {  	s3 =	simm.s32 @!p0 $0x1082;
	s9 =	sld [smem:$0x3FA8]  }
0x2f: {  	lr =	sadd.s32 s0, s3;
	s0 =	sld [smem:$0x3F9F]  }
0x30: {  	s3 =	sld [smem:$0x3FA2]  }
0x31: {  	[smem:$0x3FAB] =	sst s10  }
0x32: {  	s10 =	sld [smem:$0x3FA9];
	_ =	sdelay $0x3  }
0x33: {  	p0 =	seq.s32 s10, $0x1;
	s10 =	sld [smem:$0x3FAB];
	_ =	sdelay $0x3  }
0x34: {  	[smem:$0x3FAB] =	sst s10  }
0x35: {  	s10 =	sld [smem:$0x3FAA];
	_ =	sdelay $0x3  }
0x36: {  	p1 =	seq.s32 s10, $0x1;
	s10 =	sld [smem:$0x3FAB];
	_ =	sdelay $0x3  }
0x37: {  	[smem:$0x3FAB] =	sst s10  }
0x38: {  	s10 =	sld [smem:$0x3FAC]  }
0x39: {  	_ = 	snop;
	(pc) =	sbr.ind lr, $3  }
0x3a: {  	_ = 	snop  }
0x3b: {  	_ = 	snop  }
0x3c: {  	p2 =	seq.s32 s10, $0x1;
	s10 =	sld [smem:$0x3FAB]  }
0x3d: {  	_ =	shalt  }
0x3e: {  	_ =	shalt  }
0x3f: {  	_ =	shalt  }
0x40: {  	_ =	shalt  }
0x41: {  	_ =	shalt  }
0x42: {  	_ =	shalt  }
0x43: {  	_ =	shalt  }
0x44: {  	_ =	shalt  }
0x45: {  	_ =	shalt  }
0x46: {  	_ =	shalt  }
0x47: {  	_ =	shalt  }
0x48: {  	_ =	shalt  }
0x49: {  	_ =	shalt  }
0x4a: {  	_ =	shalt  }
0x4b: {  	_ =	shalt  }
0x4c: {  	_ =	shalt  }
0x4d: {  	_ =	shalt  }
0x4e: {  	_ =	shalt  }
0x4f: {  	_ =	shalt  }
0x50: {  	_ =	shalt  }
0x51: {  	_ =	shalt  }
0x52: {  	_ =	shalt  }
0x53: {  	_ =	shalt  }
0x54: {  	_ =	shalt  }
0x55: {  	_ =	shalt  }
0x56: {  	_ =	shalt  }
0x57: {  	_ =	shalt  }
0x58: {  	_ =	shalt  }
0x59: {  	_ =	shalt  }
0x5a: {  	_ =	shalt  }
0x5b: {  	_ =	shalt  }
0x5c: {  	_ =	shalt  }
0x5d: {  	_ =	shalt  }
0x5e: {  	_ =	shalt  }
0x5f: {  	_ =	shalt  }
0x60: {  	_ =	shalt  }
0x61: {  	_ =	shalt  }
0x62: {  	_ =	shalt  }
0x63: {  	_ =	shalt  }
0x64: {  	_ =	shalt  }
0x65: {  	_ =	shalt  }
0x66: {  	_ =	shalt  }
0x67: {  	_ =	shalt  }
0x68: {  	_ =	shalt  }
0x69: {  	_ =	shalt  }
0x6a: {  	_ =	shalt  }
0x6b: {  	_ =	shalt  }
0x6c: {  	_ =	shalt  }
0x6d: {  	_ =	shalt  }
0x6e: {  	_ =	shalt  }
0x6f: {  	_ =	shalt  }
0x70: {  	_ =	shalt  }
0x71: {  	_ =	shalt  }
0x72: {  	_ =	shalt  }
0x73: {  	_ =	shalt  }
0x74: {  	_ =	shalt  }
0x75: {  	_ =	shalt  }
0x76: {  	_ =	shalt  }
0x77: {  	_ =	shalt  }
0x78: {  	_ =	shalt  }
0x79: {  	_ =	shalt  }
0x7a: {  	_ =	shalt  }
0x7b: {  	_ =	shalt  }
0x7c: {  	_ =	shalt  }
0x7d: {  	_ =	shalt  }
0x7e: {  	_ =	shalt  }
0x7f: {  	_ =	shalt  }
0x80: {  	_ =	shalt  }
0x81: {  	_ =	shalt  }
0x82: {  	_ =	shalt  }
0x83: {  	_ =	shalt  }
0x84: {  	_ =	shalt  }
0x85: {  	_ =	shalt  }
0x86: {  	_ =	shalt  }
0x87: {  	_ =	shalt  }
.Lfunc_end0:
.L_simem_size_0:
called_computation.3_lowered:
.L_overlay_start_0:
0x88: {  	s2 =	sld [smem:$0x3FD9]  }
0x89: {  	s3 =	sld [smem:$0x3FFE];
	_ =	sdelay $0x1  }
0x8a: {  	s1 =	srdreg.scid  }
0x8b: {  	s0 =	sand.u32 $0x1, s1  }
0x8c: {  	s16 =	sshll.u32 s0, $0xA;
	s2 =	sadd.s32 s3, s2  }
0x8d: {  	s2 =	sadd.s32 s2, s16  }
0x8e: {  	[smem:$0x3FB7] =	sst s2  }
0x8f: {  	_ = 	snop  }
0x90: {  	(tm) =	ssettm $0x1  }
0x91: {  	s17 =	sld [smem:$0x3FFB];
	_ =	sdelay $0x3  }
0x92: {  	_ =	strace s17  }
0x93: {  	s2 =	sld [smem:$0x3FFC];
	_ =	sdelay $0x3  }
0x94: {  	_ =	strace s2  }
0x95: {  	s2 =	sld [smem:$0x3FFD];
	_ =	sdelay $0x3  }
0x96: {  	_ =	strace s2  }
0x97: {  	_ =	strace $0x8FFFFFFF  }
0x98: {  	s18 =	sld [smem:$0x3FDB];
	_ =	sdelay $0x1  }
0x99: {  	s19 =	simm.s32 $_scs_section_size  }
0x9a: {  	s4 =	simm.s32 $_size__tile_overlayer_lowered;
	s5 =	simm.s32 $_tile_overlayer_lowered  }
0x9b: {  	s22 =	simm.s32 $0x1BFF;
	s21 =	sshll.u32 s5, $0x1;
	s2 =	sadd.s32 s19, s18  }
0x9c: {  	s6 =	simm.s32 $0x0;
	s20 =	sshll.u32 s4, $0x1;
	s4 =	sadd.s32 s21, s2  }
0x9d: {  	[timem:s6], [sflag:s22] =	dma.local [hbm:s4], s20  }
0x9e: {  	_ =	swait.ge [sflag:s22], s20  }
0x9f: {  	s3 =	ssub.s32 $0x0, s20;
	[sflag:s22] =	ssyncset.done $0x0  }
0xa0: {  	[sflag:s22] =	ssyncadd.s32 s3;
	_ =	sdelay $0x1  }
0xa1: {  	s23 =	simm.s32 $0x1B8B  }
0xa2: {  	_ =	swait.ge [sflag:s23], $0x1  }
0xa3: {  	[sflag:s23] =	ssyncset.done $0x0  }
0xa4: {  	s25 =	simm.s32 $0x1B8E;
	s24 =	sld [smem:$0x3FFE];
	[sflag:s23] =	ssyncadd.s32 $0xFFFFFFFF  }
0xa5: {  	s26 =	simm.s32 $execute0_lowered;
	[smem:$0x3FD2] =	sst s25  }
0xa6: {  	s4 =	sshll.u32 s26, $0x1;
	_ =	strace $0x8000004F;
	[dreg:$0x1] =	wrdreg $0xFFFFFFFF  }
0xa7: {  	s28 =	simm.s32 $_size_execute0_lowered;
	s2 =	sadd.s32 s2, s4;
	[dreg:$0x0] =	wrdreg $0x0  }
0xa8: {  	s4 =	sshll.u32 s28, $0x1;
	[dreg:$0x2] =	wrdreg s2  }
0xa9: {  	[dreg:$0x3] =	wrdreg s4  }
0xaa: {  	[dreg:$0x4] =	wrdreg $0xC0  }
0xab: {  	_ =	task [dreg:s6], $0x5FFFF  }
0xac: {  	[dreg:$0x1] =	wrdreg $0xFFFFFFFF  }
0xad: {  	[dreg:$0x0] =	wrdreg $0x60  }
0xae: {  	[dreg:$0x2] =	wrdreg s24  }
0xaf: {  	[dreg:$0x3] =	wrdreg $0x98000  }
0xb0: {  	[dreg:$0x4] =	wrdreg $0x9  }
0xb1: {  	_ =	task.clear_ibuf [dreg:s6], $0x5FFFF;
	_ =	strace $0x9000004F  }
0xb2: {  	s29 =	simm.s32 $0x9;
	_ =	strace $0x80000051  }
0xb3: {  	_ =	swait.ge [sflag:s29], $0x1  }
0xb4: {  	[sflag:s29] =	ssyncadd.s32 $0xFFFFFFFF  }
0xb5: {  	_ =	strace $0x90000051  }
0xb6: {  	_ =	sfence  }
0xb7: {  	s30 =	sld [smem:$0x0];
	_ =	sdelay $0x2  }
0xb8: {  	s31 =	sshll.u32 s1, $0xD;
	s1 =	sshrl.u32 s1, $0x2  }
0xb9: {  	s3 =	sand.u32 $0x4000, s31;
	s1 =	sadd.s32 s1, s30  }
0xba: {  	s0 =	sor.u32 s3, s0;
	s1 =	sshll.u32 s1, $0x11  }
0xbb: {  	s0 =	sor.u32 s1, s0  }
0xbc: {  	s0 =	sadd.s32 $0x8F2B, s0  }
0xbd: {  	[sflag:s0] =	ssyncadd.remote.s32 $0x1  }
0xbe: {  	_ =	sfence.sel $0xFFFF  }
0xbf: {  	[dreg:$0x0] =	wrdreg $0xFFFFFFFF;
	(pc) =	sbr.abs _section_cstart, $3  }
0xc0: {  	[dreg:$0x1] =	wrdreg $0xFFFFFFFF  }
0xc1: {  	_ =	task.clear_ibuf [dreg:s6], $0x2FFFF;
	_ =	strace $0x9FFFFFFF  }
0xc2: {  	(tm) =	ssettm $0x7FFFFFFF  }
0xc3: {  	_ =	shalt  }
tec
execute0_lowered:
.L_overlay_start_1:
0x0: {  	(tag) =	ssettag $0x1  }
0x1: {  	s0 =	rddreg [dreg:$0x0]  }
0x2: {  	s1 =	rddreg [dreg:$0x1];
	s2 =	simm.s32 $0x0;
	s3 =	srdreg.scid  }
0x3: {  	s11 =	stileid.u32;
	s28 =	simm.s32 $0x80;
	s29 =	simm.s32 $0x5800  }
0x4: {  	s30 =	simm.s32 $0x2;
	s31 =	simm.s32 $0x3;
	[smem:$0x7FF] =	sst s2  }
0x5: {  	s4 =	sadd.s32 $0x49E00, s0;
	s5 =	sadd.s32 $0x3FE00, s0;
	s6 =	sadd.s32 $0xE200, s0  }
0x6: {  	s3 =	sand.u32 $0x1, s3;
	s7 =	sadd.s32 $0x4200, s0;
	s9 =	smul.u32 $0x50000, s11  }
0x7: {  	s0 =	sadd.s32 $0x98200, s0;
	s14 =	smul.u32 $0x14000, s11;
	s18 =	sshll.u32 s11, $0x7  }
0x8: {  	_ =	strace $0x80000050;
	s8 =	ssub.s32 $0x2, s3;
	s25 =	sshll.u32 s3, $0x4  }
0x9: {  	s3 =	smul.u32 $0x140000, s3;
	s18 =	sand.u32 $0x380, s18;
	s10 =	sshrl.u32 s8, $0x1  }
0xa: {  	s9 =	sshrl.u32 s9, $0x2;
	s26 =	sadd.s32 $0x4000, s14;
	s15 =	sadd.s32 $0x8000, s14  }
0xb: {  	s16 =	sadd.s32 $0xC000, s14;
	s17 =	sadd.s32 $0x10000, s14;
	s8 =	ssub.s32 s8, s10  }
0xc: {  	s10 =	sor.u32 s11, s25;
	s20 =	sadd.s32 s9, s1;
	s12 =	sadd.s32 s26, s1  }
0xd: {  	s19 =	sadd.s32 s15, s1;
	s21 =	sadd.s32 s16, s1;
	s13 =	sadd.s32 s17, s1  }
0xe: {  	s9 =	sadd.s32 s3, s26;
	s23 =	sadd.s32 s3, s15;
	[dreg:$0x3] =	wrdreg s12  }
0xf: {  	s24 =	sadd.s32 s3, s16;
	s15 =	simm.s32 $0x0;
	[dreg:$0x4] =	wrdreg s19  }
0x10: {  	[dreg:$0x5] =	wrdreg s21;
	s12 =	smul.u32 $0x2800, s10;
	s10 =	sshrl.u32 s10, $0x3  }
0x11: {  	[dreg:$0x6] =	wrdreg s13;
	s19 =	sadd.s32 s14, s3;
	s9 =	sshrl.u32 s9, $0x3  }
0x12: {  	s3 =	sadd.s32 s3, s17;
	s25 =	sshrl.u32 s24, $0x3;
	s26 =	smax.u32 s8, $0x1  }
0x13: {  	s21 =	simm.s32 $0x1800;
	s24 =	simm.s32 $0x400;
	s10 =	smul.u32 $0x14000, s10  }
0x14: {  	s22 =	sshrl.u32 s19, $0x3;
	s9 =	sadd.s32 s0, s9;
	[dreg:$0xc] =	wrdreg s26  }
0x15: {  	s3 =	sshrl.u32 s3, $0x3;
	[dreg:$0x8] =	wrdreg s9;
	s9 =	sshrl.u32 s23, $0x3  }
.Ltmp0:
0x16: {  	s14 =	sor.u32 s18, s10;
	s10 =	sadd.s32 s0, s22;
	(pc) =	sbr.rel .LBB2_1-.Ltmp0, $4  }
0x17: {  	s26 =	simm.s32 $0x1;
	s9 =	sadd.s32 s0, s9;
	[dreg:$0x7] =	wrdreg s10  }
0x18: {  	s23 =	simm.s32 $0x800;
	[dreg:$0x9] =	wrdreg s9;
	s9 =	sadd.s32 s0, s25  }
0x19: {  	s22 =	simm.s32 $0x5;
	s0 =	sadd.s32 s0, s3;
	[dreg:$0xa] =	wrdreg s9  }
0x1a: {  	v0 =	vimm.f32 $0.0e+00;
	s25 =	simm.s32 $0x1000;
	s3 =	simm.s32 $0x0;
	[dreg:$0xb] =	wrdreg s0  }
.LBB2_12:
0x1b: {  	s0 =	simm.s32 $0x4  }
0x1c: {  	_ =	swait.ge [sflag:s0], $0x4000  }
0x1d: {  	[sflag:s0] =	ssyncset.done $0x0  }
0x1e: {  	[sflag:s0] =	ssyncadd.s32 $0xFFFFC000  }
0x1f: {  	[bflag:$0x0] =	sbarrier.arrive $0xFFFF  }
0x20: {  	[tilespmem:s21], [sflag:$0x5] =	stream.linear.gather [spmem:s13], $0x4000, $0x38;
	[tilespmem:$0x1D800] =	vst v63  }
0x21: {  	_ =	swait.ge [sflag:s22], $0x4000  }
0x22: {  	[sflag:s22] =	ssyncset.done $0x0  }
0x23: {  	s19 =	rddreg [dreg:$0x7];
	[sflag:s22] =	ssyncadd.s32 $0xFFFFC000  }
0x24: {  	[hbm4b:s19+s2] =	stream.linear.scatter [tilespmem:s21], [sflag:$0x5], $0x4000, $0x38;
	[tilespmem:$0x1D800] =	vst v63  }
0x25: {  	_ =	swait.ge [sflag:s22], $0x4000  }
0x26: {  	[sflag:s22] =	ssyncset.done $0x0  }
0x27: {  	s8 =	rddreg [dreg:$0x3];
	[sflag:s22] =	ssyncadd.s32 $0xFFFFC000  }
0x28: {  	[tilespmem:s21], [sflag:$0x5] =	stream.linear.gather [spmem:s8], $0x4000, $0x38;
	[tilespmem:$0x1D800] =	vst v63  }
0x29: {  	_ =	swait.ge [sflag:s22], $0x4000  }
0x2a: {  	[sflag:s22] =	ssyncset.done $0x0  }
0x2b: {  	s9 =	rddreg [dreg:$0x8];
	[sflag:s22] =	ssyncadd.s32 $0xFFFFC000  }
0x2c: {  	[hbm4b:s9+s2] =	stream.linear.scatter [tilespmem:s21], [sflag:$0x5], $0x4000, $0x38;
	[tilespmem:$0x1D800] =	vst v63  }
0x2d: {  	_ =	swait.ge [sflag:s22], $0x4000  }
0x2e: {  	[sflag:s22] =	ssyncset.done $0x0  }
0x2f: {  	s10 =	rddreg [dreg:$0x4];
	[sflag:s22] =	ssyncadd.s32 $0xFFFFC000  }
0x30: {  	[tilespmem:s21], [sflag:$0x5] =	stream.linear.gather [spmem:s10], $0x4000, $0x38;
	[tilespmem:$0x1D800] =	vst v63  }
0x31: {  	_ =	swait.ge [sflag:s22], $0x4000  }
0x32: {  	[sflag:s22] =	ssyncset.done $0x0  }
0x33: {  	s11 =	rddreg [dreg:$0x9];
	[sflag:s22] =	ssyncadd.s32 $0xFFFFC000  }
0x34: {  	[hbm4b:s11+s2] =	stream.linear.scatter [tilespmem:s21], [sflag:$0x5], $0x4000, $0x38;
	[tilespmem:$0x1D800] =	vst v63  }
0x35: {  	_ =	swait.ge [sflag:s22], $0x4000  }
0x36: {  	[sflag:s22] =	ssyncset.done $0x0  }
0x37: {  	s20 =	smov.u32 s13;
	s13 =	rddreg [dreg:$0x5];
	[sflag:s22] =	ssyncadd.s32 $0xFFFFC000  }
0x38: {  	[tilespmem:s21], [sflag:$0x5] =	stream.linear.gather [spmem:s13], $0x4000, $0x38;
	[tilespmem:$0x1D800] =	vst v63  }
0x39: {  	_ =	swait.ge [sflag:s22], $0x4000  }
0x3a: {  	[sflag:s22] =	ssyncset.done $0x0  }
0x3b: {  	s16 =	rddreg [dreg:$0xa];
	[sflag:s22] =	ssyncadd.s32 $0xFFFFC000  }
0x3c: {  	[hbm4b:s16+s2] =	stream.linear.scatter [tilespmem:s21], [sflag:$0x5], $0x4000, $0x38;
	[tilespmem:$0x1D800] =	vst v63  }
0x3d: {  	_ =	swait.ge [sflag:s22], $0x4000  }
0x3e: {  	[sflag:s22] =	ssyncset.done $0x0  }
0x3f: {  	s17 =	rddreg [dreg:$0x6];
	[sflag:s22] =	ssyncadd.s32 $0xFFFFC000  }
0x40: {  	[tilespmem:s21], [sflag:$0x5] =	stream.linear.gather [spmem:s17], $0x4000, $0x38;
	[tilespmem:$0x1D800] =	vst v63  }
0x41: {  	_ =	swait.ge [sflag:s22], $0x4000  }
0x42: {  	[sflag:s22] =	ssyncset.done $0x0  }
0x43: {  	s18 =	rddreg [dreg:$0xb];
	[sflag:s22] =	ssyncadd.s32 $0xFFFFC000  }
0x44: {  	[hbm4b:s18+s2] =	stream.linear.scatter [tilespmem:s21], [sflag:$0x5], $0x4000, $0x38;
	[tilespmem:$0x1D800] =	vst v63  }
0x45: {  	_ =	swait.ge [sflag:s22], $0x4000  }
0x46: {  	s3 =	sadd.s32 $0x1, s3;
	s19 =	rddreg [dreg:$0xc]  }
0x47: {  	p0 =	sne.s32 s3, s19  }
.Ltmp1:
0x48: {  	_ = 	snop;
	(pc) =	sbr.rel @!p0 .LBB2_13-.Ltmp1, $3  }
0x49: {  	_ =	sdelay $0x1  }
0x4a: {  	[sflag:s22] =	ssyncset.done $0x0  }
0x4b: {  	[sflag:s22] =	ssyncadd.s32 $0xFFFFC000  }
.LBB2_1:
0x4c: {  	s0 =	simm.s32 $0x0;
	s8 =	simm.s32 $0x200  }
.LBB2_2:
0x4d: {  	p0 =	sne.s32 s8, $0xFE00;
	[tilespmem:s0+$0x1870] =	vst v0  }
0x4e: {  	[tilespmem:s0+$0x1800] =	vst v0  }
0x4f: {  	[tilespmem:s0+$0x1810] =	vst v0  }
.Ltmp2:
0x50: {  	[tilespmem:s0+$0x1820] =	vst v0;
	(pc) =	sbr.rel @p0 .LBB2_2-.Ltmp2, $4  }
0x51: {  	[tilespmem:s0+$0x1830] =	vst v0  }
0x52: {  	[tilespmem:s0+$0x1840] =	vst v0  }
0x53: {  	[tilespmem:s0+$0x1850] =	vst v0  }
0x54: {  	[tilespmem:s0+$0x1860] =	vst v0;
	s0 =	sshra.s32 s8, $0x2;
	s8 =	sadd.s32 $0x200, s8  }
0x55: {  	[tilespmem:s0+$0x1870] =	vst v0  }
0x56: {  	[tilespmem:s0+$0x1800] =	vst v0  }
0x57: {  	[tilespmem:s0+$0x1810] =	vst v0  }
0x58: {  	[tilespmem:s0+$0x1820] =	vst v0  }
0x59: {  	[tilespmem:s0+$0x1830] =	vst v0  }
0x5a: {  	[tilespmem:s0+$0x1840] =	vst v0  }
0x5b: {  	[tilespmem:s0+$0x1850] =	vst v0  }
0x5c: {  	[tilespmem:s0+$0x1860] =	vst v0  }
0x5d: {  	[spmem:s20] =	stream.linear.scatter [tilespmem:s21], [sflag:$0x5], $0x4000, $0x38;
	[tilespmem:$0x1D800] =	vst v63  }
0x5e: {  	_ =	swait.ge [sflag:s22], $0x4000  }
0x5f: {  	[sflag:s22] =	ssyncset.done $0x0  }
0x60: {  	s17 =	rddreg [dreg:$0x3];
	[sflag:s22] =	ssyncadd.s32 $0xFFFFC000  }
0x61: {  	[spmem:s17] =	stream.linear.scatter [tilespmem:s21], [sflag:$0x5], $0x4000, $0x38;
	[tilespmem:$0x1D800] =	vst v63  }
0x62: {  	_ =	swait.ge [sflag:s22], $0x4000  }
0x63: {  	[sflag:s22] =	ssyncset.done $0x0  }
0x64: {  	s18 =	rddreg [dreg:$0x4];
	[sflag:s22] =	ssyncadd.s32 $0xFFFFC000  }
0x65: {  	[spmem:s18] =	stream.linear.scatter [tilespmem:s21], [sflag:$0x5], $0x4000, $0x38;
	[tilespmem:$0x1D800] =	vst v63  }
0x66: {  	_ =	swait.ge [sflag:s22], $0x4000  }
0x67: {  	[sflag:s22] =	ssyncset.done $0x0  }
0x68: {  	s19 =	rddreg [dreg:$0x5];
	[sflag:s22] =	ssyncadd.s32 $0xFFFFC000  }
0x69: {  	[spmem:s19] =	stream.linear.scatter [tilespmem:s21], [sflag:$0x5], $0x4000, $0x38;
	[tilespmem:$0x1D800] =	vst v63  }
0x6a: {  	_ =	swait.ge [sflag:s22], $0x4000  }
0x6b: {  	[sflag:s22] =	ssyncset.done $0x0  }
0x6c: {  	s13 =	smov.u32 s20;
	s20 =	rddreg [dreg:$0x6];
	[sflag:s22] =	ssyncadd.s32 $0xFFFFC000  }
0x6d: {  	[spmem:s20] =	stream.linear.scatter [tilespmem:s21], [sflag:$0x5], $0x4000, $0x38;
	[tilespmem:$0x1D800] =	vst v63  }
.Ltmp3:
0x6e: {  	_ =	swait.ge [sflag:s22], $0x4000;
	(pc) =	sbr.rel .LBB2_4-.Ltmp3, $4  }
0x6f: {  	[sflag:s22] =	ssyncset.done $0x0  }
0x70: {  	[sflag:s22] =	ssyncadd.s32 $0xFFFFC000  }
0x71: {  	[bflag:$0x0] =	sbarrier.arrive $0xFFFF  }
0x72: {  	s16 =	simm.s32 $0x0  }
.LBB2_11:
0x73: {  	s16 =	sadd.s32 $0x1, s16  }
0x74: {  	p0 =	sne.s32 s16, $0x5  }
.Ltmp4:
0x75: {  	_ = 	snop;
	(pc) =	sbr.rel @!p0 .LBB2_12-.Ltmp4, $2  }
0x76: {  	_ =	sdelay $0x2  }
0x77: {  	[spmem:s1] =	stream.indirect.scatter.add.f32 [tilespmem:s29], [sflag:$0x4], $0x80, s8, s28, $0xb8;
	[tilespmem:$0x1D800] =	vst v63  }
.LBB2_4:
0x78: {  	p0 =	seq.s32 s16, $0x0  }
0x79: {  	s8 =	sshll.u32 s16, $0xB;
	s0 =	simm.s32 @!p0 $0x4  }
0x7a: {  	s8 =	sadd.s32 s12, s8;
	_ =	swait.ge @!p0 [sflag:s0], $0x4000  }
0x7b: {  	s8 =	sshrl.u32 s8, $0x3;
	[sflag:s0] =	ssyncset.done @!p0 $0x0  }
0x7c: {  	s18 =	sadd.s32 s5, s8;
	[sflag:s0] =	ssyncadd.s32 @!p0 $0xFFFFC000  }
0x7d: {  	[tilespmem:s15], [sflag:$0x5] =	stream.linear.gather [hbm4b:s18+s15], $0x800, $0x38;
	[tilespmem:$0x1D800] =	vst v63  }
0x7e: {  	_ =	swait.ge [sflag:s22], $0x800  }
0x7f: {  	[sflag:s22] =	ssyncset.done $0x0  }
0x80: {  	s20 =	sshll.u32 s16, $0xE;
	s19 =	sadd.s32 s6, s8;
	[sflag:s22] =	ssyncadd.s32 $0xFFFFF800  }
0x81: {  	[tilespmem:s23], [sflag:$0x5] =	stream.linear.gather [hbm4b:s19+s15], $0x800, $0x38;
	[tilespmem:$0x1D800] =	vst v63  }
0x82: {  	s0 =	sadd.s32 s14, s20;
	_ =	swait.ge [sflag:s22], $0x800  }
0x83: {  	s0 =	sshrl.u32 s0, $0x3;
	[sflag:s22] =	ssyncset.done $0x0  }
0x84: {  	s10 =	simm.s32 $0x80;
	s0 =	sadd.s32 s7, s0;
	[sflag:s22] =	ssyncadd.s32 $0xFFFFF800  }
0x85: {  	[tilespmem:s25], [sflag:$0x5] =	stream.strided.gather [hbm4b:s0+s10], $0x800, s24, s10, $0x38;
	[tilespmem:$0x1D800] =	vst v63  }
0x86: {  	_ =	swait.ge [sflag:s22], $0x800  }
0x87: {  	[sflag:s22] =	ssyncset.done $0x0  }
0x88: {  	s18 =	simm.s32 $0x0;
	s19 =	simm.s32 $0x0;
	[sflag:s22] =	ssyncadd.s32 $0xFFFFF800  }
0x89: {  	[tilespmem:s21], [sflag:$0x1] =	stream.indirect.gather [hbm4b:s4+s10], $0x80, s15, s10, $0xb8;
	[tilespmem:$0x1D800] =	vst v63  }
.LBB2_5:
0x8a: {  	_ =	swait.ge [sflag:s26], $0x4000  }
0x8b: {  	p0 =	seq.s32 s19, $0x0;
	[sflag:s26] =	ssyncset.done $0x0  }
0x8c: {  	s0 =	simm.s32 @!p0 $0x4;
	[sflag:s26] =	ssyncadd.s32 $0xFFFFC000  }
0x8d: {  	_ =	swait.ge @!p0 [sflag:s0], $0x4000  }
0x8e: {  	s8 =	sshll.u32 s19, $0x8;
	s17 =	sadd.s32 $0x0, s18;
	[sflag:s0] =	ssyncset.done @!p0 $0x0  }
0x8f: {  	s20 =	sor.u32 $0x80, s8;
	v1 =	vmov s17;
	s8 =	simm.s32 $0x1840;
	[sflag:s0] =	ssyncadd.s32 @!p0 $0xFFFFC000  }
0x90: {  	[tilespmem:s29], [sflag:$0x2] =	stream.indirect.gather [hbm4b:s4+s28], $0x80, s20, s28, $0xb8;
	[tilespmem:$0x1D800] =	vst v63  }
0x91: {  	v5 =	vld [tilespmem:s8+$0x30]  }
0x92: {  	v8 =	vld [tilespmem:s8+$0x10]  }
0x93: {  	v6 =	vld [tilespmem:s8+$0xFFFFFFC0]  }
0x94: {  	v2 =	vld.idx.msk [tilespmem:v1+s25+$0x0], $0xffff  }
0x95: {  	v10 =	vld [tilespmem:s8+$0xFFFFFFE0]  }
0x96: {  	v1 =	vld [tilespmem:s8+$0xFFFFFFF0]  }
0x97: {  	v3 =	vld [tilespmem:s8+$0x20]  }
0x98: {  	v4 =	vld [tilespmem:s8+$0xFFFFFFD0]  }
0x99: {  	v9 =	vmul.f32 v5, v2;
	v5 =	vld [tilespmem:s8+$0x0]  }
0x9a: {  	v7 =	vmul.f32 v6, v2  }
0x9b: {  	s9 =	simm.s32 $0x1840;
	s0 =	simm.s32 $0x1;
	v6 =	vmul.f32 v10, v2;
	v8 =	vmul.f32 v8, v2  }
.LBB2_6:
0x9c: {  	p0 =	sne.s32 s0, $0x7F  }
0x9d: {  	v4 =	vmul.f32 v4, v2;
	v3 =	vmul.f32 v3, v2;
	[tilespmem:s8+$0x30] =	vst v9;
	s9 =	sadd.s32 $0x80, s9;
	s17 =	smov.u32 s0;
	s0 =	sadd.s32 $0x1, s0  }
0x9e: {  	[tilespmem:s8+$0xFFFFFFC0] =	vst v7;
	v7 =	vmul.f32 v1, v2;
	v2 =	vmul.f32 v5, v2  }
0x9f: {  	s17 =	sadd.s32 s17, s18;
	[tilespmem:s8+$0x10] =	vst v8  }
0xa0: {  	v5 =	vmov s17;
	[tilespmem:s8+$0xFFFFFFE0] =	vst v6  }
0xa1: {  	v1 =	vld [tilespmem:s9+$0xFFFFFFF0];
	[tilespmem:s8+$0xFFFFFFF0] =	vst v7  }
0xa2: {  	v6 =	vld [tilespmem:s9+$0x30];
	[tilespmem:s8+$0x0] =	vst v2  }
0xa3: {  	v8 =	vld [tilespmem:s9+$0x10];
	[tilespmem:s8+$0x20] =	vst v3  }
0xa4: {  	v7 =	vld [tilespmem:s9+$0xFFFFFFC0];
	[tilespmem:s8+$0xFFFFFFD0] =	vst v4;
	s8 =	smov.u32 s9  }
0xa5: {  	v2 =	vld.idx.msk [tilespmem:v5+s25+$0x0], $0xffff  }
0xa6: {  	v10 =	vld [tilespmem:s9+$0xFFFFFFE0]  }
0xa7: {  	v3 =	vld [tilespmem:s9+$0x20]  }
.Ltmp5:
0xa8: {  	v4 =	vld [tilespmem:s9+$0xFFFFFFD0];
	(pc) =	sbr.rel @p0 .LBB2_6-.Ltmp5, $3  }
0xa9: {  	v5 =	vld [tilespmem:s9+$0x0];
	_ =	sdelay $0x1  }
0xaa: {  	v7 =	vmul.f32 v7, v2;
	v9 =	vmul.f32 v6, v2  }
0xab: {  	v8 =	vmul.f32 v8, v2;
	v6 =	vmul.f32 v10, v2  }
0xac: {  	[tilespmem:s8+$0x30] =	vst v9  }
0xad: {  	[tilespmem:s8+$0xFFFFFFC0] =	vst v7  }
0xae: {  	v1 =	vmul.f32 v1, v2;
	[tilespmem:s8+$0x10] =	vst v8  }
0xaf: {  	v3 =	vmul.f32 v3, v2;
	[tilespmem:s8+$0xFFFFFFE0] =	vst v6  }
0xb0: {  	v5 =	vmul.f32 v5, v2;
	[tilespmem:s8+$0xFFFFFFF0] =	vst v1  }
0xb1: {  	s0 =	sshll.u32 s19, $0xA;
	v1 =	vmul.f32 v4, v2;
	[tilespmem:s8+$0x20] =	vst v3  }
0xb2: {  	s0 =	sshrl.u32 s0, $0x2;
	[tilespmem:s8+$0x0] =	vst v5  }
0xb3: {  	s17 =	sadd.s32 $0x800, s0;
	[tilespmem:s8+$0xFFFFFFD0] =	vst v1  }
0xb4: {  	[spmem:s1] =	stream.indirect.scatter.add.f32 [tilespmem:s21], [sflag:$0x3], $0x80, s17, s28, $0xb8;
	[tilespmem:$0x1D800] =	vst v63  }
0xb5: {  	_ =	swait.ge [sflag:s30], $0x4000  }
0xb6: {  	v1 =	vmov s10;
	[sflag:s30] =	ssyncset.done $0x0  }
0xb7: {  	s8 =	simm.s32 $0x0;
	[sflag:s30] =	ssyncadd.s32 $0xFFFFC000  }
0xb8: {  	v9 =	vld [tilespmem:s8+$0x5820]  }
0xb9: {  	v8 =	vld [tilespmem:s8+$0x5800]  }
0xba: {  	v4 =	vld [tilespmem:s8+$0x5850]  }
0xbb: {  	v1 =	vld.idx.msk [tilespmem:v1+s25+$0x0], $0xffff  }
0xbc: {  	v5 =	vld [tilespmem:s8+$0x5830]  }
0xbd: {  	v3 =	vld [tilespmem:s8+$0x5860]  }
0xbe: {  	v6 =	vld [tilespmem:s8+$0x5840]  }
0xbf: {  	v7 =	vld [tilespmem:s8+$0x5870]  }
0xc0: {  	s9 =	simm.s32 $0x200;
	s17 =	smov.u32 s10;
	v2 =	vld [tilespmem:s8+$0x5810];
	v8 =	vmul.f32 v8, v1;
	v9 =	vmul.f32 v9, v1  }
.LBB2_8:
0xc1: {  	p0 =	sne.s32 s9, $0xFE00  }
0xc2: {  	v5 =	vmul.f32 v5, v1;
	v4 =	vmul.f32 v4, v1;
	s17 =	sadd.s32 $0x1, s17;
	s11 =	smov.u32 s9;
	s9 =	sadd.s32 $0x200, s9  }
0xc3: {  	v3 =	vmul.f32 v3, v1;
	[tilespmem:s8+$0x5820] =	vst v9;
	v6 =	vmul.f32 v6, v1  }
0xc4: {  	[tilespmem:s8+$0x5800] =	vst v8;
	v7 =	vmul.f32 v7, v1  }
0xc5: {  	v8 =	vmov s17;
	[tilespmem:s8+$0x5850] =	vst v4  }
0xc6: {  	s11 =	sshra.s32 s11, $0x2;
	[tilespmem:s8+$0x5870] =	vst v7  }
0xc7: {  	v1 =	vmul.f32 v2, v1;
	v9 =	vld [tilespmem:s11+$0x5820];
	[tilespmem:s8+$0x5830] =	vst v5  }
0xc8: {  	v10 =	vld [tilespmem:s11+$0x5800];
	[tilespmem:s8+$0x5840] =	vst v6  }
0xc9: {  	v4 =	vld [tilespmem:s11+$0x5850];
	[tilespmem:s8+$0x5860] =	vst v3  }
0xca: {  	v5 =	vld [tilespmem:s11+$0x5830];
	[tilespmem:s8+$0x5810] =	vst v1;
	s8 =	smov.u32 s11  }
0xcb: {  	v1 =	vld.idx.msk [tilespmem:v8+s25+$0x0], $0xffff  }
0xcc: {  	v3 =	vld [tilespmem:s8+$0x5860]  }
.Ltmp6:
0xcd: {  	v2 =	vld [tilespmem:s8+$0x5810];
	(pc) =	sbr.rel @p0 .LBB2_8-.Ltmp6, $3  }
0xce: {  	v6 =	vld [tilespmem:s8+$0x5840]  }
0xcf: {  	v7 =	vld [tilespmem:s8+$0x5870];
	_ =	sdelay $0x1  }
0xd0: {  	v8 =	vmul.f32 v10, v1;
	v9 =	vmul.f32 v9, v1  }
0xd1: {  	_ = 	snop  }
0xd2: {  	v4 =	vmul.f32 v4, v1;
	[tilespmem:s8+$0x5820] =	vst v9  }
0xd3: {  	v5 =	vmul.f32 v5, v1;
	[tilespmem:s8+$0x5800] =	vst v8  }
0xd4: {  	v3 =	vmul.f32 v3, v1;
	[tilespmem:s8+$0x5850] =	vst v4  }
0xd5: {  	v63 =	vmul.f32 v6, v1;
	[tilespmem:s8+$0x5830] =	vst v5  }
0xd6: {  	v7 =	vmul.f32 v7, v1;
	[tilespmem:s8+$0x5860] =	vst v3  }
0xd7: {  	p0 =	seq.s32 s19, $0x7;
	v1 =	vmul.f32 v2, v1;
	[tilespmem:s8+$0x5840] =	vst v63  }
.Ltmp7:
0xd8: {  	[tilespmem:s8+$0x5870] =	vst v7;
	(pc) =	sbr.rel @p0 .LBB2_11-.Ltmp7, $4  }
0xd9: {  	[tilespmem:s8+$0x5810] =	vst v1  }
0xda: {  	_ =	swait.ge [sflag:s31], $0x4000  }
0xdb: {  	[sflag:s31] =	ssyncset.done $0x0  }
0xdc: {  	s8 =	sadd.s32 $0x800, s20;
	[sflag:s31] =	ssyncadd.s32 $0xFFFFC000  }
.Ltmp8:
0xdd: {  	(pc) =	sbr.rel .LBB2_5-.Ltmp8, $4  }
0xde: {  	s0 =	sadd.s32 $0x100, s0  }
0xdf: {  	[tilespmem:s21], [sflag:$0x1] =	stream.indirect.gather [hbm4b:s4+s28], $0x80, s0, s28, $0xb8;
	[tilespmem:$0x1D800] =	vst v63  }
0xe0: {  	s19 =	sadd.s32 $0x1, s19;
	s18 =	sadd.s32 $0x100, s18;
	s10 =	sadd.s32 $0x100, s10  }
0xe1: {  	[spmem:s1] =	stream.indirect.scatter.add.f32 [tilespmem:s29], [sflag:$0x4], $0x80, s8, s28, $0xb8;
	[tilespmem:$0x1D800] =	vst v63  }
.LBB2_13:
0xe2: {  	_ =	sfence.sel $0x180000  }
0xe3: {  	[bflag:$0x0] =	sbarrier.arrive $0xFFFF  }
0xe4: {  	_ =	strace $0x90000050  }
0xe5: {  	s0 =	stileid.u32;
	[bflag:$0x2] =	sbarrier.arrive $0xFFFF  }
0xe6: {  	p0 =	sne.s32 s0, $0x0;
	s0 =	rddreg [dreg:$0x2]  }
0xe7: {  	s0 =	sadd.s32 @!p0 $0x100000, s0  }
0xe8: {  	[sflag:s0] =	ssyncadd.tile.s32 @!p0 $0x1;
	_ =	shalt  }
.Lfunc_end2:
_tile_overlayer_lowered:
.L_overlay_start_2:
0xe9: {  	(tag) =	ssettag $0x2  }
0xea: {  	s0 =	rddreg [dreg:$0x0];
	s2 =	stileid.u32  }
0xeb: {  	s1 =	rddreg [dreg:$0x1];
	p0 =	sne.s32 s2, $0x0  }
0xec: {  	s3 =	rddreg [dreg:$0x2];
	[bflag:$0x3] =	sbarrier.arrive $0xFFFF;
	s2 =	simm.s32 @!p0 $0x1C05  }
0xed: {  	[timem:s3], [sflag:s2] =	dma.local @!p0 [hbm:s0], s1  }
0xee: {  	s0 =	simm.s32 @!p0 $0x5  }
0xef: {  	_ =	swait.ge @!p0 [sflag:s0], s1  }
0xf0: {  	s1 =	ssub.s32 @!p0 $0x0, s1;
	[sflag:s0] =	ssyncset.done @!p0 $0x0  }
0xf1: {  	[sflag:s0] =	ssyncadd.s32 @!p0 s1  }
0xf2: {  	[bflag:$0x3] =	sbarrier.arrive $0xFFFF  }
0xf3: {  	_ =	shalt  }

</sc_bundles>
